<compile_context>
chip_gen: v7x
topology: tpu7x:2x2x1
jax: 0.10.2.dev20260603
libtpu: 0.0.44.dev20260713+nightly
codegen_flags: <defaults>
</compile_context>

<pallas_src>
import functools

import jax
import jax.numpy as jnp
from jax import lax
from jax.experimental import pallas as pl
from jax.experimental.pallas import tpu as pltpu
from jax.experimental.pallas import tpu_sc as plsc

NUM_ROWS = 1000000
BATCH = 16384
EMBED_DIM = 32
SUBLANE = 8
DTILE = EMBED_DIM // SUBLANE
NUM_CORES = 2
NUM_SUBCORES = 16
NUM_WORKERS = NUM_CORES * NUM_SUBCORES
BPW = BATCH // NUM_WORKERS
LPP = 32
NPASS = BPW // LPP
SLAB = LPP * 16


@functools.partial(
    pl.kernel,
    mesh=plsc.VectorSubcoreMesh(core_axis_name="c", subcore_axis_name="s"),
    compiler_params=pltpu.CompilerParams(needs_layout_passes=False),
    out_type=jax.ShapeDtypeStruct((BATCH,), jnp.float32),
    scratch_types=[
        pltpu.VMEM((BPW + 16,), jnp.int32),
        pltpu.VMEM((BPW + 16,), jnp.int32),
        pltpu.VMEM((DTILE, SUBLANE, SLAB), jnp.float32),
        pltpu.VMEM((DTILE, SUBLANE, SLAB), jnp.float32),
        pltpu.VMEM((DTILE, SUBLANE, SLAB), jnp.float32),
        pltpu.VMEM((DTILE, SUBLANE, SLAB), jnp.float32),
        pltpu.VMEM((BPW,), jnp.float32),
        pltpu.SemaphoreType.DMA,
        pltpu.SemaphoreType.DMA,
        pltpu.SemaphoreType.DMA,
        pltpu.SemaphoreType.DMA,
    ],
)
def _mf_score_sc(uidx_hbm, iidx_hbm, utab_hbm, itab_hbm, out_hbm,
                 uidx_v, iidx_v, uvalA, ivalA, uvalB, ivalB, out_v,
                 usemA, isemA, usemB, isemB):
    wid = lax.axis_index("s") * NUM_CORES + lax.axis_index("c")
    base = wid * BPW

    pltpu.sync_copy(uidx_hbm.at[pl.ds(base, BPW)], uidx_v.at[pl.ds(0, BPW)])
    pltpu.sync_copy(iidx_hbm.at[pl.ds(base, BPW)], iidx_v.at[pl.ds(0, BPW)])
    uidx_v[pl.ds(BPW, 16)] = jnp.zeros((16,), jnp.int32)
    iidx_v[pl.ds(BPW, 16)] = jnp.zeros((16,), jnp.int32)

    def fire(p, uslab, islab, usem, isem):
        def fk(k, carry):
            j = p * LPP + k
            uv = uidx_v[pl.ds(j, 16)]
            iv = iidx_v[pl.ds(j, 16)]
            ub = pl.multiple_of(uv[0] & -16, 16)
            ib = pl.multiple_of(iv[0] & -16, 16)
            pltpu.async_copy(utab_hbm.at[:, :, pl.ds(ub, 16)],
                             uslab.at[:, :, pl.ds(k * 16, 16)], usem)
            pltpu.async_copy(itab_hbm.at[:, :, pl.ds(ib, 16)],
                             islab.at[:, :, pl.ds(k * 16, 16)], isem)
            return carry
        lax.fori_loop(0, LPP, fk, 0)

    def drain(uslab, islab, usem, isem):
        pltpu.make_async_copy(utab_hbm.at[:, :, pl.ds(0, SLAB)],
                              uslab, usem).wait()
        pltpu.make_async_copy(itab_hbm.at[:, :, pl.ds(0, SLAB)],
                              islab, isem).wait()

    def compute(p, uslab, islab):
        lane_base = lax.iota(jnp.int32, 16) * 16
        for g in range(LPP // 16):
            u16 = uidx_v[pl.ds(p * LPP + g * 16, 16)]
            i16 = iidx_v[pl.ds(p * LPP + g * 16, 16)]
            ulanes = lane_base + g * 256 + (u16 & 15)
            ilanes = lane_base + g * 256 + (i16 & 15)
            acc = jnp.zeros((16,), jnp.float32)
            for t in range(DTILE):
                tt = jnp.full((16,), t, jnp.int32)
                for s in range(SUBLANE):
                    ss = jnp.full((16,), s, jnp.int32)
                    u = plsc.load_gather(uslab, [tt, ss, ulanes])
                    v = plsc.load_gather(islab, [tt, ss, ilanes])
                    acc = acc + u * v
            out_v[pl.ds(p * LPP + g * 16, 16)] = acc

    fire(0, uvalA, ivalA, usemA, isemA)

    def body(h, carry):
        p = h * 2
        fire(p + 1, uvalB, ivalB, usemB, isemB)
        drain(uvalA, ivalA, usemA, isemA)
        compute(p, uvalA, ivalA)
        fire(p + 2, uvalA, ivalA, usemA, isemA)
        drain(uvalB, ivalB, usemB, isemB)
        compute(p + 1, uvalB, ivalB)
        return carry

    lax.fori_loop(0, NPASS // 2 - 1, body, 0)

    fire(NPASS - 1, uvalB, ivalB, usemB, isemB)
    drain(uvalA, ivalA, usemA, isemA)
    compute(NPASS - 2, uvalA, ivalA)
    drain(uvalB, ivalB, usemB, isemB)
    compute(NPASS - 1, uvalB, ivalB)

    pltpu.sync_copy(out_v, out_hbm.at[pl.ds(base, BPW)])


def kernel(user_idx, item_idx, user_table, item_table):
    ut3 = user_table.T.reshape(DTILE, SUBLANE, NUM_ROWS)
    it3 = item_table.T.reshape(DTILE, SUBLANE, NUM_ROWS)
    return _mf_score_sc(user_idx.astype(jnp.int32),
                        item_idx.astype(jnp.int32), ut3, it3)

# --- scband reference (transcript-rebuilt; emitter-appended) ---
"""Pipeline reference for scband-matrix-factorization-57337813402221 (READ-ONLY COPY).

The authoritative reference and input builder live on the scoring server;
editing this copy changes nothing except your own understanding.
"""

import jax, jax.numpy as jnp
import numpy as np

NUM_USERS = 1000000
NUM_ITEMS = 1000000
EMBED_DIM = 32
BATCH = 16384

def setup_inputs(seed: int = 0) -> dict:
    key = jax.random.key(seed)
    k1, k2, k3, k4 = jax.random.split(key, 4)
    user_idx = jax.random.randint(k1, (BATCH,), 0, NUM_USERS, dtype=jnp.int64 if jax.config.jax_enable_x64 else jnp.int32)
    item_idx = jax.random.randint(k2, (BATCH,), 0, NUM_ITEMS, dtype=jnp.int64 if jax.config.jax_enable_x64 else jnp.int32)
    user_table = jax.random.normal(k3, (NUM_USERS, EMBED_DIM), dtype=jnp.float32)
    item_table = jax.random.normal(k4, (NUM_ITEMS, EMBED_DIM), dtype=jnp.float32)
    return {"user_idx": user_idx, "item_idx": item_idx, "user_table": user_table, "item_table": item_table}

def reference(user_idx, item_idx, user_table, item_table):
    u = jnp.take(user_table, user_idx, axis=0)
    v = jnp.take(item_table, item_idx, axis=0)
    return (u * v).sum(axis=1)

if __name__ == "__main__":
    import jax
    _d = setup_inputs()
    print(jax.jit(kernel)(*tuple(_d.values())))

</pallas_src>

<mosaic_0001>
#map = affine_map<(d0, d1) -> (0)>
#map1 = affine_map<(d0, d1) -> (0, 0, 0)>
module attributes {stable_mosaic.version = 14 : i64} {
  func.func @_mf_score_sc(%arg0: i32, %arg1: i32, %arg2: memref<16384xi32, #tpu.memory_space<hbm>>, %arg3: memref<16384xi32, #tpu.memory_space<hbm>>, %arg4: memref<4x8x1000000xf32, #tpu.memory_space<hbm>>, %arg5: memref<4x8x1000000xf32, #tpu.memory_space<hbm>>, %arg6: memref<16384xf32, #tpu.memory_space<hbm>>, %arg7: memref<528xi32, #tpu.memory_space<vmem>>, %arg8: memref<528xi32, #tpu.memory_space<vmem>>, %arg9: memref<4x8x512xf32, #tpu.memory_space<vmem>>, %arg10: memref<4x8x512xf32, #tpu.memory_space<vmem>>, %arg11: memref<4x8x512xf32, #tpu.memory_space<vmem>>, %arg12: memref<4x8x512xf32, #tpu.memory_space<vmem>>, %arg13: memref<512xf32, #tpu.memory_space<vmem>>, %arg14: memref<!tpu.dma_semaphore, #tpu.memory_space<semaphore_mem>>, %arg15: memref<!tpu.dma_semaphore, #tpu.memory_space<semaphore_mem>>, %arg16: memref<!tpu.dma_semaphore, #tpu.memory_space<semaphore_mem>>, %arg17: memref<!tpu.dma_semaphore, #tpu.memory_space<semaphore_mem>>) attributes {dimension_semantics = [#tpu.dimension_semantics<core_parallel>, #tpu.dimension_semantics<subcore_parallel>], iteration_bounds = array<i64: 2, 16>, scalar_prefetch = 0 : i64, scratch_operands = 11 : i64, tpu.core_type = #tpu.core_type<sc_vector_subcore>, window_params = [{transform_indices = #map}, {transform_indices = #map}, {transform_indices = #map1}, {transform_indices = #map1}, {transform_indices = #map}]} {
    %mul3A = arith.constant 2 : i32
    %mul3A_0 = arith.muli %arg1, %mul3A : i32
    %add3A = arith.addi %mul3A_0, %arg0 : i32
    %mul3A_1 = arith.constant 512 : i32
    %mul3A_2 = arith.muli %add3A, %mul3A_1 : i32
    "tpu.region"() ({
      %run_scoped3A = tpu.sem_alloc : memref<!tpu.dma_semaphore, #tpu.memory_space<semaphore_mem>>
      %dma_start3A = arith.constant 0 : i32
      %dma_start3A_949 = tpu.memref_slice %arg7[%dma_start3A] : memref<528xi32, #tpu.memory_space<vmem>> -> memref<512xi32, #tpu.memory_space<vmem>>
      %dma_start3A_950 = tpu.memref_slice %arg2[%mul3A_2] : memref<16384xi32, #tpu.memory_space<hbm>> -> memref<512xi32, #tpu.memory_space<hbm>>
      %dma_start3A_951 = arith.constant 0 : i32
      %dma_start3A_952 = tpu.memref_slice %arg7[%dma_start3A_951] : memref<528xi32, #tpu.memory_space<vmem>> -> memref<512xi32, #tpu.memory_space<vmem>>
      %dma_start3A_953 = tpu.memref_slice %arg2[%mul3A_2] : memref<16384xi32, #tpu.memory_space<hbm>> -> memref<512xi32, #tpu.memory_space<hbm>>
      tpu.enqueue_dma source(%dma_start3A_953 : memref<512xi32, #tpu.memory_space<hbm>>) target(%dma_start3A_952 : memref<512xi32, #tpu.memory_space<vmem>>) target_semaphore(%run_scoped3A : memref<!tpu.dma_semaphore, #tpu.memory_space<semaphore_mem>>)
      %dma_wait3A_954 = arith.constant 0 : i32
      %dma_wait3A_955 = tpu.memref_slice %arg7[%dma_wait3A_954] : memref<528xi32, #tpu.memory_space<vmem>> -> memref<512xi32, #tpu.memory_space<vmem>>
      %dma_wait3A_956 = tpu.memref_slice %arg2[%mul3A_2] : memref<16384xi32, #tpu.memory_space<hbm>> -> memref<512xi32, #tpu.memory_space<hbm>>
      %dma_wait3A_957 = arith.constant 0 : i32
      %dma_wait3A_958 = tpu.memref_slice %arg7[%dma_wait3A_957] : memref<528xi32, #tpu.memory_space<vmem>> -> memref<512xi32, #tpu.memory_space<vmem>>
      %dma_wait3A_959 = tpu.memref_slice %arg2[%mul3A_2] : memref<16384xi32, #tpu.memory_space<hbm>> -> memref<512xi32, #tpu.memory_space<hbm>>
      tpu.wait_dma2 semaphore(%run_scoped3A : memref<!tpu.dma_semaphore, #tpu.memory_space<semaphore_mem>>) src(%dma_wait3A_959 : memref<512xi32, #tpu.memory_space<hbm>>) dst(%dma_wait3A_958 : memref<512xi32, #tpu.memory_space<vmem>>)
      tpu.yield
    }) : () -> ()
    "tpu.region"() ({
      %run_scoped3A = tpu.sem_alloc : memref<!tpu.dma_semaphore, #tpu.memory_space<semaphore_mem>>
      %dma_start3A = arith.constant 0 : i32
      %dma_start3A_949 = tpu.memref_slice %arg8[%dma_start3A] : memref<528xi32, #tpu.memory_space<vmem>> -> memref<512xi32, #tpu.memory_space<vmem>>
      %dma_start3A_950 = tpu.memref_slice %arg3[%mul3A_2] : memref<16384xi32, #tpu.memory_space<hbm>> -> memref<512xi32, #tpu.memory_space<hbm>>
      %dma_start3A_951 = arith.constant 0 : i32
      %dma_start3A_952 = tpu.memref_slice %arg8[%dma_start3A_951] : memref<528xi32, #tpu.memory_space<vmem>> -> memref<512xi32, #tpu.memory_space<vmem>>
      %dma_start3A_953 = tpu.memref_slice %arg3[%mul3A_2] : memref<16384xi32, #tpu.memory_space<hbm>> -> memref<512xi32, #tpu.memory_space<hbm>>
      tpu.enqueue_dma source(%dma_start3A_953 : memref<512xi32, #tpu.memory_space<hbm>>) target(%dma_start3A_952 : memref<512xi32, #tpu.memory_space<vmem>>) target_semaphore(%run_scoped3A : memref<!tpu.dma_semaphore, #tpu.memory_space<semaphore_mem>>)
      %dma_wait3A_954 = arith.constant 0 : i32
      %dma_wait3A_955 = tpu.memref_slice %arg8[%dma_wait3A_954] : memref<528xi32, #tpu.memory_space<vmem>> -> memref<512xi32, #tpu.memory_space<vmem>>
      %dma_wait3A_956 = tpu.memref_slice %arg3[%mul3A_2] : memref<16384xi32, #tpu.memory_space<hbm>> -> memref<512xi32, #tpu.memory_space<hbm>>
      %dma_wait3A_957 = arith.constant 0 : i32
      %dma_wait3A_958 = tpu.memref_slice %arg8[%dma_wait3A_957] : memref<528xi32, #tpu.memory_space<vmem>> -> memref<512xi32, #tpu.memory_space<vmem>>
      %dma_wait3A_959 = tpu.memref_slice %arg3[%mul3A_2] : memref<16384xi32, #tpu.memory_space<hbm>> -> memref<512xi32, #tpu.memory_space<hbm>>
      tpu.wait_dma2 semaphore(%run_scoped3A : memref<!tpu.dma_semaphore, #tpu.memory_space<semaphore_mem>>) src(%dma_wait3A_959 : memref<512xi32, #tpu.memory_space<hbm>>) dst(%dma_wait3A_958 : memref<512xi32, #tpu.memory_space<vmem>>)
      tpu.yield
    }) : () -> ()
    %broadcast_in_dim3A = arith.constant 0 : i32
    %broadcast_in_dim3A_3 = vector.broadcast %broadcast_in_dim3A : i32 to vector<16xi32>
    %swap3A = arith.constant 512 : index
    %swap3A_4 = tpu.vector_load %arg7[%swap3A] {strides = array<i32>} : memref<528xi32, #tpu.memory_space<vmem>>, vector<16xi32>,
    tpu.vector_store %arg7[%swap3A], %broadcast_in_dim3A_3 {strides = array<i32>} : memref<528xi32, #tpu.memory_space<vmem>>, vector<16xi32>,
    %broadcast_in_dim3A_5 = arith.constant 0 : i32
    %broadcast_in_dim3A_6 = vector.broadcast %broadcast_in_dim3A_5 : i32 to vector<16xi32>
    %swap3A_7 = arith.constant 512 : index
    %swap3A_8 = tpu.vector_load %arg8[%swap3A_7] {strides = array<i32>} : memref<528xi32, #tpu.memory_space<vmem>>, vector<16xi32>,
    tpu.vector_store %arg8[%swap3A_7], %broadcast_in_dim3A_6 {strides = array<i32>} : memref<528xi32, #tpu.memory_space<vmem>>, vector<16xi32>,
    %scan3A = arith.constant 0 : i32
    %scan3A_9 = arith.constant 0 : i32
    %scan3A_10 = arith.constant 32 : i32
    %scan3A_11 = arith.addi %scan3A_9, %scan3A_10 : i32
    %scan3A_12 = arith.constant 1 : i32
    scf.for %scan3A_949 = %scan3A_9 to %scan3A_11 step %scan3A_12  : i32 {
      %add3A_950 = arith.constant 0 : i32
      %add3A_951 = arith.addi %add3A_950, %scan3A_949 : i32
      %get3A_952 = arith.index_cast %add3A_951 : i32 to index
      %get3A_953 = tpu.vector_load %arg7[%get3A_952] {strides = array<i32>} : memref<528xi32, #tpu.memory_space<vmem>>, vector<16xi32>,
      %get3A_954 = arith.index_cast %add3A_951 : i32 to index
      %get3A_955 = tpu.vector_load %arg8[%get3A_954] {strides = array<i32>} : memref<528xi32, #tpu.memory_space<vmem>>, vector<16xi32>,
      %slice3A = vector.extract_strided_slice %get3A_953 {offsets = [0], sizes = [1], strides = [1]} : vector<16xi32> to vector<1xi32>
      %squeeze3A = vector.extract %slice3A[0] : i32 from vector<1xi32>
      %and3A_956 = arith.constant -16 : i32
      %and3A_957 = arith.andi %squeeze3A, %and3A_956 : i32
      %multiple_of3A = tpu.assume_multiple %and3A_957, 16 : i32
      %slice3A_958 = vector.extract_strided_slice %get3A_955 {offsets = [0], sizes = [1], strides = [1]} : vector<16xi32> to vector<1xi32>
      %squeeze3A_959 = vector.extract %slice3A_958[0] : i32 from vector<1xi32>
      %and3A_960 = arith.constant -16 : i32
      %and3A_961 = arith.andi %squeeze3A_959, %and3A_960 : i32
      %multiple_of3A_962 = tpu.assume_multiple %and3A_961, 16 : i32
      %mul3A_963 = arith.constant 16 : i32
      %mul3A_964 = arith.muli %scan3A_949, %mul3A_963 : i32
      %dma_start3A = arith.constant 0 : i32
      %dma_start3A_965 = arith.constant 0 : i32
      %dma_start3A_966 = tpu.memref_slice %arg9[%dma_start3A, %dma_start3A_965, %mul3A_964] : memref<4x8x512xf32, #tpu.memory_space<vmem>> -> memref<4x8x16xf32, #tpu.memory_space<vmem>>
      %dma_start3A_967 = arith.constant 0 : i32
      %dma_start3A_968 = arith.constant 0 : i32
      %dma_start3A_969 = tpu.memref_slice %arg4[%dma_start3A_967, %dma_start3A_968, %multiple_of3A] : memref<4x8x1000000xf32, #tpu.memory_space<hbm>> -> memref<4x8x16xf32, #tpu.memory_space<hbm>>
      %dma_start3A_970 = arith.constant 0 : i32
      %dma_start3A_971 = arith.constant 0 : i32
      %dma_start3A_972 = tpu.memref_slice %arg9[%dma_start3A_970, %dma_start3A_971, %mul3A_964] : memref<4x8x512xf32, #tpu.memory_space<vmem>> -> memref<4x8x16xf32, #tpu.memory_space<vmem>>
      %dma_start3A_973 = arith.constant 0 : i32
      %dma_start3A_974 = arith.constant 0 : i32
      %dma_start3A_975 = tpu.memref_slice %arg4[%dma_start3A_973, %dma_start3A_974, %multiple_of3A] : memref<4x8x1000000xf32, #tpu.memory_space<hbm>> -> memref<4x8x16xf32, #tpu.memory_space<hbm>>
      tpu.enqueue_dma source(%dma_start3A_975 : memref<4x8x16xf32, #tpu.memory_space<hbm>>) target(%dma_start3A_972 : memref<4x8x16xf32, #tpu.memory_space<vmem>>) target_semaphore(%arg14 : memref<!tpu.dma_semaphore, #tpu.memory_space<semaphore_mem>>)
      %mul3A_976 = arith.constant 16 : i32
      %mul3A_977 = arith.muli %scan3A_949, %mul3A_976 : i32
      %dma_start3A_978 = arith.constant 0 : i32
      %dma_start3A_979 = arith.constant 0 : i32
      %dma_start3A_980 = tpu.memref_slice %arg10[%dma_start3A_978, %dma_start3A_979, %mul3A_977] : memref<4x8x512xf32, #tpu.memory_space<vmem>> -> memref<4x8x16xf32, #tpu.memory_space<vmem>>
      %dma_start3A_981 = arith.constant 0 : i32
      %dma_start3A_982 = arith.constant 0 : i32
      %dma_start3A_983 = tpu.memref_slice %arg5[%dma_start3A_981, %dma_start3A_982, %multiple_of3A_962] : memref<4x8x1000000xf32, #tpu.memory_space<hbm>> -> memref<4x8x16xf32, #tpu.memory_space<hbm>>
      %dma_start3A_984 = arith.constant 0 : i32
      %dma_start3A_985 = arith.constant 0 : i32
      %dma_start3A_986 = tpu.memref_slice %arg10[%dma_start3A_984, %dma_start3A_985, %mul3A_977] : memref<4x8x512xf32, #tpu.memory_space<vmem>> -> memref<4x8x16xf32, #tpu.memory_space<vmem>>
      %dma_start3A_987 = arith.constant 0 : i32
      %dma_start3A_988 = arith.constant 0 : i32
      %dma_start3A_989 = tpu.memref_slice %arg5[%dma_start3A_987, %dma_start3A_988, %multiple_of3A_962] : memref<4x8x1000000xf32, #tpu.memory_space<hbm>> -> memref<4x8x16xf32, #tpu.memory_space<hbm>>
      tpu.enqueue_dma source(%dma_start3A_989 : memref<4x8x16xf32, #tpu.memory_space<hbm>>) target(%dma_start3A_986 : memref<4x8x16xf32, #tpu.memory_space<vmem>>) target_semaphore(%arg15 : memref<!tpu.dma_semaphore, #tpu.memory_space<semaphore_mem>>)
    }
    %scan3A_13 = arith.constant 32 : i32
    %scan3A_14 = arith.constant 0 : i32
    %scan3A_15 = arith.constant 0 : i32
    %scan3A_16 = arith.constant 7 : i32
    %scan3A_17 = arith.addi %scan3A_15, %scan3A_16 : i32
    %scan3A_18 = arith.constant 1 : i32
    scf.for %scan3A_949 = %scan3A_15 to %scan3A_17 step %scan3A_18  : i32 {
      %mul3A_950 = arith.constant 2 : i32
      %mul3A_951 = arith.muli %scan3A_949, %mul3A_950 : i32
      %add3A_952 = arith.constant 1 : i32
      %add3A_953 = arith.addi %mul3A_951, %add3A_952 : i32
      %scan3A_954 = arith.constant 0 : i32
      %scan3A_955 = arith.constant 0 : i32
      %scan3A_956 = arith.constant 32 : i32
      %scan3A_957 = arith.addi %scan3A_955, %scan3A_956 : i32
      %scan3A_958 = arith.constant 1 : i32
      scf.for %scan3A_1946 = %scan3A_955 to %scan3A_957 step %scan3A_958  : i32 {
        %mul3A_1947 = arith.constant 32 : i32
        %mul3A_1948 = arith.muli %add3A_953, %mul3A_1947 : i32
        %add3A_1949 = arith.addi %mul3A_1948, %scan3A_1946 : i32
        %get3A_1950 = arith.index_cast %add3A_1949 : i32 to index
        %get3A_1951 = tpu.vector_load %arg7[%get3A_1950] {strides = array<i32>} : memref<528xi32, #tpu.memory_space<vmem>>, vector<16xi32>,
        %get3A_1952 = arith.index_cast %add3A_1949 : i32 to index
        %get3A_1953 = tpu.vector_load %arg8[%get3A_1952] {strides = array<i32>} : memref<528xi32, #tpu.memory_space<vmem>>, vector<16xi32>,
        %slice3A = vector.extract_strided_slice %get3A_1951 {offsets = [0], sizes = [1], strides = [1]} : vector<16xi32> to vector<1xi32>
        %squeeze3A = vector.extract %slice3A[0] : i32 from vector<1xi32>
        %and3A_1954 = arith.constant -16 : i32
        %and3A_1955 = arith.andi %squeeze3A, %and3A_1954 : i32
        %multiple_of3A = tpu.assume_multiple %and3A_1955, 16 : i32
        %slice3A_1956 = vector.extract_strided_slice %get3A_1953 {offsets = [0], sizes = [1], strides = [1]} : vector<16xi32> to vector<1xi32>
        %squeeze3A_1957 = vector.extract %slice3A_1956[0] : i32 from vector<1xi32>
        %and3A_1958 = arith.constant -16 : i32
        %and3A_1959 = arith.andi %squeeze3A_1957, %and3A_1958 : i32
        %multiple_of3A_1960 = tpu.assume_multiple %and3A_1959, 16 : i32
        %mul3A_1961 = arith.constant 16 : i32
        %mul3A_1962 = arith.muli %scan3A_1946, %mul3A_1961 : i32
        %dma_start3A = arith.constant 0 : i32
        %dma_start3A_1963 = arith.constant 0 : i32
        %dma_start3A_1964 = tpu.memref_slice %arg11[%dma_start3A, %dma_start3A_1963, %mul3A_1962] : memref<4x8x512xf32, #tpu.memory_space<vmem>> -> memref<4x8x16xf32, #tpu.memory_space<vmem>>
        %dma_start3A_1965 = arith.constant 0 : i32
        %dma_start3A_1966 = arith.constant 0 : i32
        %dma_start3A_1967 = tpu.memref_slice %arg4[%dma_start3A_1965, %dma_start3A_1966, %multiple_of3A] : memref<4x8x1000000xf32, #tpu.memory_space<hbm>> -> memref<4x8x16xf32, #tpu.memory_space<hbm>>
        %dma_start3A_1968 = arith.constant 0 : i32
        %dma_start3A_1969 = arith.constant 0 : i32
        %dma_start3A_1970 = tpu.memref_slice %arg11[%dma_start3A_1968, %dma_start3A_1969, %mul3A_1962] : memref<4x8x512xf32, #tpu.memory_space<vmem>> -> memref<4x8x16xf32, #tpu.memory_space<vmem>>
        %dma_start3A_1971 = arith.constant 0 : i32
        %dma_start3A_1972 = arith.constant 0 : i32
        %dma_start3A_1973 = tpu.memref_slice %arg4[%dma_start3A_1971, %dma_start3A_1972, %multiple_of3A] : memref<4x8x1000000xf32, #tpu.memory_space<hbm>> -> memref<4x8x16xf32, #tpu.memory_space<hbm>>
        tpu.enqueue_dma source(%dma_start3A_1973 : memref<4x8x16xf32, #tpu.memory_space<hbm>>) target(%dma_start3A_1970 : memref<4x8x16xf32, #tpu.memory_space<vmem>>) target_semaphore(%arg16 : memref<!tpu.dma_semaphore, #tpu.memory_space<semaphore_mem>>)
        %mul3A_1974 = arith.constant 16 : i32
        %mul3A_1975 = arith.muli %scan3A_1946, %mul3A_1974 : i32
        %dma_start3A_1976 = arith.constant 0 : i32
        %dma_start3A_1977 = arith.constant 0 : i32
        %dma_start3A_1978 = tpu.memref_slice %arg12[%dma_start3A_1976, %dma_start3A_1977, %mul3A_1975] : memref<4x8x512xf32, #tpu.memory_space<vmem>> -> memref<4x8x16xf32, #tpu.memory_space<vmem>>
        %dma_start3A_1979 = arith.constant 0 : i32
        %dma_start3A_1980 = arith.constant 0 : i32
        %dma_start3A_1981 = tpu.memref_slice %arg5[%dma_start3A_1979, %dma_start3A_1980, %multiple_of3A_1960] : memref<4x8x1000000xf32, #tpu.memory_space<hbm>> -> memref<4x8x16xf32, #tpu.memory_space<hbm>>
        %dma_start3A_1982 = arith.constant 0 : i32
        %dma_start3A_1983 = arith.constant 0 : i32
        %dma_start3A_1984 = tpu.memref_slice %arg12[%dma_start3A_1982, %dma_start3A_1983, %mul3A_1975] : memref<4x8x512xf32, #tpu.memory_space<vmem>> -> memref<4x8x16xf32, #tpu.memory_space<vmem>>
        %dma_start3A_1985 = arith.constant 0 : i32
        %dma_start3A_1986 = arith.constant 0 : i32
        %dma_start3A_1987 = tpu.memref_slice %arg5[%dma_start3A_1985, %dma_start3A_1986, %multiple_of3A_1960] : memref<4x8x1000000xf32, #tpu.memory_space<hbm>> -> memref<4x8x16xf32, #tpu.memory_space<hbm>>
        tpu.enqueue_dma source(%dma_start3A_1987 : memref<4x8x16xf32, #tpu.memory_space<hbm>>) target(%dma_start3A_1984 : memref<4x8x16xf32, #tpu.memory_space<vmem>>) target_semaphore(%arg17 : memref<!tpu.dma_semaphore, #tpu.memory_space<semaphore_mem>>)
      }
      %scan3A_959 = arith.constant 32 : i32
      %dma_wait3A_960 = arith.constant 0 : i32
      %dma_wait3A_961 = arith.constant 0 : i32
      %dma_wait3A_962 = arith.constant 0 : i32
      %dma_wait3A_963 = tpu.memref_slice %arg4[%dma_wait3A_960, %dma_wait3A_961, %dma_wait3A_962] : memref<4x8x1000000xf32, #tpu.memory_space<hbm>> -> memref<4x8x512xf32, #tpu.memory_space<hbm>>
      %dma_wait3A_964 = arith.constant 0 : i32
      %dma_wait3A_965 = arith.constant 0 : i32
      %dma_wait3A_966 = arith.constant 0 : i32
      %dma_wait3A_967 = tpu.memref_slice %arg4[%dma_wait3A_964, %dma_wait3A_965, %dma_wait3A_966] : memref<4x8x1000000xf32, #tpu.memory_space<hbm>> -> memref<4x8x512xf32, #tpu.memory_space<hbm>>
      tpu.wait_dma2 semaphore(%arg14 : memref<!tpu.dma_semaphore, #tpu.memory_space<semaphore_mem>>) src(%dma_wait3A_967 : memref<4x8x512xf32, #tpu.memory_space<hbm>>) dst(%arg9 : memref<4x8x512xf32, #tpu.memory_space<vmem>>)
      %dma_wait3A_968 = arith.constant 0 : i32
      %dma_wait3A_969 = arith.constant 0 : i32
      %dma_wait3A_970 = arith.constant 0 : i32
      %dma_wait3A_971 = tpu.memref_slice %arg5[%dma_wait3A_968, %dma_wait3A_969, %dma_wait3A_970] : memref<4x8x1000000xf32, #tpu.memory_space<hbm>> -> memref<4x8x512xf32, #tpu.memory_space<hbm>>
      %dma_wait3A_972 = arith.constant 0 : i32
      %dma_wait3A_973 = arith.constant 0 : i32
      %dma_wait3A_974 = arith.constant 0 : i32
      %dma_wait3A_975 = tpu.memref_slice %arg5[%dma_wait3A_972, %dma_wait3A_973, %dma_wait3A_974] : memref<4x8x1000000xf32, #tpu.memory_space<hbm>> -> memref<4x8x512xf32, #tpu.memory_space<hbm>>
      tpu.wait_dma2 semaphore(%arg15 : memref<!tpu.dma_semaphore, #tpu.memory_space<semaphore_mem>>) src(%dma_wait3A_975 : memref<4x8x512xf32, #tpu.memory_space<hbm>>) dst(%arg10 : memref<4x8x512xf32, #tpu.memory_space<vmem>>)
      %iota3A_976 = tpu.iota {dimensions = array<i32: 0>} : vector<16xi32>
      %mul3A_977 = arith.constant 16 : i32
      %mul3A_978 = vector.broadcast %mul3A_977 : i32 to vector<16xi32>
      %mul3A_979 = arith.muli %iota3A_976, %mul3A_978 : vector<16xi32>
      %mul3A_980 = arith.constant 32 : i32
      %mul3A_981 = arith.muli %mul3A_951, %mul3A_980 : i32
      %add3A_982 = arith.constant 0 : i32
      %add3A_983 = arith.addi %mul3A_981, %add3A_982 : i32
      %get3A_984 = arith.index_cast %add3A_983 : i32 to index
      %get3A_985 = tpu.vector_load %arg7[%get3A_984] {strides = array<i32>} : memref<528xi32, #tpu.memory_space<vmem>>, vector<16xi32>,
      %mul3A_986 = arith.constant 32 : i32
      %mul3A_987 = arith.muli %mul3A_951, %mul3A_986 : i32
      %add3A_988 = arith.constant 0 : i32
      %add3A_989 = arith.addi %mul3A_987, %add3A_988 : i32
      %get3A_990 = arith.index_cast %add3A_989 : i32 to index
      %get3A_991 = tpu.vector_load %arg8[%get3A_990] {strides = array<i32>} : memref<528xi32, #tpu.memory_space<vmem>>, vector<16xi32>,
      %add3A_992 = arith.constant 0 : i32
      %add3A_993 = vector.broadcast %add3A_992 : i32 to vector<16xi32>
      %add3A_994 = arith.addi %mul3A_979, %add3A_993 : vector<16xi32>
      %and3A_995 = arith.constant 15 : i32
      %and3A_996 = vector.broadcast %and3A_995 : i32 to vector<16xi32>
      %and3A_997 = arith.andi %get3A_985, %and3A_996 : vector<16xi32>
      %add3A_998 = arith.addi %add3A_994, %and3A_997 : vector<16xi32>
      %add3A_999 = arith.constant 0 : i32
      %add3A_1000 = vector.broadcast %add3A_999 : i32 to vector<16xi32>
      %add3A_1001 = arith.addi %mul3A_979, %add3A_1000 : vector<16xi32>
      %and3A_1002 = arith.constant 15 : i32
      %and3A_1003 = vector.broadcast %and3A_1002 : i32 to vector<16xi32>
      %and3A_1004 = arith.andi %get3A_991, %and3A_1003 : vector<16xi32>
      %add3A_1005 = arith.addi %add3A_1001, %and3A_1004 : vector<16xi32>
      %broadcast_in_dim3A_1006 = arith.constant 0.000000e+00 : f32
      %broadcast_in_dim3A_1007 = vector.broadcast %broadcast_in_dim3A_1006 : f32 to vector<16xf32>
      %broadcast_in_dim3A_1008 = arith.constant 0 : i32
      %broadcast_in_dim3A_1009 = vector.broadcast %broadcast_in_dim3A_1008 : i32 to vector<16xi32>
      %broadcast_in_dim3A_1010 = arith.constant 0 : i32
      %broadcast_in_dim3A_1011 = vector.broadcast %broadcast_in_dim3A_1010 : i32 to vector<16xi32>
      %gather3A_1012 = tpu.vector_load_idx %arg9[%broadcast_in_dim3A_1009, %broadcast_in_dim3A_1011, %add3A_998] : memref<4x8x512xf32, #tpu.memory_space<vmem>>[vector<16xi32>, vector<16xi32>, vector<16xi32>], vector<16xf32>,
      %gather3A_1013 = tpu.vector_load_idx %arg10[%broadcast_in_dim3A_1009, %broadcast_in_dim3A_1011, %add3A_1005] : memref<4x8x512xf32, #tpu.memory_space<vmem>>[vector<16xi32>, vector<16xi32>, vector<16xi32>], vector<16xf32>,
      %mul3A_1014 = arith.mulf %gather3A_1012, %gather3A_1013 : vector<16xf32>
      %add3A_1015 = arith.addf %broadcast_in_dim3A_1007, %mul3A_1014 : vector<16xf32>
      %broadcast_in_dim3A_1016 = arith.constant 1 : i32
      %broadcast_in_dim3A_1017 = vector.broadcast %broadcast_in_dim3A_1016 : i32 to vector<16xi32>
      %gather3A_1018 = tpu.vector_load_idx %arg9[%broadcast_in_dim3A_1009, %broadcast_in_dim3A_1017, %add3A_998] : memref<4x8x512xf32, #tpu.memory_space<vmem>>[vector<16xi32>, vector<16xi32>, vector<16xi32>], vector<16xf32>,
      %gather3A_1019 = tpu.vector_load_idx %arg10[%broadcast_in_dim3A_1009, %broadcast_in_dim3A_1017, %add3A_1005] : memref<4x8x512xf32, #tpu.memory_space<vmem>>[vector<16xi32>, vector<16xi32>, vector<16xi32>], vector<16xf32>,
      %mul3A_1020 = arith.mulf %gather3A_1018, %gather3A_1019 : vector<16xf32>
      %add3A_1021 = arith.addf %add3A_1015, %mul3A_1020 : vector<16xf32>
      %broadcast_in_dim3A_1022 = arith.constant 2 : i32
      %broadcast_in_dim3A_1023 = vector.broadcast %broadcast_in_dim3A_1022 : i32 to vector<16xi32>
      %gather3A_1024 = tpu.vector_load_idx %arg9[%broadcast_in_dim3A_1009, %broadcast_in_dim3A_1023, %add3A_998] : memref<4x8x512xf32, #tpu.memory_space<vmem>>[vector<16xi32>, vector<16xi32>, vector<16xi32>], vector<16xf32>,
      %gather3A_1025 = tpu.vector_load_idx %arg10[%broadcast_in_dim3A_1009, %broadcast_in_dim3A_1023, %add3A_1005] : memref<4x8x512xf32, #tpu.memory_space<vmem>>[vector<16xi32>, vector<16xi32>, vector<16xi32>], vector<16xf32>,
      %mul3A_1026 = arith.mulf %gather3A_1024, %gather3A_1025 : vector<16xf32>
      %add3A_1027 = arith.addf %add3A_1021, %mul3A_1026 : vector<16xf32>
      %broadcast_in_dim3A_1028 = arith.constant 3 : i32
      %broadcast_in_dim3A_1029 = vector.broadcast %broadcast_in_dim3A_1028 : i32 to vector<16xi32>
      %gather3A_1030 = tpu.vector_load_idx %arg9[%broadcast_in_dim3A_1009, %broadcast_in_dim3A_1029, %add3A_998] : memref<4x8x512xf32, #tpu.memory_space<vmem>>[vector<16xi32>, vector<16xi32>, vector<16xi32>], vector<16xf32>,
      %gather3A_1031 = tpu.vector_load_idx %arg10[%broadcast_in_dim3A_1009, %broadcast_in_dim3A_1029, %add3A_1005] : memref<4x8x512xf32, #tpu.memory_space<vmem>>[vector<16xi32>, vector<16xi32>, vector<16xi32>], vector<16xf32>,
      %mul3A_1032 = arith.mulf %gather3A_1030, %gather3A_1031 : vector<16xf32>
      %add3A_1033 = arith.addf %add3A_1027, %mul3A_1032 : vector<16xf32>
      %broadcast_in_dim3A_1034 = arith.constant 4 : i32
      %broadcast_in_dim3A_1035 = vector.broadcast %broadcast_in_dim3A_1034 : i32 to vector<16xi32>
      %gather3A_1036 = tpu.vector_load_idx %arg9[%broadcast_in_dim3A_1009, %broadcast_in_dim3A_1035, %add3A_998] : memref<4x8x512xf32, #tpu.memory_space<vmem>>[vector<16xi32>, vector<16xi32>, vector<16xi32>], vector<16xf32>,
      %gather3A_1037 = tpu.vector_load_idx %arg10[%broadcast_in_dim3A_1009, %broadcast_in_dim3A_1035, %add3A_1005] : memref<4x8x512xf32, #tpu.memory_space<vmem>>[vector<16xi32>, vector<16xi32>, vector<16xi32>], vector<16xf32>,
      %mul3A_1038 = arith.mulf %gather3A_1036, %gather3A_1037 : vector<16xf32>
      %add3A_1039 = arith.addf %add3A_1033, %mul3A_1038 : vector<16xf32>
      %broadcast_in_dim3A_1040 = arith.constant 5 : i32
      %broadcast_in_dim3A_1041 = vector.broadcast %broadcast_in_dim3A_1040 : i32 to vector<16xi32>
      %gather3A_1042 = tpu.vector_load_idx %arg9[%broadcast_in_dim3A_1009, %broadcast_in_dim3A_1041, %add3A_998] : memref<4x8x512xf32, #tpu.memory_space<vmem>>[vector<16xi32>, vector<16xi32>, vector<16xi32>], vector<16xf32>,
      %gather3A_1043 = tpu.vector_load_idx %arg10[%broadcast_in_dim3A_1009, %broadcast_in_dim3A_1041, %add3A_1005] : memref<4x8x512xf32, #tpu.memory_space<vmem>>[vector<16xi32>, vector<16xi32>, vector<16xi32>], vector<16xf32>,
      %mul3A_1044 = arith.mulf %gather3A_1042, %gather3A_1043 : vector<16xf32>
      %add3A_1045 = arith.addf %add3A_1039, %mul3A_1044 : vector<16xf32>
      %broadcast_in_dim3A_1046 = arith.constant 6 : i32
      %broadcast_in_dim3A_1047 = vector.broadcast %broadcast_in_dim3A_1046 : i32 to vector<16xi32>
      %gather3A_1048 = tpu.vector_load_idx %arg9[%broadcast_in_dim3A_1009, %broadcast_in_dim3A_1047, %add3A_998] : memref<4x8x512xf32, #tpu.memory_space<vmem>>[vector<16xi32>, vector<16xi32>, vector<16xi32>], vector<16xf32>,
      %gather3A_1049 = tpu.vector_load_idx %arg10[%broadcast_in_dim3A_1009, %broadcast_in_dim3A_1047, %add3A_1005] : memref<4x8x512xf32, #tpu.memory_space<vmem>>[vector<16xi32>, vector<16xi32>, vector<16xi32>], vector<16xf32>,
      %mul3A_1050 = arith.mulf %gather3A_1048, %gather3A_1049 : vector<16xf32>
      %add3A_1051 = arith.addf %add3A_1045, %mul3A_1050 : vector<16xf32>
      %broadcast_in_dim3A_1052 = arith.constant 7 : i32
      %broadcast_in_dim3A_1053 = vector.broadcast %broadcast_in_dim3A_1052 : i32 to vector<16xi32>
      %gather3A_1054 = tpu.vector_load_idx %arg9[%broadcast_in_dim3A_1009, %broadcast_in_dim3A_1053, %add3A_998] : memref<4x8x512xf32, #tpu.memory_space<vmem>>[vector<16xi32>, vector<16xi32>, vector<16xi32>], vector<16xf32>,
      %gather3A_1055 = tpu.vector_load_idx %arg10[%broadcast_in_dim3A_1009, %broadcast_in_dim3A_1053, %add3A_1005] : memref<4x8x512xf32, #tpu.memory_space<vmem>>[vector<16xi32>, vector<16xi32>, vector<16xi32>], vector<16xf32>,
      %mul3A_1056 = arith.mulf %gather3A_1054, %gather3A_1055 : vector<16xf32>
      %add3A_1057 = arith.addf %add3A_1051, %mul3A_1056 : vector<16xf32>
      %broadcast_in_dim3A_1058 = arith.constant 1 : i32
      %broadcast_in_dim3A_1059 = vector.broadcast %broadcast_in_dim3A_1058 : i32 to vector<16xi32>
      %broadcast_in_dim3A_1060 = arith.constant 0 : i32
      %broadcast_in_dim3A_1061 = vector.broadcast %broadcast_in_dim3A_1060 : i32 to vector<16xi32>
      %gather3A_1062 = tpu.vector_load_idx %arg9[%broadcast_in_dim3A_1059, %broadcast_in_dim3A_1061, %add3A_998] : memref<4x8x512xf32, #tpu.memory_space<vmem>>[vector<16xi32>, vector<16xi32>, vector<16xi32>], vector<16xf32>,
      %gather3A_1063 = tpu.vector_load_idx %arg10[%broadcast_in_dim3A_1059, %broadcast_in_dim3A_1061, %add3A_1005] : memref<4x8x512xf32, #tpu.memory_space<vmem>>[vector<16xi32>, vector<16xi32>, vector<16xi32>], vector<16xf32>,
      %mul3A_1064 = arith.mulf %gather3A_1062, %gather3A_1063 : vector<16xf32>
      %add3A_1065 = arith.addf %add3A_1057, %mul3A_1064 : vector<16xf32>
      %broadcast_in_dim3A_1066 = arith.constant 1 : i32
      %broadcast_in_dim3A_1067 = vector.broadcast %broadcast_in_dim3A_1066 : i32 to vector<16xi32>
      %gather3A_1068 = tpu.vector_load_idx %arg9[%broadcast_in_dim3A_1059, %broadcast_in_dim3A_1067, %add3A_998] : memref<4x8x512xf32, #tpu.memory_space<vmem>>[vector<16xi32>, vector<16xi32>, vector<16xi32>], vector<16xf32>,
      %gather3A_1069 = tpu.vector_load_idx %arg10[%broadcast_in_dim3A_1059, %broadcast_in_dim3A_1067, %add3A_1005] : memref<4x8x512xf32, #tpu.memory_space<vmem>>[vector<16xi32>, vector<16xi32>, vector<16xi32>], vector<16xf32>,
      %mul3A_1070 = arith.mulf %gather3A_1068, %gather3A_1069 : vector<16xf32>
      %add3A_1071 = arith.addf %add3A_1065, %mul3A_1070 : vector<16xf32>
      %broadcast_in_dim3A_1072 = arith.constant 2 : i32
      %broadcast_in_dim3A_1073 = vector.broadcast %broadcast_in_dim3A_1072 : i32 to vector<16xi32>
      %gather3A_1074 = tpu.vector_load_idx %arg9[%broadcast_in_dim3A_1059, %broadcast_in_dim3A_1073, %add3A_998] : memref<4x8x512xf32, #tpu.memory_space<vmem>>[vector<16xi32>, vector<16xi32>, vector<16xi32>], vector<16xf32>,
      %gather3A_1075 = tpu.vector_load_idx %arg10[%broadcast_in_dim3A_1059, %broadcast_in_dim3A_1073, %add3A_1005] : memref<4x8x512xf32, #tpu.memory_space<vmem>>[vector<16xi32>, vector<16xi32>, vector<16xi32>], vector<16xf32>,
      %mul3A_1076 = arith.mulf %gather3A_1074, %gather3A_1075 : vector<16xf32>
      %add3A_1077 = arith.addf %add3A_1071, %mul3A_1076 : vector<16xf32>
      %broadcast_in_dim3A_1078 = arith.constant 3 : i32
      %broadcast_in_dim3A_1079 = vector.broadcast %broadcast_in_dim3A_1078 : i32 to vector<16xi32>
      %gather3A_1080 = tpu.vector_load_idx %arg9[%broadcast_in_dim3A_1059, %broadcast_in_dim3A_1079, %add3A_998] : memref<4x8x512xf32, #tpu.memory_space<vmem>>[vector<16xi32>, vector<16xi32>, vector<16xi32>], vector<16xf32>,
      %gather3A_1081 = tpu.vector_load_idx %arg10[%broadcast_in_dim3A_1059, %broadcast_in_dim3A_1079, %add3A_1005] : memref<4x8x512xf32, #tpu.memory_space<vmem>>[vector<16xi32>, vector<16xi32>, vector<16xi32>], vector<16xf32>,
      %mul3A_1082 = arith.mulf %gather3A_1080, %gather3A_1081 : vector<16xf32>
      %add3A_1083 = arith.addf %add3A_1077, %mul3A_1082 : vector<16xf32>
      %broadcast_in_dim3A_1084 = arith.constant 4 : i32
      %broadcast_in_dim3A_1085 = vector.broadcast %broadcast_in_dim3A_1084 : i32 to vector<16xi32>
      %gather3A_1086 = tpu.vector_load_idx %arg9[%broadcast_in_dim3A_1059, %broadcast_in_dim3A_1085, %add3A_998] : memref<4x8x512xf32, #tpu.memory_space<vmem>>[vector<16xi32>, vector<16xi32>, vector<16xi32>], vector<16xf32>,
      %gather3A_1087 = tpu.vector_load_idx %arg10[%broadcast_in_dim3A_1059, %broadcast_in_dim3A_1085, %add3A_1005] : memref<4x8x512xf32, #tpu.memory_space<vmem>>[vector<16xi32>, vector<16xi32>, vector<16xi32>], vector<16xf32>,
      %mul3A_1088 = arith.mulf %gather3A_1086, %gather3A_1087 : vector<16xf32>
      %add3A_1089 = arith.addf %add3A_1083, %mul3A_1088 : vector<16xf32>
      %broadcast_in_dim3A_1090 = arith.constant 5 : i32
      %broadcast_in_dim3A_1091 = vector.broadcast %broadcast_in_dim3A_1090 : i32 to vector<16xi32>
      %gather3A_1092 = tpu.vector_load_idx %arg9[%broadcast_in_dim3A_1059, %broadcast_in_dim3A_1091, %add3A_998] : memref<4x8x512xf32, #tpu.memory_space<vmem>>[vector<16xi32>, vector<16xi32>, vector<16xi32>], vector<16xf32>,
      %gather3A_1093 = tpu.vector_load_idx %arg10[%broadcast_in_dim3A_1059, %broadcast_in_dim3A_1091, %add3A_1005] : memref<4x8x512xf32, #tpu.memory_space<vmem>>[vector<16xi32>, vector<16xi32>, vector<16xi32>], vector<16xf32>,
      %mul3A_1094 = arith.mulf %gather3A_1092, %gather3A_1093 : vector<16xf32>
      %add3A_1095 = arith.addf %add3A_1089, %mul3A_1094 : vector<16xf32>
      %broadcast_in_dim3A_1096 = arith.constant 6 : i32
      %broadcast_in_dim3A_1097 = vector.broadcast %broadcast_in_dim3A_1096 : i32 to vector<16xi32>
      %gather3A_1098 = tpu.vector_load_idx %arg9[%broadcast_in_dim3A_1059, %broadcast_in_dim3A_1097, %add3A_998] : memref<4x8x512xf32, #tpu.memory_space<vmem>>[vector<16xi32>, vector<16xi32>, vector<16xi32>], vector<16xf32>,
      %gather3A_1099 = tpu.vector_load_idx %arg10[%broadcast_in_dim3A_1059, %broadcast_in_dim3A_1097, %add3A_1005] : memref<4x8x512xf32, #tpu.memory_space<vmem>>[vector<16xi32>, vector<16xi32>, vector<16xi32>], vector<16xf32>,
      %mul3A_1100 = arith.mulf %gather3A_1098, %gather3A_1099 : vector<16xf32>
      %add3A_1101 = arith.addf %add3A_1095, %mul3A_1100 : vector<16xf32>
      %broadcast_in_dim3A_1102 = arith.constant 7 : i32
      %broadcast_in_dim3A_1103 = vector.broadcast %broadcast_in_dim3A_1102 : i32 to vector<16xi32>
      %gather3A_1104 = tpu.vector_load_idx %arg9[%broadcast_in_dim3A_1059, %broadcast_in_dim3A_1103, %add3A_998] : memref<4x8x512xf32, #tpu.memory_space<vmem>>[vector<16xi32>, vector<16xi32>, vector<16xi32>], vector<16xf32>,
      %gather3A_1105 = tpu.vector_load_idx %arg10[%broadcast_in_dim3A_1059, %broadcast_in_dim3A_1103, %add3A_1005] : memref<4x8x512xf32, #tpu.memory_space<vmem>>[vector<16xi32>, vector<16xi32>, vector<16xi32>], vector<16xf32>,
      %mul3A_1106 = arith.mulf %gather3A_1104, %gather3A_1105 : vector<16xf32>
      %add3A_1107 = arith.addf %add3A_1101, %mul3A_1106 : vector<16xf32>
      %broadcast_in_dim3A_1108 = arith.constant 2 : i32
      %broadcast_in_dim3A_1109 = vector.broadcast %broadcast_in_dim3A_1108 : i32 to vector<16xi32>
      %broadcast_in_dim3A_1110 = arith.constant 0 : i32
      %broadcast_in_dim3A_1111 = vector.broadcast %broadcast_in_dim3A_1110 : i32 to vector<16xi32>
      %gather3A_1112 = tpu.vector_load_idx %arg9[%broadcast_in_dim3A_1109, %broadcast_in_dim3A_1111, %add3A_998] : memref<4x8x512xf32, #tpu.memory_space<vmem>>[vector<16xi32>, vector<16xi32>, vector<16xi32>], vector<16xf32>,
      %gather3A_1113 = tpu.vector_load_idx %arg10[%broadcast_in_dim3A_1109, %broadcast_in_dim3A_1111, %add3A_1005] : memref<4x8x512xf32, #tpu.memory_space<vmem>>[vector<16xi32>, vector<16xi32>, vector<16xi32>], vector<16xf32>,
      %mul3A_1114 = arith.mulf %gather3A_1112, %gather3A_1113 : vector<16xf32>
      %add3A_1115 = arith.addf %add3A_1107, %mul3A_1114 : vector<16xf32>
      %broadcast_in_dim3A_1116 = arith.constant 1 : i32
      %broadcast_in_dim3A_1117 = vector.broadcast %broadcast_in_dim3A_1116 : i32 to vector<16xi32>
      %gather3A_1118 = tpu.vector_load_idx %arg9[%broadcast_in_dim3A_1109, %broadcast_in_dim3A_1117, %add3A_998] : memref<4x8x512xf32, #tpu.memory_space<vmem>>[vector<16xi32>, vector<16xi32>, vector<16xi32>], vector<16xf32>,
      %gather3A_1119 = tpu.vector_load_idx %arg10[%broadcast_in_dim3A_1109, %broadcast_in_dim3A_1117, %add3A_1005] : memref<4x8x512xf32, #tpu.memory_space<vmem>>[vector<16xi32>, vector<16xi32>, vector<16xi32>], vector<16xf32>,
      %mul3A_1120 = arith.mulf %gather3A_1118, %gather3A_1119 : vector<16xf32>
      %add3A_1121 = arith.addf %add3A_1115, %mul3A_1120 : vector<16xf32>
      %broadcast_in_dim3A_1122 = arith.constant 2 : i32
      %broadcast_in_dim3A_1123 = vector.broadcast %broadcast_in_dim3A_1122 : i32 to vector<16xi32>
      %gather3A_1124 = tpu.vector_load_idx %arg9[%broadcast_in_dim3A_1109, %broadcast_in_dim3A_1123, %add3A_998] : memref<4x8x512xf32, #tpu.memory_space<vmem>>[vector<16xi32>, vector<16xi32>, vector<16xi32>], vector<16xf32>,
      %gather3A_1125 = tpu.vector_load_idx %arg10[%broadcast_in_dim3A_1109, %broadcast_in_dim3A_1123, %add3A_1005] : memref<4x8x512xf32, #tpu.memory_space<vmem>>[vector<16xi32>, vector<16xi32>, vector<16xi32>], vector<16xf32>,
      %mul3A_1126 = arith.mulf %gather3A_1124, %gather3A_1125 : vector<16xf32>
      %add3A_1127 = arith.addf %add3A_1121, %mul3A_1126 : vector<16xf32>
      %broadcast_in_dim3A_1128 = arith.constant 3 : i32
      %broadcast_in_dim3A_1129 = vector.broadcast %broadcast_in_dim3A_1128 : i32 to vector<16xi32>
      %gather3A_1130 = tpu.vector_load_idx %arg9[%broadcast_in_dim3A_1109, %broadcast_in_dim3A_1129, %add3A_998] : memref<4x8x512xf32, #tpu.memory_space<vmem>>[vector<16xi32>, vector<16xi32>, vector<16xi32>], vector<16xf32>,
      %gather3A_1131 = tpu.vector_load_idx %arg10[%broadcast_in_dim3A_1109, %broadcast_in_dim3A_1129, %add3A_1005] : memref<4x8x512xf32, #tpu.memory_space<vmem>>[vector<16xi32>, vector<16xi32>, vector<16xi32>], vector<16xf32>,
      %mul3A_1132 = arith.mulf %gather3A_1130, %gather3A_1131 : vector<16xf32>
      %add3A_1133 = arith.addf %add3A_1127, %mul3A_1132 : vector<16xf32>
      %broadcast_in_dim3A_1134 = arith.constant 4 : i32
      %broadcast_in_dim3A_1135 = vector.broadcast %broadcast_in_dim3A_1134 : i32 to vector<16xi32>
      %gather3A_1136 = tpu.vector_load_idx %arg9[%broadcast_in_dim3A_1109, %broadcast_in_dim3A_1135, %add3A_998] : memref<4x8x512xf32, #tpu.memory_space<vmem>>[vector<16xi32>, vector<16xi32>, vector<16xi32>], vector<16xf32>,
      %gather3A_1137 = tpu.vector_load_idx %arg10[%broadcast_in_dim3A_1109, %broadcast_in_dim3A_1135, %add3A_1005] : memref<4x8x512xf32, #tpu.memory_space<vmem>>[vector<16xi32>, vector<16xi32>, vector<16xi32>], vector<16xf32>,
      %mul3A_1138 = arith.mulf %gather3A_1136, %gather3A_1137 : vector<16xf32>
      %add3A_1139 = arith.addf %add3A_1133, %mul3A_1138 : vector<16xf32>
      %broadcast_in_dim3A_1140 = arith.constant 5 : i32
      %broadcast_in_dim3A_1141 = vector.broadcast %broadcast_in_dim3A_1140 : i32 to vector<16xi32>
      %gather3A_1142 = tpu.vector_load_idx %arg9[%broadcast_in_dim3A_1109, %broadcast_in_dim3A_1141, %add3A_998] : memref<4x8x512xf32, #tpu.memory_space<vmem>>[vector<16xi32>, vector<16xi32>, vector<16xi32>], vector<16xf32>,
      %gather3A_1143 = tpu.vector_load_idx %arg10[%broadcast_in_dim3A_1109, %broadcast_in_dim3A_1141, %add3A_1005] : memref<4x8x512xf32, #tpu.memory_space<vmem>>[vector<16xi32>, vector<16xi32>, vector<16xi32>], vector<16xf32>,
      %mul3A_1144 = arith.mulf %gather3A_1142, %gather3A_1143 : vector<16xf32>
      %add3A_1145 = arith.addf %add3A_1139, %mul3A_1144 : vector<16xf32>
      %broadcast_in_dim3A_1146 = arith.constant 6 : i32
      %broadcast_in_dim3A_1147 = vector.broadcast %broadcast_in_dim3A_1146 : i32 to vector<16xi32>
      %gather3A_1148 = tpu.vector_load_idx %arg9[%broadcast_in_dim3A_1109, %broadcast_in_dim3A_1147, %add3A_998] : memref<4x8x512xf32, #tpu.memory_space<vmem>>[vector<16xi32>, vector<16xi32>, vector<16xi32>], vector<16xf32>,
      %gather3A_1149 = tpu.vector_load_idx %arg10[%broadcast_in_dim3A_1109, %broadcast_in_dim3A_1147, %add3A_1005] : memref<4x8x512xf32, #tpu.memory_space<vmem>>[vector<16xi32>, vector<16xi32>, vector<16xi32>], vector<16xf32>,
      %mul3A_1150 = arith.mulf %gather3A_1148, %gather3A_1149 : vector<16xf32>
      %add3A_1151 = arith.addf %add3A_1145, %mul3A_1150 : vector<16xf32>
      %broadcast_in_dim3A_1152 = arith.constant 7 : i32
      %broadcast_in_dim3A_1153 = vector.broadcast %broadcast_in_dim3A_1152 : i32 to vector<16xi32>
      %gather3A_1154 = tpu.vector_load_idx %arg9[%broadcast_in_dim3A_1109, %broadcast_in_dim3A_1153, %add3A_998] : memref<4x8x512xf32, #tpu.memory_space<vmem>>[vector<16xi32>, vector<16xi32>, vector<16xi32>], vector<16xf32>,
      %gather3A_1155 = tpu.vector_load_idx %arg10[%broadcast_in_dim3A_1109, %broadcast_in_dim3A_1153, %add3A_1005] : memref<4x8x512xf32, #tpu.memory_space<vmem>>[vector<16xi32>, vector<16xi32>, vector<16xi32>], vector<16xf32>,
      %mul3A_1156 = arith.mulf %gather3A_1154, %gather3A_1155 : vector<16xf32>
      %add3A_1157 = arith.addf %add3A_1151, %mul3A_1156 : vector<16xf32>
      %broadcast_in_dim3A_1158 = arith.constant 3 : i32
      %broadcast_in_dim3A_1159 = vector.broadcast %broadcast_in_dim3A_1158 : i32 to vector<16xi32>
      %broadcast_in_dim3A_1160 = arith.constant 0 : i32
      %broadcast_in_dim3A_1161 = vector.broadcast %broadcast_in_dim3A_1160 : i32 to vector<16xi32>
      %gather3A_1162 = tpu.vector_load_idx %arg9[%broadcast_in_dim3A_1159, %broadcast_in_dim3A_1161, %add3A_998] : memref<4x8x512xf32, #tpu.memory_space<vmem>>[vector<16xi32>, vector<16xi32>, vector<16xi32>], vector<16xf32>,
      %gather3A_1163 = tpu.vector_load_idx %arg10[%broadcast_in_dim3A_1159, %broadcast_in_dim3A_1161, %add3A_1005] : memref<4x8x512xf32, #tpu.memory_space<vmem>>[vector<16xi32>, vector<16xi32>, vector<16xi32>], vector<16xf32>,
      %mul3A_1164 = arith.mulf %gather3A_1162, %gather3A_1163 : vector<16xf32>
      %add3A_1165 = arith.addf %add3A_1157, %mul3A_1164 : vector<16xf32>
      %broadcast_in_dim3A_1166 = arith.constant 1 : i32
      %broadcast_in_dim3A_1167 = vector.broadcast %broadcast_in_dim3A_1166 : i32 to vector<16xi32>
      %gather3A_1168 = tpu.vector_load_idx %arg9[%broadcast_in_dim3A_1159, %broadcast_in_dim3A_1167, %add3A_998] : memref<4x8x512xf32, #tpu.memory_space<vmem>>[vector<16xi32>, vector<16xi32>, vector<16xi32>], vector<16xf32>,
      %gather3A_1169 = tpu.vector_load_idx %arg10[%broadcast_in_dim3A_1159, %broadcast_in_dim3A_1167, %add3A_1005] : memref<4x8x512xf32, #tpu.memory_space<vmem>>[vector<16xi32>, vector<16xi32>, vector<16xi32>], vector<16xf32>,
      %mul3A_1170 = arith.mulf %gather3A_1168, %gather3A_1169 : vector<16xf32>
      %add3A_1171 = arith.addf %add3A_1165, %mul3A_1170 : vector<16xf32>
      %broadcast_in_dim3A_1172 = arith.constant 2 : i32
      %broadcast_in_dim3A_1173 = vector.broadcast %broadcast_in_dim3A_1172 : i32 to vector<16xi32>
      %gather3A_1174 = tpu.vector_load_idx %arg9[%broadcast_in_dim3A_1159, %broadcast_in_dim3A_1173, %add3A_998] : memref<4x8x512xf32, #tpu.memory_space<vmem>>[vector<16xi32>, vector<16xi32>, vector<16xi32>], vector<16xf32>,
      %gather3A_1175 = tpu.vector_load_idx %arg10[%broadcast_in_dim3A_1159, %broadcast_in_dim3A_1173, %add3A_1005] : memref<4x8x512xf32, #tpu.memory_space<vmem>>[vector<16xi32>, vector<16xi32>, vector<16xi32>], vector<16xf32>,
      %mul3A_1176 = arith.mulf %gather3A_1174, %gather3A_1175 : vector<16xf32>
      %add3A_1177 = arith.addf %add3A_1171, %mul3A_1176 : vector<16xf32>
      %broadcast_in_dim3A_1178 = arith.constant 3 : i32
      %broadcast_in_dim3A_1179 = vector.broadcast %broadcast_in_dim3A_1178 : i32 to vector<16xi32>
      %gather3A_1180 = tpu.vector_load_idx %arg9[%broadcast_in_dim3A_1159, %broadcast_in_dim3A_1179, %add3A_998] : memref<4x8x512xf32, #tpu.memory_space<vmem>>[vector<16xi32>, vector<16xi32>, vector<16xi32>], vector<16xf32>,
      %gather3A_1181 = tpu.vector_load_idx %arg10[%broadcast_in_dim3A_1159, %broadcast_in_dim3A_1179, %add3A_1005] : memref<4x8x512xf32, #tpu.memory_space<vmem>>[vector<16xi32>, vector<16xi32>, vector<16xi32>], vector<16xf32>,
      %mul3A_1182 = arith.mulf %gather3A_1180, %gather3A_1181 : vector<16xf32>
      %add3A_1183 = arith.addf %add3A_1177, %mul3A_1182 : vector<16xf32>
      %broadcast_in_dim3A_1184 = arith.constant 4 : i32
      %broadcast_in_dim3A_1185 = vector.broadcast %broadcast_in_dim3A_1184 : i32 to vector<16xi32>
      %gather3A_1186 = tpu.vector_load_idx %arg9[%broadcast_in_dim3A_1159, %broadcast_in_dim3A_1185, %add3A_998] : memref<4x8x512xf32, #tpu.memory_space<vmem>>[vector<16xi32>, vector<16xi32>, vector<16xi32>], vector<16xf32>,
      %gather3A_1187 = tpu.vector_load_idx %arg10[%broadcast_in_dim3A_1159, %broadcast_in_dim3A_1185, %add3A_1005] : memref<4x8x512xf32, #tpu.memory_space<vmem>>[vector<16xi32>, vector<16xi32>, vector<16xi32>], vector<16xf32>,
      %mul3A_1188 = arith.mulf %gather3A_1186, %gather3A_1187 : vector<16xf32>
      %add3A_1189 = arith.addf %add3A_1183, %mul3A_1188 : vector<16xf32>
      %broadcast_in_dim3A_1190 = arith.constant 5 : i32
      %broadcast_in_dim3A_1191 = vector.broadcast %broadcast_in_dim3A_1190 : i32 to vector<16xi32>
      %gather3A_1192 = tpu.vector_load_idx %arg9[%broadcast_in_dim3A_1159, %broadcast_in_dim3A_1191, %add3A_998] : memref<4x8x512xf32, #tpu.memory_space<vmem>>[vector<16xi32>, vector<16xi32>, vector<16xi32>], vector<16xf32>,
      %gather3A_1193 = tpu.vector_load_idx %arg10[%broadcast_in_dim3A_1159, %broadcast_in_dim3A_1191, %add3A_1005] : memref<4x8x512xf32, #tpu.memory_space<vmem>>[vector<16xi32>, vector<16xi32>, vector<16xi32>], vector<16xf32>,
      %mul3A_1194 = arith.mulf %gather3A_1192, %gather3A_1193 : vector<16xf32>
      %add3A_1195 = arith.addf %add3A_1189, %mul3A_1194 : vector<16xf32>
      %broadcast_in_dim3A_1196 = arith.constant 6 : i32
      %broadcast_in_dim3A_1197 = vector.broadcast %broadcast_in_dim3A_1196 : i32 to vector<16xi32>
      %gather3A_1198 = tpu.vector_load_idx %arg9[%broadcast_in_dim3A_1159, %broadcast_in_dim3A_1197, %add3A_998] : memref<4x8x512xf32, #tpu.memory_space<vmem>>[vector<16xi32>, vector<16xi32>, vector<16xi32>], vector<16xf32>,
      %gather3A_1199 = tpu.vector_load_idx %arg10[%broadcast_in_dim3A_1159, %broadcast_in_dim3A_1197, %add3A_1005] : memref<4x8x512xf32, #tpu.memory_space<vmem>>[vector<16xi32>, vector<16xi32>, vector<16xi32>], vector<16xf32>,
      %mul3A_1200 = arith.mulf %gather3A_1198, %gather3A_1199 : vector<16xf32>
      %add3A_1201 = arith.addf %add3A_1195, %mul3A_1200 : vector<16xf32>
      %broadcast_in_dim3A_1202 = arith.constant 7 : i32
      %broadcast_in_dim3A_1203 = vector.broadcast %broadcast_in_dim3A_1202 : i32 to vector<16xi32>
      %gather3A_1204 = tpu.vector_load_idx %arg9[%broadcast_in_dim3A_1159, %broadcast_in_dim3A_1203, %add3A_998] : memref<4x8x512xf32, #tpu.memory_space<vmem>>[vector<16xi32>, vector<16xi32>, vector<16xi32>], vector<16xf32>,
      %gather3A_1205 = tpu.vector_load_idx %arg10[%broadcast_in_dim3A_1159, %broadcast_in_dim3A_1203, %add3A_1005] : memref<4x8x512xf32, #tpu.memory_space<vmem>>[vector<16xi32>, vector<16xi32>, vector<16xi32>], vector<16xf32>,
      %mul3A_1206 = arith.mulf %gather3A_1204, %gather3A_1205 : vector<16xf32>
      %add3A_1207 = arith.addf %add3A_1201, %mul3A_1206 : vector<16xf32>
      %mul3A_1208 = arith.constant 32 : i32
      %mul3A_1209 = arith.muli %mul3A_951, %mul3A_1208 : i32
      %add3A_1210 = arith.constant 0 : i32
      %add3A_1211 = arith.addi %mul3A_1209, %add3A_1210 : i32
      %swap3A_1212 = arith.index_cast %add3A_1211 : i32 to index
      %swap3A_1213 = tpu.vector_load %arg13[%swap3A_1212] {strides = array<i32>} : memref<512xf32, #tpu.memory_space<vmem>>, vector<16xf32>,
      tpu.vector_store %arg13[%swap3A_1212], %add3A_1207 {strides = array<i32>} : memref<512xf32, #tpu.memory_space<vmem>>, vector<16xf32>,
      %mul3A_1214 = arith.constant 32 : i32
      %mul3A_1215 = arith.muli %mul3A_951, %mul3A_1214 : i32
      %add3A_1216 = arith.constant 16 : i32
      %add3A_1217 = arith.addi %mul3A_1215, %add3A_1216 : i32
      %get3A_1218 = arith.index_cast %add3A_1217 : i32 to index
      %get3A_1219 = tpu.vector_load %arg7[%get3A_1218] {strides = array<i32>} : memref<528xi32, #tpu.memory_space<vmem>>, vector<16xi32>,
      %mul3A_1220 = arith.constant 32 : i32
      %mul3A_1221 = arith.muli %mul3A_951, %mul3A_1220 : i32
      %add3A_1222 = arith.constant 16 : i32
      %add3A_1223 = arith.addi %mul3A_1221, %add3A_1222 : i32
      %get3A_1224 = arith.index_cast %add3A_1223 : i32 to index
      %get3A_1225 = tpu.vector_load %arg8[%get3A_1224] {strides = array<i32>} : memref<528xi32, #tpu.memory_space<vmem>>, vector<16xi32>,
      %add3A_1226 = arith.constant 256 : i32
      %add3A_1227 = vector.broadcast %add3A_1226 : i32 to vector<16xi32>
      %add3A_1228 = arith.addi %mul3A_979, %add3A_1227 : vector<16xi32>
      %and3A_1229 = arith.constant 15 : i32
      %and3A_1230 = vector.broadcast %and3A_1229 : i32 to vector<16xi32>
      %and3A_1231 = arith.andi %get3A_1219, %and3A_1230 : vector<16xi32>
      %add3A_1232 = arith.addi %add3A_1228, %and3A_1231 : vector<16xi32>
      %add3A_1233 = arith.constant 256 : i32
      %add3A_1234 = vector.broadcast %add3A_1233 : i32 to vector<16xi32>
      %add3A_1235 = arith.addi %mul3A_979, %add3A_1234 : vector<16xi32>
      %and3A_1236 = arith.constant 15 : i32
      %and3A_1237 = vector.broadcast %and3A_1236 : i32 to vector<16xi32>
      %and3A_1238 = arith.andi %get3A_1225, %and3A_1237 : vector<16xi32>
      %add3A_1239 = arith.addi %add3A_1235, %and3A_1238 : vector<16xi32>
      %broadcast_in_dim3A_1240 = arith.constant 0.000000e+00 : f32
      %broadcast_in_dim3A_1241 = vector.broadcast %broadcast_in_dim3A_1240 : f32 to vector<16xf32>
      %broadcast_in_dim3A_1242 = arith.constant 0 : i32
      %broadcast_in_dim3A_1243 = vector.broadcast %broadcast_in_dim3A_1242 : i32 to vector<16xi32>
      %broadcast_in_dim3A_1244 = arith.constant 0 : i32
      %broadcast_in_dim3A_1245 = vector.broadcast %broadcast_in_dim3A_1244 : i32 to vector<16xi32>
      %gather3A_1246 = tpu.vector_load_idx %arg9[%broadcast_in_dim3A_1243, %broadcast_in_dim3A_1245, %add3A_1232] : memref<4x8x512xf32, #tpu.memory_space<vmem>>[vector<16xi32>, vector<16xi32>, vector<16xi32>], vector<16xf32>,
      %gather3A_1247 = tpu.vector_load_idx %arg10[%broadcast_in_dim3A_1243, %broadcast_in_dim3A_1245, %add3A_1239] : memref<4x8x512xf32, #tpu.memory_space<vmem>>[vector<16xi32>, vector<16xi32>, vector<16xi32>], vector<16xf32>,
      %mul3A_1248 = arith.mulf %gather3A_1246, %gather3A_1247 : vector<16xf32>
      %add3A_1249 = arith.addf %broadcast_in_dim3A_1241, %mul3A_1248 : vector<16xf32>
      %broadcast_in_dim3A_1250 = arith.constant 1 : i32
      %broadcast_in_dim3A_1251 = vector.broadcast %broadcast_in_dim3A_1250 : i32 to vector<16xi32>
      %gather3A_1252 = tpu.vector_load_idx %arg9[%broadcast_in_dim3A_1243, %broadcast_in_dim3A_1251, %add3A_1232] : memref<4x8x512xf32, #tpu.memory_space<vmem>>[vector<16xi32>, vector<16xi32>, vector<16xi32>], vector<16xf32>,
      %gather3A_1253 = tpu.vector_load_idx %arg10[%broadcast_in_dim3A_1243, %broadcast_in_dim3A_1251, %add3A_1239] : memref<4x8x512xf32, #tpu.memory_space<vmem>>[vector<16xi32>, vector<16xi32>, vector<16xi32>], vector<16xf32>,
      %mul3A_1254 = arith.mulf %gather3A_1252, %gather3A_1253 : vector<16xf32>
      %add3A_1255 = arith.addf %add3A_1249, %mul3A_1254 : vector<16xf32>
      %broadcast_in_dim3A_1256 = arith.constant 2 : i32
      %broadcast_in_dim3A_1257 = vector.broadcast %broadcast_in_dim3A_1256 : i32 to vector<16xi32>
      %gather3A_1258 = tpu.vector_load_idx %arg9[%broadcast_in_dim3A_1243, %broadcast_in_dim3A_1257, %add3A_1232] : memref<4x8x512xf32, #tpu.memory_space<vmem>>[vector<16xi32>, vector<16xi32>, vector<16xi32>], vector<16xf32>,
      %gather3A_1259 = tpu.vector_load_idx %arg10[%broadcast_in_dim3A_1243, %broadcast_in_dim3A_1257, %add3A_1239] : memref<4x8x512xf32, #tpu.memory_space<vmem>>[vector<16xi32>, vector<16xi32>, vector<16xi32>], vector<16xf32>,
      %mul3A_1260 = arith.mulf %gather3A_1258, %gather3A_1259 : vector<16xf32>
      %add3A_1261 = arith.addf %add3A_1255, %mul3A_1260 : vector<16xf32>
      %broadcast_in_dim3A_1262 = arith.constant 3 : i32
      %broadcast_in_dim3A_1263 = vector.broadcast %broadcast_in_dim3A_1262 : i32 to vector<16xi32>
      %gather3A_1264 = tpu.vector_load_idx %arg9[%broadcast_in_dim3A_1243, %broadcast_in_dim3A_1263, %add3A_1232] : memref<4x8x512xf32, #tpu.memory_space<vmem>>[vector<16xi32>, vector<16xi32>, vector<16xi32>], vector<16xf32>,
      %gather3A_1265 = tpu.vector_load_idx %arg10[%broadcast_in_dim3A_1243, %broadcast_in_dim3A_1263, %add3A_1239] : memref<4x8x512xf32, #tpu.memory_space<vmem>>[vector<16xi32>, vector<16xi32>, vector<16xi32>], vector<16xf32>,
      %mul3A_1266 = arith.mulf %gather3A_1264, %gather3A_1265 : vector<16xf32>
      %add3A_1267 = arith.addf %add3A_1261, %mul3A_1266 : vector<16xf32>
      %broadcast_in_dim3A_1268 = arith.constant 4 : i32
      %broadcast_in_dim3A_1269 = vector.broadcast %broadcast_in_dim3A_1268 : i32 to vector<16xi32>
      %gather3A_1270 = tpu.vector_load_idx %arg9[%broadcast_in_dim3A_1243, %broadcast_in_dim3A_1269, %add3A_1232] : memref<4x8x512xf32, #tpu.memory_space<vmem>>[vector<16xi32>, vector<16xi32>, vector<16xi32>], vector<16xf32>,
      %gather3A_1271 = tpu.vector_load_idx %arg10[%broadcast_in_dim3A_1243, %broadcast_in_dim3A_1269, %add3A_1239] : memref<4x8x512xf32, #tpu.memory_space<vmem>>[vector<16xi32>, vector<16xi32>, vector<16xi32>], vector<16xf32>,
      %mul3A_1272 = arith.mulf %gather3A_1270, %gather3A_1271 : vector<16xf32>
      %add3A_1273 = arith.addf %add3A_1267, %mul3A_1272 : vector<16xf32>
      %broadcast_in_dim3A_1274 = arith.constant 5 : i32
      %broadcast_in_dim3A_1275 = vector.broadcast %broadcast_in_dim3A_1274 : i32 to vector<16xi32>
      %gather3A_1276 = tpu.vector_load_idx %arg9[%broadcast_in_dim3A_1243, %broadcast_in_dim3A_1275, %add3A_1232] : memref<4x8x512xf32, #tpu.memory_space<vmem>>[vector<16xi32>, vector<16xi32>, vector<16xi32>], vector<16xf32>,
      %gather3A_1277 = tpu.vector_load_idx %arg10[%broadcast_in_dim3A_1243, %broadcast_in_dim3A_1275, %add3A_1239] : memref<4x8x512xf32, #tpu.memory_space<vmem>>[vector<16xi32>, vector<16xi32>, vector<16xi32>], vector<16xf32>,
      %mul3A_1278 = arith.mulf %gather3A_1276, %gather3A_1277 : vector<16xf32>
      %add3A_1279 = arith.addf %add3A_1273, %mul3A_1278 : vector<16xf32>
      %broadcast_in_dim3A_1280 = arith.constant 6 : i32
      %broadcast_in_dim3A_1281 = vector.broadcast %broadcast_in_dim3A_1280 : i32 to vector<16xi32>
      %gather3A_1282 = tpu.vector_load_idx %arg9[%broadcast_in_dim3A_1243, %broadcast_in_dim3A_1281, %add3A_1232] : memref<4x8x512xf32, #tpu.memory_space<vmem>>[vector<16xi32>, vector<16xi32>, vector<16xi32>], vector<16xf32>,
      %gather3A_1283 = tpu.vector_load_idx %arg10[%broadcast_in_dim3A_1243, %broadcast_in_dim3A_1281, %add3A_1239] : memref<4x8x512xf32, #tpu.memory_space<vmem>>[vector<16xi32>, vector<16xi32>, vector<16xi32>], vector<16xf32>,
      %mul3A_1284 = arith.mulf %gather3A_1282, %gather3A_1283 : vector<16xf32>
      %add3A_1285 = arith.addf %add3A_1279, %mul3A_1284 : vector<16xf32>
      %broadcast_in_dim3A_1286 = arith.constant 7 : i32
      %broadcast_in_dim3A_1287 = vector.broadcast %broadcast_in_dim3A_1286 : i32 to vector<16xi32>
      %gather3A_1288 = tpu.vector_load_idx %arg9[%broadcast_in_dim3A_1243, %broadcast_in_dim3A_1287, %add3A_1232] : memref<4x8x512xf32, #tpu.memory_space<vmem>>[vector<16xi32>, vector<16xi32>, vector<16xi32>], vector<16xf32>,
      %gather3A_1289 = tpu.vector_load_idx %arg10[%broadcast_in_dim3A_1243, %broadcast_in_dim3A_1287, %add3A_1239] : memref<4x8x512xf32, #tpu.memory_space<vmem>>[vector<16xi32>, vector<16xi32>, vector<16xi32>], vector<16xf32>,
      %mul3A_1290 = arith.mulf %gather3A_1288, %gather3A_1289 : vector<16xf32>
      %add3A_1291 = arith.addf %add3A_1285, %mul3A_1290 : vector<16xf32>
      %broadcast_in_dim3A_1292 = arith.constant 1 : i32
      %broadcast_in_dim3A_1293 = vector.broadcast %broadcast_in_dim3A_1292 : i32 to vector<16xi32>
      %broadcast_in_dim3A_1294 = arith.constant 0 : i32
      %broadcast_in_dim3A_1295 = vector.broadcast %broadcast_in_dim3A_1294 : i32 to vector<16xi32>
      %gather3A_1296 = tpu.vector_load_idx %arg9[%broadcast_in_dim3A_1293, %broadcast_in_dim3A_1295, %add3A_1232] : memref<4x8x512xf32, #tpu.memory_space<vmem>>[vector<16xi32>, vector<16xi32>, vector<16xi32>], vector<16xf32>,
      %gather3A_1297 = tpu.vector_load_idx %arg10[%broadcast_in_dim3A_1293, %broadcast_in_dim3A_1295, %add3A_1239] : memref<4x8x512xf32, #tpu.memory_space<vmem>>[vector<16xi32>, vector<16xi32>, vector<16xi32>], vector<16xf32>,
      %mul3A_1298 = arith.mulf %gather3A_1296, %gather3A_1297 : vector<16xf32>
      %add3A_1299 = arith.addf %add3A_1291, %mul3A_1298 : vector<16xf32>
      %broadcast_in_dim3A_1300 = arith.constant 1 : i32
      %broadcast_in_dim3A_1301 = vector.broadcast %broadcast_in_dim3A_1300 : i32 to vector<16xi32>
      %gather3A_1302 = tpu.vector_load_idx %arg9[%broadcast_in_dim3A_1293, %broadcast_in_dim3A_1301, %add3A_1232] : memref<4x8x512xf32, #tpu.memory_space<vmem>>[vector<16xi32>, vector<16xi32>, vector<16xi32>], vector<16xf32>,
      %gather3A_1303 = tpu.vector_load_idx %arg10[%broadcast_in_dim3A_1293, %broadcast_in_dim3A_1301, %add3A_1239] : memref<4x8x512xf32, #tpu.memory_space<vmem>>[vector<16xi32>, vector<16xi32>, vector<16xi32>], vector<16xf32>,
      %mul3A_1304 = arith.mulf %gather3A_1302, %gather3A_1303 : vector<16xf32>
      %add3A_1305 = arith.addf %add3A_1299, %mul3A_1304 : vector<16xf32>
      %broadcast_in_dim3A_1306 = arith.constant 2 : i32
      %broadcast_in_dim3A_1307 = vector.broadcast %broadcast_in_dim3A_1306 : i32 to vector<16xi32>
      %gather3A_1308 = tpu.vector_load_idx %arg9[%broadcast_in_dim3A_1293, %broadcast_in_dim3A_1307, %add3A_1232] : memref<4x8x512xf32, #tpu.memory_space<vmem>>[vector<16xi32>, vector<16xi32>, vector<16xi32>], vector<16xf32>,
      %gather3A_1309 = tpu.vector_load_idx %arg10[%broadcast_in_dim3A_1293, %broadcast_in_dim3A_1307, %add3A_1239] : memref<4x8x512xf32, #tpu.memory_space<vmem>>[vector<16xi32>, vector<16xi32>, vector<16xi32>], vector<16xf32>,
      %mul3A_1310 = arith.mulf %gather3A_1308, %gather3A_1309 : vector<16xf32>
      %add3A_1311 = arith.addf %add3A_1305, %mul3A_1310 : vector<16xf32>
      %broadcast_in_dim3A_1312 = arith.constant 3 : i32
      %broadcast_in_dim3A_1313 = vector.broadcast %broadcast_in_dim3A_1312 : i32 to vector<16xi32>
      %gather3A_1314 = tpu.vector_load_idx %arg9[%broadcast_in_dim3A_1293, %broadcast_in_dim3A_1313, %add3A_1232] : memref<4x8x512xf32, #tpu.memory_space<vmem>>[vector<16xi32>, vector<16xi32>, vector<16xi32>], vector<16xf32>,
      %gather3A_1315 = tpu.vector_load_idx %arg10[%broadcast_in_dim3A_1293, %broadcast_in_dim3A_1313, %add3A_1239] : memref<4x8x512xf32, #tpu.memory_space<vmem>>[vector<16xi32>, vector<16xi32>, vector<16xi32>], vector<16xf32>,
      %mul3A_1316 = arith.mulf %gather3A_1314, %gather3A_1315 : vector<16xf32>
      %add3A_1317 = arith.addf %add3A_1311, %mul3A_1316 : vector<16xf32>
      %broadcast_in_dim3A_1318 = arith.constant 4 : i32
      %broadcast_in_dim3A_1319 = vector.broadcast %broadcast_in_dim3A_1318 : i32 to vector<16xi32>
      %gather3A_1320 = tpu.vector_load_idx %arg9[%broadcast_in_dim3A_1293, %broadcast_in_dim3A_1319, %add3A_1232] : memref<4x8x512xf32, #tpu.memory_space<vmem>>[vector<16xi32>, vector<16xi32>, vector<16xi32>], vector<16xf32>,
      %gather3A_1321 = tpu.vector_load_idx %arg10[%broadcast_in_dim3A_1293, %broadcast_in_dim3A_1319, %add3A_1239] : memref<4x8x512xf32, #tpu.memory_space<vmem>>[vector<16xi32>, vector<16xi32>, vector<16xi32>], vector<16xf32>,
      %mul3A_1322 = arith.mulf %gather3A_1320, %gather3A_1321 : vector<16xf32>
      %add3A_1323 = arith.addf %add3A_1317, %mul3A_1322 : vector<16xf32>
      %broadcast_in_dim3A_1324 = arith.constant 5 : i32
      %broadcast_in_dim3A_1325 = vector.broadcast %broadcast_in_dim3A_1324 : i32 to vector<16xi32>
      %gather3A_1326 = tpu.vector_load_idx %arg9[%broadcast_in_dim3A_1293, %broadcast_in_dim3A_1325, %add3A_1232] : memref<4x8x512xf32, #tpu.memory_space<vmem>>[vector<16xi32>, vector<16xi32>, vector<16xi32>], vector<16xf32>,
      %gather3A_1327 = tpu.vector_load_idx %arg10[%broadcast_in_dim3A_1293, %broadcast_in_dim3A_1325, %add3A_1239] : memref<4x8x512xf32, #tpu.memory_space<vmem>>[vector<16xi32>, vector<16xi32>, vector<16xi32>], vector<16xf32>,
      %mul3A_1328 = arith.mulf %gather3A_1326, %gather3A_1327 : vector<16xf32>
      %add3A_1329 = arith.addf %add3A_1323, %mul3A_1328 : vector<16xf32>
      %broadcast_in_dim3A_1330 = arith.constant 6 : i32
      %broadcast_in_dim3A_1331 = vector.broadcast %broadcast_in_dim3A_1330 : i32 to vector<16xi32>
      %gather3A_1332 = tpu.vector_load_idx %arg9[%broadcast_in_dim3A_1293, %broadcast_in_dim3A_1331, %add3A_1232] : memref<4x8x512xf32, #tpu.memory_space<vmem>>[vector<16xi32>, vector<16xi32>, vector<16xi32>], vector<16xf32>,
      %gather3A_1333 = tpu.vector_load_idx %arg10[%broadcast_in_dim3A_1293, %broadcast_in_dim3A_1331, %add3A_1239] : memref<4x8x512xf32, #tpu.memory_space<vmem>>[vector<16xi32>, vector<16xi32>, vector<16xi32>], vector<16xf32>,
      %mul3A_1334 = arith.mulf %gather3A_1332, %gather3A_1333 : vector<16xf32>
      %add3A_1335 = arith.addf %add3A_1329, %mul3A_1334 : vector<16xf32>
      %broadcast_in_dim3A_1336 = arith.constant 7 : i32
      %broadcast_in_dim3A_1337 = vector.broadcast %broadcast_in_dim3A_1336 : i32 to vector<16xi32>
      %gather3A_1338 = tpu.vector_load_idx %arg9[%broadcast_in_dim3A_1293, %broadcast_in_dim3A_1337, %add3A_1232] : memref<4x8x512xf32, #tpu.memory_space<vmem>>[vector<16xi32>, vector<16xi32>, vector<16xi32>], vector<16xf32>,
      %gather3A_1339 = tpu.vector_load_idx %arg10[%broadcast_in_dim3A_1293, %broadcast_in_dim3A_1337, %add3A_1239] : memref<4x8x512xf32, #tpu.memory_space<vmem>>[vector<16xi32>, vector<16xi32>, vector<16xi32>], vector<16xf32>,
      %mul3A_1340 = arith.mulf %gather3A_1338, %gather3A_1339 : vector<16xf32>
      %add3A_1341 = arith.addf %add3A_1335, %mul3A_1340 : vector<16xf32>
      %broadcast_in_dim3A_1342 = arith.constant 2 : i32
      %broadcast_in_dim3A_1343 = vector.broadcast %broadcast_in_dim3A_1342 : i32 to vector<16xi32>
      %broadcast_in_dim3A_1344 = arith.constant 0 : i32
      %broadcast_in_dim3A_1345 = vector.broadcast %broadcast_in_dim3A_1344 : i32 to vector<16xi32>
      %gather3A_1346 = tpu.vector_load_idx %arg9[%broadcast_in_dim3A_1343, %broadcast_in_dim3A_1345, %add3A_1232] : memref<4x8x512xf32, #tpu.memory_space<vmem>>[vector<16xi32>, vector<16xi32>, vector<16xi32>], vector<16xf32>,
      %gather3A_1347 = tpu.vector_load_idx %arg10[%broadcast_in_dim3A_1343, %broadcast_in_dim3A_1345, %add3A_1239] : memref<4x8x512xf32, #tpu.memory_space<vmem>>[vector<16xi32>, vector<16xi32>, vector<16xi32>], vector<16xf32>,
      %mul3A_1348 = arith.mulf %gather3A_1346, %gather3A_1347 : vector<16xf32>
      %add3A_1349 = arith.addf %add3A_1341, %mul3A_1348 : vector<16xf32>
      %broadcast_in_dim3A_1350 = arith.constant 1 : i32
      %broadcast_in_dim3A_1351 = vector.broadcast %broadcast_in_dim3A_1350 : i32 to vector<16xi32>
      %gather3A_1352 = tpu.vector_load_idx %arg9[%broadcast_in_dim3A_1343, %broadcast_in_dim3A_1351, %add3A_1232] : memref<4x8x512xf32, #tpu.memory_space<vmem>>[vector<16xi32>, vector<16xi32>, vector<16xi32>], vector<16xf32>,
      %gather3A_1353 = tpu.vector_load_idx %arg10[%broadcast_in_dim3A_1343, %broadcast_in_dim3A_1351, %add3A_1239] : memref<4x8x512xf32, #tpu.memory_space<vmem>>[vector<16xi32>, vector<16xi32>, vector<16xi32>], vector<16xf32>,
      %mul3A_1354 = arith.mulf %gather3A_1352, %gather3A_1353 : vector<16xf32>
      %add3A_1355 = arith.addf %add3A_1349, %mul3A_1354 : vector<16xf32>
      %broadcast_in_dim3A_1356 = arith.constant 2 : i32
      %broadcast_in_dim3A_1357 = vector.broadcast %broadcast_in_dim3A_1356 : i32 to vector<16xi32>
      %gather3A_1358 = tpu.vector_load_idx %arg9[%broadcast_in_dim3A_1343, %broadcast_in_dim3A_1357, %add3A_1232] : memref<4x8x512xf32, #tpu.memory_space<vmem>>[vector<16xi32>, vector<16xi32>, vector<16xi32>], vector<16xf32>,
      %gather3A_1359 = tpu.vector_load_idx %arg10[%broadcast_in_dim3A_1343, %broadcast_in_dim3A_1357, %add3A_1239] : memref<4x8x512xf32, #tpu.memory_space<vmem>>[vector<16xi32>, vector<16xi32>, vector<16xi32>], vector<16xf32>,
      %mul3A_1360 = arith.mulf %gather3A_1358, %gather3A_1359 : vector<16xf32>
      %add3A_1361 = arith.addf %add3A_1355, %mul3A_1360 : vector<16xf32>
      %broadcast_in_dim3A_1362 = arith.constant 3 : i32
      %broadcast_in_dim3A_1363 = vector.broadcast %broadcast_in_dim3A_1362 : i32 to vector<16xi32>
      %gather3A_1364 = tpu.vector_load_idx %arg9[%broadcast_in_dim3A_1343, %broadcast_in_dim3A_1363, %add3A_1232] : memref<4x8x512xf32, #tpu.memory_space<vmem>>[vector<16xi32>, vector<16xi32>, vector<16xi32>], vector<16xf32>,
      %gather3A_1365 = tpu.vector_load_idx %arg10[%broadcast_in_dim3A_1343, %broadcast_in_dim3A_1363, %add3A_1239] : memref<4x8x512xf32, #tpu.memory_space<vmem>>[vector<16xi32>, vector<16xi32>, vector<16xi32>], vector<16xf32>,
      %mul3A_1366 = arith.mulf %gather3A_1364, %gather3A_1365 : vector<16xf32>
      %add3A_1367 = arith.addf %add3A_1361, %mul3A_1366 : vector<16xf32>
      %broadcast_in_dim3A_1368 = arith.constant 4 : i32
      %broadcast_in_dim3A_1369 = vector.broadcast %broadcast_in_dim3A_1368 : i32 to vector<16xi32>
      %gather3A_1370 = tpu.vector_load_idx %arg9[%broadcast_in_dim3A_1343, %broadcast_in_dim3A_1369, %add3A_1232] : memref<4x8x512xf32, #tpu.memory_space<vmem>>[vector<16xi32>, vector<16xi32>, vector<16xi32>], vector<16xf32>,
      %gather3A_1371 = tpu.vector_load_idx %arg10[%broadcast_in_dim3A_1343, %broadcast_in_dim3A_1369, %add3A_1239] : memref<4x8x512xf32, #tpu.memory_space<vmem>>[vector<16xi32>, vector<16xi32>, vector<16xi32>], vector<16xf32>,
      %mul3A_1372 = arith.mulf %gather3A_1370, %gather3A_1371 : vector<16xf32>
      %add3A_1373 = arith.addf %add3A_1367, %mul3A_1372 : vector<16xf32>
      %broadcast_in_dim3A_1374 = arith.constant 5 : i32
      %broadcast_in_dim3A_1375 = vector.broadcast %broadcast_in_dim3A_1374 : i32 to vector<16xi32>
      %gather3A_1376 = tpu.vector_load_idx %arg9[%broadcast_in_dim3A_1343, %broadcast_in_dim3A_1375, %add3A_1232] : memref<4x8x512xf32, #tpu.memory_space<vmem>>[vector<16xi32>, vector<16xi32>, vector<16xi32>], vector<16xf32>,
      %gather3A_1377 = tpu.vector_load_idx %arg10[%broadcast_in_dim3A_1343, %broadcast_in_dim3A_1375, %add3A_1239] : memref<4x8x512xf32, #tpu.memory_space<vmem>>[vector<16xi32>, vector<16xi32>, vector<16xi32>], vector<16xf32>,
      %mul3A_1378 = arith.mulf %gather3A_1376, %gather3A_1377 : vector<16xf32>
      %add3A_1379 = arith.addf %add3A_1373, %mul3A_1378 : vector<16xf32>
      %broadcast_in_dim3A_1380 = arith.constant 6 : i32
      %broadcast_in_dim3A_1381 = vector.broadcast %broadcast_in_dim3A_1380 : i32 to vector<16xi32>
      %gather3A_1382 = tpu.vector_load_idx %arg9[%broadcast_in_dim3A_1343, %broadcast_in_dim3A_1381, %add3A_1232] : memref<4x8x512xf32, #tpu.memory_space<vmem>>[vector<16xi32>, vector<16xi32>, vector<16xi32>], vector<16xf32>,
      %gather3A_1383 = tpu.vector_load_idx %arg10[%broadcast_in_dim3A_1343, %broadcast_in_dim3A_1381, %add3A_1239] : memref<4x8x512xf32, #tpu.memory_space<vmem>>[vector<16xi32>, vector<16xi32>, vector<16xi32>], vector<16xf32>,
      %mul3A_1384 = arith.mulf %gather3A_1382, %gather3A_1383 : vector<16xf32>
      %add3A_1385 = arith.addf %add3A_1379, %mul3A_1384 : vector<16xf32>
      %broadcast_in_dim3A_1386 = arith.constant 7 : i32
      %broadcast_in_dim3A_1387 = vector.broadcast %broadcast_in_dim3A_1386 : i32 to vector<16xi32>
      %gather3A_1388 = tpu.vector_load_idx %arg9[%broadcast_in_dim3A_1343, %broadcast_in_dim3A_1387, %add3A_1232] : memref<4x8x512xf32, #tpu.memory_space<vmem>>[vector<16xi32>, vector<16xi32>, vector<16xi32>], vector<16xf32>,
      %gather3A_1389 = tpu.vector_load_idx %arg10[%broadcast_in_dim3A_1343, %broadcast_in_dim3A_1387, %add3A_1239] : memref<4x8x512xf32, #tpu.memory_space<vmem>>[vector<16xi32>, vector<16xi32>, vector<16xi32>], vector<16xf32>,
      %mul3A_1390 = arith.mulf %gather3A_1388, %gather3A_1389 : vector<16xf32>
      %add3A_1391 = arith.addf %add3A_1385, %mul3A_1390 : vector<16xf32>
      %broadcast_in_dim3A_1392 = arith.constant 3 : i32
      %broadcast_in_dim3A_1393 = vector.broadcast %broadcast_in_dim3A_1392 : i32 to vector<16xi32>
      %broadcast_in_dim3A_1394 = arith.constant 0 : i32
      %broadcast_in_dim3A_1395 = vector.broadcast %broadcast_in_dim3A_1394 : i32 to vector<16xi32>
      %gather3A_1396 = tpu.vector_load_idx %arg9[%broadcast_in_dim3A_1393, %broadcast_in_dim3A_1395, %add3A_1232] : memref<4x8x512xf32, #tpu.memory_space<vmem>>[vector<16xi32>, vector<16xi32>, vector<16xi32>], vector<16xf32>,
      %gather3A_1397 = tpu.vector_load_idx %arg10[%broadcast_in_dim3A_1393, %broadcast_in_dim3A_1395, %add3A_1239] : memref<4x8x512xf32, #tpu.memory_space<vmem>>[vector<16xi32>, vector<16xi32>, vector<16xi32>], vector<16xf32>,
      %mul3A_1398 = arith.mulf %gather3A_1396, %gather3A_1397 : vector<16xf32>
      %add3A_1399 = arith.addf %add3A_1391, %mul3A_1398 : vector<16xf32>
      %broadcast_in_dim3A_1400 = arith.constant 1 : i32
      %broadcast_in_dim3A_1401 = vector.broadcast %broadcast_in_dim3A_1400 : i32 to vector<16xi32>
      %gather3A_1402 = tpu.vector_load_idx %arg9[%broadcast_in_dim3A_1393, %broadcast_in_dim3A_1401, %add3A_1232] : memref<4x8x512xf32, #tpu.memory_space<vmem>>[vector<16xi32>, vector<16xi32>, vector<16xi32>], vector<16xf32>,
      %gather3A_1403 = tpu.vector_load_idx %arg10[%broadcast_in_dim3A_1393, %broadcast_in_dim3A_1401, %add3A_1239] : memref<4x8x512xf32, #tpu.memory_space<vmem>>[vector<16xi32>, vector<16xi32>, vector<16xi32>], vector<16xf32>,
      %mul3A_1404 = arith.mulf %gather3A_1402, %gather3A_1403 : vector<16xf32>
      %add3A_1405 = arith.addf %add3A_1399, %mul3A_1404 : vector<16xf32>
      %broadcast_in_dim3A_1406 = arith.constant 2 : i32
      %broadcast_in_dim3A_1407 = vector.broadcast %broadcast_in_dim3A_1406 : i32 to vector<16xi32>
      %gather3A_1408 = tpu.vector_load_idx %arg9[%broadcast_in_dim3A_1393, %broadcast_in_dim3A_1407, %add3A_1232] : memref<4x8x512xf32, #tpu.memory_space<vmem>>[vector<16xi32>, vector<16xi32>, vector<16xi32>], vector<16xf32>,
      %gather3A_1409 = tpu.vector_load_idx %arg10[%broadcast_in_dim3A_1393, %broadcast_in_dim3A_1407, %add3A_1239] : memref<4x8x512xf32, #tpu.memory_space<vmem>>[vector<16xi32>, vector<16xi32>, vector<16xi32>], vector<16xf32>,
      %mul3A_1410 = arith.mulf %gather3A_1408, %gather3A_1409 : vector<16xf32>
      %add3A_1411 = arith.addf %add3A_1405, %mul3A_1410 : vector<16xf32>
      %broadcast_in_dim3A_1412 = arith.constant 3 : i32
      %broadcast_in_dim3A_1413 = vector.broadcast %broadcast_in_dim3A_1412 : i32 to vector<16xi32>
      %gather3A_1414 = tpu.vector_load_idx %arg9[%broadcast_in_dim3A_1393, %broadcast_in_dim3A_1413, %add3A_1232] : memref<4x8x512xf32, #tpu.memory_space<vmem>>[vector<16xi32>, vector<16xi32>, vector<16xi32>], vector<16xf32>,
      %gather3A_1415 = tpu.vector_load_idx %arg10[%broadcast_in_dim3A_1393, %broadcast_in_dim3A_1413, %add3A_1239] : memref<4x8x512xf32, #tpu.memory_space<vmem>>[vector<16xi32>, vector<16xi32>, vector<16xi32>], vector<16xf32>,
      %mul3A_1416 = arith.mulf %gather3A_1414, %gather3A_1415 : vector<16xf32>
      %add3A_1417 = arith.addf %add3A_1411, %mul3A_1416 : vector<16xf32>
      %broadcast_in_dim3A_1418 = arith.constant 4 : i32
      %broadcast_in_dim3A_1419 = vector.broadcast %broadcast_in_dim3A_1418 : i32 to vector<16xi32>
      %gather3A_1420 = tpu.vector_load_idx %arg9[%broadcast_in_dim3A_1393, %broadcast_in_dim3A_1419, %add3A_1232] : memref<4x8x512xf32, #tpu.memory_space<vmem>>[vector<16xi32>, vector<16xi32>, vector<16xi32>], vector<16xf32>,
      %gather3A_1421 = tpu.vector_load_idx %arg10[%broadcast_in_dim3A_1393, %broadcast_in_dim3A_1419, %add3A_1239] : memref<4x8x512xf32, #tpu.memory_space<vmem>>[vector<16xi32>, vector<16xi32>, vector<16xi32>], vector<16xf32>,
      %mul3A_1422 = arith.mulf %gather3A_1420, %gather3A_1421 : vector<16xf32>
      %add3A_1423 = arith.addf %add3A_1417, %mul3A_1422 : vector<16xf32>
      %broadcast_in_dim3A_1424 = arith.constant 5 : i32
      %broadcast_in_dim3A_1425 = vector.broadcast %broadcast_in_dim3A_1424 : i32 to vector<16xi32>
      %gather3A_1426 = tpu.vector_load_idx %arg9[%broadcast_in_dim3A_1393, %broadcast_in_dim3A_1425, %add3A_1232] : memref<4x8x512xf32, #tpu.memory_space<vmem>>[vector<16xi32>, vector<16xi32>, vector<16xi32>], vector<16xf32>,
      %gather3A_1427 = tpu.vector_load_idx %arg10[%broadcast_in_dim3A_1393, %broadcast_in_dim3A_1425, %add3A_1239] : memref<4x8x512xf32, #tpu.memory_space<vmem>>[vector<16xi32>, vector<16xi32>, vector<16xi32>], vector<16xf32>,
      %mul3A_1428 = arith.mulf %gather3A_1426, %gather3A_1427 : vector<16xf32>
      %add3A_1429 = arith.addf %add3A_1423, %mul3A_1428 : vector<16xf32>
      %broadcast_in_dim3A_1430 = arith.constant 6 : i32
      %broadcast_in_dim3A_1431 = vector.broadcast %broadcast_in_dim3A_1430 : i32 to vector<16xi32>
      %gather3A_1432 = tpu.vector_load_idx %arg9[%broadcast_in_dim3A_1393, %broadcast_in_dim3A_1431, %add3A_1232] : memref<4x8x512xf32, #tpu.memory_space<vmem>>[vector<16xi32>, vector<16xi32>, vector<16xi32>], vector<16xf32>,
      %gather3A_1433 = tpu.vector_load_idx %arg10[%broadcast_in_dim3A_1393, %broadcast_in_dim3A_1431, %add3A_1239] : memref<4x8x512xf32, #tpu.memory_space<vmem>>[vector<16xi32>, vector<16xi32>, vector<16xi32>], vector<16xf32>,
      %mul3A_1434 = arith.mulf %gather3A_1432, %gather3A_1433 : vector<16xf32>
      %add3A_1435 = arith.addf %add3A_1429, %mul3A_1434 : vector<16xf32>
      %broadcast_in_dim3A_1436 = arith.constant 7 : i32
      %broadcast_in_dim3A_1437 = vector.broadcast %broadcast_in_dim3A_1436 : i32 to vector<16xi32>
      %gather3A_1438 = tpu.vector_load_idx %arg9[%broadcast_in_dim3A_1393, %broadcast_in_dim3A_1437, %add3A_1232] : memref<4x8x512xf32, #tpu.memory_space<vmem>>[vector<16xi32>, vector<16xi32>, vector<16xi32>], vector<16xf32>,
      %gather3A_1439 = tpu.vector_load_idx %arg10[%broadcast_in_dim3A_1393, %broadcast_in_dim3A_1437, %add3A_1239] : memref<4x8x512xf32, #tpu.memory_space<vmem>>[vector<16xi32>, vector<16xi32>, vector<16xi32>], vector<16xf32>,
      %mul3A_1440 = arith.mulf %gather3A_1438, %gather3A_1439 : vector<16xf32>
      %add3A_1441 = arith.addf %add3A_1435, %mul3A_1440 : vector<16xf32>
      %mul3A_1442 = arith.constant 32 : i32
      %mul3A_1443 = arith.muli %mul3A_951, %mul3A_1442 : i32
      %add3A_1444 = arith.constant 16 : i32
      %add3A_1445 = arith.addi %mul3A_1443, %add3A_1444 : i32
      %swap3A_1446 = arith.index_cast %add3A_1445 : i32 to index
      %swap3A_1447 = tpu.vector_load %arg13[%swap3A_1446] {strides = array<i32>} : memref<512xf32, #tpu.memory_space<vmem>>, vector<16xf32>,
      tpu.vector_store %arg13[%swap3A_1446], %add3A_1441 {strides = array<i32>} : memref<512xf32, #tpu.memory_space<vmem>>, vector<16xf32>,
      %add3A_1448 = arith.constant 2 : i32
      %add3A_1449 = arith.addi %mul3A_951, %add3A_1448 : i32
      %scan3A_1450 = arith.constant 0 : i32
      %scan3A_1451 = arith.constant 0 : i32
      %scan3A_1452 = arith.constant 32 : i32
      %scan3A_1453 = arith.addi %scan3A_1451, %scan3A_1452 : i32
      %scan3A_1454 = arith.constant 1 : i32
      scf.for %scan3A_1946 = %scan3A_1451 to %scan3A_1453 step %scan3A_1454  : i32 {
        %mul3A_1947 = arith.constant 32 : i32
        %mul3A_1948 = arith.muli %add3A_1449, %mul3A_1947 : i32
        %add3A_1949 = arith.addi %mul3A_1948, %scan3A_1946 : i32
        %get3A_1950 = arith.index_cast %add3A_1949 : i32 to index
        %get3A_1951 = tpu.vector_load %arg7[%get3A_1950] {strides = array<i32>} : memref<528xi32, #tpu.memory_space<vmem>>, vector<16xi32>,
        %get3A_1952 = arith.index_cast %add3A_1949 : i32 to index
        %get3A_1953 = tpu.vector_load %arg8[%get3A_1952] {strides = array<i32>} : memref<528xi32, #tpu.memory_space<vmem>>, vector<16xi32>,
        %slice3A = vector.extract_strided_slice %get3A_1951 {offsets = [0], sizes = [1], strides = [1]} : vector<16xi32> to vector<1xi32>
        %squeeze3A = vector.extract %slice3A[0] : i32 from vector<1xi32>
        %and3A_1954 = arith.constant -16 : i32
        %and3A_1955 = arith.andi %squeeze3A, %and3A_1954 : i32
        %multiple_of3A = tpu.assume_multiple %and3A_1955, 16 : i32
        %slice3A_1956 = vector.extract_strided_slice %get3A_1953 {offsets = [0], sizes = [1], strides = [1]} : vector<16xi32> to vector<1xi32>
        %squeeze3A_1957 = vector.extract %slice3A_1956[0] : i32 from vector<1xi32>
        %and3A_1958 = arith.constant -16 : i32
        %and3A_1959 = arith.andi %squeeze3A_1957, %and3A_1958 : i32
        %multiple_of3A_1960 = tpu.assume_multiple %and3A_1959, 16 : i32
        %mul3A_1961 = arith.constant 16 : i32
        %mul3A_1962 = arith.muli %scan3A_1946, %mul3A_1961 : i32
        %dma_start3A = arith.constant 0 : i32
        %dma_start3A_1963 = arith.constant 0 : i32
        %dma_start3A_1964 = tpu.memref_slice %arg9[%dma_start3A, %dma_start3A_1963, %mul3A_1962] : memref<4x8x512xf32, #tpu.memory_space<vmem>> -> memref<4x8x16xf32, #tpu.memory_space<vmem>>
        %dma_start3A_1965 = arith.constant 0 : i32
        %dma_start3A_1966 = arith.constant 0 : i32
        %dma_start3A_1967 = tpu.memref_slice %arg4[%dma_start3A_1965, %dma_start3A_1966, %multiple_of3A] : memref<4x8x1000000xf32, #tpu.memory_space<hbm>> -> memref<4x8x16xf32, #tpu.memory_space<hbm>>
        %dma_start3A_1968 = arith.constant 0 : i32
        %dma_start3A_1969 = arith.constant 0 : i32
        %dma_start3A_1970 = tpu.memref_slice %arg9[%dma_start3A_1968, %dma_start3A_1969, %mul3A_1962] : memref<4x8x512xf32, #tpu.memory_space<vmem>> -> memref<4x8x16xf32, #tpu.memory_space<vmem>>
        %dma_start3A_1971 = arith.constant 0 : i32
        %dma_start3A_1972 = arith.constant 0 : i32
        %dma_start3A_1973 = tpu.memref_slice %arg4[%dma_start3A_1971, %dma_start3A_1972, %multiple_of3A] : memref<4x8x1000000xf32, #tpu.memory_space<hbm>> -> memref<4x8x16xf32, #tpu.memory_space<hbm>>
        tpu.enqueue_dma source(%dma_start3A_1973 : memref<4x8x16xf32, #tpu.memory_space<hbm>>) target(%dma_start3A_1970 : memref<4x8x16xf32, #tpu.memory_space<vmem>>) target_semaphore(%arg14 : memref<!tpu.dma_semaphore, #tpu.memory_space<semaphore_mem>>)
        %mul3A_1974 = arith.constant 16 : i32
        %mul3A_1975 = arith.muli %scan3A_1946, %mul3A_1974 : i32
        %dma_start3A_1976 = arith.constant 0 : i32
        %dma_start3A_1977 = arith.constant 0 : i32
        %dma_start3A_1978 = tpu.memref_slice %arg10[%dma_start3A_1976, %dma_start3A_1977, %mul3A_1975] : memref<4x8x512xf32, #tpu.memory_space<vmem>> -> memref<4x8x16xf32, #tpu.memory_space<vmem>>
        %dma_start3A_1979 = arith.constant 0 : i32
        %dma_start3A_1980 = arith.constant 0 : i32
        %dma_start3A_1981 = tpu.memref_slice %arg5[%dma_start3A_1979, %dma_start3A_1980, %multiple_of3A_1960] : memref<4x8x1000000xf32, #tpu.memory_space<hbm>> -> memref<4x8x16xf32, #tpu.memory_space<hbm>>
        %dma_start3A_1982 = arith.constant 0 : i32
        %dma_start3A_1983 = arith.constant 0 : i32
        %dma_start3A_1984 = tpu.memref_slice %arg10[%dma_start3A_1982, %dma_start3A_1983, %mul3A_1975] : memref<4x8x512xf32, #tpu.memory_space<vmem>> -> memref<4x8x16xf32, #tpu.memory_space<vmem>>
        %dma_start3A_1985 = arith.constant 0 : i32
        %dma_start3A_1986 = arith.constant 0 : i32
        %dma_start3A_1987 = tpu.memref_slice %arg5[%dma_start3A_1985, %dma_start3A_1986, %multiple_of3A_1960] : memref<4x8x1000000xf32, #tpu.memory_space<hbm>> -> memref<4x8x16xf32, #tpu.memory_space<hbm>>
        tpu.enqueue_dma source(%dma_start3A_1987 : memref<4x8x16xf32, #tpu.memory_space<hbm>>) target(%dma_start3A_1984 : memref<4x8x16xf32, #tpu.memory_space<vmem>>) target_semaphore(%arg15 : memref<!tpu.dma_semaphore, #tpu.memory_space<semaphore_mem>>)
      }
      %scan3A_1455 = arith.constant 32 : i32
      %dma_wait3A_1456 = arith.constant 0 : i32
      %dma_wait3A_1457 = arith.constant 0 : i32
      %dma_wait3A_1458 = arith.constant 0 : i32
      %dma_wait3A_1459 = tpu.memref_slice %arg4[%dma_wait3A_1456, %dma_wait3A_1457, %dma_wait3A_1458] : memref<4x8x1000000xf32, #tpu.memory_space<hbm>> -> memref<4x8x512xf32, #tpu.memory_space<hbm>>
      %dma_wait3A_1460 = arith.constant 0 : i32
      %dma_wait3A_1461 = arith.constant 0 : i32
      %dma_wait3A_1462 = arith.constant 0 : i32
      %dma_wait3A_1463 = tpu.memref_slice %arg4[%dma_wait3A_1460, %dma_wait3A_1461, %dma_wait3A_1462] : memref<4x8x1000000xf32, #tpu.memory_space<hbm>> -> memref<4x8x512xf32, #tpu.memory_space<hbm>>
      tpu.wait_dma2 semaphore(%arg16 : memref<!tpu.dma_semaphore, #tpu.memory_space<semaphore_mem>>) src(%dma_wait3A_1463 : memref<4x8x512xf32, #tpu.memory_space<hbm>>) dst(%arg11 : memref<4x8x512xf32, #tpu.memory_space<vmem>>)
      %dma_wait3A_1464 = arith.constant 0 : i32
      %dma_wait3A_1465 = arith.constant 0 : i32
      %dma_wait3A_1466 = arith.constant 0 : i32
      %dma_wait3A_1467 = tpu.memref_slice %arg5[%dma_wait3A_1464, %dma_wait3A_1465, %dma_wait3A_1466] : memref<4x8x1000000xf32, #tpu.memory_space<hbm>> -> memref<4x8x512xf32, #tpu.memory_space<hbm>>
      %dma_wait3A_1468 = arith.constant 0 : i32
      %dma_wait3A_1469 = arith.constant 0 : i32
      %dma_wait3A_1470 = arith.constant 0 : i32
      %dma_wait3A_1471 = tpu.memref_slice %arg5[%dma_wait3A_1468, %dma_wait3A_1469, %dma_wait3A_1470] : memref<4x8x1000000xf32, #tpu.memory_space<hbm>> -> memref<4x8x512xf32, #tpu.memory_space<hbm>>
      tpu.wait_dma2 semaphore(%arg17 : memref<!tpu.dma_semaphore, #tpu.memory_space<semaphore_mem>>) src(%dma_wait3A_1471 : memref<4x8x512xf32, #tpu.memory_space<hbm>>) dst(%arg12 : memref<4x8x512xf32, #tpu.memory_space<vmem>>)
      %add3A_1472 = arith.constant 1 : i32
      %add3A_1473 = arith.addi %mul3A_951, %add3A_1472 : i32
      %iota3A_1474 = tpu.iota {dimensions = array<i32: 0>} : vector<16xi32>
      %mul3A_1475 = arith.constant 16 : i32
      %mul3A_1476 = vector.broadcast %mul3A_1475 : i32 to vector<16xi32>
      %mul3A_1477 = arith.muli %iota3A_1474, %mul3A_1476 : vector<16xi32>
      %mul3A_1478 = arith.constant 32 : i32
      %mul3A_1479 = arith.muli %add3A_1473, %mul3A_1478 : i32
      %add3A_1480 = arith.constant 0 : i32
      %add3A_1481 = arith.addi %mul3A_1479, %add3A_1480 : i32
      %get3A_1482 = arith.index_cast %add3A_1481 : i32 to index
      %get3A_1483 = tpu.vector_load %arg7[%get3A_1482] {strides = array<i32>} : memref<528xi32, #tpu.memory_space<vmem>>, vector<16xi32>,
      %mul3A_1484 = arith.constant 32 : i32
      %mul3A_1485 = arith.muli %add3A_1473, %mul3A_1484 : i32
      %add3A_1486 = arith.constant 0 : i32
      %add3A_1487 = arith.addi %mul3A_1485, %add3A_1486 : i32
      %get3A_1488 = arith.index_cast %add3A_1487 : i32 to index
      %get3A_1489 = tpu.vector_load %arg8[%get3A_1488] {strides = array<i32>} : memref<528xi32, #tpu.memory_space<vmem>>, vector<16xi32>,
      %add3A_1490 = arith.constant 0 : i32
      %add3A_1491 = vector.broadcast %add3A_1490 : i32 to vector<16xi32>
      %add3A_1492 = arith.addi %mul3A_1477, %add3A_1491 : vector<16xi32>
      %and3A_1493 = arith.constant 15 : i32
      %and3A_1494 = vector.broadcast %and3A_1493 : i32 to vector<16xi32>
      %and3A_1495 = arith.andi %get3A_1483, %and3A_1494 : vector<16xi32>
      %add3A_1496 = arith.addi %add3A_1492, %and3A_1495 : vector<16xi32>
      %add3A_1497 = arith.constant 0 : i32
      %add3A_1498 = vector.broadcast %add3A_1497 : i32 to vector<16xi32>
      %add3A_1499 = arith.addi %mul3A_1477, %add3A_1498 : vector<16xi32>
      %and3A_1500 = arith.constant 15 : i32
      %and3A_1501 = vector.broadcast %and3A_1500 : i32 to vector<16xi32>
      %and3A_1502 = arith.andi %get3A_1489, %and3A_1501 : vector<16xi32>
      %add3A_1503 = arith.addi %add3A_1499, %and3A_1502 : vector<16xi32>
      %broadcast_in_dim3A_1504 = arith.constant 0.000000e+00 : f32
      %broadcast_in_dim3A_1505 = vector.broadcast %broadcast_in_dim3A_1504 : f32 to vector<16xf32>
      %broadcast_in_dim3A_1506 = arith.constant 0 : i32
      %broadcast_in_dim3A_1507 = vector.broadcast %broadcast_in_dim3A_1506 : i32 to vector<16xi32>
      %broadcast_in_dim3A_1508 = arith.constant 0 : i32
      %broadcast_in_dim3A_1509 = vector.broadcast %broadcast_in_dim3A_1508 : i32 to vector<16xi32>
      %gather3A_1510 = tpu.vector_load_idx %arg11[%broadcast_in_dim3A_1507, %broadcast_in_dim3A_1509, %add3A_1496] : memref<4x8x512xf32, #tpu.memory_space<vmem>>[vector<16xi32>, vector<16xi32>, vector<16xi32>], vector<16xf32>,
      %gather3A_1511 = tpu.vector_load_idx %arg12[%broadcast_in_dim3A_1507, %broadcast_in_dim3A_1509, %add3A_1503] : memref<4x8x512xf32, #tpu.memory_space<vmem>>[vector<16xi32>, vector<16xi32>, vector<16xi32>], vector<16xf32>,
      %mul3A_1512 = arith.mulf %gather3A_1510, %gather3A_1511 : vector<16xf32>
      %add3A_1513 = arith.addf %broadcast_in_dim3A_1505, %mul3A_1512 : vector<16xf32>
      %broadcast_in_dim3A_1514 = arith.constant 1 : i32
      %broadcast_in_dim3A_1515 = vector.broadcast %broadcast_in_dim3A_1514 : i32 to vector<16xi32>
      %gather3A_1516 = tpu.vector_load_idx %arg11[%broadcast_in_dim3A_1507, %broadcast_in_dim3A_1515, %add3A_1496] : memref<4x8x512xf32, #tpu.memory_space<vmem>>[vector<16xi32>, vector<16xi32>, vector<16xi32>], vector<16xf32>,
      %gather3A_1517 = tpu.vector_load_idx %arg12[%broadcast_in_dim3A_1507, %broadcast_in_dim3A_1515, %add3A_1503] : memref<4x8x512xf32, #tpu.memory_space<vmem>>[vector<16xi32>, vector<16xi32>, vector<16xi32>], vector<16xf32>,
      %mul3A_1518 = arith.mulf %gather3A_1516, %gather3A_1517 : vector<16xf32>
      %add3A_1519 = arith.addf %add3A_1513, %mul3A_1518 : vector<16xf32>
      %broadcast_in_dim3A_1520 = arith.constant 2 : i32
      %broadcast_in_dim3A_1521 = vector.broadcast %broadcast_in_dim3A_1520 : i32 to vector<16xi32>
      %gather3A_1522 = tpu.vector_load_idx %arg11[%broadcast_in_dim3A_1507, %broadcast_in_dim3A_1521, %add3A_1496] : memref<4x8x512xf32, #tpu.memory_space<vmem>>[vector<16xi32>, vector<16xi32>, vector<16xi32>], vector<16xf32>,
      %gather3A_1523 = tpu.vector_load_idx %arg12[%broadcast_in_dim3A_1507, %broadcast_in_dim3A_1521, %add3A_1503] : memref<4x8x512xf32, #tpu.memory_space<vmem>>[vector<16xi32>, vector<16xi32>, vector<16xi32>], vector<16xf32>,
      %mul3A_1524 = arith.mulf %gather3A_1522, %gather3A_1523 : vector<16xf32>
      %add3A_1525 = arith.addf %add3A_1519, %mul3A_1524 : vector<16xf32>
      %broadcast_in_dim3A_1526 = arith.constant 3 : i32
      %broadcast_in_dim3A_1527 = vector.broadcast %broadcast_in_dim3A_1526 : i32 to vector<16xi32>
      %gather3A_1528 = tpu.vector_load_idx %arg11[%broadcast_in_dim3A_1507, %broadcast_in_dim3A_1527, %add3A_1496] : memref<4x8x512xf32, #tpu.memory_space<vmem>>[vector<16xi32>, vector<16xi32>, vector<16xi32>], vector<16xf32>,
      %gather3A_1529 = tpu.vector_load_idx %arg12[%broadcast_in_dim3A_1507, %broadcast_in_dim3A_1527, %add3A_1503] : memref<4x8x512xf32, #tpu.memory_space<vmem>>[vector<16xi32>, vector<16xi32>, vector<16xi32>], vector<16xf32>,
      %mul3A_1530 = arith.mulf %gather3A_1528, %gather3A_1529 : vector<16xf32>
      %add3A_1531 = arith.addf %add3A_1525, %mul3A_1530 : vector<16xf32>
      %broadcast_in_dim3A_1532 = arith.constant 4 : i32
      %broadcast_in_dim3A_1533 = vector.broadcast %broadcast_in_dim3A_1532 : i32 to vector<16xi32>
      %gather3A_1534 = tpu.vector_load_idx %arg11[%broadcast_in_dim3A_1507, %broadcast_in_dim3A_1533, %add3A_1496] : memref<4x8x512xf32, #tpu.memory_space<vmem>>[vector<16xi32>, vector<16xi32>, vector<16xi32>], vector<16xf32>,
      %gather3A_1535 = tpu.vector_load_idx %arg12[%broadcast_in_dim3A_1507, %broadcast_in_dim3A_1533, %add3A_1503] : memref<4x8x512xf32, #tpu.memory_space<vmem>>[vector<16xi32>, vector<16xi32>, vector<16xi32>], vector<16xf32>,
      %mul3A_1536 = arith.mulf %gather3A_1534, %gather3A_1535 : vector<16xf32>
      %add3A_1537 = arith.addf %add3A_1531, %mul3A_1536 : vector<16xf32>
      %broadcast_in_dim3A_1538 = arith.constant 5 : i32
      %broadcast_in_dim3A_1539 = vector.broadcast %broadcast_in_dim3A_1538 : i32 to vector<16xi32>
      %gather3A_1540 = tpu.vector_load_idx %arg11[%broadcast_in_dim3A_1507, %broadcast_in_dim3A_1539, %add3A_1496] : memref<4x8x512xf32, #tpu.memory_space<vmem>>[vector<16xi32>, vector<16xi32>, vector<16xi32>], vector<16xf32>,
      %gather3A_1541 = tpu.vector_load_idx %arg12[%broadcast_in_dim3A_1507, %broadcast_in_dim3A_1539, %add3A_1503] : memref<4x8x512xf32, #tpu.memory_space<vmem>>[vector<16xi32>, vector<16xi32>, vector<16xi32>], vector<16xf32>,
      %mul3A_1542 = arith.mulf %gather3A_1540, %gather3A_1541 : vector<16xf32>
      %add3A_1543 = arith.addf %add3A_1537, %mul3A_1542 : vector<16xf32>
      %broadcast_in_dim3A_1544 = arith.constant 6 : i32
      %broadcast_in_dim3A_1545 = vector.broadcast %broadcast_in_dim3A_1544 : i32 to vector<16xi32>
      %gather3A_1546 = tpu.vector_load_idx %arg11[%broadcast_in_dim3A_1507, %broadcast_in_dim3A_1545, %add3A_1496] : memref<4x8x512xf32, #tpu.memory_space<vmem>>[vector<16xi32>, vector<16xi32>, vector<16xi32>], vector<16xf32>,
      %gather3A_1547 = tpu.vector_load_idx %arg12[%broadcast_in_dim3A_1507, %broadcast_in_dim3A_1545, %add3A_1503] : memref<4x8x512xf32, #tpu.memory_space<vmem>>[vector<16xi32>, vector<16xi32>, vector<16xi32>], vector<16xf32>,
      %mul3A_1548 = arith.mulf %gather3A_1546, %gather3A_1547 : vector<16xf32>
      %add3A_1549 = arith.addf %add3A_1543, %mul3A_1548 : vector<16xf32>
      %broadcast_in_dim3A_1550 = arith.constant 7 : i32
      %broadcast_in_dim3A_1551 = vector.broadcast %broadcast_in_dim3A_1550 : i32 to vector<16xi32>
      %gather3A_1552 = tpu.vector_load_idx %arg11[%broadcast_in_dim3A_1507, %broadcast_in_dim3A_1551, %add3A_1496] : memref<4x8x512xf32, #tpu.memory_space<vmem>>[vector<16xi32>, vector<16xi32>, vector<16xi32>], vector<16xf32>,
      %gather3A_1553 = tpu.vector_load_idx %arg12[%broadcast_in_dim3A_1507, %broadcast_in_dim3A_1551, %add3A_1503] : memref<4x8x512xf32, #tpu.memory_space<vmem>>[vector<16xi32>, vector<16xi32>, vector<16xi32>], vector<16xf32>,
      %mul3A_1554 = arith.mulf %gather3A_1552, %gather3A_1553 : vector<16xf32>
      %add3A_1555 = arith.addf %add3A_1549, %mul3A_1554 : vector<16xf32>
      %broadcast_in_dim3A_1556 = arith.constant 1 : i32
      %broadcast_in_dim3A_1557 = vector.broadcast %broadcast_in_dim3A_1556 : i32 to vector<16xi32>
      %broadcast_in_dim3A_1558 = arith.constant 0 : i32
      %broadcast_in_dim3A_1559 = vector.broadcast %broadcast_in_dim3A_1558 : i32 to vector<16xi32>
      %gather3A_1560 = tpu.vector_load_idx %arg11[%broadcast_in_dim3A_1557, %broadcast_in_dim3A_1559, %add3A_1496] : memref<4x8x512xf32, #tpu.memory_space<vmem>>[vector<16xi32>, vector<16xi32>, vector<16xi32>], vector<16xf32>,
      %gather3A_1561 = tpu.vector_load_idx %arg12[%broadcast_in_dim3A_1557, %broadcast_in_dim3A_1559, %add3A_1503] : memref<4x8x512xf32, #tpu.memory_space<vmem>>[vector<16xi32>, vector<16xi32>, vector<16xi32>], vector<16xf32>,
      %mul3A_1562 = arith.mulf %gather3A_1560, %gather3A_1561 : vector<16xf32>
      %add3A_1563 = arith.addf %add3A_1555, %mul3A_1562 : vector<16xf32>
      %broadcast_in_dim3A_1564 = arith.constant 1 : i32
      %broadcast_in_dim3A_1565 = vector.broadcast %broadcast_in_dim3A_1564 : i32 to vector<16xi32>
      %gather3A_1566 = tpu.vector_load_idx %arg11[%broadcast_in_dim3A_1557, %broadcast_in_dim3A_1565, %add3A_1496] : memref<4x8x512xf32, #tpu.memory_space<vmem>>[vector<16xi32>, vector<16xi32>, vector<16xi32>], vector<16xf32>,
      %gather3A_1567 = tpu.vector_load_idx %arg12[%broadcast_in_dim3A_1557, %broadcast_in_dim3A_1565, %add3A_1503] : memref<4x8x512xf32, #tpu.memory_space<vmem>>[vector<16xi32>, vector<16xi32>, vector<16xi32>], vector<16xf32>,
      %mul3A_1568 = arith.mulf %gather3A_1566, %gather3A_1567 : vector<16xf32>
      %add3A_1569 = arith.addf %add3A_1563, %mul3A_1568 : vector<16xf32>
      %broadcast_in_dim3A_1570 = arith.constant 2 : i32
      %broadcast_in_dim3A_1571 = vector.broadcast %broadcast_in_dim3A_1570 : i32 to vector<16xi32>
      %gather3A_1572 = tpu.vector_load_idx %arg11[%broadcast_in_dim3A_1557, %broadcast_in_dim3A_1571, %add3A_1496] : memref<4x8x512xf32, #tpu.memory_space<vmem>>[vector<16xi32>, vector<16xi32>, vector<16xi32>], vector<16xf32>,
      %gather3A_1573 = tpu.vector_load_idx %arg12[%broadcast_in_dim3A_1557, %broadcast_in_dim3A_1571, %add3A_1503] : memref<4x8x512xf32, #tpu.memory_space<vmem>>[vector<16xi32>, vector<16xi32>, vector<16xi32>], vector<16xf32>,
      %mul3A_1574 = arith.mulf %gather3A_1572, %gather3A_1573 : vector<16xf32>
      %add3A_1575 = arith.addf %add3A_1569, %mul3A_1574 : vector<16xf32>
      %broadcast_in_dim3A_1576 = arith.constant 3 : i32
      %broadcast_in_dim3A_1577 = vector.broadcast %broadcast_in_dim3A_1576 : i32 to vector<16xi32>
      %gather3A_1578 = tpu.vector_load_idx %arg11[%broadcast_in_dim3A_1557, %broadcast_in_dim3A_1577, %add3A_1496] : memref<4x8x512xf32, #tpu.memory_space<vmem>>[vector<16xi32>, vector<16xi32>, vector<16xi32>], vector<16xf32>,
      %gather3A_1579 = tpu.vector_load_idx %arg12[%broadcast_in_dim3A_1557, %broadcast_in_dim3A_1577, %add3A_1503] : memref<4x8x512xf32, #tpu.memory_space<vmem>>[vector<16xi32>, vector<16xi32>, vector<16xi32>], vector<16xf32>,
      %mul3A_1580 = arith.mulf %gather3A_1578, %gather3A_1579 : vector<16xf32>
      %add3A_1581 = arith.addf %add3A_1575, %mul3A_1580 : vector<16xf32>
      %broadcast_in_dim3A_1582 = arith.constant 4 : i32
      %broadcast_in_dim3A_1583 = vector.broadcast %broadcast_in_dim3A_1582 : i32 to vector<16xi32>
      %gather3A_1584 = tpu.vector_load_idx %arg11[%broadcast_in_dim3A_1557, %broadcast_in_dim3A_1583, %add3A_1496] : memref<4x8x512xf32, #tpu.memory_space<vmem>>[vector<16xi32>, vector<16xi32>, vector<16xi32>], vector<16xf32>,
      %gather3A_1585 = tpu.vector_load_idx %arg12[%broadcast_in_dim3A_1557, %broadcast_in_dim3A_1583, %add3A_1503] : memref<4x8x512xf32, #tpu.memory_space<vmem>>[vector<16xi32>, vector<16xi32>, vector<16xi32>], vector<16xf32>,
      %mul3A_1586 = arith.mulf %gather3A_1584, %gather3A_1585 : vector<16xf32>
      %add3A_1587 = arith.addf %add3A_1581, %mul3A_1586 : vector<16xf32>
      %broadcast_in_dim3A_1588 = arith.constant 5 : i32
      %broadcast_in_dim3A_1589 = vector.broadcast %broadcast_in_dim3A_1588 : i32 to vector<16xi32>
      %gather3A_1590 = tpu.vector_load_idx %arg11[%broadcast_in_dim3A_1557, %broadcast_in_dim3A_1589, %add3A_1496] : memref<4x8x512xf32, #tpu.memory_space<vmem>>[vector<16xi32>, vector<16xi32>, vector<16xi32>], vector<16xf32>,
      %gather3A_1591 = tpu.vector_load_idx %arg12[%broadcast_in_dim3A_1557, %broadcast_in_dim3A_1589, %add3A_1503] : memref<4x8x512xf32, #tpu.memory_space<vmem>>[vector<16xi32>, vector<16xi32>, vector<16xi32>], vector<16xf32>,
      %mul3A_1592 = arith.mulf %gather3A_1590, %gather3A_1591 : vector<16xf32>
      %add3A_1593 = arith.addf %add3A_1587, %mul3A_1592 : vector<16xf32>
      %broadcast_in_dim3A_1594 = arith.constant 6 : i32
      %broadcast_in_dim3A_1595 = vector.broadcast %broadcast_in_dim3A_1594 : i32 to vector<16xi32>
      %gather3A_1596 = tpu.vector_load_idx %arg11[%broadcast_in_dim3A_1557, %broadcast_in_dim3A_1595, %add3A_1496] : memref<4x8x512xf32, #tpu.memory_space<vmem>>[vector<16xi32>, vector<16xi32>, vector<16xi32>], vector<16xf32>,
      %gather3A_1597 = tpu.vector_load_idx %arg12[%broadcast_in_dim3A_1557, %broadcast_in_dim3A_1595, %add3A_1503] : memref<4x8x512xf32, #tpu.memory_space<vmem>>[vector<16xi32>, vector<16xi32>, vector<16xi32>], vector<16xf32>,
      %mul3A_1598 = arith.mulf %gather3A_1596, %gather3A_1597 : vector<16xf32>
      %add3A_1599 = arith.addf %add3A_1593, %mul3A_1598 : vector<16xf32>
      %broadcast_in_dim3A_1600 = arith.constant 7 : i32
      %broadcast_in_dim3A_1601 = vector.broadcast %broadcast_in_dim3A_1600 : i32 to vector<16xi32>
      %gather3A_1602 = tpu.vector_load_idx %arg11[%broadcast_in_dim3A_1557, %broadcast_in_dim3A_1601, %add3A_1496] : memref<4x8x512xf32, #tpu.memory_space<vmem>>[vector<16xi32>, vector<16xi32>, vector<16xi32>], vector<16xf32>,
      %gather3A_1603 = tpu.vector_load_idx %arg12[%broadcast_in_dim3A_1557, %broadcast_in_dim3A_1601, %add3A_1503] : memref<4x8x512xf32, #tpu.memory_space<vmem>>[vector<16xi32>, vector<16xi32>, vector<16xi32>], vector<16xf32>,
      %mul3A_1604 = arith.mulf %gather3A_1602, %gather3A_1603 : vector<16xf32>
      %add3A_1605 = arith.addf %add3A_1599, %mul3A_1604 : vector<16xf32>
      %broadcast_in_dim3A_1606 = arith.constant 2 : i32
      %broadcast_in_dim3A_1607 = vector.broadcast %broadcast_in_dim3A_1606 : i32 to vector<16xi32>
      %broadcast_in_dim3A_1608 = arith.constant 0 : i32
      %broadcast_in_dim3A_1609 = vector.broadcast %broadcast_in_dim3A_1608 : i32 to vector<16xi32>
      %gather3A_1610 = tpu.vector_load_idx %arg11[%broadcast_in_dim3A_1607, %broadcast_in_dim3A_1609, %add3A_1496] : memref<4x8x512xf32, #tpu.memory_space<vmem>>[vector<16xi32>, vector<16xi32>, vector<16xi32>], vector<16xf32>,
      %gather3A_1611 = tpu.vector_load_idx %arg12[%broadcast_in_dim3A_1607, %broadcast_in_dim3A_1609, %add3A_1503] : memref<4x8x512xf32, #tpu.memory_space<vmem>>[vector<16xi32>, vector<16xi32>, vector<16xi32>], vector<16xf32>,
      %mul3A_1612 = arith.mulf %gather3A_1610, %gather3A_1611 : vector<16xf32>
      %add3A_1613 = arith.addf %add3A_1605, %mul3A_1612 : vector<16xf32>
      %broadcast_in_dim3A_1614 = arith.constant 1 : i32
      %broadcast_in_dim3A_1615 = vector.broadcast %broadcast_in_dim3A_1614 : i32 to vector<16xi32>
      %gather3A_1616 = tpu.vector_load_idx %arg11[%broadcast_in_dim3A_1607, %broadcast_in_dim3A_1615, %add3A_1496] : memref<4x8x512xf32, #tpu.memory_space<vmem>>[vector<16xi32>, vector<16xi32>, vector<16xi32>], vector<16xf32>,
      %gather3A_1617 = tpu.vector_load_idx %arg12[%broadcast_in_dim3A_1607, %broadcast_in_dim3A_1615, %add3A_1503] : memref<4x8x512xf32, #tpu.memory_space<vmem>>[vector<16xi32>, vector<16xi32>, vector<16xi32>], vector<16xf32>,
      %mul3A_1618 = arith.mulf %gather3A_1616, %gather3A_1617 : vector<16xf32>
      %add3A_1619 = arith.addf %add3A_1613, %mul3A_1618 : vector<16xf32>
      %broadcast_in_dim3A_1620 = arith.constant 2 : i32
      %broadcast_in_dim3A_1621 = vector.broadcast %broadcast_in_dim3A_1620 : i32 to vector<16xi32>
      %gather3A_1622 = tpu.vector_load_idx %arg11[%broadcast_in_dim3A_1607, %broadcast_in_dim3A_1621, %add3A_1496] : memref<4x8x512xf32, #tpu.memory_space<vmem>>[vector<16xi32>, vector<16xi32>, vector<16xi32>], vector<16xf32>,
      %gather3A_1623 = tpu.vector_load_idx %arg12[%broadcast_in_dim3A_1607, %broadcast_in_dim3A_1621, %add3A_1503] : memref<4x8x512xf32, #tpu.memory_space<vmem>>[vector<16xi32>, vector<16xi32>, vector<16xi32>], vector<16xf32>,
      %mul3A_1624 = arith.mulf %gather3A_1622, %gather3A_1623 : vector<16xf32>
      %add3A_1625 = arith.addf %add3A_1619, %mul3A_1624 : vector<16xf32>
      %broadcast_in_dim3A_1626 = arith.constant 3 : i32
      %broadcast_in_dim3A_1627 = vector.broadcast %broadcast_in_dim3A_1626 : i32 to vector<16xi32>
      %gather3A_1628 = tpu.vector_load_idx %arg11[%broadcast_in_dim3A_1607, %broadcast_in_dim3A_1627, %add3A_1496] : memref<4x8x512xf32, #tpu.memory_space<vmem>>[vector<16xi32>, vector<16xi32>, vector<16xi32>], vector<16xf32>,
      %gather3A_1629 = tpu.vector_load_idx %arg12[%broadcast_in_dim3A_1607, %broadcast_in_dim3A_1627, %add3A_1503] : memref<4x8x512xf32, #tpu.memory_space<vmem>>[vector<16xi32>, vector<16xi32>, vector<16xi32>], vector<16xf32>,
      %mul3A_1630 = arith.mulf %gather3A_1628, %gather3A_1629 : vector<16xf32>
      %add3A_1631 = arith.addf %add3A_1625, %mul3A_1630 : vector<16xf32>
      %broadcast_in_dim3A_1632 = arith.constant 4 : i32
      %broadcast_in_dim3A_1633 = vector.broadcast %broadcast_in_dim3A_1632 : i32 to vector<16xi32>
      %gather3A_1634 = tpu.vector_load_idx %arg11[%broadcast_in_dim3A_1607, %broadcast_in_dim3A_1633, %add3A_1496] : memref<4x8x512xf32, #tpu.memory_space<vmem>>[vector<16xi32>, vector<16xi32>, vector<16xi32>], vector<16xf32>,
      %gather3A_1635 = tpu.vector_load_idx %arg12[%broadcast_in_dim3A_1607, %broadcast_in_dim3A_1633, %add3A_1503] : memref<4x8x512xf32, #tpu.memory_space<vmem>>[vector<16xi32>, vector<16xi32>, vector<16xi32>], vector<16xf32>,
      %mul3A_1636 = arith.mulf %gather3A_1634, %gather3A_1635 : vector<16xf32>
      %add3A_1637 = arith.addf %add3A_1631, %mul3A_1636 : vector<16xf32>
      %broadcast_in_dim3A_1638 = arith.constant 5 : i32
      %broadcast_in_dim3A_1639 = vector.broadcast %broadcast_in_dim3A_1638 : i32 to vector<16xi32>
      %gather3A_1640 = tpu.vector_load_idx %arg11[%broadcast_in_dim3A_1607, %broadcast_in_dim3A_1639, %add3A_1496] : memref<4x8x512xf32, #tpu.memory_space<vmem>>[vector<16xi32>, vector<16xi32>, vector<16xi32>], vector<16xf32>,
      %gather3A_1641 = tpu.vector_load_idx %arg12[%broadcast_in_dim3A_1607, %broadcast_in_dim3A_1639, %add3A_1503] : memref<4x8x512xf32, #tpu.memory_space<vmem>>[vector<16xi32>, vector<16xi32>, vector<16xi32>], vector<16xf32>,
      %mul3A_1642 = arith.mulf %gather3A_1640, %gather3A_1641 : vector<16xf32>
      %add3A_1643 = arith.addf %add3A_1637, %mul3A_1642 : vector<16xf32>
      %broadcast_in_dim3A_1644 = arith.constant 6 : i32
      %broadcast_in_dim3A_1645 = vector.broadcast %broadcast_in_dim3A_1644 : i32 to vector<16xi32>
      %gather3A_1646 = tpu.vector_load_idx %arg11[%broadcast_in_dim3A_1607, %broadcast_in_dim3A_1645, %add3A_1496] : memref<4x8x512xf32, #tpu.memory_space<vmem>>[vector<16xi32>, vector<16xi32>, vector<16xi32>], vector<16xf32>,
      %gather3A_1647 = tpu.vector_load_idx %arg12[%broadcast_in_dim3A_1607, %broadcast_in_dim3A_1645, %add3A_1503] : memref<4x8x512xf32, #tpu.memory_space<vmem>>[vector<16xi32>, vector<16xi32>, vector<16xi32>], vector<16xf32>,
      %mul3A_1648 = arith.mulf %gather3A_1646, %gather3A_1647 : vector<16xf32>
      %add3A_1649 = arith.addf %add3A_1643, %mul3A_1648 : vector<16xf32>
      %broadcast_in_dim3A_1650 = arith.constant 7 : i32
      %broadcast_in_dim3A_1651 = vector.broadcast %broadcast_in_dim3A_1650 : i32 to vector<16xi32>
      %gather3A_1652 = tpu.vector_load_idx %arg11[%broadcast_in_dim3A_1607, %broadcast_in_dim3A_1651, %add3A_1496] : memref<4x8x512xf32, #tpu.memory_space<vmem>>[vector<16xi32>, vector<16xi32>, vector<16xi32>], vector<16xf32>,
      %gather3A_1653 = tpu.vector_load_idx %arg12[%broadcast_in_dim3A_1607, %broadcast_in_dim3A_1651, %add3A_1503] : memref<4x8x512xf32, #tpu.memory_space<vmem>>[vector<16xi32>, vector<16xi32>, vector<16xi32>], vector<16xf32>,
      %mul3A_1654 = arith.mulf %gather3A_1652, %gather3A_1653 : vector<16xf32>
      %add3A_1655 = arith.addf %add3A_1649, %mul3A_1654 : vector<16xf32>
      %broadcast_in_dim3A_1656 = arith.constant 3 : i32
      %broadcast_in_dim3A_1657 = vector.broadcast %broadcast_in_dim3A_1656 : i32 to vector<16xi32>
      %broadcast_in_dim3A_1658 = arith.constant 0 : i32
      %broadcast_in_dim3A_1659 = vector.broadcast %broadcast_in_dim3A_1658 : i32 to vector<16xi32>
      %gather3A_1660 = tpu.vector_load_idx %arg11[%broadcast_in_dim3A_1657, %broadcast_in_dim3A_1659, %add3A_1496] : memref<4x8x512xf32, #tpu.memory_space<vmem>>[vector<16xi32>, vector<16xi32>, vector<16xi32>], vector<16xf32>,
      %gather3A_1661 = tpu.vector_load_idx %arg12[%broadcast_in_dim3A_1657, %broadcast_in_dim3A_1659, %add3A_1503] : memref<4x8x512xf32, #tpu.memory_space<vmem>>[vector<16xi32>, vector<16xi32>, vector<16xi32>], vector<16xf32>,
      %mul3A_1662 = arith.mulf %gather3A_1660, %gather3A_1661 : vector<16xf32>
      %add3A_1663 = arith.addf %add3A_1655, %mul3A_1662 : vector<16xf32>
      %broadcast_in_dim3A_1664 = arith.constant 1 : i32
      %broadcast_in_dim3A_1665 = vector.broadcast %broadcast_in_dim3A_1664 : i32 to vector<16xi32>
      %gather3A_1666 = tpu.vector_load_idx %arg11[%broadcast_in_dim3A_1657, %broadcast_in_dim3A_1665, %add3A_1496] : memref<4x8x512xf32, #tpu.memory_space<vmem>>[vector<16xi32>, vector<16xi32>, vector<16xi32>], vector<16xf32>,
      %gather3A_1667 = tpu.vector_load_idx %arg12[%broadcast_in_dim3A_1657, %broadcast_in_dim3A_1665, %add3A_1503] : memref<4x8x512xf32, #tpu.memory_space<vmem>>[vector<16xi32>, vector<16xi32>, vector<16xi32>], vector<16xf32>,
      %mul3A_1668 = arith.mulf %gather3A_1666, %gather3A_1667 : vector<16xf32>
      %add3A_1669 = arith.addf %add3A_1663, %mul3A_1668 : vector<16xf32>
      %broadcast_in_dim3A_1670 = arith.constant 2 : i32
      %broadcast_in_dim3A_1671 = vector.broadcast %broadcast_in_dim3A_1670 : i32 to vector<16xi32>
      %gather3A_1672 = tpu.vector_load_idx %arg11[%broadcast_in_dim3A_1657, %broadcast_in_dim3A_1671, %add3A_1496] : memref<4x8x512xf32, #tpu.memory_space<vmem>>[vector<16xi32>, vector<16xi32>, vector<16xi32>], vector<16xf32>,
      %gather3A_1673 = tpu.vector_load_idx %arg12[%broadcast_in_dim3A_1657, %broadcast_in_dim3A_1671, %add3A_1503] : memref<4x8x512xf32, #tpu.memory_space<vmem>>[vector<16xi32>, vector<16xi32>, vector<16xi32>], vector<16xf32>,
      %mul3A_1674 = arith.mulf %gather3A_1672, %gather3A_1673 : vector<16xf32>
      %add3A_1675 = arith.addf %add3A_1669, %mul3A_1674 : vector<16xf32>
      %broadcast_in_dim3A_1676 = arith.constant 3 : i32
      %broadcast_in_dim3A_1677 = vector.broadcast %broadcast_in_dim3A_1676 : i32 to vector<16xi32>
      %gather3A_1678 = tpu.vector_load_idx %arg11[%broadcast_in_dim3A_1657, %broadcast_in_dim3A_1677, %add3A_1496] : memref<4x8x512xf32, #tpu.memory_space<vmem>>[vector<16xi32>, vector<16xi32>, vector<16xi32>], vector<16xf32>,
      %gather3A_1679 = tpu.vector_load_idx %arg12[%broadcast_in_dim3A_1657, %broadcast_in_dim3A_1677, %add3A_1503] : memref<4x8x512xf32, #tpu.memory_space<vmem>>[vector<16xi32>, vector<16xi32>, vector<16xi32>], vector<16xf32>,
      %mul3A_1680 = arith.mulf %gather3A_1678, %gather3A_1679 : vector<16xf32>
      %add3A_1681 = arith.addf %add3A_1675, %mul3A_1680 : vector<16xf32>
      %broadcast_in_dim3A_1682 = arith.constant 4 : i32
      %broadcast_in_dim3A_1683 = vector.broadcast %broadcast_in_dim3A_1682 : i32 to vector<16xi32>
      %gather3A_1684 = tpu.vector_load_idx %arg11[%broadcast_in_dim3A_1657, %broadcast_in_dim3A_1683, %add3A_1496] : memref<4x8x512xf32, #tpu.memory_space<vmem>>[vector<16xi32>, vector<16xi32>, vector<16xi32>], vector<16xf32>,
      %gather3A_1685 = tpu.vector_load_idx %arg12[%broadcast_in_dim3A_1657, %broadcast_in_dim3A_1683, %add3A_1503] : memref<4x8x512xf32, #tpu.memory_space<vmem>>[vector<16xi32>, vector<16xi32>, vector<16xi32>], vector<16xf32>,
      %mul3A_1686 = arith.mulf %gather3A_1684, %gather3A_1685 : vector<16xf32>
      %add3A_1687 = arith.addf %add3A_1681, %mul3A_1686 : vector<16xf32>
      %broadcast_in_dim3A_1688 = arith.constant 5 : i32
      %broadcast_in_dim3A_1689 = vector.broadcast %broadcast_in_dim3A_1688 : i32 to vector<16xi32>
      %gather3A_1690 = tpu.vector_load_idx %arg11[%broadcast_in_dim3A_1657, %broadcast_in_dim3A_1689, %add3A_1496] : memref<4x8x512xf32, #tpu.memory_space<vmem>>[vector<16xi32>, vector<16xi32>, vector<16xi32>], vector<16xf32>,
      %gather3A_1691 = tpu.vector_load_idx %arg12[%broadcast_in_dim3A_1657, %broadcast_in_dim3A_1689, %add3A_1503] : memref<4x8x512xf32, #tpu.memory_space<vmem>>[vector<16xi32>, vector<16xi32>, vector<16xi32>], vector<16xf32>,
      %mul3A_1692 = arith.mulf %gather3A_1690, %gather3A_1691 : vector<16xf32>
      %add3A_1693 = arith.addf %add3A_1687, %mul3A_1692 : vector<16xf32>
      %broadcast_in_dim3A_1694 = arith.constant 6 : i32
      %broadcast_in_dim3A_1695 = vector.broadcast %broadcast_in_dim3A_1694 : i32 to vector<16xi32>
      %gather3A_1696 = tpu.vector_load_idx %arg11[%broadcast_in_dim3A_1657, %broadcast_in_dim3A_1695, %add3A_1496] : memref<4x8x512xf32, #tpu.memory_space<vmem>>[vector<16xi32>, vector<16xi32>, vector<16xi32>], vector<16xf32>,
      %gather3A_1697 = tpu.vector_load_idx %arg12[%broadcast_in_dim3A_1657, %broadcast_in_dim3A_1695, %add3A_1503] : memref<4x8x512xf32, #tpu.memory_space<vmem>>[vector<16xi32>, vector<16xi32>, vector<16xi32>], vector<16xf32>,
      %mul3A_1698 = arith.mulf %gather3A_1696, %gather3A_1697 : vector<16xf32>
      %add3A_1699 = arith.addf %add3A_1693, %mul3A_1698 : vector<16xf32>
      %broadcast_in_dim3A_1700 = arith.constant 7 : i32
      %broadcast_in_dim3A_1701 = vector.broadcast %broadcast_in_dim3A_1700 : i32 to vector<16xi32>
      %gather3A_1702 = tpu.vector_load_idx %arg11[%broadcast_in_dim3A_1657, %broadcast_in_dim3A_1701, %add3A_1496] : memref<4x8x512xf32, #tpu.memory_space<vmem>>[vector<16xi32>, vector<16xi32>, vector<16xi32>], vector<16xf32>,
      %gather3A_1703 = tpu.vector_load_idx %arg12[%broadcast_in_dim3A_1657, %broadcast_in_dim3A_1701, %add3A_1503] : memref<4x8x512xf32, #tpu.memory_space<vmem>>[vector<16xi32>, vector<16xi32>, vector<16xi32>], vector<16xf32>,
      %mul3A_1704 = arith.mulf %gather3A_1702, %gather3A_1703 : vector<16xf32>
      %add3A_1705 = arith.addf %add3A_1699, %mul3A_1704 : vector<16xf32>
      %mul3A_1706 = arith.constant 32 : i32
      %mul3A_1707 = arith.muli %add3A_1473, %mul3A_1706 : i32
      %add3A_1708 = arith.constant 0 : i32
      %add3A_1709 = arith.addi %mul3A_1707, %add3A_1708 : i32
      %swap3A_1710 = arith.index_cast %add3A_1709 : i32 to index
      %swap3A_1711 = tpu.vector_load %arg13[%swap3A_1710] {strides = array<i32>} : memref<512xf32, #tpu.memory_space<vmem>>, vector<16xf32>,
      tpu.vector_store %arg13[%swap3A_1710], %add3A_1705 {strides = array<i32>} : memref<512xf32, #tpu.memory_space<vmem>>, vector<16xf32>,
      %mul3A_1712 = arith.constant 32 : i32
      %mul3A_1713 = arith.muli %add3A_1473, %mul3A_1712 : i32
      %add3A_1714 = arith.constant 16 : i32
      %add3A_1715 = arith.addi %mul3A_1713, %add3A_1714 : i32
      %get3A_1716 = arith.index_cast %add3A_1715 : i32 to index
      %get3A_1717 = tpu.vector_load %arg7[%get3A_1716] {strides = array<i32>} : memref<528xi32, #tpu.memory_space<vmem>>, vector<16xi32>,
      %mul3A_1718 = arith.constant 32 : i32
      %mul3A_1719 = arith.muli %add3A_1473, %mul3A_1718 : i32
      %add3A_1720 = arith.constant 16 : i32
      %add3A_1721 = arith.addi %mul3A_1719, %add3A_1720 : i32
      %get3A_1722 = arith.index_cast %add3A_1721 : i32 to index
      %get3A_1723 = tpu.vector_load %arg8[%get3A_1722] {strides = array<i32>} : memref<528xi32, #tpu.memory_space<vmem>>, vector<16xi32>,
      %add3A_1724 = arith.constant 256 : i32
      %add3A_1725 = vector.broadcast %add3A_1724 : i32 to vector<16xi32>
      %add3A_1726 = arith.addi %mul3A_1477, %add3A_1725 : vector<16xi32>
      %and3A_1727 = arith.constant 15 : i32
      %and3A_1728 = vector.broadcast %and3A_1727 : i32 to vector<16xi32>
      %and3A_1729 = arith.andi %get3A_1717, %and3A_1728 : vector<16xi32>
      %add3A_1730 = arith.addi %add3A_1726, %and3A_1729 : vector<16xi32>
      %add3A_1731 = arith.constant 256 : i32
      %add3A_1732 = vector.broadcast %add3A_1731 : i32 to vector<16xi32>
      %add3A_1733 = arith.addi %mul3A_1477, %add3A_1732 : vector<16xi32>
      %and3A_1734 = arith.constant 15 : i32
      %and3A_1735 = vector.broadcast %and3A_1734 : i32 to vector<16xi32>
      %and3A_1736 = arith.andi %get3A_1723, %and3A_1735 : vector<16xi32>
      %add3A_1737 = arith.addi %add3A_1733, %and3A_1736 : vector<16xi32>
      %broadcast_in_dim3A_1738 = arith.constant 0.000000e+00 : f32
      %broadcast_in_dim3A_1739 = vector.broadcast %broadcast_in_dim3A_1738 : f32 to vector<16xf32>
      %broadcast_in_dim3A_1740 = arith.constant 0 : i32
      %broadcast_in_dim3A_1741 = vector.broadcast %broadcast_in_dim3A_1740 : i32 to vector<16xi32>
      %broadcast_in_dim3A_1742 = arith.constant 0 : i32
      %broadcast_in_dim3A_1743 = vector.broadcast %broadcast_in_dim3A_1742 : i32 to vector<16xi32>
      %gather3A_1744 = tpu.vector_load_idx %arg11[%broadcast_in_dim3A_1741, %broadcast_in_dim3A_1743, %add3A_1730] : memref<4x8x512xf32, #tpu.memory_space<vmem>>[vector<16xi32>, vector<16xi32>, vector<16xi32>], vector<16xf32>,
      %gather3A_1745 = tpu.vector_load_idx %arg12[%broadcast_in_dim3A_1741, %broadcast_in_dim3A_1743, %add3A_1737] : memref<4x8x512xf32, #tpu.memory_space<vmem>>[vector<16xi32>, vector<16xi32>, vector<16xi32>], vector<16xf32>,
      %mul3A_1746 = arith.mulf %gather3A_1744, %gather3A_1745 : vector<16xf32>
      %add3A_1747 = arith.addf %broadcast_in_dim3A_1739, %mul3A_1746 : vector<16xf32>
      %broadcast_in_dim3A_1748 = arith.constant 1 : i32
      %broadcast_in_dim3A_1749 = vector.broadcast %broadcast_in_dim3A_1748 : i32 to vector<16xi32>
      %gather3A_1750 = tpu.vector_load_idx %arg11[%broadcast_in_dim3A_1741, %broadcast_in_dim3A_1749, %add3A_1730] : memref<4x8x512xf32, #tpu.memory_space<vmem>>[vector<16xi32>, vector<16xi32>, vector<16xi32>], vector<16xf32>,
      %gather3A_1751 = tpu.vector_load_idx %arg12[%broadcast_in_dim3A_1741, %broadcast_in_dim3A_1749, %add3A_1737] : memref<4x8x512xf32, #tpu.memory_space<vmem>>[vector<16xi32>, vector<16xi32>, vector<16xi32>], vector<16xf32>,
      %mul3A_1752 = arith.mulf %gather3A_1750, %gather3A_1751 : vector<16xf32>
      %add3A_1753 = arith.addf %add3A_1747, %mul3A_1752 : vector<16xf32>
      %broadcast_in_dim3A_1754 = arith.constant 2 : i32
      %broadcast_in_dim3A_1755 = vector.broadcast %broadcast_in_dim3A_1754 : i32 to vector<16xi32>
      %gather3A_1756 = tpu.vector_load_idx %arg11[%broadcast_in_dim3A_1741, %broadcast_in_dim3A_1755, %add3A_1730] : memref<4x8x512xf32, #tpu.memory_space<vmem>>[vector<16xi32>, vector<16xi32>, vector<16xi32>], vector<16xf32>,
      %gather3A_1757 = tpu.vector_load_idx %arg12[%broadcast_in_dim3A_1741, %broadcast_in_dim3A_1755, %add3A_1737] : memref<4x8x512xf32, #tpu.memory_space<vmem>>[vector<16xi32>, vector<16xi32>, vector<16xi32>], vector<16xf32>,
      %mul3A_1758 = arith.mulf %gather3A_1756, %gather3A_1757 : vector<16xf32>
      %add3A_1759 = arith.addf %add3A_1753, %mul3A_1758 : vector<16xf32>
      %broadcast_in_dim3A_1760 = arith.constant 3 : i32
      %broadcast_in_dim3A_1761 = vector.broadcast %broadcast_in_dim3A_1760 : i32 to vector<16xi32>
      %gather3A_1762 = tpu.vector_load_idx %arg11[%broadcast_in_dim3A_1741, %broadcast_in_dim3A_1761, %add3A_1730] : memref<4x8x512xf32, #tpu.memory_space<vmem>>[vector<16xi32>, vector<16xi32>, vector<16xi32>], vector<16xf32>,
      %gather3A_1763 = tpu.vector_load_idx %arg12[%broadcast_in_dim3A_1741, %broadcast_in_dim3A_1761, %add3A_1737] : memref<4x8x512xf32, #tpu.memory_space<vmem>>[vector<16xi32>, vector<16xi32>, vector<16xi32>], vector<16xf32>,
      %mul3A_1764 = arith.mulf %gather3A_1762, %gather3A_1763 : vector<16xf32>
      %add3A_1765 = arith.addf %add3A_1759, %mul3A_1764 : vector<16xf32>
      %broadcast_in_dim3A_1766 = arith.constant 4 : i32
      %broadcast_in_dim3A_1767 = vector.broadcast %broadcast_in_dim3A_1766 : i32 to vector<16xi32>
      %gather3A_1768 = tpu.vector_load_idx %arg11[%broadcast_in_dim3A_1741, %broadcast_in_dim3A_1767, %add3A_1730] : memref<4x8x512xf32, #tpu.memory_space<vmem>>[vector<16xi32>, vector<16xi32>, vector<16xi32>], vector<16xf32>,
      %gather3A_1769 = tpu.vector_load_idx %arg12[%broadcast_in_dim3A_1741, %broadcast_in_dim3A_1767, %add3A_1737] : memref<4x8x512xf32, #tpu.memory_space<vmem>>[vector<16xi32>, vector<16xi32>, vector<16xi32>], vector<16xf32>,
      %mul3A_1770 = arith.mulf %gather3A_1768, %gather3A_1769 : vector<16xf32>
      %add3A_1771 = arith.addf %add3A_1765, %mul3A_1770 : vector<16xf32>
      %broadcast_in_dim3A_1772 = arith.constant 5 : i32
      %broadcast_in_dim3A_1773 = vector.broadcast %broadcast_in_dim3A_1772 : i32 to vector<16xi32>
      %gather3A_1774 = tpu.vector_load_idx %arg11[%broadcast_in_dim3A_1741, %broadcast_in_dim3A_1773, %add3A_1730] : memref<4x8x512xf32, #tpu.memory_space<vmem>>[vector<16xi32>, vector<16xi32>, vector<16xi32>], vector<16xf32>,
      %gather3A_1775 = tpu.vector_load_idx %arg12[%broadcast_in_dim3A_1741, %broadcast_in_dim3A_1773, %add3A_1737] : memref<4x8x512xf32, #tpu.memory_space<vmem>>[vector<16xi32>, vector<16xi32>, vector<16xi32>], vector<16xf32>,
      %mul3A_1776 = arith.mulf %gather3A_1774, %gather3A_1775 : vector<16xf32>
      %add3A_1777 = arith.addf %add3A_1771, %mul3A_1776 : vector<16xf32>
      %broadcast_in_dim3A_1778 = arith.constant 6 : i32
      %broadcast_in_dim3A_1779 = vector.broadcast %broadcast_in_dim3A_1778 : i32 to vector<16xi32>
      %gather3A_1780 = tpu.vector_load_idx %arg11[%broadcast_in_dim3A_1741, %broadcast_in_dim3A_1779, %add3A_1730] : memref<4x8x512xf32, #tpu.memory_space<vmem>>[vector<16xi32>, vector<16xi32>, vector<16xi32>], vector<16xf32>,
      %gather3A_1781 = tpu.vector_load_idx %arg12[%broadcast_in_dim3A_1741, %broadcast_in_dim3A_1779, %add3A_1737] : memref<4x8x512xf32, #tpu.memory_space<vmem>>[vector<16xi32>, vector<16xi32>, vector<16xi32>], vector<16xf32>,
      %mul3A_1782 = arith.mulf %gather3A_1780, %gather3A_1781 : vector<16xf32>
      %add3A_1783 = arith.addf %add3A_1777, %mul3A_1782 : vector<16xf32>
      %broadcast_in_dim3A_1784 = arith.constant 7 : i32
      %broadcast_in_dim3A_1785 = vector.broadcast %broadcast_in_dim3A_1784 : i32 to vector<16xi32>
      %gather3A_1786 = tpu.vector_load_idx %arg11[%broadcast_in_dim3A_1741, %broadcast_in_dim3A_1785, %add3A_1730] : memref<4x8x512xf32, #tpu.memory_space<vmem>>[vector<16xi32>, vector<16xi32>, vector<16xi32>], vector<16xf32>,
      %gather3A_1787 = tpu.vector_load_idx %arg12[%broadcast_in_dim3A_1741, %broadcast_in_dim3A_1785, %add3A_1737] : memref<4x8x512xf32, #tpu.memory_space<vmem>>[vector<16xi32>, vector<16xi32>, vector<16xi32>], vector<16xf32>,
      %mul3A_1788 = arith.mulf %gather3A_1786, %gather3A_1787 : vector<16xf32>
      %add3A_1789 = arith.addf %add3A_1783, %mul3A_1788 : vector<16xf32>
      %broadcast_in_dim3A_1790 = arith.constant 1 : i32
      %broadcast_in_dim3A_1791 = vector.broadcast %broadcast_in_dim3A_1790 : i32 to vector<16xi32>
      %broadcast_in_dim3A_1792 = arith.constant 0 : i32
      %broadcast_in_dim3A_1793 = vector.broadcast %broadcast_in_dim3A_1792 : i32 to vector<16xi32>
      %gather3A_1794 = tpu.vector_load_idx %arg11[%broadcast_in_dim3A_1791, %broadcast_in_dim3A_1793, %add3A_1730] : memref<4x8x512xf32, #tpu.memory_space<vmem>>[vector<16xi32>, vector<16xi32>, vector<16xi32>], vector<16xf32>,
      %gather3A_1795 = tpu.vector_load_idx %arg12[%broadcast_in_dim3A_1791, %broadcast_in_dim3A_1793, %add3A_1737] : memref<4x8x512xf32, #tpu.memory_space<vmem>>[vector<16xi32>, vector<16xi32>, vector<16xi32>], vector<16xf32>,
      %mul3A_1796 = arith.mulf %gather3A_1794, %gather3A_1795 : vector<16xf32>
      %add3A_1797 = arith.addf %add3A_1789, %mul3A_1796 : vector<16xf32>
      %broadcast_in_dim3A_1798 = arith.constant 1 : i32
      %broadcast_in_dim3A_1799 = vector.broadcast %broadcast_in_dim3A_1798 : i32 to vector<16xi32>
      %gather3A_1800 = tpu.vector_load_idx %arg11[%broadcast_in_dim3A_1791, %broadcast_in_dim3A_1799, %add3A_1730] : memref<4x8x512xf32, #tpu.memory_space<vmem>>[vector<16xi32>, vector<16xi32>, vector<16xi32>], vector<16xf32>,
      %gather3A_1801 = tpu.vector_load_idx %arg12[%broadcast_in_dim3A_1791, %broadcast_in_dim3A_1799, %add3A_1737] : memref<4x8x512xf32, #tpu.memory_space<vmem>>[vector<16xi32>, vector<16xi32>, vector<16xi32>], vector<16xf32>,
      %mul3A_1802 = arith.mulf %gather3A_1800, %gather3A_1801 : vector<16xf32>
      %add3A_1803 = arith.addf %add3A_1797, %mul3A_1802 : vector<16xf32>
      %broadcast_in_dim3A_1804 = arith.constant 2 : i32
      %broadcast_in_dim3A_1805 = vector.broadcast %broadcast_in_dim3A_1804 : i32 to vector<16xi32>
      %gather3A_1806 = tpu.vector_load_idx %arg11[%broadcast_in_dim3A_1791, %broadcast_in_dim3A_1805, %add3A_1730] : memref<4x8x512xf32, #tpu.memory_space<vmem>>[vector<16xi32>, vector<16xi32>, vector<16xi32>], vector<16xf32>,
      %gather3A_1807 = tpu.vector_load_idx %arg12[%broadcast_in_dim3A_1791, %broadcast_in_dim3A_1805, %add3A_1737] : memref<4x8x512xf32, #tpu.memory_space<vmem>>[vector<16xi32>, vector<16xi32>, vector<16xi32>], vector<16xf32>,
      %mul3A_1808 = arith.mulf %gather3A_1806, %gather3A_1807 : vector<16xf32>
      %add3A_1809 = arith.addf %add3A_1803, %mul3A_1808 : vector<16xf32>
      %broadcast_in_dim3A_1810 = arith.constant 3 : i32
      %broadcast_in_dim3A_1811 = vector.broadcast %broadcast_in_dim3A_1810 : i32 to vector<16xi32>
      %gather3A_1812 = tpu.vector_load_idx %arg11[%broadcast_in_dim3A_1791, %broadcast_in_dim3A_1811, %add3A_1730] : memref<4x8x512xf32, #tpu.memory_space<vmem>>[vector<16xi32>, vector<16xi32>, vector<16xi32>], vector<16xf32>,
      %gather3A_1813 = tpu.vector_load_idx %arg12[%broadcast_in_dim3A_1791, %broadcast_in_dim3A_1811, %add3A_1737] : memref<4x8x512xf32, #tpu.memory_space<vmem>>[vector<16xi32>, vector<16xi32>, vector<16xi32>], vector<16xf32>,
      %mul3A_1814 = arith.mulf %gather3A_1812, %gather3A_1813 : vector<16xf32>
      %add3A_1815 = arith.addf %add3A_1809, %mul3A_1814 : vector<16xf32>
      %broadcast_in_dim3A_1816 = arith.constant 4 : i32
      %broadcast_in_dim3A_1817 = vector.broadcast %broadcast_in_dim3A_1816 : i32 to vector<16xi32>
      %gather3A_1818 = tpu.vector_load_idx %arg11[%broadcast_in_dim3A_1791, %broadcast_in_dim3A_1817, %add3A_1730] : memref<4x8x512xf32, #tpu.memory_space<vmem>>[vector<16xi32>, vector<16xi32>, vector<16xi32>], vector<16xf32>,
      %gather3A_1819 = tpu.vector_load_idx %arg12[%broadcast_in_dim3A_1791, %broadcast_in_dim3A_1817, %add3A_1737] : memref<4x8x512xf32, #tpu.memory_space<vmem>>[vector<16xi32>, vector<16xi32>, vector<16xi32>], vector<16xf32>,
      %mul3A_1820 = arith.mulf %gather3A_1818, %gather3A_1819 : vector<16xf32>
      %add3A_1821 = arith.addf %add3A_1815, %mul3A_1820 : vector<16xf32>
      %broadcast_in_dim3A_1822 = arith.constant 5 : i32
      %broadcast_in_dim3A_1823 = vector.broadcast %broadcast_in_dim3A_1822 : i32 to vector<16xi32>
      %gather3A_1824 = tpu.vector_load_idx %arg11[%broadcast_in_dim3A_1791, %broadcast_in_dim3A_1823, %add3A_1730] : memref<4x8x512xf32, #tpu.memory_space<vmem>>[vector<16xi32>, vector<16xi32>, vector<16xi32>], vector<16xf32>,
      %gather3A_1825 = tpu.vector_load_idx %arg12[%broadcast_in_dim3A_1791, %broadcast_in_dim3A_1823, %add3A_1737] : memref<4x8x512xf32, #tpu.memory_space<vmem>>[vector<16xi32>, vector<16xi32>, vector<16xi32>], vector<16xf32>,
      %mul3A_1826 = arith.mulf %gather3A_1824, %gather3A_1825 : vector<16xf32>
      %add3A_1827 = arith.addf %add3A_1821, %mul3A_1826 : vector<16xf32>
      %broadcast_in_dim3A_1828 = arith.constant 6 : i32
      %broadcast_in_dim3A_1829 = vector.broadcast %broadcast_in_dim3A_1828 : i32 to vector<16xi32>
      %gather3A_1830 = tpu.vector_load_idx %arg11[%broadcast_in_dim3A_1791, %broadcast_in_dim3A_1829, %add3A_1730] : memref<4x8x512xf32, #tpu.memory_space<vmem>>[vector<16xi32>, vector<16xi32>, vector<16xi32>], vector<16xf32>,
      %gather3A_1831 = tpu.vector_load_idx %arg12[%broadcast_in_dim3A_1791, %broadcast_in_dim3A_1829, %add3A_1737] : memref<4x8x512xf32, #tpu.memory_space<vmem>>[vector<16xi32>, vector<16xi32>, vector<16xi32>], vector<16xf32>,
      %mul3A_1832 = arith.mulf %gather3A_1830, %gather3A_1831 : vector<16xf32>
      %add3A_1833 = arith.addf %add3A_1827, %mul3A_1832 : vector<16xf32>
      %broadcast_in_dim3A_1834 = arith.constant 7 : i32
      %broadcast_in_dim3A_1835 = vector.broadcast %broadcast_in_dim3A_1834 : i32 to vector<16xi32>
      %gather3A_1836 = tpu.vector_load_idx %arg11[%broadcast_in_dim3A_1791, %broadcast_in_dim3A_1835, %add3A_1730] : memref<4x8x512xf32, #tpu.memory_space<vmem>>[vector<16xi32>, vector<16xi32>, vector<16xi32>], vector<16xf32>,
      %gather3A_1837 = tpu.vector_load_idx %arg12[%broadcast_in_dim3A_1791, %broadcast_in_dim3A_1835, %add3A_1737] : memref<4x8x512xf32, #tpu.memory_space<vmem>>[vector<16xi32>, vector<16xi32>, vector<16xi32>], vector<16xf32>,
      %mul3A_1838 = arith.mulf %gather3A_1836, %gather3A_1837 : vector<16xf32>
      %add3A_1839 = arith.addf %add3A_1833, %mul3A_1838 : vector<16xf32>
      %broadcast_in_dim3A_1840 = arith.constant 2 : i32
      %broadcast_in_dim3A_1841 = vector.broadcast %broadcast_in_dim3A_1840 : i32 to vector<16xi32>
      %broadcast_in_dim3A_1842 = arith.constant 0 : i32
      %broadcast_in_dim3A_1843 = vector.broadcast %broadcast_in_dim3A_1842 : i32 to vector<16xi32>
      %gather3A_1844 = tpu.vector_load_idx %arg11[%broadcast_in_dim3A_1841, %broadcast_in_dim3A_1843, %add3A_1730] : memref<4x8x512xf32, #tpu.memory_space<vmem>>[vector<16xi32>, vector<16xi32>, vector<16xi32>], vector<16xf32>,
      %gather3A_1845 = tpu.vector_load_idx %arg12[%broadcast_in_dim3A_1841, %broadcast_in_dim3A_1843, %add3A_1737] : memref<4x8x512xf32, #tpu.memory_space<vmem>>[vector<16xi32>, vector<16xi32>, vector<16xi32>], vector<16xf32>,
      %mul3A_1846 = arith.mulf %gather3A_1844, %gather3A_1845 : vector<16xf32>
      %add3A_1847 = arith.addf %add3A_1839, %mul3A_1846 : vector<16xf32>
      %broadcast_in_dim3A_1848 = arith.constant 1 : i32
      %broadcast_in_dim3A_1849 = vector.broadcast %broadcast_in_dim3A_1848 : i32 to vector<16xi32>
      %gather3A_1850 = tpu.vector_load_idx %arg11[%broadcast_in_dim3A_1841, %broadcast_in_dim3A_1849, %add3A_1730] : memref<4x8x512xf32, #tpu.memory_space<vmem>>[vector<16xi32>, vector<16xi32>, vector<16xi32>], vector<16xf32>,
      %gather3A_1851 = tpu.vector_load_idx %arg12[%broadcast_in_dim3A_1841, %broadcast_in_dim3A_1849, %add3A_1737] : memref<4x8x512xf32, #tpu.memory_space<vmem>>[vector<16xi32>, vector<16xi32>, vector<16xi32>], vector<16xf32>,
      %mul3A_1852 = arith.mulf %gather3A_1850, %gather3A_1851 : vector<16xf32>
      %add3A_1853 = arith.addf %add3A_1847, %mul3A_1852 : vector<16xf32>
      %broadcast_in_dim3A_1854 = arith.constant 2 : i32
      %broadcast_in_dim3A_1855 = vector.broadcast %broadcast_in_dim3A_1854 : i32 to vector<16xi32>
      %gather3A_1856 = tpu.vector_load_idx %arg11[%broadcast_in_dim3A_1841, %broadcast_in_dim3A_1855, %add3A_1730] : memref<4x8x512xf32, #tpu.memory_space<vmem>>[vector<16xi32>, vector<16xi32>, vector<16xi32>], vector<16xf32>,
      %gather3A_1857 = tpu.vector_load_idx %arg12[%broadcast_in_dim3A_1841, %broadcast_in_dim3A_1855, %add3A_1737] : memref<4x8x512xf32, #tpu.memory_space<vmem>>[vector<16xi32>, vector<16xi32>, vector<16xi32>], vector<16xf32>,
      %mul3A_1858 = arith.mulf %gather3A_1856, %gather3A_1857 : vector<16xf32>
      %add3A_1859 = arith.addf %add3A_1853, %mul3A_1858 : vector<16xf32>
      %broadcast_in_dim3A_1860 = arith.constant 3 : i32
      %broadcast_in_dim3A_1861 = vector.broadcast %broadcast_in_dim3A_1860 : i32 to vector<16xi32>
      %gather3A_1862 = tpu.vector_load_idx %arg11[%broadcast_in_dim3A_1841, %broadcast_in_dim3A_1861, %add3A_1730] : memref<4x8x512xf32, #tpu.memory_space<vmem>>[vector<16xi32>, vector<16xi32>, vector<16xi32>], vector<16xf32>,
      %gather3A_1863 = tpu.vector_load_idx %arg12[%broadcast_in_dim3A_1841, %broadcast_in_dim3A_1861, %add3A_1737] : memref<4x8x512xf32, #tpu.memory_space<vmem>>[vector<16xi32>, vector<16xi32>, vector<16xi32>], vector<16xf32>,
      %mul3A_1864 = arith.mulf %gather3A_1862, %gather3A_1863 : vector<16xf32>
      %add3A_1865 = arith.addf %add3A_1859, %mul3A_1864 : vector<16xf32>
      %broadcast_in_dim3A_1866 = arith.constant 4 : i32
      %broadcast_in_dim3A_1867 = vector.broadcast %broadcast_in_dim3A_1866 : i32 to vector<16xi32>
      %gather3A_1868 = tpu.vector_load_idx %arg11[%broadcast_in_dim3A_1841, %broadcast_in_dim3A_1867, %add3A_1730] : memref<4x8x512xf32, #tpu.memory_space<vmem>>[vector<16xi32>, vector<16xi32>, vector<16xi32>], vector<16xf32>,
      %gather3A_1869 = tpu.vector_load_idx %arg12[%broadcast_in_dim3A_1841, %broadcast_in_dim3A_1867, %add3A_1737] : memref<4x8x512xf32, #tpu.memory_space<vmem>>[vector<16xi32>, vector<16xi32>, vector<16xi32>], vector<16xf32>,
      %mul3A_1870 = arith.mulf %gather3A_1868, %gather3A_1869 : vector<16xf32>
      %add3A_1871 = arith.addf %add3A_1865, %mul3A_1870 : vector<16xf32>
      %broadcast_in_dim3A_1872 = arith.constant 5 : i32
      %broadcast_in_dim3A_1873 = vector.broadcast %broadcast_in_dim3A_1872 : i32 to vector<16xi32>
      %gather3A_1874 = tpu.vector_load_idx %arg11[%broadcast_in_dim3A_1841, %broadcast_in_dim3A_1873, %add3A_1730] : memref<4x8x512xf32, #tpu.memory_space<vmem>>[vector<16xi32>, vector<16xi32>, vector<16xi32>], vector<16xf32>,
      %gather3A_1875 = tpu.vector_load_idx %arg12[%broadcast_in_dim3A_1841, %broadcast_in_dim3A_1873, %add3A_1737] : memref<4x8x512xf32, #tpu.memory_space<vmem>>[vector<16xi32>, vector<16xi32>, vector<16xi32>], vector<16xf32>,
      %mul3A_1876 = arith.mulf %gather3A_1874, %gather3A_1875 : vector<16xf32>
      %add3A_1877 = arith.addf %add3A_1871, %mul3A_1876 : vector<16xf32>
      %broadcast_in_dim3A_1878 = arith.constant 6 : i32
      %broadcast_in_dim3A_1879 = vector.broadcast %broadcast_in_dim3A_1878 : i32 to vector<16xi32>
      %gather3A_1880 = tpu.vector_load_idx %arg11[%broadcast_in_dim3A_1841, %broadcast_in_dim3A_1879, %add3A_1730] : memref<4x8x512xf32, #tpu.memory_space<vmem>>[vector<16xi32>, vector<16xi32>, vector<16xi32>], vector<16xf32>,
      %gather3A_1881 = tpu.vector_load_idx %arg12[%broadcast_in_dim3A_1841, %broadcast_in_dim3A_1879, %add3A_1737] : memref<4x8x512xf32, #tpu.memory_space<vmem>>[vector<16xi32>, vector<16xi32>, vector<16xi32>], vector<16xf32>,
      %mul3A_1882 = arith.mulf %gather3A_1880, %gather3A_1881 : vector<16xf32>
      %add3A_1883 = arith.addf %add3A_1877, %mul3A_1882 : vector<16xf32>
      %broadcast_in_dim3A_1884 = arith.constant 7 : i32
      %broadcast_in_dim3A_1885 = vector.broadcast %broadcast_in_dim3A_1884 : i32 to vector<16xi32>
      %gather3A_1886 = tpu.vector_load_idx %arg11[%broadcast_in_dim3A_1841, %broadcast_in_dim3A_1885, %add3A_1730] : memref<4x8x512xf32, #tpu.memory_space<vmem>>[vector<16xi32>, vector<16xi32>, vector<16xi32>], vector<16xf32>,
      %gather3A_1887 = tpu.vector_load_idx %arg12[%broadcast_in_dim3A_1841, %broadcast_in_dim3A_1885, %add3A_1737] : memref<4x8x512xf32, #tpu.memory_space<vmem>>[vector<16xi32>, vector<16xi32>, vector<16xi32>], vector<16xf32>,
      %mul3A_1888 = arith.mulf %gather3A_1886, %gather3A_1887 : vector<16xf32>
      %add3A_1889 = arith.addf %add3A_1883, %mul3A_1888 : vector<16xf32>
      %broadcast_in_dim3A_1890 = arith.constant 3 : i32
      %broadcast_in_dim3A_1891 = vector.broadcast %broadcast_in_dim3A_1890 : i32 to vector<16xi32>
      %broadcast_in_dim3A_1892 = arith.constant 0 : i32
      %broadcast_in_dim3A_1893 = vector.broadcast %broadcast_in_dim3A_1892 : i32 to vector<16xi32>
      %gather3A_1894 = tpu.vector_load_idx %arg11[%broadcast_in_dim3A_1891, %broadcast_in_dim3A_1893, %add3A_1730] : memref<4x8x512xf32, #tpu.memory_space<vmem>>[vector<16xi32>, vector<16xi32>, vector<16xi32>], vector<16xf32>,
      %gather3A_1895 = tpu.vector_load_idx %arg12[%broadcast_in_dim3A_1891, %broadcast_in_dim3A_1893, %add3A_1737] : memref<4x8x512xf32, #tpu.memory_space<vmem>>[vector<16xi32>, vector<16xi32>, vector<16xi32>], vector<16xf32>,
      %mul3A_1896 = arith.mulf %gather3A_1894, %gather3A_1895 : vector<16xf32>
      %add3A_1897 = arith.addf %add3A_1889, %mul3A_1896 : vector<16xf32>
      %broadcast_in_dim3A_1898 = arith.constant 1 : i32
      %broadcast_in_dim3A_1899 = vector.broadcast %broadcast_in_dim3A_1898 : i32 to vector<16xi32>
      %gather3A_1900 = tpu.vector_load_idx %arg11[%broadcast_in_dim3A_1891, %broadcast_in_dim3A_1899, %add3A_1730] : memref<4x8x512xf32, #tpu.memory_space<vmem>>[vector<16xi32>, vector<16xi32>, vector<16xi32>], vector<16xf32>,
      %gather3A_1901 = tpu.vector_load_idx %arg12[%broadcast_in_dim3A_1891, %broadcast_in_dim3A_1899, %add3A_1737] : memref<4x8x512xf32, #tpu.memory_space<vmem>>[vector<16xi32>, vector<16xi32>, vector<16xi32>], vector<16xf32>,
      %mul3A_1902 = arith.mulf %gather3A_1900, %gather3A_1901 : vector<16xf32>
      %add3A_1903 = arith.addf %add3A_1897, %mul3A_1902 : vector<16xf32>
      %broadcast_in_dim3A_1904 = arith.constant 2 : i32
      %broadcast_in_dim3A_1905 = vector.broadcast %broadcast_in_dim3A_1904 : i32 to vector<16xi32>
      %gather3A_1906 = tpu.vector_load_idx %arg11[%broadcast_in_dim3A_1891, %broadcast_in_dim3A_1905, %add3A_1730] : memref<4x8x512xf32, #tpu.memory_space<vmem>>[vector<16xi32>, vector<16xi32>, vector<16xi32>], vector<16xf32>,
      %gather3A_1907 = tpu.vector_load_idx %arg12[%broadcast_in_dim3A_1891, %broadcast_in_dim3A_1905, %add3A_1737] : memref<4x8x512xf32, #tpu.memory_space<vmem>>[vector<16xi32>, vector<16xi32>, vector<16xi32>], vector<16xf32>,
      %mul3A_1908 = arith.mulf %gather3A_1906, %gather3A_1907 : vector<16xf32>
      %add3A_1909 = arith.addf %add3A_1903, %mul3A_1908 : vector<16xf32>
      %broadcast_in_dim3A_1910 = arith.constant 3 : i32
      %broadcast_in_dim3A_1911 = vector.broadcast %broadcast_in_dim3A_1910 : i32 to vector<16xi32>
      %gather3A_1912 = tpu.vector_load_idx %arg11[%broadcast_in_dim3A_1891, %broadcast_in_dim3A_1911, %add3A_1730] : memref<4x8x512xf32, #tpu.memory_space<vmem>>[vector<16xi32>, vector<16xi32>, vector<16xi32>], vector<16xf32>,
      %gather3A_1913 = tpu.vector_load_idx %arg12[%broadcast_in_dim3A_1891, %broadcast_in_dim3A_1911, %add3A_1737] : memref<4x8x512xf32, #tpu.memory_space<vmem>>[vector<16xi32>, vector<16xi32>, vector<16xi32>], vector<16xf32>,
      %mul3A_1914 = arith.mulf %gather3A_1912, %gather3A_1913 : vector<16xf32>
      %add3A_1915 = arith.addf %add3A_1909, %mul3A_1914 : vector<16xf32>
      %broadcast_in_dim3A_1916 = arith.constant 4 : i32
      %broadcast_in_dim3A_1917 = vector.broadcast %broadcast_in_dim3A_1916 : i32 to vector<16xi32>
      %gather3A_1918 = tpu.vector_load_idx %arg11[%broadcast_in_dim3A_1891, %broadcast_in_dim3A_1917, %add3A_1730] : memref<4x8x512xf32, #tpu.memory_space<vmem>>[vector<16xi32>, vector<16xi32>, vector<16xi32>], vector<16xf32>,
      %gather3A_1919 = tpu.vector_load_idx %arg12[%broadcast_in_dim3A_1891, %broadcast_in_dim3A_1917, %add3A_1737] : memref<4x8x512xf32, #tpu.memory_space<vmem>>[vector<16xi32>, vector<16xi32>, vector<16xi32>], vector<16xf32>,
      %mul3A_1920 = arith.mulf %gather3A_1918, %gather3A_1919 : vector<16xf32>
      %add3A_1921 = arith.addf %add3A_1915, %mul3A_1920 : vector<16xf32>
      %broadcast_in_dim3A_1922 = arith.constant 5 : i32
      %broadcast_in_dim3A_1923 = vector.broadcast %broadcast_in_dim3A_1922 : i32 to vector<16xi32>
      %gather3A_1924 = tpu.vector_load_idx %arg11[%broadcast_in_dim3A_1891, %broadcast_in_dim3A_1923, %add3A_1730] : memref<4x8x512xf32, #tpu.memory_space<vmem>>[vector<16xi32>, vector<16xi32>, vector<16xi32>], vector<16xf32>,
      %gather3A_1925 = tpu.vector_load_idx %arg12[%broadcast_in_dim3A_1891, %broadcast_in_dim3A_1923, %add3A_1737] : memref<4x8x512xf32, #tpu.memory_space<vmem>>[vector<16xi32>, vector<16xi32>, vector<16xi32>], vector<16xf32>,
      %mul3A_1926 = arith.mulf %gather3A_1924, %gather3A_1925 : vector<16xf32>
      %add3A_1927 = arith.addf %add3A_1921, %mul3A_1926 : vector<16xf32>
      %broadcast_in_dim3A_1928 = arith.constant 6 : i32
      %broadcast_in_dim3A_1929 = vector.broadcast %broadcast_in_dim3A_1928 : i32 to vector<16xi32>
      %gather3A_1930 = tpu.vector_load_idx %arg11[%broadcast_in_dim3A_1891, %broadcast_in_dim3A_1929, %add3A_1730] : memref<4x8x512xf32, #tpu.memory_space<vmem>>[vector<16xi32>, vector<16xi32>, vector<16xi32>], vector<16xf32>,
      %gather3A_1931 = tpu.vector_load_idx %arg12[%broadcast_in_dim3A_1891, %broadcast_in_dim3A_1929, %add3A_1737] : memref<4x8x512xf32, #tpu.memory_space<vmem>>[vector<16xi32>, vector<16xi32>, vector<16xi32>], vector<16xf32>,
      %mul3A_1932 = arith.mulf %gather3A_1930, %gather3A_1931 : vector<16xf32>
      %add3A_1933 = arith.addf %add3A_1927, %mul3A_1932 : vector<16xf32>
      %broadcast_in_dim3A_1934 = arith.constant 7 : i32
      %broadcast_in_dim3A_1935 = vector.broadcast %broadcast_in_dim3A_1934 : i32 to vector<16xi32>
      %gather3A_1936 = tpu.vector_load_idx %arg11[%broadcast_in_dim3A_1891, %broadcast_in_dim3A_1935, %add3A_1730] : memref<4x8x512xf32, #tpu.memory_space<vmem>>[vector<16xi32>, vector<16xi32>, vector<16xi32>], vector<16xf32>,
      %gather3A_1937 = tpu.vector_load_idx %arg12[%broadcast_in_dim3A_1891, %broadcast_in_dim3A_1935, %add3A_1737] : memref<4x8x512xf32, #tpu.memory_space<vmem>>[vector<16xi32>, vector<16xi32>, vector<16xi32>], vector<16xf32>,
      %mul3A_1938 = arith.mulf %gather3A_1936, %gather3A_1937 : vector<16xf32>
      %add3A_1939 = arith.addf %add3A_1933, %mul3A_1938 : vector<16xf32>
      %mul3A_1940 = arith.constant 32 : i32
      %mul3A_1941 = arith.muli %add3A_1473, %mul3A_1940 : i32
      %add3A_1942 = arith.constant 16 : i32
      %add3A_1943 = arith.addi %mul3A_1941, %add3A_1942 : i32
      %swap3A_1944 = arith.index_cast %add3A_1943 : i32 to index
      %swap3A_1945 = tpu.vector_load %arg13[%swap3A_1944] {strides = array<i32>} : memref<512xf32, #tpu.memory_space<vmem>>, vector<16xf32>,
      tpu.vector_store %arg13[%swap3A_1944], %add3A_1939 {strides = array<i32>} : memref<512xf32, #tpu.memory_space<vmem>>, vector<16xf32>,
    }
    %scan3A_19 = arith.constant 7 : i32
    %scan3A_20 = arith.constant 0 : i32
    %scan3A_21 = arith.constant 0 : i32
    %scan3A_22 = arith.constant 32 : i32
    %scan3A_23 = arith.addi %scan3A_21, %scan3A_22 : i32
    %scan3A_24 = arith.constant 1 : i32
    scf.for %scan3A_949 = %scan3A_21 to %scan3A_23 step %scan3A_24  : i32 {
      %add3A_950 = arith.constant 480 : i32
      %add3A_951 = arith.addi %add3A_950, %scan3A_949 : i32
      %get3A_952 = arith.index_cast %add3A_951 : i32 to index
      %get3A_953 = tpu.vector_load %arg7[%get3A_952] {strides = array<i32>} : memref<528xi32, #tpu.memory_space<vmem>>, vector<16xi32>,
      %get3A_954 = arith.index_cast %add3A_951 : i32 to index
      %get3A_955 = tpu.vector_load %arg8[%get3A_954] {strides = array<i32>} : memref<528xi32, #tpu.memory_space<vmem>>, vector<16xi32>,
      %slice3A = vector.extract_strided_slice %get3A_953 {offsets = [0], sizes = [1], strides = [1]} : vector<16xi32> to vector<1xi32>
      %squeeze3A = vector.extract %slice3A[0] : i32 from vector<1xi32>
      %and3A_956 = arith.constant -16 : i32
      %and3A_957 = arith.andi %squeeze3A, %and3A_956 : i32
      %multiple_of3A = tpu.assume_multiple %and3A_957, 16 : i32
      %slice3A_958 = vector.extract_strided_slice %get3A_955 {offsets = [0], sizes = [1], strides = [1]} : vector<16xi32> to vector<1xi32>
      %squeeze3A_959 = vector.extract %slice3A_958[0] : i32 from vector<1xi32>
      %and3A_960 = arith.constant -16 : i32
      %and3A_961 = arith.andi %squeeze3A_959, %and3A_960 : i32
      %multiple_of3A_962 = tpu.assume_multiple %and3A_961, 16 : i32
      %mul3A_963 = arith.constant 16 : i32
      %mul3A_964 = arith.muli %scan3A_949, %mul3A_963 : i32
      %dma_start3A = arith.constant 0 : i32
      %dma_start3A_965 = arith.constant 0 : i32
      %dma_start3A_966 = tpu.memref_slice %arg11[%dma_start3A, %dma_start3A_965, %mul3A_964] : memref<4x8x512xf32, #tpu.memory_space<vmem>> -> memref<4x8x16xf32, #tpu.memory_space<vmem>>
      %dma_start3A_967 = arith.constant 0 : i32
      %dma_start3A_968 = arith.constant 0 : i32
      %dma_start3A_969 = tpu.memref_slice %arg4[%dma_start3A_967, %dma_start3A_968, %multiple_of3A] : memref<4x8x1000000xf32, #tpu.memory_space<hbm>> -> memref<4x8x16xf32, #tpu.memory_space<hbm>>
      %dma_start3A_970 = arith.constant 0 : i32
      %dma_start3A_971 = arith.constant 0 : i32
      %dma_start3A_972 = tpu.memref_slice %arg11[%dma_start3A_970, %dma_start3A_971, %mul3A_964] : memref<4x8x512xf32, #tpu.memory_space<vmem>> -> memref<4x8x16xf32, #tpu.memory_space<vmem>>
      %dma_start3A_973 = arith.constant 0 : i32
      %dma_start3A_974 = arith.constant 0 : i32
      %dma_start3A_975 = tpu.memref_slice %arg4[%dma_start3A_973, %dma_start3A_974, %multiple_of3A] : memref<4x8x1000000xf32, #tpu.memory_space<hbm>> -> memref<4x8x16xf32, #tpu.memory_space<hbm>>
      tpu.enqueue_dma source(%dma_start3A_975 : memref<4x8x16xf32, #tpu.memory_space<hbm>>) target(%dma_start3A_972 : memref<4x8x16xf32, #tpu.memory_space<vmem>>) target_semaphore(%arg16 : memref<!tpu.dma_semaphore, #tpu.memory_space<semaphore_mem>>)
      %mul3A_976 = arith.constant 16 : i32
      %mul3A_977 = arith.muli %scan3A_949, %mul3A_976 : i32
      %dma_start3A_978 = arith.constant 0 : i32
      %dma_start3A_979 = arith.constant 0 : i32
      %dma_start3A_980 = tpu.memref_slice %arg12[%dma_start3A_978, %dma_start3A_979, %mul3A_977] : memref<4x8x512xf32, #tpu.memory_space<vmem>> -> memref<4x8x16xf32, #tpu.memory_space<vmem>>
      %dma_start3A_981 = arith.constant 0 : i32
      %dma_start3A_982 = arith.constant 0 : i32
      %dma_start3A_983 = tpu.memref_slice %arg5[%dma_start3A_981, %dma_start3A_982, %multiple_of3A_962] : memref<4x8x1000000xf32, #tpu.memory_space<hbm>> -> memref<4x8x16xf32, #tpu.memory_space<hbm>>
      %dma_start3A_984 = arith.constant 0 : i32
      %dma_start3A_985 = arith.constant 0 : i32
      %dma_start3A_986 = tpu.memref_slice %arg12[%dma_start3A_984, %dma_start3A_985, %mul3A_977] : memref<4x8x512xf32, #tpu.memory_space<vmem>> -> memref<4x8x16xf32, #tpu.memory_space<vmem>>
      %dma_start3A_987 = arith.constant 0 : i32
      %dma_start3A_988 = arith.constant 0 : i32
      %dma_start3A_989 = tpu.memref_slice %arg5[%dma_start3A_987, %dma_start3A_988, %multiple_of3A_962] : memref<4x8x1000000xf32, #tpu.memory_space<hbm>> -> memref<4x8x16xf32, #tpu.memory_space<hbm>>
      tpu.enqueue_dma source(%dma_start3A_989 : memref<4x8x16xf32, #tpu.memory_space<hbm>>) target(%dma_start3A_986 : memref<4x8x16xf32, #tpu.memory_space<vmem>>) target_semaphore(%arg17 : memref<!tpu.dma_semaphore, #tpu.memory_space<semaphore_mem>>)
    }
    %scan3A_25 = arith.constant 32 : i32
    %dma_wait3A = arith.constant 0 : i32
    %dma_wait3A_26 = arith.constant 0 : i32
    %dma_wait3A_27 = arith.constant 0 : i32
    %dma_wait3A_28 = tpu.memref_slice %arg4[%dma_wait3A, %dma_wait3A_26, %dma_wait3A_27] : memref<4x8x1000000xf32, #tpu.memory_space<hbm>> -> memref<4x8x512xf32, #tpu.memory_space<hbm>>
    %dma_wait3A_29 = arith.constant 0 : i32
    %dma_wait3A_30 = arith.constant 0 : i32
    %dma_wait3A_31 = arith.constant 0 : i32
    %dma_wait3A_32 = tpu.memref_slice %arg4[%dma_wait3A_29, %dma_wait3A_30, %dma_wait3A_31] : memref<4x8x1000000xf32, #tpu.memory_space<hbm>> -> memref<4x8x512xf32, #tpu.memory_space<hbm>>
    tpu.wait_dma2 semaphore(%arg14 : memref<!tpu.dma_semaphore, #tpu.memory_space<semaphore_mem>>) src(%dma_wait3A_32 : memref<4x8x512xf32, #tpu.memory_space<hbm>>) dst(%arg9 : memref<4x8x512xf32, #tpu.memory_space<vmem>>)
    %dma_wait3A_33 = arith.constant 0 : i32
    %dma_wait3A_34 = arith.constant 0 : i32
    %dma_wait3A_35 = arith.constant 0 : i32
    %dma_wait3A_36 = tpu.memref_slice %arg5[%dma_wait3A_33, %dma_wait3A_34, %dma_wait3A_35] : memref<4x8x1000000xf32, #tpu.memory_space<hbm>> -> memref<4x8x512xf32, #tpu.memory_space<hbm>>
    %dma_wait3A_37 = arith.constant 0 : i32
    %dma_wait3A_38 = arith.constant 0 : i32
    %dma_wait3A_39 = arith.constant 0 : i32
    %dma_wait3A_40 = tpu.memref_slice %arg5[%dma_wait3A_37, %dma_wait3A_38, %dma_wait3A_39] : memref<4x8x1000000xf32, #tpu.memory_space<hbm>> -> memref<4x8x512xf32, #tpu.memory_space<hbm>>
    tpu.wait_dma2 semaphore(%arg15 : memref<!tpu.dma_semaphore, #tpu.memory_space<semaphore_mem>>) src(%dma_wait3A_40 : memref<4x8x512xf32, #tpu.memory_space<hbm>>) dst(%arg10 : memref<4x8x512xf32, #tpu.memory_space<vmem>>)
    %iota3A = tpu.iota {dimensions = array<i32: 0>} : vector<16xi32>
    %mul3A_41 = arith.constant 16 : i32
    %mul3A_42 = vector.broadcast %mul3A_41 : i32 to vector<16xi32>
    %mul3A_43 = arith.muli %iota3A, %mul3A_42 : vector<16xi32>
    %get3A = arith.constant 448 : index
    %get3A_44 = tpu.vector_load %arg7[%get3A] {strides = array<i32>} : memref<528xi32, #tpu.memory_space<vmem>>, vector<16xi32>,
    %get3A_45 = arith.constant 448 : index
    %get3A_46 = tpu.vector_load %arg8[%get3A_45] {strides = array<i32>} : memref<528xi32, #tpu.memory_space<vmem>>, vector<16xi32>,
    %add3A_47 = arith.constant 0 : i32
    %add3A_48 = vector.broadcast %add3A_47 : i32 to vector<16xi32>
    %add3A_49 = arith.addi %mul3A_43, %add3A_48 : vector<16xi32>
    %and3A = arith.constant 15 : i32
    %and3A_50 = vector.broadcast %and3A : i32 to vector<16xi32>
    %and3A_51 = arith.andi %get3A_44, %and3A_50 : vector<16xi32>
    %add3A_52 = arith.addi %add3A_49, %and3A_51 : vector<16xi32>
    %add3A_53 = arith.constant 0 : i32
    %add3A_54 = vector.broadcast %add3A_53 : i32 to vector<16xi32>
    %add3A_55 = arith.addi %mul3A_43, %add3A_54 : vector<16xi32>
    %and3A_56 = arith.constant 15 : i32
    %and3A_57 = vector.broadcast %and3A_56 : i32 to vector<16xi32>
    %and3A_58 = arith.andi %get3A_46, %and3A_57 : vector<16xi32>
    %add3A_59 = arith.addi %add3A_55, %and3A_58 : vector<16xi32>
    %broadcast_in_dim3A_60 = arith.constant 0.000000e+00 : f32
    %broadcast_in_dim3A_61 = vector.broadcast %broadcast_in_dim3A_60 : f32 to vector<16xf32>
    %broadcast_in_dim3A_62 = arith.constant 0 : i32
    %broadcast_in_dim3A_63 = vector.broadcast %broadcast_in_dim3A_62 : i32 to vector<16xi32>
    %broadcast_in_dim3A_64 = arith.constant 0 : i32
    %broadcast_in_dim3A_65 = vector.broadcast %broadcast_in_dim3A_64 : i32 to vector<16xi32>
    %gather3A = tpu.vector_load_idx %arg9[%broadcast_in_dim3A_63, %broadcast_in_dim3A_65, %add3A_52] : memref<4x8x512xf32, #tpu.memory_space<vmem>>[vector<16xi32>, vector<16xi32>, vector<16xi32>], vector<16xf32>,
    %gather3A_66 = tpu.vector_load_idx %arg10[%broadcast_in_dim3A_63, %broadcast_in_dim3A_65, %add3A_59] : memref<4x8x512xf32, #tpu.memory_space<vmem>>[vector<16xi32>, vector<16xi32>, vector<16xi32>], vector<16xf32>,
    %mul3A_67 = arith.mulf %gather3A, %gather3A_66 : vector<16xf32>
    %add3A_68 = arith.addf %broadcast_in_dim3A_61, %mul3A_67 : vector<16xf32>
    %broadcast_in_dim3A_69 = arith.constant 1 : i32
    %broadcast_in_dim3A_70 = vector.broadcast %broadcast_in_dim3A_69 : i32 to vector<16xi32>
    %gather3A_71 = tpu.vector_load_idx %arg9[%broadcast_in_dim3A_63, %broadcast_in_dim3A_70, %add3A_52] : memref<4x8x512xf32, #tpu.memory_space<vmem>>[vector<16xi32>, vector<16xi32>, vector<16xi32>], vector<16xf32>,
    %gather3A_72 = tpu.vector_load_idx %arg10[%broadcast_in_dim3A_63, %broadcast_in_dim3A_70, %add3A_59] : memref<4x8x512xf32, #tpu.memory_space<vmem>>[vector<16xi32>, vector<16xi32>, vector<16xi32>], vector<16xf32>,
    %mul3A_73 = arith.mulf %gather3A_71, %gather3A_72 : vector<16xf32>
    %add3A_74 = arith.addf %add3A_68, %mul3A_73 : vector<16xf32>
    %broadcast_in_dim3A_75 = arith.constant 2 : i32
    %broadcast_in_dim3A_76 = vector.broadcast %broadcast_in_dim3A_75 : i32 to vector<16xi32>
    %gather3A_77 = tpu.vector_load_idx %arg9[%broadcast_in_dim3A_63, %broadcast_in_dim3A_76, %add3A_52] : memref<4x8x512xf32, #tpu.memory_space<vmem>>[vector<16xi32>, vector<16xi32>, vector<16xi32>], vector<16xf32>,
    %gather3A_78 = tpu.vector_load_idx %arg10[%broadcast_in_dim3A_63, %broadcast_in_dim3A_76, %add3A_59] : memref<4x8x512xf32, #tpu.memory_space<vmem>>[vector<16xi32>, vector<16xi32>, vector<16xi32>], vector<16xf32>,
    %mul3A_79 = arith.mulf %gather3A_77, %gather3A_78 : vector<16xf32>
    %add3A_80 = arith.addf %add3A_74, %mul3A_79 : vector<16xf32>
    %broadcast_in_dim3A_81 = arith.constant 3 : i32
    %broadcast_in_dim3A_82 = vector.broadcast %broadcast_in_dim3A_81 : i32 to vector<16xi32>
    %gather3A_83 = tpu.vector_load_idx %arg9[%broadcast_in_dim3A_63, %broadcast_in_dim3A_82, %add3A_52] : memref<4x8x512xf32, #tpu.memory_space<vmem>>[vector<16xi32>, vector<16xi32>, vector<16xi32>], vector<16xf32>,
    %gather3A_84 = tpu.vector_load_idx %arg10[%broadcast_in_dim3A_63, %broadcast_in_dim3A_82, %add3A_59] : memref<4x8x512xf32, #tpu.memory_space<vmem>>[vector<16xi32>, vector<16xi32>, vector<16xi32>], vector<16xf32>,
    %mul3A_85 = arith.mulf %gather3A_83, %gather3A_84 : vector<16xf32>
    %add3A_86 = arith.addf %add3A_80, %mul3A_85 : vector<16xf32>
    %broadcast_in_dim3A_87 = arith.constant 4 : i32
    %broadcast_in_dim3A_88 = vector.broadcast %broadcast_in_dim3A_87 : i32 to vector<16xi32>
    %gather3A_89 = tpu.vector_load_idx %arg9[%broadcast_in_dim3A_63, %broadcast_in_dim3A_88, %add3A_52] : memref<4x8x512xf32, #tpu.memory_space<vmem>>[vector<16xi32>, vector<16xi32>, vector<16xi32>], vector<16xf32>,
    %gather3A_90 = tpu.vector_load_idx %arg10[%broadcast_in_dim3A_63, %broadcast_in_dim3A_88, %add3A_59] : memref<4x8x512xf32, #tpu.memory_space<vmem>>[vector<16xi32>, vector<16xi32>, vector<16xi32>], vector<16xf32>,
    %mul3A_91 = arith.mulf %gather3A_89, %gather3A_90 : vector<16xf32>
    %add3A_92 = arith.addf %add3A_86, %mul3A_91 : vector<16xf32>
    %broadcast_in_dim3A_93 = arith.constant 5 : i32
    %broadcast_in_dim3A_94 = vector.broadcast %broadcast_in_dim3A_93 : i32 to vector<16xi32>
    %gather3A_95 = tpu.vector_load_idx %arg9[%broadcast_in_dim3A_63, %broadcast_in_dim3A_94, %add3A_52] : memref<4x8x512xf32, #tpu.memory_space<vmem>>[vector<16xi32>, vector<16xi32>, vector<16xi32>], vector<16xf32>,
    %gather3A_96 = tpu.vector_load_idx %arg10[%broadcast_in_dim3A_63, %broadcast_in_dim3A_94, %add3A_59] : memref<4x8x512xf32, #tpu.memory_space<vmem>>[vector<16xi32>, vector<16xi32>, vector<16xi32>], vector<16xf32>,
    %mul3A_97 = arith.mulf %gather3A_95, %gather3A_96 : vector<16xf32>
    %add3A_98 = arith.addf %add3A_92, %mul3A_97 : vector<16xf32>
    %broadcast_in_dim3A_99 = arith.constant 6 : i32
    %broadcast_in_dim3A_100 = vector.broadcast %broadcast_in_dim3A_99 : i32 to vector<16xi32>
    %gather3A_101 = tpu.vector_load_idx %arg9[%broadcast_in_dim3A_63, %broadcast_in_dim3A_100, %add3A_52] : memref<4x8x512xf32, #tpu.memory_space<vmem>>[vector<16xi32>, vector<16xi32>, vector<16xi32>], vector<16xf32>,
    %gather3A_102 = tpu.vector_load_idx %arg10[%broadcast_in_dim3A_63, %broadcast_in_dim3A_100, %add3A_59] : memref<4x8x512xf32, #tpu.memory_space<vmem>>[vector<16xi32>, vector<16xi32>, vector<16xi32>], vector<16xf32>,
    %mul3A_103 = arith.mulf %gather3A_101, %gather3A_102 : vector<16xf32>
    %add3A_104 = arith.addf %add3A_98, %mul3A_103 : vector<16xf32>
    %broadcast_in_dim3A_105 = arith.constant 7 : i32
    %broadcast_in_dim3A_106 = vector.broadcast %broadcast_in_dim3A_105 : i32 to vector<16xi32>
    %gather3A_107 = tpu.vector_load_idx %arg9[%broadcast_in_dim3A_63, %broadcast_in_dim3A_106, %add3A_52] : memref<4x8x512xf32, #tpu.memory_space<vmem>>[vector<16xi32>, vector<16xi32>, vector<16xi32>], vector<16xf32>,
    %gather3A_108 = tpu.vector_load_idx %arg10[%broadcast_in_dim3A_63, %broadcast_in_dim3A_106, %add3A_59] : memref<4x8x512xf32, #tpu.memory_space<vmem>>[vector<16xi32>, vector<16xi32>, vector<16xi32>], vector<16xf32>,
    %mul3A_109 = arith.mulf %gather3A_107, %gather3A_108 : vector<16xf32>
    %add3A_110 = arith.addf %add3A_104, %mul3A_109 : vector<16xf32>
    %broadcast_in_dim3A_111 = arith.constant 1 : i32
    %broadcast_in_dim3A_112 = vector.broadcast %broadcast_in_dim3A_111 : i32 to vector<16xi32>
    %broadcast_in_dim3A_113 = arith.constant 0 : i32
    %broadcast_in_dim3A_114 = vector.broadcast %broadcast_in_dim3A_113 : i32 to vector<16xi32>
    %gather3A_115 = tpu.vector_load_idx %arg9[%broadcast_in_dim3A_112, %broadcast_in_dim3A_114, %add3A_52] : memref<4x8x512xf32, #tpu.memory_space<vmem>>[vector<16xi32>, vector<16xi32>, vector<16xi32>], vector<16xf32>,
    %gather3A_116 = tpu.vector_load_idx %arg10[%broadcast_in_dim3A_112, %broadcast_in_dim3A_114, %add3A_59] : memref<4x8x512xf32, #tpu.memory_space<vmem>>[vector<16xi32>, vector<16xi32>, vector<16xi32>], vector<16xf32>,
    %mul3A_117 = arith.mulf %gather3A_115, %gather3A_116 : vector<16xf32>
    %add3A_118 = arith.addf %add3A_110, %mul3A_117 : vector<16xf32>
    %broadcast_in_dim3A_119 = arith.constant 1 : i32
    %broadcast_in_dim3A_120 = vector.broadcast %broadcast_in_dim3A_119 : i32 to vector<16xi32>
    %gather3A_121 = tpu.vector_load_idx %arg9[%broadcast_in_dim3A_112, %broadcast_in_dim3A_120, %add3A_52] : memref<4x8x512xf32, #tpu.memory_space<vmem>>[vector<16xi32>, vector<16xi32>, vector<16xi32>], vector<16xf32>,
    %gather3A_122 = tpu.vector_load_idx %arg10[%broadcast_in_dim3A_112, %broadcast_in_dim3A_120, %add3A_59] : memref<4x8x512xf32, #tpu.memory_space<vmem>>[vector<16xi32>, vector<16xi32>, vector<16xi32>], vector<16xf32>,
    %mul3A_123 = arith.mulf %gather3A_121, %gather3A_122 : vector<16xf32>
    %add3A_124 = arith.addf %add3A_118, %mul3A_123 : vector<16xf32>
    %broadcast_in_dim3A_125 = arith.constant 2 : i32
    %broadcast_in_dim3A_126 = vector.broadcast %broadcast_in_dim3A_125 : i32 to vector<16xi32>
    %gather3A_127 = tpu.vector_load_idx %arg9[%broadcast_in_dim3A_112, %broadcast_in_dim3A_126, %add3A_52] : memref<4x8x512xf32, #tpu.memory_space<vmem>>[vector<16xi32>, vector<16xi32>, vector<16xi32>], vector<16xf32>,
    %gather3A_128 = tpu.vector_load_idx %arg10[%broadcast_in_dim3A_112, %broadcast_in_dim3A_126, %add3A_59] : memref<4x8x512xf32, #tpu.memory_space<vmem>>[vector<16xi32>, vector<16xi32>, vector<16xi32>], vector<16xf32>,
    %mul3A_129 = arith.mulf %gather3A_127, %gather3A_128 : vector<16xf32>
    %add3A_130 = arith.addf %add3A_124, %mul3A_129 : vector<16xf32>
    %broadcast_in_dim3A_131 = arith.constant 3 : i32
    %broadcast_in_dim3A_132 = vector.broadcast %broadcast_in_dim3A_131 : i32 to vector<16xi32>
    %gather3A_133 = tpu.vector_load_idx %arg9[%broadcast_in_dim3A_112, %broadcast_in_dim3A_132, %add3A_52] : memref<4x8x512xf32, #tpu.memory_space<vmem>>[vector<16xi32>, vector<16xi32>, vector<16xi32>], vector<16xf32>,
    %gather3A_134 = tpu.vector_load_idx %arg10[%broadcast_in_dim3A_112, %broadcast_in_dim3A_132, %add3A_59] : memref<4x8x512xf32, #tpu.memory_space<vmem>>[vector<16xi32>, vector<16xi32>, vector<16xi32>], vector<16xf32>,
    %mul3A_135 = arith.mulf %gather3A_133, %gather3A_134 : vector<16xf32>
    %add3A_136 = arith.addf %add3A_130, %mul3A_135 : vector<16xf32>
    %broadcast_in_dim3A_137 = arith.constant 4 : i32
    %broadcast_in_dim3A_138 = vector.broadcast %broadcast_in_dim3A_137 : i32 to vector<16xi32>
    %gather3A_139 = tpu.vector_load_idx %arg9[%broadcast_in_dim3A_112, %broadcast_in_dim3A_138, %add3A_52] : memref<4x8x512xf32, #tpu.memory_space<vmem>>[vector<16xi32>, vector<16xi32>, vector<16xi32>], vector<16xf32>,
    %gather3A_140 = tpu.vector_load_idx %arg10[%broadcast_in_dim3A_112, %broadcast_in_dim3A_138, %add3A_59] : memref<4x8x512xf32, #tpu.memory_space<vmem>>[vector<16xi32>, vector<16xi32>, vector<16xi32>], vector<16xf32>,
    %mul3A_141 = arith.mulf %gather3A_139, %gather3A_140 : vector<16xf32>
    %add3A_142 = arith.addf %add3A_136, %mul3A_141 : vector<16xf32>
    %broadcast_in_dim3A_143 = arith.constant 5 : i32
    %broadcast_in_dim3A_144 = vector.broadcast %broadcast_in_dim3A_143 : i32 to vector<16xi32>
    %gather3A_145 = tpu.vector_load_idx %arg9[%broadcast_in_dim3A_112, %broadcast_in_dim3A_144, %add3A_52] : memref<4x8x512xf32, #tpu.memory_space<vmem>>[vector<16xi32>, vector<16xi32>, vector<16xi32>], vector<16xf32>,
    %gather3A_146 = tpu.vector_load_idx %arg10[%broadcast_in_dim3A_112, %broadcast_in_dim3A_144, %add3A_59] : memref<4x8x512xf32, #tpu.memory_space<vmem>>[vector<16xi32>, vector<16xi32>, vector<16xi32>], vector<16xf32>,
    %mul3A_147 = arith.mulf %gather3A_145, %gather3A_146 : vector<16xf32>
    %add3A_148 = arith.addf %add3A_142, %mul3A_147 : vector<16xf32>
    %broadcast_in_dim3A_149 = arith.constant 6 : i32
    %broadcast_in_dim3A_150 = vector.broadcast %broadcast_in_dim3A_149 : i32 to vector<16xi32>
    %gather3A_151 = tpu.vector_load_idx %arg9[%broadcast_in_dim3A_112, %broadcast_in_dim3A_150, %add3A_52] : memref<4x8x512xf32, #tpu.memory_space<vmem>>[vector<16xi32>, vector<16xi32>, vector<16xi32>], vector<16xf32>,
    %gather3A_152 = tpu.vector_load_idx %arg10[%broadcast_in_dim3A_112, %broadcast_in_dim3A_150, %add3A_59] : memref<4x8x512xf32, #tpu.memory_space<vmem>>[vector<16xi32>, vector<16xi32>, vector<16xi32>], vector<16xf32>,
    %mul3A_153 = arith.mulf %gather3A_151, %gather3A_152 : vector<16xf32>
    %add3A_154 = arith.addf %add3A_148, %mul3A_153 : vector<16xf32>
    %broadcast_in_dim3A_155 = arith.constant 7 : i32
    %broadcast_in_dim3A_156 = vector.broadcast %broadcast_in_dim3A_155 : i32 to vector<16xi32>
    %gather3A_157 = tpu.vector_load_idx %arg9[%broadcast_in_dim3A_112, %broadcast_in_dim3A_156, %add3A_52] : memref<4x8x512xf32, #tpu.memory_space<vmem>>[vector<16xi32>, vector<16xi32>, vector<16xi32>], vector<16xf32>,
    %gather3A_158 = tpu.vector_load_idx %arg10[%broadcast_in_dim3A_112, %broadcast_in_dim3A_156, %add3A_59] : memref<4x8x512xf32, #tpu.memory_space<vmem>>[vector<16xi32>, vector<16xi32>, vector<16xi32>], vector<16xf32>,
    %mul3A_159 = arith.mulf %gather3A_157, %gather3A_158 : vector<16xf32>
    %add3A_160 = arith.addf %add3A_154, %mul3A_159 : vector<16xf32>
    %broadcast_in_dim3A_161 = arith.constant 2 : i32
    %broadcast_in_dim3A_162 = vector.broadcast %broadcast_in_dim3A_161 : i32 to vector<16xi32>
    %broadcast_in_dim3A_163 = arith.constant 0 : i32
    %broadcast_in_dim3A_164 = vector.broadcast %broadcast_in_dim3A_163 : i32 to vector<16xi32>
    %gather3A_165 = tpu.vector_load_idx %arg9[%broadcast_in_dim3A_162, %broadcast_in_dim3A_164, %add3A_52] : memref<4x8x512xf32, #tpu.memory_space<vmem>>[vector<16xi32>, vector<16xi32>, vector<16xi32>], vector<16xf32>,
    %gather3A_166 = tpu.vector_load_idx %arg10[%broadcast_in_dim3A_162, %broadcast_in_dim3A_164, %add3A_59] : memref<4x8x512xf32, #tpu.memory_space<vmem>>[vector<16xi32>, vector<16xi32>, vector<16xi32>], vector<16xf32>,
    %mul3A_167 = arith.mulf %gather3A_165, %gather3A_166 : vector<16xf32>
    %add3A_168 = arith.addf %add3A_160, %mul3A_167 : vector<16xf32>
    %broadcast_in_dim3A_169 = arith.constant 1 : i32
    %broadcast_in_dim3A_170 = vector.broadcast %broadcast_in_dim3A_169 : i32 to vector<16xi32>
    %gather3A_171 = tpu.vector_load_idx %arg9[%broadcast_in_dim3A_162, %broadcast_in_dim3A_170, %add3A_52] : memref<4x8x512xf32, #tpu.memory_space<vmem>>[vector<16xi32>, vector<16xi32>, vector<16xi32>], vector<16xf32>,
    %gather3A_172 = tpu.vector_load_idx %arg10[%broadcast_in_dim3A_162, %broadcast_in_dim3A_170, %add3A_59] : memref<4x8x512xf32, #tpu.memory_space<vmem>>[vector<16xi32>, vector<16xi32>, vector<16xi32>], vector<16xf32>,
    %mul3A_173 = arith.mulf %gather3A_171, %gather3A_172 : vector<16xf32>
    %add3A_174 = arith.addf %add3A_168, %mul3A_173 : vector<16xf32>
    %broadcast_in_dim3A_175 = arith.constant 2 : i32
    %broadcast_in_dim3A_176 = vector.broadcast %broadcast_in_dim3A_175 : i32 to vector<16xi32>
    %gather3A_177 = tpu.vector_load_idx %arg9[%broadcast_in_dim3A_162, %broadcast_in_dim3A_176, %add3A_52] : memref<4x8x512xf32, #tpu.memory_space<vmem>>[vector<16xi32>, vector<16xi32>, vector<16xi32>], vector<16xf32>,
    %gather3A_178 = tpu.vector_load_idx %arg10[%broadcast_in_dim3A_162, %broadcast_in_dim3A_176, %add3A_59] : memref<4x8x512xf32, #tpu.memory_space<vmem>>[vector<16xi32>, vector<16xi32>, vector<16xi32>], vector<16xf32>,
    %mul3A_179 = arith.mulf %gather3A_177, %gather3A_178 : vector<16xf32>
    %add3A_180 = arith.addf %add3A_174, %mul3A_179 : vector<16xf32>
    %broadcast_in_dim3A_181 = arith.constant 3 : i32
    %broadcast_in_dim3A_182 = vector.broadcast %broadcast_in_dim3A_181 : i32 to vector<16xi32>
    %gather3A_183 = tpu.vector_load_idx %arg9[%broadcast_in_dim3A_162, %broadcast_in_dim3A_182, %add3A_52] : memref<4x8x512xf32, #tpu.memory_space<vmem>>[vector<16xi32>, vector<16xi32>, vector<16xi32>], vector<16xf32>,
    %gather3A_184 = tpu.vector_load_idx %arg10[%broadcast_in_dim3A_162, %broadcast_in_dim3A_182, %add3A_59] : memref<4x8x512xf32, #tpu.memory_space<vmem>>[vector<16xi32>, vector<16xi32>, vector<16xi32>], vector<16xf32>,
    %mul3A_185 = arith.mulf %gather3A_183, %gather3A_184 : vector<16xf32>
    %add3A_186 = arith.addf %add3A_180, %mul3A_185 : vector<16xf32>
    %broadcast_in_dim3A_187 = arith.constant 4 : i32
    %broadcast_in_dim3A_188 = vector.broadcast %broadcast_in_dim3A_187 : i32 to vector<16xi32>
    %gather3A_189 = tpu.vector_load_idx %arg9[%broadcast_in_dim3A_162, %broadcast_in_dim3A_188, %add3A_52] : memref<4x8x512xf32, #tpu.memory_space<vmem>>[vector<16xi32>, vector<16xi32>, vector<16xi32>], vector<16xf32>,
    %gather3A_190 = tpu.vector_load_idx %arg10[%broadcast_in_dim3A_162, %broadcast_in_dim3A_188, %add3A_59] : memref<4x8x512xf32, #tpu.memory_space<vmem>>[vector<16xi32>, vector<16xi32>, vector<16xi32>], vector<16xf32>,
    %mul3A_191 = arith.mulf %gather3A_189, %gather3A_190 : vector<16xf32>
    %add3A_192 = arith.addf %add3A_186, %mul3A_191 : vector<16xf32>
    %broadcast_in_dim3A_193 = arith.constant 5 : i32
    %broadcast_in_dim3A_194 = vector.broadcast %broadcast_in_dim3A_193 : i32 to vector<16xi32>
    %gather3A_195 = tpu.vector_load_idx %arg9[%broadcast_in_dim3A_162, %broadcast_in_dim3A_194, %add3A_52] : memref<4x8x512xf32, #tpu.memory_space<vmem>>[vector<16xi32>, vector<16xi32>, vector<16xi32>], vector<16xf32>,
    %gather3A_196 = tpu.vector_load_idx %arg10[%broadcast_in_dim3A_162, %broadcast_in_dim3A_194, %add3A_59] : memref<4x8x512xf32, #tpu.memory_space<vmem>>[vector<16xi32>, vector<16xi32>, vector<16xi32>], vector<16xf32>,
    %mul3A_197 = arith.mulf %gather3A_195, %gather3A_196 : vector<16xf32>
    %add3A_198 = arith.addf %add3A_192, %mul3A_197 : vector<16xf32>
    %broadcast_in_dim3A_199 = arith.constant 6 : i32
    %broadcast_in_dim3A_200 = vector.broadcast %broadcast_in_dim3A_199 : i32 to vector<16xi32>
    %gather3A_201 = tpu.vector_load_idx %arg9[%broadcast_in_dim3A_162, %broadcast_in_dim3A_200, %add3A_52] : memref<4x8x512xf32, #tpu.memory_space<vmem>>[vector<16xi32>, vector<16xi32>, vector<16xi32>], vector<16xf32>,
    %gather3A_202 = tpu.vector_load_idx %arg10[%broadcast_in_dim3A_162, %broadcast_in_dim3A_200, %add3A_59] : memref<4x8x512xf32, #tpu.memory_space<vmem>>[vector<16xi32>, vector<16xi32>, vector<16xi32>], vector<16xf32>,
    %mul3A_203 = arith.mulf %gather3A_201, %gather3A_202 : vector<16xf32>
    %add3A_204 = arith.addf %add3A_198, %mul3A_203 : vector<16xf32>
    %broadcast_in_dim3A_205 = arith.constant 7 : i32
    %broadcast_in_dim3A_206 = vector.broadcast %broadcast_in_dim3A_205 : i32 to vector<16xi32>
    %gather3A_207 = tpu.vector_load_idx %arg9[%broadcast_in_dim3A_162, %broadcast_in_dim3A_206, %add3A_52] : memref<4x8x512xf32, #tpu.memory_space<vmem>>[vector<16xi32>, vector<16xi32>, vector<16xi32>], vector<16xf32>,
    %gather3A_208 = tpu.vector_load_idx %arg10[%broadcast_in_dim3A_162, %broadcast_in_dim3A_206, %add3A_59] : memref<4x8x512xf32, #tpu.memory_space<vmem>>[vector<16xi32>, vector<16xi32>, vector<16xi32>], vector<16xf32>,
    %mul3A_209 = arith.mulf %gather3A_207, %gather3A_208 : vector<16xf32>
    %add3A_210 = arith.addf %add3A_204, %mul3A_209 : vector<16xf32>
    %broadcast_in_dim3A_211 = arith.constant 3 : i32
    %broadcast_in_dim3A_212 = vector.broadcast %broadcast_in_dim3A_211 : i32 to vector<16xi32>
    %broadcast_in_dim3A_213 = arith.constant 0 : i32
    %broadcast_in_dim3A_214 = vector.broadcast %broadcast_in_dim3A_213 : i32 to vector<16xi32>
    %gather3A_215 = tpu.vector_load_idx %arg9[%broadcast_in_dim3A_212, %broadcast_in_dim3A_214, %add3A_52] : memref<4x8x512xf32, #tpu.memory_space<vmem>>[vector<16xi32>, vector<16xi32>, vector<16xi32>], vector<16xf32>,
    %gather3A_216 = tpu.vector_load_idx %arg10[%broadcast_in_dim3A_212, %broadcast_in_dim3A_214, %add3A_59] : memref<4x8x512xf32, #tpu.memory_space<vmem>>[vector<16xi32>, vector<16xi32>, vector<16xi32>], vector<16xf32>,
    %mul3A_217 = arith.mulf %gather3A_215, %gather3A_216 : vector<16xf32>
    %add3A_218 = arith.addf %add3A_210, %mul3A_217 : vector<16xf32>
    %broadcast_in_dim3A_219 = arith.constant 1 : i32
    %broadcast_in_dim3A_220 = vector.broadcast %broadcast_in_dim3A_219 : i32 to vector<16xi32>
    %gather3A_221 = tpu.vector_load_idx %arg9[%broadcast_in_dim3A_212, %broadcast_in_dim3A_220, %add3A_52] : memref<4x8x512xf32, #tpu.memory_space<vmem>>[vector<16xi32>, vector<16xi32>, vector<16xi32>], vector<16xf32>,
    %gather3A_222 = tpu.vector_load_idx %arg10[%broadcast_in_dim3A_212, %broadcast_in_dim3A_220, %add3A_59] : memref<4x8x512xf32, #tpu.memory_space<vmem>>[vector<16xi32>, vector<16xi32>, vector<16xi32>], vector<16xf32>,
    %mul3A_223 = arith.mulf %gather3A_221, %gather3A_222 : vector<16xf32>
    %add3A_224 = arith.addf %add3A_218, %mul3A_223 : vector<16xf32>
    %broadcast_in_dim3A_225 = arith.constant 2 : i32
    %broadcast_in_dim3A_226 = vector.broadcast %broadcast_in_dim3A_225 : i32 to vector<16xi32>
    %gather3A_227 = tpu.vector_load_idx %arg9[%broadcast_in_dim3A_212, %broadcast_in_dim3A_226, %add3A_52] : memref<4x8x512xf32, #tpu.memory_space<vmem>>[vector<16xi32>, vector<16xi32>, vector<16xi32>], vector<16xf32>,
    %gather3A_228 = tpu.vector_load_idx %arg10[%broadcast_in_dim3A_212, %broadcast_in_dim3A_226, %add3A_59] : memref<4x8x512xf32, #tpu.memory_space<vmem>>[vector<16xi32>, vector<16xi32>, vector<16xi32>], vector<16xf32>,
    %mul3A_229 = arith.mulf %gather3A_227, %gather3A_228 : vector<16xf32>
    %add3A_230 = arith.addf %add3A_224, %mul3A_229 : vector<16xf32>
    %broadcast_in_dim3A_231 = arith.constant 3 : i32
    %broadcast_in_dim3A_232 = vector.broadcast %broadcast_in_dim3A_231 : i32 to vector<16xi32>
    %gather3A_233 = tpu.vector_load_idx %arg9[%broadcast_in_dim3A_212, %broadcast_in_dim3A_232, %add3A_52] : memref<4x8x512xf32, #tpu.memory_space<vmem>>[vector<16xi32>, vector<16xi32>, vector<16xi32>], vector<16xf32>,
    %gather3A_234 = tpu.vector_load_idx %arg10[%broadcast_in_dim3A_212, %broadcast_in_dim3A_232, %add3A_59] : memref<4x8x512xf32, #tpu.memory_space<vmem>>[vector<16xi32>, vector<16xi32>, vector<16xi32>], vector<16xf32>,
    %mul3A_235 = arith.mulf %gather3A_233, %gather3A_234 : vector<16xf32>
    %add3A_236 = arith.addf %add3A_230, %mul3A_235 : vector<16xf32>
    %broadcast_in_dim3A_237 = arith.constant 4 : i32
    %broadcast_in_dim3A_238 = vector.broadcast %broadcast_in_dim3A_237 : i32 to vector<16xi32>
    %gather3A_239 = tpu.vector_load_idx %arg9[%broadcast_in_dim3A_212, %broadcast_in_dim3A_238, %add3A_52] : memref<4x8x512xf32, #tpu.memory_space<vmem>>[vector<16xi32>, vector<16xi32>, vector<16xi32>], vector<16xf32>,
    %gather3A_240 = tpu.vector_load_idx %arg10[%broadcast_in_dim3A_212, %broadcast_in_dim3A_238, %add3A_59] : memref<4x8x512xf32, #tpu.memory_space<vmem>>[vector<16xi32>, vector<16xi32>, vector<16xi32>], vector<16xf32>,
    %mul3A_241 = arith.mulf %gather3A_239, %gather3A_240 : vector<16xf32>
    %add3A_242 = arith.addf %add3A_236, %mul3A_241 : vector<16xf32>
    %broadcast_in_dim3A_243 = arith.constant 5 : i32
    %broadcast_in_dim3A_244 = vector.broadcast %broadcast_in_dim3A_243 : i32 to vector<16xi32>
    %gather3A_245 = tpu.vector_load_idx %arg9[%broadcast_in_dim3A_212, %broadcast_in_dim3A_244, %add3A_52] : memref<4x8x512xf32, #tpu.memory_space<vmem>>[vector<16xi32>, vector<16xi32>, vector<16xi32>], vector<16xf32>,
    %gather3A_246 = tpu.vector_load_idx %arg10[%broadcast_in_dim3A_212, %broadcast_in_dim3A_244, %add3A_59] : memref<4x8x512xf32, #tpu.memory_space<vmem>>[vector<16xi32>, vector<16xi32>, vector<16xi32>], vector<16xf32>,
    %mul3A_247 = arith.mulf %gather3A_245, %gather3A_246 : vector<16xf32>
    %add3A_248 = arith.addf %add3A_242, %mul3A_247 : vector<16xf32>
    %broadcast_in_dim3A_249 = arith.constant 6 : i32
    %broadcast_in_dim3A_250 = vector.broadcast %broadcast_in_dim3A_249 : i32 to vector<16xi32>
    %gather3A_251 = tpu.vector_load_idx %arg9[%broadcast_in_dim3A_212, %broadcast_in_dim3A_250, %add3A_52] : memref<4x8x512xf32, #tpu.memory_space<vmem>>[vector<16xi32>, vector<16xi32>, vector<16xi32>], vector<16xf32>,
    %gather3A_252 = tpu.vector_load_idx %arg10[%broadcast_in_dim3A_212, %broadcast_in_dim3A_250, %add3A_59] : memref<4x8x512xf32, #tpu.memory_space<vmem>>[vector<16xi32>, vector<16xi32>, vector<16xi32>], vector<16xf32>,
    %mul3A_253 = arith.mulf %gather3A_251, %gather3A_252 : vector<16xf32>
    %add3A_254 = arith.addf %add3A_248, %mul3A_253 : vector<16xf32>
    %broadcast_in_dim3A_255 = arith.constant 7 : i32
    %broadcast_in_dim3A_256 = vector.broadcast %broadcast_in_dim3A_255 : i32 to vector<16xi32>
    %gather3A_257 = tpu.vector_load_idx %arg9[%broadcast_in_dim3A_212, %broadcast_in_dim3A_256, %add3A_52] : memref<4x8x512xf32, #tpu.memory_space<vmem>>[vector<16xi32>, vector<16xi32>, vector<16xi32>], vector<16xf32>,
    %gather3A_258 = tpu.vector_load_idx %arg10[%broadcast_in_dim3A_212, %broadcast_in_dim3A_256, %add3A_59] : memref<4x8x512xf32, #tpu.memory_space<vmem>>[vector<16xi32>, vector<16xi32>, vector<16xi32>], vector<16xf32>,
    %mul3A_259 = arith.mulf %gather3A_257, %gather3A_258 : vector<16xf32>
    %add3A_260 = arith.addf %add3A_254, %mul3A_259 : vector<16xf32>
    %swap3A_261 = arith.constant 448 : index
    %swap3A_262 = tpu.vector_load %arg13[%swap3A_261] {strides = array<i32>} : memref<512xf32, #tpu.memory_space<vmem>>, vector<16xf32>,
    tpu.vector_store %arg13[%swap3A_261], %add3A_260 {strides = array<i32>} : memref<512xf32, #tpu.memory_space<vmem>>, vector<16xf32>,
    %get3A_263 = arith.constant 464 : index
    %get3A_264 = tpu.vector_load %arg7[%get3A_263] {strides = array<i32>} : memref<528xi32, #tpu.memory_space<vmem>>, vector<16xi32>,
    %get3A_265 = arith.constant 464 : index
    %get3A_266 = tpu.vector_load %arg8[%get3A_265] {strides = array<i32>} : memref<528xi32, #tpu.memory_space<vmem>>, vector<16xi32>,
    %add3A_267 = arith.constant 256 : i32
    %add3A_268 = vector.broadcast %add3A_267 : i32 to vector<16xi32>
    %add3A_269 = arith.addi %mul3A_43, %add3A_268 : vector<16xi32>
    %and3A_270 = arith.constant 15 : i32
    %and3A_271 = vector.broadcast %and3A_270 : i32 to vector<16xi32>
    %and3A_272 = arith.andi %get3A_264, %and3A_271 : vector<16xi32>
    %add3A_273 = arith.addi %add3A_269, %and3A_272 : vector<16xi32>
    %add3A_274 = arith.constant 256 : i32
    %add3A_275 = vector.broadcast %add3A_274 : i32 to vector<16xi32>
    %add3A_276 = arith.addi %mul3A_43, %add3A_275 : vector<16xi32>
    %and3A_277 = arith.constant 15 : i32
    %and3A_278 = vector.broadcast %and3A_277 : i32 to vector<16xi32>
    %and3A_279 = arith.andi %get3A_266, %and3A_278 : vector<16xi32>
    %add3A_280 = arith.addi %add3A_276, %and3A_279 : vector<16xi32>
    %broadcast_in_dim3A_281 = arith.constant 0.000000e+00 : f32
    %broadcast_in_dim3A_282 = vector.broadcast %broadcast_in_dim3A_281 : f32 to vector<16xf32>
    %broadcast_in_dim3A_283 = arith.constant 0 : i32
    %broadcast_in_dim3A_284 = vector.broadcast %broadcast_in_dim3A_283 : i32 to vector<16xi32>
    %broadcast_in_dim3A_285 = arith.constant 0 : i32
    %broadcast_in_dim3A_286 = vector.broadcast %broadcast_in_dim3A_285 : i32 to vector<16xi32>
    %gather3A_287 = tpu.vector_load_idx %arg9[%broadcast_in_dim3A_284, %broadcast_in_dim3A_286, %add3A_273] : memref<4x8x512xf32, #tpu.memory_space<vmem>>[vector<16xi32>, vector<16xi32>, vector<16xi32>], vector<16xf32>,
    %gather3A_288 = tpu.vector_load_idx %arg10[%broadcast_in_dim3A_284, %broadcast_in_dim3A_286, %add3A_280] : memref<4x8x512xf32, #tpu.memory_space<vmem>>[vector<16xi32>, vector<16xi32>, vector<16xi32>], vector<16xf32>,
    %mul3A_289 = arith.mulf %gather3A_287, %gather3A_288 : vector<16xf32>
    %add3A_290 = arith.addf %broadcast_in_dim3A_282, %mul3A_289 : vector<16xf32>
    %broadcast_in_dim3A_291 = arith.constant 1 : i32
    %broadcast_in_dim3A_292 = vector.broadcast %broadcast_in_dim3A_291 : i32 to vector<16xi32>
    %gather3A_293 = tpu.vector_load_idx %arg9[%broadcast_in_dim3A_284, %broadcast_in_dim3A_292, %add3A_273] : memref<4x8x512xf32, #tpu.memory_space<vmem>>[vector<16xi32>, vector<16xi32>, vector<16xi32>], vector<16xf32>,
    %gather3A_294 = tpu.vector_load_idx %arg10[%broadcast_in_dim3A_284, %broadcast_in_dim3A_292, %add3A_280] : memref<4x8x512xf32, #tpu.memory_space<vmem>>[vector<16xi32>, vector<16xi32>, vector<16xi32>], vector<16xf32>,
    %mul3A_295 = arith.mulf %gather3A_293, %gather3A_294 : vector<16xf32>
    %add3A_296 = arith.addf %add3A_290, %mul3A_295 : vector<16xf32>
    %broadcast_in_dim3A_297 = arith.constant 2 : i32
    %broadcast_in_dim3A_298 = vector.broadcast %broadcast_in_dim3A_297 : i32 to vector<16xi32>
    %gather3A_299 = tpu.vector_load_idx %arg9[%broadcast_in_dim3A_284, %broadcast_in_dim3A_298, %add3A_273] : memref<4x8x512xf32, #tpu.memory_space<vmem>>[vector<16xi32>, vector<16xi32>, vector<16xi32>], vector<16xf32>,
    %gather3A_300 = tpu.vector_load_idx %arg10[%broadcast_in_dim3A_284, %broadcast_in_dim3A_298, %add3A_280] : memref<4x8x512xf32, #tpu.memory_space<vmem>>[vector<16xi32>, vector<16xi32>, vector<16xi32>], vector<16xf32>,
    %mul3A_301 = arith.mulf %gather3A_299, %gather3A_300 : vector<16xf32>
    %add3A_302 = arith.addf %add3A_296, %mul3A_301 : vector<16xf32>
    %broadcast_in_dim3A_303 = arith.constant 3 : i32
    %broadcast_in_dim3A_304 = vector.broadcast %broadcast_in_dim3A_303 : i32 to vector<16xi32>
    %gather3A_305 = tpu.vector_load_idx %arg9[%broadcast_in_dim3A_284, %broadcast_in_dim3A_304, %add3A_273] : memref<4x8x512xf32, #tpu.memory_space<vmem>>[vector<16xi32>, vector<16xi32>, vector<16xi32>], vector<16xf32>,
    %gather3A_306 = tpu.vector_load_idx %arg10[%broadcast_in_dim3A_284, %broadcast_in_dim3A_304, %add3A_280] : memref<4x8x512xf32, #tpu.memory_space<vmem>>[vector<16xi32>, vector<16xi32>, vector<16xi32>], vector<16xf32>,
    %mul3A_307 = arith.mulf %gather3A_305, %gather3A_306 : vector<16xf32>
    %add3A_308 = arith.addf %add3A_302, %mul3A_307 : vector<16xf32>
    %broadcast_in_dim3A_309 = arith.constant 4 : i32
    %broadcast_in_dim3A_310 = vector.broadcast %broadcast_in_dim3A_309 : i32 to vector<16xi32>
    %gather3A_311 = tpu.vector_load_idx %arg9[%broadcast_in_dim3A_284, %broadcast_in_dim3A_310, %add3A_273] : memref<4x8x512xf32, #tpu.memory_space<vmem>>[vector<16xi32>, vector<16xi32>, vector<16xi32>], vector<16xf32>,
    %gather3A_312 = tpu.vector_load_idx %arg10[%broadcast_in_dim3A_284, %broadcast_in_dim3A_310, %add3A_280] : memref<4x8x512xf32, #tpu.memory_space<vmem>>[vector<16xi32>, vector<16xi32>, vector<16xi32>], vector<16xf32>,
    %mul3A_313 = arith.mulf %gather3A_311, %gather3A_312 : vector<16xf32>
    %add3A_314 = arith.addf %add3A_308, %mul3A_313 : vector<16xf32>
    %broadcast_in_dim3A_315 = arith.constant 5 : i32
    %broadcast_in_dim3A_316 = vector.broadcast %broadcast_in_dim3A_315 : i32 to vector<16xi32>
    %gather3A_317 = tpu.vector_load_idx %arg9[%broadcast_in_dim3A_284, %broadcast_in_dim3A_316, %add3A_273] : memref<4x8x512xf32, #tpu.memory_space<vmem>>[vector<16xi32>, vector<16xi32>, vector<16xi32>], vector<16xf32>,
    %gather3A_318 = tpu.vector_load_idx %arg10[%broadcast_in_dim3A_284, %broadcast_in_dim3A_316, %add3A_280] : memref<4x8x512xf32, #tpu.memory_space<vmem>>[vector<16xi32>, vector<16xi32>, vector<16xi32>], vector<16xf32>,
    %mul3A_319 = arith.mulf %gather3A_317, %gather3A_318 : vector<16xf32>
    %add3A_320 = arith.addf %add3A_314, %mul3A_319 : vector<16xf32>
    %broadcast_in_dim3A_321 = arith.constant 6 : i32
    %broadcast_in_dim3A_322 = vector.broadcast %broadcast_in_dim3A_321 : i32 to vector<16xi32>
    %gather3A_323 = tpu.vector_load_idx %arg9[%broadcast_in_dim3A_284, %broadcast_in_dim3A_322, %add3A_273] : memref<4x8x512xf32, #tpu.memory_space<vmem>>[vector<16xi32>, vector<16xi32>, vector<16xi32>], vector<16xf32>,
    %gather3A_324 = tpu.vector_load_idx %arg10[%broadcast_in_dim3A_284, %broadcast_in_dim3A_322, %add3A_280] : memref<4x8x512xf32, #tpu.memory_space<vmem>>[vector<16xi32>, vector<16xi32>, vector<16xi32>], vector<16xf32>,
    %mul3A_325 = arith.mulf %gather3A_323, %gather3A_324 : vector<16xf32>
    %add3A_326 = arith.addf %add3A_320, %mul3A_325 : vector<16xf32>
    %broadcast_in_dim3A_327 = arith.constant 7 : i32
    %broadcast_in_dim3A_328 = vector.broadcast %broadcast_in_dim3A_327 : i32 to vector<16xi32>
    %gather3A_329 = tpu.vector_load_idx %arg9[%broadcast_in_dim3A_284, %broadcast_in_dim3A_328, %add3A_273] : memref<4x8x512xf32, #tpu.memory_space<vmem>>[vector<16xi32>, vector<16xi32>, vector<16xi32>], vector<16xf32>,
    %gather3A_330 = tpu.vector_load_idx %arg10[%broadcast_in_dim3A_284, %broadcast_in_dim3A_328, %add3A_280] : memref<4x8x512xf32, #tpu.memory_space<vmem>>[vector<16xi32>, vector<16xi32>, vector<16xi32>], vector<16xf32>,
    %mul3A_331 = arith.mulf %gather3A_329, %gather3A_330 : vector<16xf32>
    %add3A_332 = arith.addf %add3A_326, %mul3A_331 : vector<16xf32>
    %broadcast_in_dim3A_333 = arith.constant 1 : i32
    %broadcast_in_dim3A_334 = vector.broadcast %broadcast_in_dim3A_333 : i32 to vector<16xi32>
    %broadcast_in_dim3A_335 = arith.constant 0 : i32
    %broadcast_in_dim3A_336 = vector.broadcast %broadcast_in_dim3A_335 : i32 to vector<16xi32>
    %gather3A_337 = tpu.vector_load_idx %arg9[%broadcast_in_dim3A_334, %broadcast_in_dim3A_336, %add3A_273] : memref<4x8x512xf32, #tpu.memory_space<vmem>>[vector<16xi32>, vector<16xi32>, vector<16xi32>], vector<16xf32>,
    %gather3A_338 = tpu.vector_load_idx %arg10[%broadcast_in_dim3A_334, %broadcast_in_dim3A_336, %add3A_280] : memref<4x8x512xf32, #tpu.memory_space<vmem>>[vector<16xi32>, vector<16xi32>, vector<16xi32>], vector<16xf32>,
    %mul3A_339 = arith.mulf %gather3A_337, %gather3A_338 : vector<16xf32>
    %add3A_340 = arith.addf %add3A_332, %mul3A_339 : vector<16xf32>
    %broadcast_in_dim3A_341 = arith.constant 1 : i32
    %broadcast_in_dim3A_342 = vector.broadcast %broadcast_in_dim3A_341 : i32 to vector<16xi32>
    %gather3A_343 = tpu.vector_load_idx %arg9[%broadcast_in_dim3A_334, %broadcast_in_dim3A_342, %add3A_273] : memref<4x8x512xf32, #tpu.memory_space<vmem>>[vector<16xi32>, vector<16xi32>, vector<16xi32>], vector<16xf32>,
    %gather3A_344 = tpu.vector_load_idx %arg10[%broadcast_in_dim3A_334, %broadcast_in_dim3A_342, %add3A_280] : memref<4x8x512xf32, #tpu.memory_space<vmem>>[vector<16xi32>, vector<16xi32>, vector<16xi32>], vector<16xf32>,
    %mul3A_345 = arith.mulf %gather3A_343, %gather3A_344 : vector<16xf32>
    %add3A_346 = arith.addf %add3A_340, %mul3A_345 : vector<16xf32>
    %broadcast_in_dim3A_347 = arith.constant 2 : i32
    %broadcast_in_dim3A_348 = vector.broadcast %broadcast_in_dim3A_347 : i32 to vector<16xi32>
    %gather3A_349 = tpu.vector_load_idx %arg9[%broadcast_in_dim3A_334, %broadcast_in_dim3A_348, %add3A_273] : memref<4x8x512xf32, #tpu.memory_space<vmem>>[vector<16xi32>, vector<16xi32>, vector<16xi32>], vector<16xf32>,
    %gather3A_350 = tpu.vector_load_idx %arg10[%broadcast_in_dim3A_334, %broadcast_in_dim3A_348, %add3A_280] : memref<4x8x512xf32, #tpu.memory_space<vmem>>[vector<16xi32>, vector<16xi32>, vector<16xi32>], vector<16xf32>,
    %mul3A_351 = arith.mulf %gather3A_349, %gather3A_350 : vector<16xf32>
    %add3A_352 = arith.addf %add3A_346, %mul3A_351 : vector<16xf32>
    %broadcast_in_dim3A_353 = arith.constant 3 : i32
    %broadcast_in_dim3A_354 = vector.broadcast %broadcast_in_dim3A_353 : i32 to vector<16xi32>
    %gather3A_355 = tpu.vector_load_idx %arg9[%broadcast_in_dim3A_334, %broadcast_in_dim3A_354, %add3A_273] : memref<4x8x512xf32, #tpu.memory_space<vmem>>[vector<16xi32>, vector<16xi32>, vector<16xi32>], vector<16xf32>,
    %gather3A_356 = tpu.vector_load_idx %arg10[%broadcast_in_dim3A_334, %broadcast_in_dim3A_354, %add3A_280] : memref<4x8x512xf32, #tpu.memory_space<vmem>>[vector<16xi32>, vector<16xi32>, vector<16xi32>], vector<16xf32>,
    %mul3A_357 = arith.mulf %gather3A_355, %gather3A_356 : vector<16xf32>
    %add3A_358 = arith.addf %add3A_352, %mul3A_357 : vector<16xf32>
    %broadcast_in_dim3A_359 = arith.constant 4 : i32
    %broadcast_in_dim3A_360 = vector.broadcast %broadcast_in_dim3A_359 : i32 to vector<16xi32>
    %gather3A_361 = tpu.vector_load_idx %arg9[%broadcast_in_dim3A_334, %broadcast_in_dim3A_360, %add3A_273] : memref<4x8x512xf32, #tpu.memory_space<vmem>>[vector<16xi32>, vector<16xi32>, vector<16xi32>], vector<16xf32>,
    %gather3A_362 = tpu.vector_load_idx %arg10[%broadcast_in_dim3A_334, %broadcast_in_dim3A_360, %add3A_280] : memref<4x8x512xf32, #tpu.memory_space<vmem>>[vector<16xi32>, vector<16xi32>, vector<16xi32>], vector<16xf32>,
    %mul3A_363 = arith.mulf %gather3A_361, %gather3A_362 : vector<16xf32>
    %add3A_364 = arith.addf %add3A_358, %mul3A_363 : vector<16xf32>
    %broadcast_in_dim3A_365 = arith.constant 5 : i32
    %broadcast_in_dim3A_366 = vector.broadcast %broadcast_in_dim3A_365 : i32 to vector<16xi32>
    %gather3A_367 = tpu.vector_load_idx %arg9[%broadcast_in_dim3A_334, %broadcast_in_dim3A_366, %add3A_273] : memref<4x8x512xf32, #tpu.memory_space<vmem>>[vector<16xi32>, vector<16xi32>, vector<16xi32>], vector<16xf32>,
    %gather3A_368 = tpu.vector_load_idx %arg10[%broadcast_in_dim3A_334, %broadcast_in_dim3A_366, %add3A_280] : memref<4x8x512xf32, #tpu.memory_space<vmem>>[vector<16xi32>, vector<16xi32>, vector<16xi32>], vector<16xf32>,
    %mul3A_369 = arith.mulf %gather3A_367, %gather3A_368 : vector<16xf32>
    %add3A_370 = arith.addf %add3A_364, %mul3A_369 : vector<16xf32>
    %broadcast_in_dim3A_371 = arith.constant 6 : i32
    %broadcast_in_dim3A_372 = vector.broadcast %broadcast_in_dim3A_371 : i32 to vector<16xi32>
    %gather3A_373 = tpu.vector_load_idx %arg9[%broadcast_in_dim3A_334, %broadcast_in_dim3A_372, %add3A_273] : memref<4x8x512xf32, #tpu.memory_space<vmem>>[vector<16xi32>, vector<16xi32>, vector<16xi32>], vector<16xf32>,
    %gather3A_374 = tpu.vector_load_idx %arg10[%broadcast_in_dim3A_334, %broadcast_in_dim3A_372, %add3A_280] : memref<4x8x512xf32, #tpu.memory_space<vmem>>[vector<16xi32>, vector<16xi32>, vector<16xi32>], vector<16xf32>,
    %mul3A_375 = arith.mulf %gather3A_373, %gather3A_374 : vector<16xf32>
    %add3A_376 = arith.addf %add3A_370, %mul3A_375 : vector<16xf32>
    %broadcast_in_dim3A_377 = arith.constant 7 : i32
    %broadcast_in_dim3A_378 = vector.broadcast %broadcast_in_dim3A_377 : i32 to vector<16xi32>
    %gather3A_379 = tpu.vector_load_idx %arg9[%broadcast_in_dim3A_334, %broadcast_in_dim3A_378, %add3A_273] : memref<4x8x512xf32, #tpu.memory_space<vmem>>[vector<16xi32>, vector<16xi32>, vector<16xi32>], vector<16xf32>,
    %gather3A_380 = tpu.vector_load_idx %arg10[%broadcast_in_dim3A_334, %broadcast_in_dim3A_378, %add3A_280] : memref<4x8x512xf32, #tpu.memory_space<vmem>>[vector<16xi32>, vector<16xi32>, vector<16xi32>], vector<16xf32>,
    %mul3A_381 = arith.mulf %gather3A_379, %gather3A_380 : vector<16xf32>
    %add3A_382 = arith.addf %add3A_376, %mul3A_381 : vector<16xf32>
    %broadcast_in_dim3A_383 = arith.constant 2 : i32
    %broadcast_in_dim3A_384 = vector.broadcast %broadcast_in_dim3A_383 : i32 to vector<16xi32>
    %broadcast_in_dim3A_385 = arith.constant 0 : i32
    %broadcast_in_dim3A_386 = vector.broadcast %broadcast_in_dim3A_385 : i32 to vector<16xi32>
    %gather3A_387 = tpu.vector_load_idx %arg9[%broadcast_in_dim3A_384, %broadcast_in_dim3A_386, %add3A_273] : memref<4x8x512xf32, #tpu.memory_space<vmem>>[vector<16xi32>, vector<16xi32>, vector<16xi32>], vector<16xf32>,
    %gather3A_388 = tpu.vector_load_idx %arg10[%broadcast_in_dim3A_384, %broadcast_in_dim3A_386, %add3A_280] : memref<4x8x512xf32, #tpu.memory_space<vmem>>[vector<16xi32>, vector<16xi32>, vector<16xi32>], vector<16xf32>,
    %mul3A_389 = arith.mulf %gather3A_387, %gather3A_388 : vector<16xf32>
    %add3A_390 = arith.addf %add3A_382, %mul3A_389 : vector<16xf32>
    %broadcast_in_dim3A_391 = arith.constant 1 : i32
    %broadcast_in_dim3A_392 = vector.broadcast %broadcast_in_dim3A_391 : i32 to vector<16xi32>
    %gather3A_393 = tpu.vector_load_idx %arg9[%broadcast_in_dim3A_384, %broadcast_in_dim3A_392, %add3A_273] : memref<4x8x512xf32, #tpu.memory_space<vmem>>[vector<16xi32>, vector<16xi32>, vector<16xi32>], vector<16xf32>,
    %gather3A_394 = tpu.vector_load_idx %arg10[%broadcast_in_dim3A_384, %broadcast_in_dim3A_392, %add3A_280] : memref<4x8x512xf32, #tpu.memory_space<vmem>>[vector<16xi32>, vector<16xi32>, vector<16xi32>], vector<16xf32>,
    %mul3A_395 = arith.mulf %gather3A_393, %gather3A_394 : vector<16xf32>
    %add3A_396 = arith.addf %add3A_390, %mul3A_395 : vector<16xf32>
    %broadcast_in_dim3A_397 = arith.constant 2 : i32
    %broadcast_in_dim3A_398 = vector.broadcast %broadcast_in_dim3A_397 : i32 to vector<16xi32>
    %gather3A_399 = tpu.vector_load_idx %arg9[%broadcast_in_dim3A_384, %broadcast_in_dim3A_398, %add3A_273] : memref<4x8x512xf32, #tpu.memory_space<vmem>>[vector<16xi32>, vector<16xi32>, vector<16xi32>], vector<16xf32>,
    %gather3A_400 = tpu.vector_load_idx %arg10[%broadcast_in_dim3A_384, %broadcast_in_dim3A_398, %add3A_280] : memref<4x8x512xf32, #tpu.memory_space<vmem>>[vector<16xi32>, vector<16xi32>, vector<16xi32>], vector<16xf32>,
    %mul3A_401 = arith.mulf %gather3A_399, %gather3A_400 : vector<16xf32>
    %add3A_402 = arith.addf %add3A_396, %mul3A_401 : vector<16xf32>
    %broadcast_in_dim3A_403 = arith.constant 3 : i32
    %broadcast_in_dim3A_404 = vector.broadcast %broadcast_in_dim3A_403 : i32 to vector<16xi32>
    %gather3A_405 = tpu.vector_load_idx %arg9[%broadcast_in_dim3A_384, %broadcast_in_dim3A_404, %add3A_273] : memref<4x8x512xf32, #tpu.memory_space<vmem>>[vector<16xi32>, vector<16xi32>, vector<16xi32>], vector<16xf32>,
    %gather3A_406 = tpu.vector_load_idx %arg10[%broadcast_in_dim3A_384, %broadcast_in_dim3A_404, %add3A_280] : memref<4x8x512xf32, #tpu.memory_space<vmem>>[vector<16xi32>, vector<16xi32>, vector<16xi32>], vector<16xf32>,
    %mul3A_407 = arith.mulf %gather3A_405, %gather3A_406 : vector<16xf32>
    %add3A_408 = arith.addf %add3A_402, %mul3A_407 : vector<16xf32>
    %broadcast_in_dim3A_409 = arith.constant 4 : i32
    %broadcast_in_dim3A_410 = vector.broadcast %broadcast_in_dim3A_409 : i32 to vector<16xi32>
    %gather3A_411 = tpu.vector_load_idx %arg9[%broadcast_in_dim3A_384, %broadcast_in_dim3A_410, %add3A_273] : memref<4x8x512xf32, #tpu.memory_space<vmem>>[vector<16xi32>, vector<16xi32>, vector<16xi32>], vector<16xf32>,
    %gather3A_412 = tpu.vector_load_idx %arg10[%broadcast_in_dim3A_384, %broadcast_in_dim3A_410, %add3A_280] : memref<4x8x512xf32, #tpu.memory_space<vmem>>[vector<16xi32>, vector<16xi32>, vector<16xi32>], vector<16xf32>,
    %mul3A_413 = arith.mulf %gather3A_411, %gather3A_412 : vector<16xf32>
    %add3A_414 = arith.addf %add3A_408, %mul3A_413 : vector<16xf32>
    %broadcast_in_dim3A_415 = arith.constant 5 : i32
    %broadcast_in_dim3A_416 = vector.broadcast %broadcast_in_dim3A_415 : i32 to vector<16xi32>
    %gather3A_417 = tpu.vector_load_idx %arg9[%broadcast_in_dim3A_384, %broadcast_in_dim3A_416, %add3A_273] : memref<4x8x512xf32, #tpu.memory_space<vmem>>[vector<16xi32>, vector<16xi32>, vector<16xi32>], vector<16xf32>,
    %gather3A_418 = tpu.vector_load_idx %arg10[%broadcast_in_dim3A_384, %broadcast_in_dim3A_416, %add3A_280] : memref<4x8x512xf32, #tpu.memory_space<vmem>>[vector<16xi32>, vector<16xi32>, vector<16xi32>], vector<16xf32>,
    %mul3A_419 = arith.mulf %gather3A_417, %gather3A_418 : vector<16xf32>
    %add3A_420 = arith.addf %add3A_414, %mul3A_419 : vector<16xf32>
    %broadcast_in_dim3A_421 = arith.constant 6 : i32
    %broadcast_in_dim3A_422 = vector.broadcast %broadcast_in_dim3A_421 : i32 to vector<16xi32>
    %gather3A_423 = tpu.vector_load_idx %arg9[%broadcast_in_dim3A_384, %broadcast_in_dim3A_422, %add3A_273] : memref<4x8x512xf32, #tpu.memory_space<vmem>>[vector<16xi32>, vector<16xi32>, vector<16xi32>], vector<16xf32>,
    %gather3A_424 = tpu.vector_load_idx %arg10[%broadcast_in_dim3A_384, %broadcast_in_dim3A_422, %add3A_280] : memref<4x8x512xf32, #tpu.memory_space<vmem>>[vector<16xi32>, vector<16xi32>, vector<16xi32>], vector<16xf32>,
    %mul3A_425 = arith.mulf %gather3A_423, %gather3A_424 : vector<16xf32>
    %add3A_426 = arith.addf %add3A_420, %mul3A_425 : vector<16xf32>
    %broadcast_in_dim3A_427 = arith.constant 7 : i32
    %broadcast_in_dim3A_428 = vector.broadcast %broadcast_in_dim3A_427 : i32 to vector<16xi32>
    %gather3A_429 = tpu.vector_load_idx %arg9[%broadcast_in_dim3A_384, %broadcast_in_dim3A_428, %add3A_273] : memref<4x8x512xf32, #tpu.memory_space<vmem>>[vector<16xi32>, vector<16xi32>, vector<16xi32>], vector<16xf32>,
    %gather3A_430 = tpu.vector_load_idx %arg10[%broadcast_in_dim3A_384, %broadcast_in_dim3A_428, %add3A_280] : memref<4x8x512xf32, #tpu.memory_space<vmem>>[vector<16xi32>, vector<16xi32>, vector<16xi32>], vector<16xf32>,
    %mul3A_431 = arith.mulf %gather3A_429, %gather3A_430 : vector<16xf32>
    %add3A_432 = arith.addf %add3A_426, %mul3A_431 : vector<16xf32>
    %broadcast_in_dim3A_433 = arith.constant 3 : i32
    %broadcast_in_dim3A_434 = vector.broadcast %broadcast_in_dim3A_433 : i32 to vector<16xi32>
    %broadcast_in_dim3A_435 = arith.constant 0 : i32
    %broadcast_in_dim3A_436 = vector.broadcast %broadcast_in_dim3A_435 : i32 to vector<16xi32>
    %gather3A_437 = tpu.vector_load_idx %arg9[%broadcast_in_dim3A_434, %broadcast_in_dim3A_436, %add3A_273] : memref<4x8x512xf32, #tpu.memory_space<vmem>>[vector<16xi32>, vector<16xi32>, vector<16xi32>], vector<16xf32>,
    %gather3A_438 = tpu.vector_load_idx %arg10[%broadcast_in_dim3A_434, %broadcast_in_dim3A_436, %add3A_280] : memref<4x8x512xf32, #tpu.memory_space<vmem>>[vector<16xi32>, vector<16xi32>, vector<16xi32>], vector<16xf32>,
    %mul3A_439 = arith.mulf %gather3A_437, %gather3A_438 : vector<16xf32>
    %add3A_440 = arith.addf %add3A_432, %mul3A_439 : vector<16xf32>
    %broadcast_in_dim3A_441 = arith.constant 1 : i32
    %broadcast_in_dim3A_442 = vector.broadcast %broadcast_in_dim3A_441 : i32 to vector<16xi32>
    %gather3A_443 = tpu.vector_load_idx %arg9[%broadcast_in_dim3A_434, %broadcast_in_dim3A_442, %add3A_273] : memref<4x8x512xf32, #tpu.memory_space<vmem>>[vector<16xi32>, vector<16xi32>, vector<16xi32>], vector<16xf32>,
    %gather3A_444 = tpu.vector_load_idx %arg10[%broadcast_in_dim3A_434, %broadcast_in_dim3A_442, %add3A_280] : memref<4x8x512xf32, #tpu.memory_space<vmem>>[vector<16xi32>, vector<16xi32>, vector<16xi32>], vector<16xf32>,
    %mul3A_445 = arith.mulf %gather3A_443, %gather3A_444 : vector<16xf32>
    %add3A_446 = arith.addf %add3A_440, %mul3A_445 : vector<16xf32>
    %broadcast_in_dim3A_447 = arith.constant 2 : i32
    %broadcast_in_dim3A_448 = vector.broadcast %broadcast_in_dim3A_447 : i32 to vector<16xi32>
    %gather3A_449 = tpu.vector_load_idx %arg9[%broadcast_in_dim3A_434, %broadcast_in_dim3A_448, %add3A_273] : memref<4x8x512xf32, #tpu.memory_space<vmem>>[vector<16xi32>, vector<16xi32>, vector<16xi32>], vector<16xf32>,
    %gather3A_450 = tpu.vector_load_idx %arg10[%broadcast_in_dim3A_434, %broadcast_in_dim3A_448, %add3A_280] : memref<4x8x512xf32, #tpu.memory_space<vmem>>[vector<16xi32>, vector<16xi32>, vector<16xi32>], vector<16xf32>,
    %mul3A_451 = arith.mulf %gather3A_449, %gather3A_450 : vector<16xf32>
    %add3A_452 = arith.addf %add3A_446, %mul3A_451 : vector<16xf32>
    %broadcast_in_dim3A_453 = arith.constant 3 : i32
    %broadcast_in_dim3A_454 = vector.broadcast %broadcast_in_dim3A_453 : i32 to vector<16xi32>
    %gather3A_455 = tpu.vector_load_idx %arg9[%broadcast_in_dim3A_434, %broadcast_in_dim3A_454, %add3A_273] : memref<4x8x512xf32, #tpu.memory_space<vmem>>[vector<16xi32>, vector<16xi32>, vector<16xi32>], vector<16xf32>,
    %gather3A_456 = tpu.vector_load_idx %arg10[%broadcast_in_dim3A_434, %broadcast_in_dim3A_454, %add3A_280] : memref<4x8x512xf32, #tpu.memory_space<vmem>>[vector<16xi32>, vector<16xi32>, vector<16xi32>], vector<16xf32>,
    %mul3A_457 = arith.mulf %gather3A_455, %gather3A_456 : vector<16xf32>
    %add3A_458 = arith.addf %add3A_452, %mul3A_457 : vector<16xf32>
    %broadcast_in_dim3A_459 = arith.constant 4 : i32
    %broadcast_in_dim3A_460 = vector.broadcast %broadcast_in_dim3A_459 : i32 to vector<16xi32>
    %gather3A_461 = tpu.vector_load_idx %arg9[%broadcast_in_dim3A_434, %broadcast_in_dim3A_460, %add3A_273] : memref<4x8x512xf32, #tpu.memory_space<vmem>>[vector<16xi32>, vector<16xi32>, vector<16xi32>], vector<16xf32>,
    %gather3A_462 = tpu.vector_load_idx %arg10[%broadcast_in_dim3A_434, %broadcast_in_dim3A_460, %add3A_280] : memref<4x8x512xf32, #tpu.memory_space<vmem>>[vector<16xi32>, vector<16xi32>, vector<16xi32>], vector<16xf32>,
    %mul3A_463 = arith.mulf %gather3A_461, %gather3A_462 : vector<16xf32>
    %add3A_464 = arith.addf %add3A_458, %mul3A_463 : vector<16xf32>
    %broadcast_in_dim3A_465 = arith.constant 5 : i32
    %broadcast_in_dim3A_466 = vector.broadcast %broadcast_in_dim3A_465 : i32 to vector<16xi32>
    %gather3A_467 = tpu.vector_load_idx %arg9[%broadcast_in_dim3A_434, %broadcast_in_dim3A_466, %add3A_273] : memref<4x8x512xf32, #tpu.memory_space<vmem>>[vector<16xi32>, vector<16xi32>, vector<16xi32>], vector<16xf32>,
    %gather3A_468 = tpu.vector_load_idx %arg10[%broadcast_in_dim3A_434, %broadcast_in_dim3A_466, %add3A_280] : memref<4x8x512xf32, #tpu.memory_space<vmem>>[vector<16xi32>, vector<16xi32>, vector<16xi32>], vector<16xf32>,
    %mul3A_469 = arith.mulf %gather3A_467, %gather3A_468 : vector<16xf32>
    %add3A_470 = arith.addf %add3A_464, %mul3A_469 : vector<16xf32>
    %broadcast_in_dim3A_471 = arith.constant 6 : i32
    %broadcast_in_dim3A_472 = vector.broadcast %broadcast_in_dim3A_471 : i32 to vector<16xi32>
    %gather3A_473 = tpu.vector_load_idx %arg9[%broadcast_in_dim3A_434, %broadcast_in_dim3A_472, %add3A_273] : memref<4x8x512xf32, #tpu.memory_space<vmem>>[vector<16xi32>, vector<16xi32>, vector<16xi32>], vector<16xf32>,
    %gather3A_474 = tpu.vector_load_idx %arg10[%broadcast_in_dim3A_434, %broadcast_in_dim3A_472, %add3A_280] : memref<4x8x512xf32, #tpu.memory_space<vmem>>[vector<16xi32>, vector<16xi32>, vector<16xi32>], vector<16xf32>,
    %mul3A_475 = arith.mulf %gather3A_473, %gather3A_474 : vector<16xf32>
    %add3A_476 = arith.addf %add3A_470, %mul3A_475 : vector<16xf32>
    %broadcast_in_dim3A_477 = arith.constant 7 : i32
    %broadcast_in_dim3A_478 = vector.broadcast %broadcast_in_dim3A_477 : i32 to vector<16xi32>
    %gather3A_479 = tpu.vector_load_idx %arg9[%broadcast_in_dim3A_434, %broadcast_in_dim3A_478, %add3A_273] : memref<4x8x512xf32, #tpu.memory_space<vmem>>[vector<16xi32>, vector<16xi32>, vector<16xi32>], vector<16xf32>,
    %gather3A_480 = tpu.vector_load_idx %arg10[%broadcast_in_dim3A_434, %broadcast_in_dim3A_478, %add3A_280] : memref<4x8x512xf32, #tpu.memory_space<vmem>>[vector<16xi32>, vector<16xi32>, vector<16xi32>], vector<16xf32>,
    %mul3A_481 = arith.mulf %gather3A_479, %gather3A_480 : vector<16xf32>
    %add3A_482 = arith.addf %add3A_476, %mul3A_481 : vector<16xf32>
    %swap3A_483 = arith.constant 464 : index
    %swap3A_484 = tpu.vector_load %arg13[%swap3A_483] {strides = array<i32>} : memref<512xf32, #tpu.memory_space<vmem>>, vector<16xf32>,
    tpu.vector_store %arg13[%swap3A_483], %add3A_482 {strides = array<i32>} : memref<512xf32, #tpu.memory_space<vmem>>, vector<16xf32>,
    %dma_wait3A_485 = arith.constant 0 : i32
    %dma_wait3A_486 = arith.constant 0 : i32
    %dma_wait3A_487 = arith.constant 0 : i32
    %dma_wait3A_488 = tpu.memref_slice %arg4[%dma_wait3A_485, %dma_wait3A_486, %dma_wait3A_487] : memref<4x8x1000000xf32, #tpu.memory_space<hbm>> -> memref<4x8x512xf32, #tpu.memory_space<hbm>>
    %dma_wait3A_489 = arith.constant 0 : i32
    %dma_wait3A_490 = arith.constant 0 : i32
    %dma_wait3A_491 = arith.constant 0 : i32
    %dma_wait3A_492 = tpu.memref_slice %arg4[%dma_wait3A_489, %dma_wait3A_490, %dma_wait3A_491] : memref<4x8x1000000xf32, #tpu.memory_space<hbm>> -> memref<4x8x512xf32, #tpu.memory_space<hbm>>
    tpu.wait_dma2 semaphore(%arg16 : memref<!tpu.dma_semaphore, #tpu.memory_space<semaphore_mem>>) src(%dma_wait3A_492 : memref<4x8x512xf32, #tpu.memory_space<hbm>>) dst(%arg11 : memref<4x8x512xf32, #tpu.memory_space<vmem>>)
    %dma_wait3A_493 = arith.constant 0 : i32
    %dma_wait3A_494 = arith.constant 0 : i32
    %dma_wait3A_495 = arith.constant 0 : i32
    %dma_wait3A_496 = tpu.memref_slice %arg5[%dma_wait3A_493, %dma_wait3A_494, %dma_wait3A_495] : memref<4x8x1000000xf32, #tpu.memory_space<hbm>> -> memref<4x8x512xf32, #tpu.memory_space<hbm>>
    %dma_wait3A_497 = arith.constant 0 : i32
    %dma_wait3A_498 = arith.constant 0 : i32
    %dma_wait3A_499 = arith.constant 0 : i32
    %dma_wait3A_500 = tpu.memref_slice %arg5[%dma_wait3A_497, %dma_wait3A_498, %dma_wait3A_499] : memref<4x8x1000000xf32, #tpu.memory_space<hbm>> -> memref<4x8x512xf32, #tpu.memory_space<hbm>>
    tpu.wait_dma2 semaphore(%arg17 : memref<!tpu.dma_semaphore, #tpu.memory_space<semaphore_mem>>) src(%dma_wait3A_500 : memref<4x8x512xf32, #tpu.memory_space<hbm>>) dst(%arg12 : memref<4x8x512xf32, #tpu.memory_space<vmem>>)
    %iota3A_501 = tpu.iota {dimensions = array<i32: 0>} : vector<16xi32>
    %mul3A_502 = arith.constant 16 : i32
    %mul3A_503 = vector.broadcast %mul3A_502 : i32 to vector<16xi32>
    %mul3A_504 = arith.muli %iota3A_501, %mul3A_503 : vector<16xi32>
    %get3A_505 = arith.constant 480 : index
    %get3A_506 = tpu.vector_load %arg7[%get3A_505] {strides = array<i32>} : memref<528xi32, #tpu.memory_space<vmem>>, vector<16xi32>,
    %get3A_507 = arith.constant 480 : index
    %get3A_508 = tpu.vector_load %arg8[%get3A_507] {strides = array<i32>} : memref<528xi32, #tpu.memory_space<vmem>>, vector<16xi32>,
    %add3A_509 = arith.constant 0 : i32
    %add3A_510 = vector.broadcast %add3A_509 : i32 to vector<16xi32>
    %add3A_511 = arith.addi %mul3A_504, %add3A_510 : vector<16xi32>
    %and3A_512 = arith.constant 15 : i32
    %and3A_513 = vector.broadcast %and3A_512 : i32 to vector<16xi32>
    %and3A_514 = arith.andi %get3A_506, %and3A_513 : vector<16xi32>
    %add3A_515 = arith.addi %add3A_511, %and3A_514 : vector<16xi32>
    %add3A_516 = arith.constant 0 : i32
    %add3A_517 = vector.broadcast %add3A_516 : i32 to vector<16xi32>
    %add3A_518 = arith.addi %mul3A_504, %add3A_517 : vector<16xi32>
    %and3A_519 = arith.constant 15 : i32
    %and3A_520 = vector.broadcast %and3A_519 : i32 to vector<16xi32>
    %and3A_521 = arith.andi %get3A_508, %and3A_520 : vector<16xi32>
    %add3A_522 = arith.addi %add3A_518, %and3A_521 : vector<16xi32>
    %broadcast_in_dim3A_523 = arith.constant 0.000000e+00 : f32
    %broadcast_in_dim3A_524 = vector.broadcast %broadcast_in_dim3A_523 : f32 to vector<16xf32>
    %broadcast_in_dim3A_525 = arith.constant 0 : i32
    %broadcast_in_dim3A_526 = vector.broadcast %broadcast_in_dim3A_525 : i32 to vector<16xi32>
    %broadcast_in_dim3A_527 = arith.constant 0 : i32
    %broadcast_in_dim3A_528 = vector.broadcast %broadcast_in_dim3A_527 : i32 to vector<16xi32>
    %gather3A_529 = tpu.vector_load_idx %arg11[%broadcast_in_dim3A_526, %broadcast_in_dim3A_528, %add3A_515] : memref<4x8x512xf32, #tpu.memory_space<vmem>>[vector<16xi32>, vector<16xi32>, vector<16xi32>], vector<16xf32>,
    %gather3A_530 = tpu.vector_load_idx %arg12[%broadcast_in_dim3A_526, %broadcast_in_dim3A_528, %add3A_522] : memref<4x8x512xf32, #tpu.memory_space<vmem>>[vector<16xi32>, vector<16xi32>, vector<16xi32>], vector<16xf32>,
    %mul3A_531 = arith.mulf %gather3A_529, %gather3A_530 : vector<16xf32>
    %add3A_532 = arith.addf %broadcast_in_dim3A_524, %mul3A_531 : vector<16xf32>
    %broadcast_in_dim3A_533 = arith.constant 1 : i32
    %broadcast_in_dim3A_534 = vector.broadcast %broadcast_in_dim3A_533 : i32 to vector<16xi32>
    %gather3A_535 = tpu.vector_load_idx %arg11[%broadcast_in_dim3A_526, %broadcast_in_dim3A_534, %add3A_515] : memref<4x8x512xf32, #tpu.memory_space<vmem>>[vector<16xi32>, vector<16xi32>, vector<16xi32>], vector<16xf32>,
    %gather3A_536 = tpu.vector_load_idx %arg12[%broadcast_in_dim3A_526, %broadcast_in_dim3A_534, %add3A_522] : memref<4x8x512xf32, #tpu.memory_space<vmem>>[vector<16xi32>, vector<16xi32>, vector<16xi32>], vector<16xf32>,
    %mul3A_537 = arith.mulf %gather3A_535, %gather3A_536 : vector<16xf32>
    %add3A_538 = arith.addf %add3A_532, %mul3A_537 : vector<16xf32>
    %broadcast_in_dim3A_539 = arith.constant 2 : i32
    %broadcast_in_dim3A_540 = vector.broadcast %broadcast_in_dim3A_539 : i32 to vector<16xi32>
    %gather3A_541 = tpu.vector_load_idx %arg11[%broadcast_in_dim3A_526, %broadcast_in_dim3A_540, %add3A_515] : memref<4x8x512xf32, #tpu.memory_space<vmem>>[vector<16xi32>, vector<16xi32>, vector<16xi32>], vector<16xf32>,
    %gather3A_542 = tpu.vector_load_idx %arg12[%broadcast_in_dim3A_526, %broadcast_in_dim3A_540, %add3A_522] : memref<4x8x512xf32, #tpu.memory_space<vmem>>[vector<16xi32>, vector<16xi32>, vector<16xi32>], vector<16xf32>,
    %mul3A_543 = arith.mulf %gather3A_541, %gather3A_542 : vector<16xf32>
    %add3A_544 = arith.addf %add3A_538, %mul3A_543 : vector<16xf32>
    %broadcast_in_dim3A_545 = arith.constant 3 : i32
    %broadcast_in_dim3A_546 = vector.broadcast %broadcast_in_dim3A_545 : i32 to vector<16xi32>
    %gather3A_547 = tpu.vector_load_idx %arg11[%broadcast_in_dim3A_526, %broadcast_in_dim3A_546, %add3A_515] : memref<4x8x512xf32, #tpu.memory_space<vmem>>[vector<16xi32>, vector<16xi32>, vector<16xi32>], vector<16xf32>,
    %gather3A_548 = tpu.vector_load_idx %arg12[%broadcast_in_dim3A_526, %broadcast_in_dim3A_546, %add3A_522] : memref<4x8x512xf32, #tpu.memory_space<vmem>>[vector<16xi32>, vector<16xi32>, vector<16xi32>], vector<16xf32>,
    %mul3A_549 = arith.mulf %gather3A_547, %gather3A_548 : vector<16xf32>
    %add3A_550 = arith.addf %add3A_544, %mul3A_549 : vector<16xf32>
    %broadcast_in_dim3A_551 = arith.constant 4 : i32
    %broadcast_in_dim3A_552 = vector.broadcast %broadcast_in_dim3A_551 : i32 to vector<16xi32>
    %gather3A_553 = tpu.vector_load_idx %arg11[%broadcast_in_dim3A_526, %broadcast_in_dim3A_552, %add3A_515] : memref<4x8x512xf32, #tpu.memory_space<vmem>>[vector<16xi32>, vector<16xi32>, vector<16xi32>], vector<16xf32>,
    %gather3A_554 = tpu.vector_load_idx %arg12[%broadcast_in_dim3A_526, %broadcast_in_dim3A_552, %add3A_522] : memref<4x8x512xf32, #tpu.memory_space<vmem>>[vector<16xi32>, vector<16xi32>, vector<16xi32>], vector<16xf32>,
    %mul3A_555 = arith.mulf %gather3A_553, %gather3A_554 : vector<16xf32>
    %add3A_556 = arith.addf %add3A_550, %mul3A_555 : vector<16xf32>
    %broadcast_in_dim3A_557 = arith.constant 5 : i32
    %broadcast_in_dim3A_558 = vector.broadcast %broadcast_in_dim3A_557 : i32 to vector<16xi32>
    %gather3A_559 = tpu.vector_load_idx %arg11[%broadcast_in_dim3A_526, %broadcast_in_dim3A_558, %add3A_515] : memref<4x8x512xf32, #tpu.memory_space<vmem>>[vector<16xi32>, vector<16xi32>, vector<16xi32>], vector<16xf32>,
    %gather3A_560 = tpu.vector_load_idx %arg12[%broadcast_in_dim3A_526, %broadcast_in_dim3A_558, %add3A_522] : memref<4x8x512xf32, #tpu.memory_space<vmem>>[vector<16xi32>, vector<16xi32>, vector<16xi32>], vector<16xf32>,
    %mul3A_561 = arith.mulf %gather3A_559, %gather3A_560 : vector<16xf32>
    %add3A_562 = arith.addf %add3A_556, %mul3A_561 : vector<16xf32>
    %broadcast_in_dim3A_563 = arith.constant 6 : i32
    %broadcast_in_dim3A_564 = vector.broadcast %broadcast_in_dim3A_563 : i32 to vector<16xi32>
    %gather3A_565 = tpu.vector_load_idx %arg11[%broadcast_in_dim3A_526, %broadcast_in_dim3A_564, %add3A_515] : memref<4x8x512xf32, #tpu.memory_space<vmem>>[vector<16xi32>, vector<16xi32>, vector<16xi32>], vector<16xf32>,
    %gather3A_566 = tpu.vector_load_idx %arg12[%broadcast_in_dim3A_526, %broadcast_in_dim3A_564, %add3A_522] : memref<4x8x512xf32, #tpu.memory_space<vmem>>[vector<16xi32>, vector<16xi32>, vector<16xi32>], vector<16xf32>,
    %mul3A_567 = arith.mulf %gather3A_565, %gather3A_566 : vector<16xf32>
    %add3A_568 = arith.addf %add3A_562, %mul3A_567 : vector<16xf32>
    %broadcast_in_dim3A_569 = arith.constant 7 : i32
    %broadcast_in_dim3A_570 = vector.broadcast %broadcast_in_dim3A_569 : i32 to vector<16xi32>
    %gather3A_571 = tpu.vector_load_idx %arg11[%broadcast_in_dim3A_526, %broadcast_in_dim3A_570, %add3A_515] : memref<4x8x512xf32, #tpu.memory_space<vmem>>[vector<16xi32>, vector<16xi32>, vector<16xi32>], vector<16xf32>,
    %gather3A_572 = tpu.vector_load_idx %arg12[%broadcast_in_dim3A_526, %broadcast_in_dim3A_570, %add3A_522] : memref<4x8x512xf32, #tpu.memory_space<vmem>>[vector<16xi32>, vector<16xi32>, vector<16xi32>], vector<16xf32>,
    %mul3A_573 = arith.mulf %gather3A_571, %gather3A_572 : vector<16xf32>
    %add3A_574 = arith.addf %add3A_568, %mul3A_573 : vector<16xf32>
    %broadcast_in_dim3A_575 = arith.constant 1 : i32
    %broadcast_in_dim3A_576 = vector.broadcast %broadcast_in_dim3A_575 : i32 to vector<16xi32>
    %broadcast_in_dim3A_577 = arith.constant 0 : i32
    %broadcast_in_dim3A_578 = vector.broadcast %broadcast_in_dim3A_577 : i32 to vector<16xi32>
    %gather3A_579 = tpu.vector_load_idx %arg11[%broadcast_in_dim3A_576, %broadcast_in_dim3A_578, %add3A_515] : memref<4x8x512xf32, #tpu.memory_space<vmem>>[vector<16xi32>, vector<16xi32>, vector<16xi32>], vector<16xf32>,
    %gather3A_580 = tpu.vector_load_idx %arg12[%broadcast_in_dim3A_576, %broadcast_in_dim3A_578, %add3A_522] : memref<4x8x512xf32, #tpu.memory_space<vmem>>[vector<16xi32>, vector<16xi32>, vector<16xi32>], vector<16xf32>,
    %mul3A_581 = arith.mulf %gather3A_579, %gather3A_580 : vector<16xf32>
    %add3A_582 = arith.addf %add3A_574, %mul3A_581 : vector<16xf32>
    %broadcast_in_dim3A_583 = arith.constant 1 : i32
    %broadcast_in_dim3A_584 = vector.broadcast %broadcast_in_dim3A_583 : i32 to vector<16xi32>
    %gather3A_585 = tpu.vector_load_idx %arg11[%broadcast_in_dim3A_576, %broadcast_in_dim3A_584, %add3A_515] : memref<4x8x512xf32, #tpu.memory_space<vmem>>[vector<16xi32>, vector<16xi32>, vector<16xi32>], vector<16xf32>,
    %gather3A_586 = tpu.vector_load_idx %arg12[%broadcast_in_dim3A_576, %broadcast_in_dim3A_584, %add3A_522] : memref<4x8x512xf32, #tpu.memory_space<vmem>>[vector<16xi32>, vector<16xi32>, vector<16xi32>], vector<16xf32>,
    %mul3A_587 = arith.mulf %gather3A_585, %gather3A_586 : vector<16xf32>
    %add3A_588 = arith.addf %add3A_582, %mul3A_587 : vector<16xf32>
    %broadcast_in_dim3A_589 = arith.constant 2 : i32
    %broadcast_in_dim3A_590 = vector.broadcast %broadcast_in_dim3A_589 : i32 to vector<16xi32>
    %gather3A_591 = tpu.vector_load_idx %arg11[%broadcast_in_dim3A_576, %broadcast_in_dim3A_590, %add3A_515] : memref<4x8x512xf32, #tpu.memory_space<vmem>>[vector<16xi32>, vector<16xi32>, vector<16xi32>], vector<16xf32>,
    %gather3A_592 = tpu.vector_load_idx %arg12[%broadcast_in_dim3A_576, %broadcast_in_dim3A_590, %add3A_522] : memref<4x8x512xf32, #tpu.memory_space<vmem>>[vector<16xi32>, vector<16xi32>, vector<16xi32>], vector<16xf32>,
    %mul3A_593 = arith.mulf %gather3A_591, %gather3A_592 : vector<16xf32>
    %add3A_594 = arith.addf %add3A_588, %mul3A_593 : vector<16xf32>
    %broadcast_in_dim3A_595 = arith.constant 3 : i32
    %broadcast_in_dim3A_596 = vector.broadcast %broadcast_in_dim3A_595 : i32 to vector<16xi32>
    %gather3A_597 = tpu.vector_load_idx %arg11[%broadcast_in_dim3A_576, %broadcast_in_dim3A_596, %add3A_515] : memref<4x8x512xf32, #tpu.memory_space<vmem>>[vector<16xi32>, vector<16xi32>, vector<16xi32>], vector<16xf32>,
    %gather3A_598 = tpu.vector_load_idx %arg12[%broadcast_in_dim3A_576, %broadcast_in_dim3A_596, %add3A_522] : memref<4x8x512xf32, #tpu.memory_space<vmem>>[vector<16xi32>, vector<16xi32>, vector<16xi32>], vector<16xf32>,
    %mul3A_599 = arith.mulf %gather3A_597, %gather3A_598 : vector<16xf32>
    %add3A_600 = arith.addf %add3A_594, %mul3A_599 : vector<16xf32>
    %broadcast_in_dim3A_601 = arith.constant 4 : i32
    %broadcast_in_dim3A_602 = vector.broadcast %broadcast_in_dim3A_601 : i32 to vector<16xi32>
    %gather3A_603 = tpu.vector_load_idx %arg11[%broadcast_in_dim3A_576, %broadcast_in_dim3A_602, %add3A_515] : memref<4x8x512xf32, #tpu.memory_space<vmem>>[vector<16xi32>, vector<16xi32>, vector<16xi32>], vector<16xf32>,
    %gather3A_604 = tpu.vector_load_idx %arg12[%broadcast_in_dim3A_576, %broadcast_in_dim3A_602, %add3A_522] : memref<4x8x512xf32, #tpu.memory_space<vmem>>[vector<16xi32>, vector<16xi32>, vector<16xi32>], vector<16xf32>,
    %mul3A_605 = arith.mulf %gather3A_603, %gather3A_604 : vector<16xf32>
    %add3A_606 = arith.addf %add3A_600, %mul3A_605 : vector<16xf32>
    %broadcast_in_dim3A_607 = arith.constant 5 : i32
    %broadcast_in_dim3A_608 = vector.broadcast %broadcast_in_dim3A_607 : i32 to vector<16xi32>
    %gather3A_609 = tpu.vector_load_idx %arg11[%broadcast_in_dim3A_576, %broadcast_in_dim3A_608, %add3A_515] : memref<4x8x512xf32, #tpu.memory_space<vmem>>[vector<16xi32>, vector<16xi32>, vector<16xi32>], vector<16xf32>,
    %gather3A_610 = tpu.vector_load_idx %arg12[%broadcast_in_dim3A_576, %broadcast_in_dim3A_608, %add3A_522] : memref<4x8x512xf32, #tpu.memory_space<vmem>>[vector<16xi32>, vector<16xi32>, vector<16xi32>], vector<16xf32>,
    %mul3A_611 = arith.mulf %gather3A_609, %gather3A_610 : vector<16xf32>
    %add3A_612 = arith.addf %add3A_606, %mul3A_611 : vector<16xf32>
    %broadcast_in_dim3A_613 = arith.constant 6 : i32
    %broadcast_in_dim3A_614 = vector.broadcast %broadcast_in_dim3A_613 : i32 to vector<16xi32>
    %gather3A_615 = tpu.vector_load_idx %arg11[%broadcast_in_dim3A_576, %broadcast_in_dim3A_614, %add3A_515] : memref<4x8x512xf32, #tpu.memory_space<vmem>>[vector<16xi32>, vector<16xi32>, vector<16xi32>], vector<16xf32>,
    %gather3A_616 = tpu.vector_load_idx %arg12[%broadcast_in_dim3A_576, %broadcast_in_dim3A_614, %add3A_522] : memref<4x8x512xf32, #tpu.memory_space<vmem>>[vector<16xi32>, vector<16xi32>, vector<16xi32>], vector<16xf32>,
    %mul3A_617 = arith.mulf %gather3A_615, %gather3A_616 : vector<16xf32>
    %add3A_618 = arith.addf %add3A_612, %mul3A_617 : vector<16xf32>
    %broadcast_in_dim3A_619 = arith.constant 7 : i32
    %broadcast_in_dim3A_620 = vector.broadcast %broadcast_in_dim3A_619 : i32 to vector<16xi32>
    %gather3A_621 = tpu.vector_load_idx %arg11[%broadcast_in_dim3A_576, %broadcast_in_dim3A_620, %add3A_515] : memref<4x8x512xf32, #tpu.memory_space<vmem>>[vector<16xi32>, vector<16xi32>, vector<16xi32>], vector<16xf32>,
    %gather3A_622 = tpu.vector_load_idx %arg12[%broadcast_in_dim3A_576, %broadcast_in_dim3A_620, %add3A_522] : memref<4x8x512xf32, #tpu.memory_space<vmem>>[vector<16xi32>, vector<16xi32>, vector<16xi32>], vector<16xf32>,
    %mul3A_623 = arith.mulf %gather3A_621, %gather3A_622 : vector<16xf32>
    %add3A_624 = arith.addf %add3A_618, %mul3A_623 : vector<16xf32>
    %broadcast_in_dim3A_625 = arith.constant 2 : i32
    %broadcast_in_dim3A_626 = vector.broadcast %broadcast_in_dim3A_625 : i32 to vector<16xi32>
    %broadcast_in_dim3A_627 = arith.constant 0 : i32
    %broadcast_in_dim3A_628 = vector.broadcast %broadcast_in_dim3A_627 : i32 to vector<16xi32>
    %gather3A_629 = tpu.vector_load_idx %arg11[%broadcast_in_dim3A_626, %broadcast_in_dim3A_628, %add3A_515] : memref<4x8x512xf32, #tpu.memory_space<vmem>>[vector<16xi32>, vector<16xi32>, vector<16xi32>], vector<16xf32>,
    %gather3A_630 = tpu.vector_load_idx %arg12[%broadcast_in_dim3A_626, %broadcast_in_dim3A_628, %add3A_522] : memref<4x8x512xf32, #tpu.memory_space<vmem>>[vector<16xi32>, vector<16xi32>, vector<16xi32>], vector<16xf32>,
    %mul3A_631 = arith.mulf %gather3A_629, %gather3A_630 : vector<16xf32>
    %add3A_632 = arith.addf %add3A_624, %mul3A_631 : vector<16xf32>
    %broadcast_in_dim3A_633 = arith.constant 1 : i32
    %broadcast_in_dim3A_634 = vector.broadcast %broadcast_in_dim3A_633 : i32 to vector<16xi32>
    %gather3A_635 = tpu.vector_load_idx %arg11[%broadcast_in_dim3A_626, %broadcast_in_dim3A_634, %add3A_515] : memref<4x8x512xf32, #tpu.memory_space<vmem>>[vector<16xi32>, vector<16xi32>, vector<16xi32>], vector<16xf32>,
    %gather3A_636 = tpu.vector_load_idx %arg12[%broadcast_in_dim3A_626, %broadcast_in_dim3A_634, %add3A_522] : memref<4x8x512xf32, #tpu.memory_space<vmem>>[vector<16xi32>, vector<16xi32>, vector<16xi32>], vector<16xf32>,
    %mul3A_637 = arith.mulf %gather3A_635, %gather3A_636 : vector<16xf32>
    %add3A_638 = arith.addf %add3A_632, %mul3A_637 : vector<16xf32>
    %broadcast_in_dim3A_639 = arith.constant 2 : i32
    %broadcast_in_dim3A_640 = vector.broadcast %broadcast_in_dim3A_639 : i32 to vector<16xi32>
    %gather3A_641 = tpu.vector_load_idx %arg11[%broadcast_in_dim3A_626, %broadcast_in_dim3A_640, %add3A_515] : memref<4x8x512xf32, #tpu.memory_space<vmem>>[vector<16xi32>, vector<16xi32>, vector<16xi32>], vector<16xf32>,
    %gather3A_642 = tpu.vector_load_idx %arg12[%broadcast_in_dim3A_626, %broadcast_in_dim3A_640, %add3A_522] : memref<4x8x512xf32, #tpu.memory_space<vmem>>[vector<16xi32>, vector<16xi32>, vector<16xi32>], vector<16xf32>,
    %mul3A_643 = arith.mulf %gather3A_641, %gather3A_642 : vector<16xf32>
    %add3A_644 = arith.addf %add3A_638, %mul3A_643 : vector<16xf32>
    %broadcast_in_dim3A_645 = arith.constant 3 : i32
    %broadcast_in_dim3A_646 = vector.broadcast %broadcast_in_dim3A_645 : i32 to vector<16xi32>
    %gather3A_647 = tpu.vector_load_idx %arg11[%broadcast_in_dim3A_626, %broadcast_in_dim3A_646, %add3A_515] : memref<4x8x512xf32, #tpu.memory_space<vmem>>[vector<16xi32>, vector<16xi32>, vector<16xi32>], vector<16xf32>,
    %gather3A_648 = tpu.vector_load_idx %arg12[%broadcast_in_dim3A_626, %broadcast_in_dim3A_646, %add3A_522] : memref<4x8x512xf32, #tpu.memory_space<vmem>>[vector<16xi32>, vector<16xi32>, vector<16xi32>], vector<16xf32>,
    %mul3A_649 = arith.mulf %gather3A_647, %gather3A_648 : vector<16xf32>
    %add3A_650 = arith.addf %add3A_644, %mul3A_649 : vector<16xf32>
    %broadcast_in_dim3A_651 = arith.constant 4 : i32
    %broadcast_in_dim3A_652 = vector.broadcast %broadcast_in_dim3A_651 : i32 to vector<16xi32>
    %gather3A_653 = tpu.vector_load_idx %arg11[%broadcast_in_dim3A_626, %broadcast_in_dim3A_652, %add3A_515] : memref<4x8x512xf32, #tpu.memory_space<vmem>>[vector<16xi32>, vector<16xi32>, vector<16xi32>], vector<16xf32>,
    %gather3A_654 = tpu.vector_load_idx %arg12[%broadcast_in_dim3A_626, %broadcast_in_dim3A_652, %add3A_522] : memref<4x8x512xf32, #tpu.memory_space<vmem>>[vector<16xi32>, vector<16xi32>, vector<16xi32>], vector<16xf32>,
    %mul3A_655 = arith.mulf %gather3A_653, %gather3A_654 : vector<16xf32>
    %add3A_656 = arith.addf %add3A_650, %mul3A_655 : vector<16xf32>
    %broadcast_in_dim3A_657 = arith.constant 5 : i32
    %broadcast_in_dim3A_658 = vector.broadcast %broadcast_in_dim3A_657 : i32 to vector<16xi32>
    %gather3A_659 = tpu.vector_load_idx %arg11[%broadcast_in_dim3A_626, %broadcast_in_dim3A_658, %add3A_515] : memref<4x8x512xf32, #tpu.memory_space<vmem>>[vector<16xi32>, vector<16xi32>, vector<16xi32>], vector<16xf32>,
    %gather3A_660 = tpu.vector_load_idx %arg12[%broadcast_in_dim3A_626, %broadcast_in_dim3A_658, %add3A_522] : memref<4x8x512xf32, #tpu.memory_space<vmem>>[vector<16xi32>, vector<16xi32>, vector<16xi32>], vector<16xf32>,
    %mul3A_661 = arith.mulf %gather3A_659, %gather3A_660 : vector<16xf32>
    %add3A_662 = arith.addf %add3A_656, %mul3A_661 : vector<16xf32>
    %broadcast_in_dim3A_663 = arith.constant 6 : i32
    %broadcast_in_dim3A_664 = vector.broadcast %broadcast_in_dim3A_663 : i32 to vector<16xi32>
    %gather3A_665 = tpu.vector_load_idx %arg11[%broadcast_in_dim3A_626, %broadcast_in_dim3A_664, %add3A_515] : memref<4x8x512xf32, #tpu.memory_space<vmem>>[vector<16xi32>, vector<16xi32>, vector<16xi32>], vector<16xf32>,
    %gather3A_666 = tpu.vector_load_idx %arg12[%broadcast_in_dim3A_626, %broadcast_in_dim3A_664, %add3A_522] : memref<4x8x512xf32, #tpu.memory_space<vmem>>[vector<16xi32>, vector<16xi32>, vector<16xi32>], vector<16xf32>,
    %mul3A_667 = arith.mulf %gather3A_665, %gather3A_666 : vector<16xf32>
    %add3A_668 = arith.addf %add3A_662, %mul3A_667 : vector<16xf32>
    %broadcast_in_dim3A_669 = arith.constant 7 : i32
    %broadcast_in_dim3A_670 = vector.broadcast %broadcast_in_dim3A_669 : i32 to vector<16xi32>
    %gather3A_671 = tpu.vector_load_idx %arg11[%broadcast_in_dim3A_626, %broadcast_in_dim3A_670, %add3A_515] : memref<4x8x512xf32, #tpu.memory_space<vmem>>[vector<16xi32>, vector<16xi32>, vector<16xi32>], vector<16xf32>,
    %gather3A_672 = tpu.vector_load_idx %arg12[%broadcast_in_dim3A_626, %broadcast_in_dim3A_670, %add3A_522] : memref<4x8x512xf32, #tpu.memory_space<vmem>>[vector<16xi32>, vector<16xi32>, vector<16xi32>], vector<16xf32>,
    %mul3A_673 = arith.mulf %gather3A_671, %gather3A_672 : vector<16xf32>
    %add3A_674 = arith.addf %add3A_668, %mul3A_673 : vector<16xf32>
    %broadcast_in_dim3A_675 = arith.constant 3 : i32
    %broadcast_in_dim3A_676 = vector.broadcast %broadcast_in_dim3A_675 : i32 to vector<16xi32>
    %broadcast_in_dim3A_677 = arith.constant 0 : i32
    %broadcast_in_dim3A_678 = vector.broadcast %broadcast_in_dim3A_677 : i32 to vector<16xi32>
    %gather3A_679 = tpu.vector_load_idx %arg11[%broadcast_in_dim3A_676, %broadcast_in_dim3A_678, %add3A_515] : memref<4x8x512xf32, #tpu.memory_space<vmem>>[vector<16xi32>, vector<16xi32>, vector<16xi32>], vector<16xf32>,
    %gather3A_680 = tpu.vector_load_idx %arg12[%broadcast_in_dim3A_676, %broadcast_in_dim3A_678, %add3A_522] : memref<4x8x512xf32, #tpu.memory_space<vmem>>[vector<16xi32>, vector<16xi32>, vector<16xi32>], vector<16xf32>,
    %mul3A_681 = arith.mulf %gather3A_679, %gather3A_680 : vector<16xf32>
    %add3A_682 = arith.addf %add3A_674, %mul3A_681 : vector<16xf32>
    %broadcast_in_dim3A_683 = arith.constant 1 : i32
    %broadcast_in_dim3A_684 = vector.broadcast %broadcast_in_dim3A_683 : i32 to vector<16xi32>
    %gather3A_685 = tpu.vector_load_idx %arg11[%broadcast_in_dim3A_676, %broadcast_in_dim3A_684, %add3A_515] : memref<4x8x512xf32, #tpu.memory_space<vmem>>[vector<16xi32>, vector<16xi32>, vector<16xi32>], vector<16xf32>,
    %gather3A_686 = tpu.vector_load_idx %arg12[%broadcast_in_dim3A_676, %broadcast_in_dim3A_684, %add3A_522] : memref<4x8x512xf32, #tpu.memory_space<vmem>>[vector<16xi32>, vector<16xi32>, vector<16xi32>], vector<16xf32>,
    %mul3A_687 = arith.mulf %gather3A_685, %gather3A_686 : vector<16xf32>
    %add3A_688 = arith.addf %add3A_682, %mul3A_687 : vector<16xf32>
    %broadcast_in_dim3A_689 = arith.constant 2 : i32
    %broadcast_in_dim3A_690 = vector.broadcast %broadcast_in_dim3A_689 : i32 to vector<16xi32>
    %gather3A_691 = tpu.vector_load_idx %arg11[%broadcast_in_dim3A_676, %broadcast_in_dim3A_690, %add3A_515] : memref<4x8x512xf32, #tpu.memory_space<vmem>>[vector<16xi32>, vector<16xi32>, vector<16xi32>], vector<16xf32>,
    %gather3A_692 = tpu.vector_load_idx %arg12[%broadcast_in_dim3A_676, %broadcast_in_dim3A_690, %add3A_522] : memref<4x8x512xf32, #tpu.memory_space<vmem>>[vector<16xi32>, vector<16xi32>, vector<16xi32>], vector<16xf32>,
    %mul3A_693 = arith.mulf %gather3A_691, %gather3A_692 : vector<16xf32>
    %add3A_694 = arith.addf %add3A_688, %mul3A_693 : vector<16xf32>
    %broadcast_in_dim3A_695 = arith.constant 3 : i32
    %broadcast_in_dim3A_696 = vector.broadcast %broadcast_in_dim3A_695 : i32 to vector<16xi32>
    %gather3A_697 = tpu.vector_load_idx %arg11[%broadcast_in_dim3A_676, %broadcast_in_dim3A_696, %add3A_515] : memref<4x8x512xf32, #tpu.memory_space<vmem>>[vector<16xi32>, vector<16xi32>, vector<16xi32>], vector<16xf32>,
    %gather3A_698 = tpu.vector_load_idx %arg12[%broadcast_in_dim3A_676, %broadcast_in_dim3A_696, %add3A_522] : memref<4x8x512xf32, #tpu.memory_space<vmem>>[vector<16xi32>, vector<16xi32>, vector<16xi32>], vector<16xf32>,
    %mul3A_699 = arith.mulf %gather3A_697, %gather3A_698 : vector<16xf32>
    %add3A_700 = arith.addf %add3A_694, %mul3A_699 : vector<16xf32>
    %broadcast_in_dim3A_701 = arith.constant 4 : i32
    %broadcast_in_dim3A_702 = vector.broadcast %broadcast_in_dim3A_701 : i32 to vector<16xi32>
    %gather3A_703 = tpu.vector_load_idx %arg11[%broadcast_in_dim3A_676, %broadcast_in_dim3A_702, %add3A_515] : memref<4x8x512xf32, #tpu.memory_space<vmem>>[vector<16xi32>, vector<16xi32>, vector<16xi32>], vector<16xf32>,
    %gather3A_704 = tpu.vector_load_idx %arg12[%broadcast_in_dim3A_676, %broadcast_in_dim3A_702, %add3A_522] : memref<4x8x512xf32, #tpu.memory_space<vmem>>[vector<16xi32>, vector<16xi32>, vector<16xi32>], vector<16xf32>,
    %mul3A_705 = arith.mulf %gather3A_703, %gather3A_704 : vector<16xf32>
    %add3A_706 = arith.addf %add3A_700, %mul3A_705 : vector<16xf32>
    %broadcast_in_dim3A_707 = arith.constant 5 : i32
    %broadcast_in_dim3A_708 = vector.broadcast %broadcast_in_dim3A_707 : i32 to vector<16xi32>
    %gather3A_709 = tpu.vector_load_idx %arg11[%broadcast_in_dim3A_676, %broadcast_in_dim3A_708, %add3A_515] : memref<4x8x512xf32, #tpu.memory_space<vmem>>[vector<16xi32>, vector<16xi32>, vector<16xi32>], vector<16xf32>,
    %gather3A_710 = tpu.vector_load_idx %arg12[%broadcast_in_dim3A_676, %broadcast_in_dim3A_708, %add3A_522] : memref<4x8x512xf32, #tpu.memory_space<vmem>>[vector<16xi32>, vector<16xi32>, vector<16xi32>], vector<16xf32>,
    %mul3A_711 = arith.mulf %gather3A_709, %gather3A_710 : vector<16xf32>
    %add3A_712 = arith.addf %add3A_706, %mul3A_711 : vector<16xf32>
    %broadcast_in_dim3A_713 = arith.constant 6 : i32
    %broadcast_in_dim3A_714 = vector.broadcast %broadcast_in_dim3A_713 : i32 to vector<16xi32>
    %gather3A_715 = tpu.vector_load_idx %arg11[%broadcast_in_dim3A_676, %broadcast_in_dim3A_714, %add3A_515] : memref<4x8x512xf32, #tpu.memory_space<vmem>>[vector<16xi32>, vector<16xi32>, vector<16xi32>], vector<16xf32>,
    %gather3A_716 = tpu.vector_load_idx %arg12[%broadcast_in_dim3A_676, %broadcast_in_dim3A_714, %add3A_522] : memref<4x8x512xf32, #tpu.memory_space<vmem>>[vector<16xi32>, vector<16xi32>, vector<16xi32>], vector<16xf32>,
    %mul3A_717 = arith.mulf %gather3A_715, %gather3A_716 : vector<16xf32>
    %add3A_718 = arith.addf %add3A_712, %mul3A_717 : vector<16xf32>
    %broadcast_in_dim3A_719 = arith.constant 7 : i32
    %broadcast_in_dim3A_720 = vector.broadcast %broadcast_in_dim3A_719 : i32 to vector<16xi32>
    %gather3A_721 = tpu.vector_load_idx %arg11[%broadcast_in_dim3A_676, %broadcast_in_dim3A_720, %add3A_515] : memref<4x8x512xf32, #tpu.memory_space<vmem>>[vector<16xi32>, vector<16xi32>, vector<16xi32>], vector<16xf32>,
    %gather3A_722 = tpu.vector_load_idx %arg12[%broadcast_in_dim3A_676, %broadcast_in_dim3A_720, %add3A_522] : memref<4x8x512xf32, #tpu.memory_space<vmem>>[vector<16xi32>, vector<16xi32>, vector<16xi32>], vector<16xf32>,
    %mul3A_723 = arith.mulf %gather3A_721, %gather3A_722 : vector<16xf32>
    %add3A_724 = arith.addf %add3A_718, %mul3A_723 : vector<16xf32>
    %swap3A_725 = arith.constant 480 : index
    %swap3A_726 = tpu.vector_load %arg13[%swap3A_725] {strides = array<i32>} : memref<512xf32, #tpu.memory_space<vmem>>, vector<16xf32>,
    tpu.vector_store %arg13[%swap3A_725], %add3A_724 {strides = array<i32>} : memref<512xf32, #tpu.memory_space<vmem>>, vector<16xf32>,
    %get3A_727 = arith.constant 496 : index
    %get3A_728 = tpu.vector_load %arg7[%get3A_727] {strides = array<i32>} : memref<528xi32, #tpu.memory_space<vmem>>, vector<16xi32>,
    %get3A_729 = arith.constant 496 : index
    %get3A_730 = tpu.vector_load %arg8[%get3A_729] {strides = array<i32>} : memref<528xi32, #tpu.memory_space<vmem>>, vector<16xi32>,
    %add3A_731 = arith.constant 256 : i32
    %add3A_732 = vector.broadcast %add3A_731 : i32 to vector<16xi32>
    %add3A_733 = arith.addi %mul3A_504, %add3A_732 : vector<16xi32>
    %and3A_734 = arith.constant 15 : i32
    %and3A_735 = vector.broadcast %and3A_734 : i32 to vector<16xi32>
    %and3A_736 = arith.andi %get3A_728, %and3A_735 : vector<16xi32>
    %add3A_737 = arith.addi %add3A_733, %and3A_736 : vector<16xi32>
    %add3A_738 = arith.constant 256 : i32
    %add3A_739 = vector.broadcast %add3A_738 : i32 to vector<16xi32>
    %add3A_740 = arith.addi %mul3A_504, %add3A_739 : vector<16xi32>
    %and3A_741 = arith.constant 15 : i32
    %and3A_742 = vector.broadcast %and3A_741 : i32 to vector<16xi32>
    %and3A_743 = arith.andi %get3A_730, %and3A_742 : vector<16xi32>
    %add3A_744 = arith.addi %add3A_740, %and3A_743 : vector<16xi32>
    %broadcast_in_dim3A_745 = arith.constant 0.000000e+00 : f32
    %broadcast_in_dim3A_746 = vector.broadcast %broadcast_in_dim3A_745 : f32 to vector<16xf32>
    %broadcast_in_dim3A_747 = arith.constant 0 : i32
    %broadcast_in_dim3A_748 = vector.broadcast %broadcast_in_dim3A_747 : i32 to vector<16xi32>
    %broadcast_in_dim3A_749 = arith.constant 0 : i32
    %broadcast_in_dim3A_750 = vector.broadcast %broadcast_in_dim3A_749 : i32 to vector<16xi32>
    %gather3A_751 = tpu.vector_load_idx %arg11[%broadcast_in_dim3A_748, %broadcast_in_dim3A_750, %add3A_737] : memref<4x8x512xf32, #tpu.memory_space<vmem>>[vector<16xi32>, vector<16xi32>, vector<16xi32>], vector<16xf32>,
    %gather3A_752 = tpu.vector_load_idx %arg12[%broadcast_in_dim3A_748, %broadcast_in_dim3A_750, %add3A_744] : memref<4x8x512xf32, #tpu.memory_space<vmem>>[vector<16xi32>, vector<16xi32>, vector<16xi32>], vector<16xf32>,
    %mul3A_753 = arith.mulf %gather3A_751, %gather3A_752 : vector<16xf32>
    %add3A_754 = arith.addf %broadcast_in_dim3A_746, %mul3A_753 : vector<16xf32>
    %broadcast_in_dim3A_755 = arith.constant 1 : i32
    %broadcast_in_dim3A_756 = vector.broadcast %broadcast_in_dim3A_755 : i32 to vector<16xi32>
    %gather3A_757 = tpu.vector_load_idx %arg11[%broadcast_in_dim3A_748, %broadcast_in_dim3A_756, %add3A_737] : memref<4x8x512xf32, #tpu.memory_space<vmem>>[vector<16xi32>, vector<16xi32>, vector<16xi32>], vector<16xf32>,
    %gather3A_758 = tpu.vector_load_idx %arg12[%broadcast_in_dim3A_748, %broadcast_in_dim3A_756, %add3A_744] : memref<4x8x512xf32, #tpu.memory_space<vmem>>[vector<16xi32>, vector<16xi32>, vector<16xi32>], vector<16xf32>,
    %mul3A_759 = arith.mulf %gather3A_757, %gather3A_758 : vector<16xf32>
    %add3A_760 = arith.addf %add3A_754, %mul3A_759 : vector<16xf32>
    %broadcast_in_dim3A_761 = arith.constant 2 : i32
    %broadcast_in_dim3A_762 = vector.broadcast %broadcast_in_dim3A_761 : i32 to vector<16xi32>
    %gather3A_763 = tpu.vector_load_idx %arg11[%broadcast_in_dim3A_748, %broadcast_in_dim3A_762, %add3A_737] : memref<4x8x512xf32, #tpu.memory_space<vmem>>[vector<16xi32>, vector<16xi32>, vector<16xi32>], vector<16xf32>,
    %gather3A_764 = tpu.vector_load_idx %arg12[%broadcast_in_dim3A_748, %broadcast_in_dim3A_762, %add3A_744] : memref<4x8x512xf32, #tpu.memory_space<vmem>>[vector<16xi32>, vector<16xi32>, vector<16xi32>], vector<16xf32>,
    %mul3A_765 = arith.mulf %gather3A_763, %gather3A_764 : vector<16xf32>
    %add3A_766 = arith.addf %add3A_760, %mul3A_765 : vector<16xf32>
    %broadcast_in_dim3A_767 = arith.constant 3 : i32
    %broadcast_in_dim3A_768 = vector.broadcast %broadcast_in_dim3A_767 : i32 to vector<16xi32>
    %gather3A_769 = tpu.vector_load_idx %arg11[%broadcast_in_dim3A_748, %broadcast_in_dim3A_768, %add3A_737] : memref<4x8x512xf32, #tpu.memory_space<vmem>>[vector<16xi32>, vector<16xi32>, vector<16xi32>], vector<16xf32>,
    %gather3A_770 = tpu.vector_load_idx %arg12[%broadcast_in_dim3A_748, %broadcast_in_dim3A_768, %add3A_744] : memref<4x8x512xf32, #tpu.memory_space<vmem>>[vector<16xi32>, vector<16xi32>, vector<16xi32>], vector<16xf32>,
    %mul3A_771 = arith.mulf %gather3A_769, %gather3A_770 : vector<16xf32>
    %add3A_772 = arith.addf %add3A_766, %mul3A_771 : vector<16xf32>
    %broadcast_in_dim3A_773 = arith.constant 4 : i32
    %broadcast_in_dim3A_774 = vector.broadcast %broadcast_in_dim3A_773 : i32 to vector<16xi32>
    %gather3A_775 = tpu.vector_load_idx %arg11[%broadcast_in_dim3A_748, %broadcast_in_dim3A_774, %add3A_737] : memref<4x8x512xf32, #tpu.memory_space<vmem>>[vector<16xi32>, vector<16xi32>, vector<16xi32>], vector<16xf32>,
    %gather3A_776 = tpu.vector_load_idx %arg12[%broadcast_in_dim3A_748, %broadcast_in_dim3A_774, %add3A_744] : memref<4x8x512xf32, #tpu.memory_space<vmem>>[vector<16xi32>, vector<16xi32>, vector<16xi32>], vector<16xf32>,
    %mul3A_777 = arith.mulf %gather3A_775, %gather3A_776 : vector<16xf32>
    %add3A_778 = arith.addf %add3A_772, %mul3A_777 : vector<16xf32>
    %broadcast_in_dim3A_779 = arith.constant 5 : i32
    %broadcast_in_dim3A_780 = vector.broadcast %broadcast_in_dim3A_779 : i32 to vector<16xi32>
    %gather3A_781 = tpu.vector_load_idx %arg11[%broadcast_in_dim3A_748, %broadcast_in_dim3A_780, %add3A_737] : memref<4x8x512xf32, #tpu.memory_space<vmem>>[vector<16xi32>, vector<16xi32>, vector<16xi32>], vector<16xf32>,
    %gather3A_782 = tpu.vector_load_idx %arg12[%broadcast_in_dim3A_748, %broadcast_in_dim3A_780, %add3A_744] : memref<4x8x512xf32, #tpu.memory_space<vmem>>[vector<16xi32>, vector<16xi32>, vector<16xi32>], vector<16xf32>,
    %mul3A_783 = arith.mulf %gather3A_781, %gather3A_782 : vector<16xf32>
    %add3A_784 = arith.addf %add3A_778, %mul3A_783 : vector<16xf32>
    %broadcast_in_dim3A_785 = arith.constant 6 : i32
    %broadcast_in_dim3A_786 = vector.broadcast %broadcast_in_dim3A_785 : i32 to vector<16xi32>
    %gather3A_787 = tpu.vector_load_idx %arg11[%broadcast_in_dim3A_748, %broadcast_in_dim3A_786, %add3A_737] : memref<4x8x512xf32, #tpu.memory_space<vmem>>[vector<16xi32>, vector<16xi32>, vector<16xi32>], vector<16xf32>,
    %gather3A_788 = tpu.vector_load_idx %arg12[%broadcast_in_dim3A_748, %broadcast_in_dim3A_786, %add3A_744] : memref<4x8x512xf32, #tpu.memory_space<vmem>>[vector<16xi32>, vector<16xi32>, vector<16xi32>], vector<16xf32>,
    %mul3A_789 = arith.mulf %gather3A_787, %gather3A_788 : vector<16xf32>
    %add3A_790 = arith.addf %add3A_784, %mul3A_789 : vector<16xf32>
    %broadcast_in_dim3A_791 = arith.constant 7 : i32
    %broadcast_in_dim3A_792 = vector.broadcast %broadcast_in_dim3A_791 : i32 to vector<16xi32>
    %gather3A_793 = tpu.vector_load_idx %arg11[%broadcast_in_dim3A_748, %broadcast_in_dim3A_792, %add3A_737] : memref<4x8x512xf32, #tpu.memory_space<vmem>>[vector<16xi32>, vector<16xi32>, vector<16xi32>], vector<16xf32>,
    %gather3A_794 = tpu.vector_load_idx %arg12[%broadcast_in_dim3A_748, %broadcast_in_dim3A_792, %add3A_744] : memref<4x8x512xf32, #tpu.memory_space<vmem>>[vector<16xi32>, vector<16xi32>, vector<16xi32>], vector<16xf32>,
    %mul3A_795 = arith.mulf %gather3A_793, %gather3A_794 : vector<16xf32>
    %add3A_796 = arith.addf %add3A_790, %mul3A_795 : vector<16xf32>
    %broadcast_in_dim3A_797 = arith.constant 1 : i32
    %broadcast_in_dim3A_798 = vector.broadcast %broadcast_in_dim3A_797 : i32 to vector<16xi32>
    %broadcast_in_dim3A_799 = arith.constant 0 : i32
    %broadcast_in_dim3A_800 = vector.broadcast %broadcast_in_dim3A_799 : i32 to vector<16xi32>
    %gather3A_801 = tpu.vector_load_idx %arg11[%broadcast_in_dim3A_798, %broadcast_in_dim3A_800, %add3A_737] : memref<4x8x512xf32, #tpu.memory_space<vmem>>[vector<16xi32>, vector<16xi32>, vector<16xi32>], vector<16xf32>,
    %gather3A_802 = tpu.vector_load_idx %arg12[%broadcast_in_dim3A_798, %broadcast_in_dim3A_800, %add3A_744] : memref<4x8x512xf32, #tpu.memory_space<vmem>>[vector<16xi32>, vector<16xi32>, vector<16xi32>], vector<16xf32>,
    %mul3A_803 = arith.mulf %gather3A_801, %gather3A_802 : vector<16xf32>
    %add3A_804 = arith.addf %add3A_796, %mul3A_803 : vector<16xf32>
    %broadcast_in_dim3A_805 = arith.constant 1 : i32
    %broadcast_in_dim3A_806 = vector.broadcast %broadcast_in_dim3A_805 : i32 to vector<16xi32>
    %gather3A_807 = tpu.vector_load_idx %arg11[%broadcast_in_dim3A_798, %broadcast_in_dim3A_806, %add3A_737] : memref<4x8x512xf32, #tpu.memory_space<vmem>>[vector<16xi32>, vector<16xi32>, vector<16xi32>], vector<16xf32>,
    %gather3A_808 = tpu.vector_load_idx %arg12[%broadcast_in_dim3A_798, %broadcast_in_dim3A_806, %add3A_744] : memref<4x8x512xf32, #tpu.memory_space<vmem>>[vector<16xi32>, vector<16xi32>, vector<16xi32>], vector<16xf32>,
    %mul3A_809 = arith.mulf %gather3A_807, %gather3A_808 : vector<16xf32>
    %add3A_810 = arith.addf %add3A_804, %mul3A_809 : vector<16xf32>
    %broadcast_in_dim3A_811 = arith.constant 2 : i32
    %broadcast_in_dim3A_812 = vector.broadcast %broadcast_in_dim3A_811 : i32 to vector<16xi32>
    %gather3A_813 = tpu.vector_load_idx %arg11[%broadcast_in_dim3A_798, %broadcast_in_dim3A_812, %add3A_737] : memref<4x8x512xf32, #tpu.memory_space<vmem>>[vector<16xi32>, vector<16xi32>, vector<16xi32>], vector<16xf32>,
    %gather3A_814 = tpu.vector_load_idx %arg12[%broadcast_in_dim3A_798, %broadcast_in_dim3A_812, %add3A_744] : memref<4x8x512xf32, #tpu.memory_space<vmem>>[vector<16xi32>, vector<16xi32>, vector<16xi32>], vector<16xf32>,
    %mul3A_815 = arith.mulf %gather3A_813, %gather3A_814 : vector<16xf32>
    %add3A_816 = arith.addf %add3A_810, %mul3A_815 : vector<16xf32>
    %broadcast_in_dim3A_817 = arith.constant 3 : i32
    %broadcast_in_dim3A_818 = vector.broadcast %broadcast_in_dim3A_817 : i32 to vector<16xi32>
    %gather3A_819 = tpu.vector_load_idx %arg11[%broadcast_in_dim3A_798, %broadcast_in_dim3A_818, %add3A_737] : memref<4x8x512xf32, #tpu.memory_space<vmem>>[vector<16xi32>, vector<16xi32>, vector<16xi32>], vector<16xf32>,
    %gather3A_820 = tpu.vector_load_idx %arg12[%broadcast_in_dim3A_798, %broadcast_in_dim3A_818, %add3A_744] : memref<4x8x512xf32, #tpu.memory_space<vmem>>[vector<16xi32>, vector<16xi32>, vector<16xi32>], vector<16xf32>,
    %mul3A_821 = arith.mulf %gather3A_819, %gather3A_820 : vector<16xf32>
    %add3A_822 = arith.addf %add3A_816, %mul3A_821 : vector<16xf32>
    %broadcast_in_dim3A_823 = arith.constant 4 : i32
    %broadcast_in_dim3A_824 = vector.broadcast %broadcast_in_dim3A_823 : i32 to vector<16xi32>
    %gather3A_825 = tpu.vector_load_idx %arg11[%broadcast_in_dim3A_798, %broadcast_in_dim3A_824, %add3A_737] : memref<4x8x512xf32, #tpu.memory_space<vmem>>[vector<16xi32>, vector<16xi32>, vector<16xi32>], vector<16xf32>,
    %gather3A_826 = tpu.vector_load_idx %arg12[%broadcast_in_dim3A_798, %broadcast_in_dim3A_824, %add3A_744] : memref<4x8x512xf32, #tpu.memory_space<vmem>>[vector<16xi32>, vector<16xi32>, vector<16xi32>], vector<16xf32>,
    %mul3A_827 = arith.mulf %gather3A_825, %gather3A_826 : vector<16xf32>
    %add3A_828 = arith.addf %add3A_822, %mul3A_827 : vector<16xf32>
    %broadcast_in_dim3A_829 = arith.constant 5 : i32
    %broadcast_in_dim3A_830 = vector.broadcast %broadcast_in_dim3A_829 : i32 to vector<16xi32>
    %gather3A_831 = tpu.vector_load_idx %arg11[%broadcast_in_dim3A_798, %broadcast_in_dim3A_830, %add3A_737] : memref<4x8x512xf32, #tpu.memory_space<vmem>>[vector<16xi32>, vector<16xi32>, vector<16xi32>], vector<16xf32>,
    %gather3A_832 = tpu.vector_load_idx %arg12[%broadcast_in_dim3A_798, %broadcast_in_dim3A_830, %add3A_744] : memref<4x8x512xf32, #tpu.memory_space<vmem>>[vector<16xi32>, vector<16xi32>, vector<16xi32>], vector<16xf32>,
    %mul3A_833 = arith.mulf %gather3A_831, %gather3A_832 : vector<16xf32>
    %add3A_834 = arith.addf %add3A_828, %mul3A_833 : vector<16xf32>
    %broadcast_in_dim3A_835 = arith.constant 6 : i32
    %broadcast_in_dim3A_836 = vector.broadcast %broadcast_in_dim3A_835 : i32 to vector<16xi32>
    %gather3A_837 = tpu.vector_load_idx %arg11[%broadcast_in_dim3A_798, %broadcast_in_dim3A_836, %add3A_737] : memref<4x8x512xf32, #tpu.memory_space<vmem>>[vector<16xi32>, vector<16xi32>, vector<16xi32>], vector<16xf32>,
    %gather3A_838 = tpu.vector_load_idx %arg12[%broadcast_in_dim3A_798, %broadcast_in_dim3A_836, %add3A_744] : memref<4x8x512xf32, #tpu.memory_space<vmem>>[vector<16xi32>, vector<16xi32>, vector<16xi32>], vector<16xf32>,
    %mul3A_839 = arith.mulf %gather3A_837, %gather3A_838 : vector<16xf32>
    %add3A_840 = arith.addf %add3A_834, %mul3A_839 : vector<16xf32>
    %broadcast_in_dim3A_841 = arith.constant 7 : i32
    %broadcast_in_dim3A_842 = vector.broadcast %broadcast_in_dim3A_841 : i32 to vector<16xi32>
    %gather3A_843 = tpu.vector_load_idx %arg11[%broadcast_in_dim3A_798, %broadcast_in_dim3A_842, %add3A_737] : memref<4x8x512xf32, #tpu.memory_space<vmem>>[vector<16xi32>, vector<16xi32>, vector<16xi32>], vector<16xf32>,
    %gather3A_844 = tpu.vector_load_idx %arg12[%broadcast_in_dim3A_798, %broadcast_in_dim3A_842, %add3A_744] : memref<4x8x512xf32, #tpu.memory_space<vmem>>[vector<16xi32>, vector<16xi32>, vector<16xi32>], vector<16xf32>,
    %mul3A_845 = arith.mulf %gather3A_843, %gather3A_844 : vector<16xf32>
    %add3A_846 = arith.addf %add3A_840, %mul3A_845 : vector<16xf32>
    %broadcast_in_dim3A_847 = arith.constant 2 : i32
    %broadcast_in_dim3A_848 = vector.broadcast %broadcast_in_dim3A_847 : i32 to vector<16xi32>
    %broadcast_in_dim3A_849 = arith.constant 0 : i32
    %broadcast_in_dim3A_850 = vector.broadcast %broadcast_in_dim3A_849 : i32 to vector<16xi32>
    %gather3A_851 = tpu.vector_load_idx %arg11[%broadcast_in_dim3A_848, %broadcast_in_dim3A_850, %add3A_737] : memref<4x8x512xf32, #tpu.memory_space<vmem>>[vector<16xi32>, vector<16xi32>, vector<16xi32>], vector<16xf32>,
    %gather3A_852 = tpu.vector_load_idx %arg12[%broadcast_in_dim3A_848, %broadcast_in_dim3A_850, %add3A_744] : memref<4x8x512xf32, #tpu.memory_space<vmem>>[vector<16xi32>, vector<16xi32>, vector<16xi32>], vector<16xf32>,
    %mul3A_853 = arith.mulf %gather3A_851, %gather3A_852 : vector<16xf32>
    %add3A_854 = arith.addf %add3A_846, %mul3A_853 : vector<16xf32>
    %broadcast_in_dim3A_855 = arith.constant 1 : i32
    %broadcast_in_dim3A_856 = vector.broadcast %broadcast_in_dim3A_855 : i32 to vector<16xi32>
    %gather3A_857 = tpu.vector_load_idx %arg11[%broadcast_in_dim3A_848, %broadcast_in_dim3A_856, %add3A_737] : memref<4x8x512xf32, #tpu.memory_space<vmem>>[vector<16xi32>, vector<16xi32>, vector<16xi32>], vector<16xf32>,
    %gather3A_858 = tpu.vector_load_idx %arg12[%broadcast_in_dim3A_848, %broadcast_in_dim3A_856, %add3A_744] : memref<4x8x512xf32, #tpu.memory_space<vmem>>[vector<16xi32>, vector<16xi32>, vector<16xi32>], vector<16xf32>,
    %mul3A_859 = arith.mulf %gather3A_857, %gather3A_858 : vector<16xf32>
    %add3A_860 = arith.addf %add3A_854, %mul3A_859 : vector<16xf32>
    %broadcast_in_dim3A_861 = arith.constant 2 : i32
    %broadcast_in_dim3A_862 = vector.broadcast %broadcast_in_dim3A_861 : i32 to vector<16xi32>
    %gather3A_863 = tpu.vector_load_idx %arg11[%broadcast_in_dim3A_848, %broadcast_in_dim3A_862, %add3A_737] : memref<4x8x512xf32, #tpu.memory_space<vmem>>[vector<16xi32>, vector<16xi32>, vector<16xi32>], vector<16xf32>,
    %gather3A_864 = tpu.vector_load_idx %arg12[%broadcast_in_dim3A_848, %broadcast_in_dim3A_862, %add3A_744] : memref<4x8x512xf32, #tpu.memory_space<vmem>>[vector<16xi32>, vector<16xi32>, vector<16xi32>], vector<16xf32>,
    %mul3A_865 = arith.mulf %gather3A_863, %gather3A_864 : vector<16xf32>
    %add3A_866 = arith.addf %add3A_860, %mul3A_865 : vector<16xf32>
    %broadcast_in_dim3A_867 = arith.constant 3 : i32
    %broadcast_in_dim3A_868 = vector.broadcast %broadcast_in_dim3A_867 : i32 to vector<16xi32>
    %gather3A_869 = tpu.vector_load_idx %arg11[%broadcast_in_dim3A_848, %broadcast_in_dim3A_868, %add3A_737] : memref<4x8x512xf32, #tpu.memory_space<vmem>>[vector<16xi32>, vector<16xi32>, vector<16xi32>], vector<16xf32>,
    %gather3A_870 = tpu.vector_load_idx %arg12[%broadcast_in_dim3A_848, %broadcast_in_dim3A_868, %add3A_744] : memref<4x8x512xf32, #tpu.memory_space<vmem>>[vector<16xi32>, vector<16xi32>, vector<16xi32>], vector<16xf32>,
    %mul3A_871 = arith.mulf %gather3A_869, %gather3A_870 : vector<16xf32>
    %add3A_872 = arith.addf %add3A_866, %mul3A_871 : vector<16xf32>
    %broadcast_in_dim3A_873 = arith.constant 4 : i32
    %broadcast_in_dim3A_874 = vector.broadcast %broadcast_in_dim3A_873 : i32 to vector<16xi32>
    %gather3A_875 = tpu.vector_load_idx %arg11[%broadcast_in_dim3A_848, %broadcast_in_dim3A_874, %add3A_737] : memref<4x8x512xf32, #tpu.memory_space<vmem>>[vector<16xi32>, vector<16xi32>, vector<16xi32>], vector<16xf32>,
    %gather3A_876 = tpu.vector_load_idx %arg12[%broadcast_in_dim3A_848, %broadcast_in_dim3A_874, %add3A_744] : memref<4x8x512xf32, #tpu.memory_space<vmem>>[vector<16xi32>, vector<16xi32>, vector<16xi32>], vector<16xf32>,
    %mul3A_877 = arith.mulf %gather3A_875, %gather3A_876 : vector<16xf32>
    %add3A_878 = arith.addf %add3A_872, %mul3A_877 : vector<16xf32>
    %broadcast_in_dim3A_879 = arith.constant 5 : i32
    %broadcast_in_dim3A_880 = vector.broadcast %broadcast_in_dim3A_879 : i32 to vector<16xi32>
    %gather3A_881 = tpu.vector_load_idx %arg11[%broadcast_in_dim3A_848, %broadcast_in_dim3A_880, %add3A_737] : memref<4x8x512xf32, #tpu.memory_space<vmem>>[vector<16xi32>, vector<16xi32>, vector<16xi32>], vector<16xf32>,
    %gather3A_882 = tpu.vector_load_idx %arg12[%broadcast_in_dim3A_848, %broadcast_in_dim3A_880, %add3A_744] : memref<4x8x512xf32, #tpu.memory_space<vmem>>[vector<16xi32>, vector<16xi32>, vector<16xi32>], vector<16xf32>,
    %mul3A_883 = arith.mulf %gather3A_881, %gather3A_882 : vector<16xf32>
    %add3A_884 = arith.addf %add3A_878, %mul3A_883 : vector<16xf32>
    %broadcast_in_dim3A_885 = arith.constant 6 : i32
    %broadcast_in_dim3A_886 = vector.broadcast %broadcast_in_dim3A_885 : i32 to vector<16xi32>
    %gather3A_887 = tpu.vector_load_idx %arg11[%broadcast_in_dim3A_848, %broadcast_in_dim3A_886, %add3A_737] : memref<4x8x512xf32, #tpu.memory_space<vmem>>[vector<16xi32>, vector<16xi32>, vector<16xi32>], vector<16xf32>,
    %gather3A_888 = tpu.vector_load_idx %arg12[%broadcast_in_dim3A_848, %broadcast_in_dim3A_886, %add3A_744] : memref<4x8x512xf32, #tpu.memory_space<vmem>>[vector<16xi32>, vector<16xi32>, vector<16xi32>], vector<16xf32>,
    %mul3A_889 = arith.mulf %gather3A_887, %gather3A_888 : vector<16xf32>
    %add3A_890 = arith.addf %add3A_884, %mul3A_889 : vector<16xf32>
    %broadcast_in_dim3A_891 = arith.constant 7 : i32
    %broadcast_in_dim3A_892 = vector.broadcast %broadcast_in_dim3A_891 : i32 to vector<16xi32>
    %gather3A_893 = tpu.vector_load_idx %arg11[%broadcast_in_dim3A_848, %broadcast_in_dim3A_892, %add3A_737] : memref<4x8x512xf32, #tpu.memory_space<vmem>>[vector<16xi32>, vector<16xi32>, vector<16xi32>], vector<16xf32>,
    %gather3A_894 = tpu.vector_load_idx %arg12[%broadcast_in_dim3A_848, %broadcast_in_dim3A_892, %add3A_744] : memref<4x8x512xf32, #tpu.memory_space<vmem>>[vector<16xi32>, vector<16xi32>, vector<16xi32>], vector<16xf32>,
    %mul3A_895 = arith.mulf %gather3A_893, %gather3A_894 : vector<16xf32>
    %add3A_896 = arith.addf %add3A_890, %mul3A_895 : vector<16xf32>
    %broadcast_in_dim3A_897 = arith.constant 3 : i32
    %broadcast_in_dim3A_898 = vector.broadcast %broadcast_in_dim3A_897 : i32 to vector<16xi32>
    %broadcast_in_dim3A_899 = arith.constant 0 : i32
    %broadcast_in_dim3A_900 = vector.broadcast %broadcast_in_dim3A_899 : i32 to vector<16xi32>
    %gather3A_901 = tpu.vector_load_idx %arg11[%broadcast_in_dim3A_898, %broadcast_in_dim3A_900, %add3A_737] : memref<4x8x512xf32, #tpu.memory_space<vmem>>[vector<16xi32>, vector<16xi32>, vector<16xi32>], vector<16xf32>,
    %gather3A_902 = tpu.vector_load_idx %arg12[%broadcast_in_dim3A_898, %broadcast_in_dim3A_900, %add3A_744] : memref<4x8x512xf32, #tpu.memory_space<vmem>>[vector<16xi32>, vector<16xi32>, vector<16xi32>], vector<16xf32>,
    %mul3A_903 = arith.mulf %gather3A_901, %gather3A_902 : vector<16xf32>
    %add3A_904 = arith.addf %add3A_896, %mul3A_903 : vector<16xf32>
    %broadcast_in_dim3A_905 = arith.constant 1 : i32
    %broadcast_in_dim3A_906 = vector.broadcast %broadcast_in_dim3A_905 : i32 to vector<16xi32>
    %gather3A_907 = tpu.vector_load_idx %arg11[%broadcast_in_dim3A_898, %broadcast_in_dim3A_906, %add3A_737] : memref<4x8x512xf32, #tpu.memory_space<vmem>>[vector<16xi32>, vector<16xi32>, vector<16xi32>], vector<16xf32>,
    %gather3A_908 = tpu.vector_load_idx %arg12[%broadcast_in_dim3A_898, %broadcast_in_dim3A_906, %add3A_744] : memref<4x8x512xf32, #tpu.memory_space<vmem>>[vector<16xi32>, vector<16xi32>, vector<16xi32>], vector<16xf32>,
    %mul3A_909 = arith.mulf %gather3A_907, %gather3A_908 : vector<16xf32>
    %add3A_910 = arith.addf %add3A_904, %mul3A_909 : vector<16xf32>
    %broadcast_in_dim3A_911 = arith.constant 2 : i32
    %broadcast_in_dim3A_912 = vector.broadcast %broadcast_in_dim3A_911 : i32 to vector<16xi32>
    %gather3A_913 = tpu.vector_load_idx %arg11[%broadcast_in_dim3A_898, %broadcast_in_dim3A_912, %add3A_737] : memref<4x8x512xf32, #tpu.memory_space<vmem>>[vector<16xi32>, vector<16xi32>, vector<16xi32>], vector<16xf32>,
    %gather3A_914 = tpu.vector_load_idx %arg12[%broadcast_in_dim3A_898, %broadcast_in_dim3A_912, %add3A_744] : memref<4x8x512xf32, #tpu.memory_space<vmem>>[vector<16xi32>, vector<16xi32>, vector<16xi32>], vector<16xf32>,
    %mul3A_915 = arith.mulf %gather3A_913, %gather3A_914 : vector<16xf32>
    %add3A_916 = arith.addf %add3A_910, %mul3A_915 : vector<16xf32>
    %broadcast_in_dim3A_917 = arith.constant 3 : i32
    %broadcast_in_dim3A_918 = vector.broadcast %broadcast_in_dim3A_917 : i32 to vector<16xi32>
    %gather3A_919 = tpu.vector_load_idx %arg11[%broadcast_in_dim3A_898, %broadcast_in_dim3A_918, %add3A_737] : memref<4x8x512xf32, #tpu.memory_space<vmem>>[vector<16xi32>, vector<16xi32>, vector<16xi32>], vector<16xf32>,
    %gather3A_920 = tpu.vector_load_idx %arg12[%broadcast_in_dim3A_898, %broadcast_in_dim3A_918, %add3A_744] : memref<4x8x512xf32, #tpu.memory_space<vmem>>[vector<16xi32>, vector<16xi32>, vector<16xi32>], vector<16xf32>,
    %mul3A_921 = arith.mulf %gather3A_919, %gather3A_920 : vector<16xf32>
    %add3A_922 = arith.addf %add3A_916, %mul3A_921 : vector<16xf32>
    %broadcast_in_dim3A_923 = arith.constant 4 : i32
    %broadcast_in_dim3A_924 = vector.broadcast %broadcast_in_dim3A_923 : i32 to vector<16xi32>
    %gather3A_925 = tpu.vector_load_idx %arg11[%broadcast_in_dim3A_898, %broadcast_in_dim3A_924, %add3A_737] : memref<4x8x512xf32, #tpu.memory_space<vmem>>[vector<16xi32>, vector<16xi32>, vector<16xi32>], vector<16xf32>,
    %gather3A_926 = tpu.vector_load_idx %arg12[%broadcast_in_dim3A_898, %broadcast_in_dim3A_924, %add3A_744] : memref<4x8x512xf32, #tpu.memory_space<vmem>>[vector<16xi32>, vector<16xi32>, vector<16xi32>], vector<16xf32>,
    %mul3A_927 = arith.mulf %gather3A_925, %gather3A_926 : vector<16xf32>
    %add3A_928 = arith.addf %add3A_922, %mul3A_927 : vector<16xf32>
    %broadcast_in_dim3A_929 = arith.constant 5 : i32
    %broadcast_in_dim3A_930 = vector.broadcast %broadcast_in_dim3A_929 : i32 to vector<16xi32>
    %gather3A_931 = tpu.vector_load_idx %arg11[%broadcast_in_dim3A_898, %broadcast_in_dim3A_930, %add3A_737] : memref<4x8x512xf32, #tpu.memory_space<vmem>>[vector<16xi32>, vector<16xi32>, vector<16xi32>], vector<16xf32>,
    %gather3A_932 = tpu.vector_load_idx %arg12[%broadcast_in_dim3A_898, %broadcast_in_dim3A_930, %add3A_744] : memref<4x8x512xf32, #tpu.memory_space<vmem>>[vector<16xi32>, vector<16xi32>, vector<16xi32>], vector<16xf32>,
    %mul3A_933 = arith.mulf %gather3A_931, %gather3A_932 : vector<16xf32>
    %add3A_934 = arith.addf %add3A_928, %mul3A_933 : vector<16xf32>
    %broadcast_in_dim3A_935 = arith.constant 6 : i32
    %broadcast_in_dim3A_936 = vector.broadcast %broadcast_in_dim3A_935 : i32 to vector<16xi32>
    %gather3A_937 = tpu.vector_load_idx %arg11[%broadcast_in_dim3A_898, %broadcast_in_dim3A_936, %add3A_737] : memref<4x8x512xf32, #tpu.memory_space<vmem>>[vector<16xi32>, vector<16xi32>, vector<16xi32>], vector<16xf32>,
    %gather3A_938 = tpu.vector_load_idx %arg12[%broadcast_in_dim3A_898, %broadcast_in_dim3A_936, %add3A_744] : memref<4x8x512xf32, #tpu.memory_space<vmem>>[vector<16xi32>, vector<16xi32>, vector<16xi32>], vector<16xf32>,
    %mul3A_939 = arith.mulf %gather3A_937, %gather3A_938 : vector<16xf32>
    %add3A_940 = arith.addf %add3A_934, %mul3A_939 : vector<16xf32>
    %broadcast_in_dim3A_941 = arith.constant 7 : i32
    %broadcast_in_dim3A_942 = vector.broadcast %broadcast_in_dim3A_941 : i32 to vector<16xi32>
    %gather3A_943 = tpu.vector_load_idx %arg11[%broadcast_in_dim3A_898, %broadcast_in_dim3A_942, %add3A_737] : memref<4x8x512xf32, #tpu.memory_space<vmem>>[vector<16xi32>, vector<16xi32>, vector<16xi32>], vector<16xf32>,
    %gather3A_944 = tpu.vector_load_idx %arg12[%broadcast_in_dim3A_898, %broadcast_in_dim3A_942, %add3A_744] : memref<4x8x512xf32, #tpu.memory_space<vmem>>[vector<16xi32>, vector<16xi32>, vector<16xi32>], vector<16xf32>,
    %mul3A_945 = arith.mulf %gather3A_943, %gather3A_944 : vector<16xf32>
    %add3A_946 = arith.addf %add3A_940, %mul3A_945 : vector<16xf32>
    %swap3A_947 = arith.constant 496 : index
    %swap3A_948 = tpu.vector_load %arg13[%swap3A_947] {strides = array<i32>} : memref<512xf32, #tpu.memory_space<vmem>>, vector<16xf32>,
    tpu.vector_store %arg13[%swap3A_947], %add3A_946 {strides = array<i32>} : memref<512xf32, #tpu.memory_space<vmem>>, vector<16xf32>,
    "tpu.region"() ({
      %run_scoped3A = tpu.sem_alloc : memref<!tpu.dma_semaphore, #tpu.memory_space<semaphore_mem>>
      %dma_start3A = tpu.memref_slice %arg6[%mul3A_2] : memref<16384xf32, #tpu.memory_space<hbm>> -> memref<512xf32, #tpu.memory_space<hbm>>
      %dma_start3A_949 = tpu.memref_slice %arg6[%mul3A_2] : memref<16384xf32, #tpu.memory_space<hbm>> -> memref<512xf32, #tpu.memory_space<hbm>>
      tpu.enqueue_dma source(%arg13 : memref<512xf32, #tpu.memory_space<vmem>>) target(%dma_start3A_949 : memref<512xf32, #tpu.memory_space<hbm>>) target_semaphore(%run_scoped3A : memref<!tpu.dma_semaphore, #tpu.memory_space<semaphore_mem>>)
      %dma_wait3A_950 = tpu.memref_slice %arg6[%mul3A_2] : memref<16384xf32, #tpu.memory_space<hbm>> -> memref<512xf32, #tpu.memory_space<hbm>>
      %dma_wait3A_951 = tpu.memref_slice %arg6[%mul3A_2] : memref<16384xf32, #tpu.memory_space<hbm>> -> memref<512xf32, #tpu.memory_space<hbm>>
      tpu.wait_dma2 semaphore(%run_scoped3A : memref<!tpu.dma_semaphore, #tpu.memory_space<semaphore_mem>>) src(%arg13 : memref<512xf32, #tpu.memory_space<vmem>>) dst(%dma_wait3A_951 : memref<512xf32, #tpu.memory_space<hbm>>)
      tpu.yield
    }) : () -> ()
    return
  }
}

</mosaic_0001>

<sc_bundles>
// kernel: kernel.3.cloned.1.call-start
scs
__scs_entry_jumppad:
0x0: {  	(pc) =	sbr.rel $0x88, $3  }
0x1: {  	(tag) =	ssettag $0x0;
	lr =	simm.s32 $0x1  }
0x2: {  	[smem:$0x3F9D] =	sst lr;
	_ =	strace $0xD0000000  }
0x3: {  	_ = 	snop  }
0x4: {  	_ = 	snop  }
0x5: {  	_ = 	snop  }
0x6: {  	_ = 	snop  }
0x7: {  	_ = 	snop  }
__scs_overlays_trampoline_lowered:
0x8: {  	[smem:$0x3FAC] =	sst s0  }
0x9: {  	[smem:$0x3FAD] =	sst s1  }
0xa: {  	[smem:$0x3FAE] =	sst s2  }
0xb: {  	[smem:$0x3FAF] =	sst s3  }
0xc: {  	[smem:$0x3FB0] =	sst s4  }
0xd: {  	[smem:$0x3FB1] =	sst s5  }
0xe: {  	[smem:$0x3FB2] =	sst s6  }
0xf: {  	[smem:$0x3FB3] =	sst s7  }
0x10: {  	[smem:$0x3FB4] =	sst s8  }
0x11: {  	[smem:$0x3FB5] =	sst s9;
	s0 =	simm.s32 @!p0 $0x0  }
0x12: {  	s1 =	sld [smem:$0x3F9B];
	s0 =	simm.s32 @p0 $0x1  }
0x13: {  	[smem:$0x3FB6] =	sst s0;
	s0 =	simm.s32 @!p1 $0x0  }
0x14: {  	s2 =	sld [smem:$0x3F9A];
	s0 =	simm.s32 @p1 $0x1  }
0x15: {  	[smem:$0x3FB7] =	sst s0;
	s0 =	simm.s32 @!p2 $0x0  }
0x16: {  	s3 =	sld [smem:$0x3FDB];
	s0 =	simm.s32 @p2 $0x1  }
0x17: {  	s4 =	simm.s32 $0x1BF5;
	[smem:$0x3FB9] =	sst s0  }
0x18: {  	s0 =	sld [smem:$0x3F9C];
	_ =	swait.ge [sflag:s4], $0x0  }
0x19: {  	s7 =	sld [smem:$0x3F9D]  }
0x1a: {  	s8 =	sadd.s32 $0xFFFFE003, lr  }
0x1b: {  	s9 =	sadd.s32 $0xFFFFFEF7, lr;
	s5 =	simm.s32 $0xFFFFFFFF;
	p2 =	slt.u32 s8, $0xFFFFF086  }
0x1c: {  	p1 =	slt.u32 s9, $0xF7A;
	s5 =	simm.s32 @!p2 $0x0  }
0x1d: {  	s5 =	simm.s32 @p1 $0x1;
	p0 =	seq.s32 s7, s2  }
0x1e: {  	s7 =	smul.u32 @!p0 $0xF7A, s2;
	p2 =	seq.s32 @!p0 s5, $0x0  }
0x1f: {  	s9 =	smul.u32 $0xF7A, s1;
	s8 =	simm.s32 @!p0 $0x1BF5;
	p2 =	por !p2, p0  }
0x20: {  	[sflag:s8] =	ssyncset.s32 @!p0 $0xFFFFF086;
	s6 =	sadd.s32 @!p0 s3, s7;
	s7 =	simm.s32 @!p0 $0x108  }
0x21: {  	s3 =	sadd.s32 s3, s9;
	s6 =	sadd.s32 @!p0 $0x88, s6;
	s7 =	simm.s32 @p2 $0x1082  }
0x22: {  	[simem:s7], [sflag:s8] =	dma.local @!p0 [hbm:s6], $0xF7A  }
0x23: {  	s9 =	sor.u32 $0xD0000000, s2;
	s6 =	simm.s32 $0x108;
	_ =	swait.ge @!p0 [sflag:s8], $0x0  }
0x24: {  	s3 =	sadd.s32 $0x88, s3;
	s6 =	simm.s32 @!p1 $0x1082;
	[sflag:s4] =	ssyncset.s32 $0xFFFFF086  }
0x25: {  	[simem:s6], [sflag:s4] =	dma.local [hbm:s3], $0xF7A  }
0x26: {  	[smem:$0x3F9D] =	sst s1;
	(tag) =	ssettag s2;
	_ =	strace s9  }
0x27: {  	s1 =	sld [smem:$0x3FAD]  }
0x28: {  	s2 =	sld [smem:$0x3FAE]  }
0x29: {  	s4 =	sld [smem:$0x3FB0]  }
0x2a: {  	p0 =	seq.s32 s5, $0x0;
	s5 =	sld [smem:$0x3FB1]  }
0x2b: {  	s6 =	sld [smem:$0x3FB2]  }
0x2c: {  	s7 =	sld [smem:$0x3FB3]  }
0x2d: {  	s3 =	simm.s32 $0x108;
	s8 =	sld [smem:$0x3FB4]  }
0x2e: {  	s3 =	simm.s32 @!p0 $0x1082;
	s9 =	sld [smem:$0x3FB5]  }
0x2f: {  	lr =	sadd.s32 s0, s3;
	s0 =	sld [smem:$0x3FAC]  }
0x30: {  	s3 =	sld [smem:$0x3FAF]  }
0x31: {  	[smem:$0x3FB8] =	sst s10  }
0x32: {  	s10 =	sld [smem:$0x3FB6];
	_ =	sdelay $0x3  }
0x33: {  	p0 =	seq.s32 s10, $0x1;
	s10 =	sld [smem:$0x3FB8];
	_ =	sdelay $0x3  }
0x34: {  	[smem:$0x3FB8] =	sst s10  }
0x35: {  	s10 =	sld [smem:$0x3FB7];
	_ =	sdelay $0x3  }
0x36: {  	p1 =	seq.s32 s10, $0x1;
	s10 =	sld [smem:$0x3FB8];
	_ =	sdelay $0x3  }
0x37: {  	[smem:$0x3FB8] =	sst s10  }
0x38: {  	s10 =	sld [smem:$0x3FB9]  }
0x39: {  	_ = 	snop;
	(pc) =	sbr.ind lr, $3  }
0x3a: {  	_ = 	snop  }
0x3b: {  	_ = 	snop  }
0x3c: {  	p2 =	seq.s32 s10, $0x1;
	s10 =	sld [smem:$0x3FB8]  }
0x3d: {  	_ =	shalt  }
0x3e: {  	_ =	shalt  }
0x3f: {  	_ =	shalt  }
0x40: {  	_ =	shalt  }
0x41: {  	_ =	shalt  }
0x42: {  	_ =	shalt  }
0x43: {  	_ =	shalt  }
0x44: {  	_ =	shalt  }
0x45: {  	_ =	shalt  }
0x46: {  	_ =	shalt  }
0x47: {  	_ =	shalt  }
0x48: {  	_ =	shalt  }
0x49: {  	_ =	shalt  }
0x4a: {  	_ =	shalt  }
0x4b: {  	_ =	shalt  }
0x4c: {  	_ =	shalt  }
0x4d: {  	_ =	shalt  }
0x4e: {  	_ =	shalt  }
0x4f: {  	_ =	shalt  }
0x50: {  	_ =	shalt  }
0x51: {  	_ =	shalt  }
0x52: {  	_ =	shalt  }
0x53: {  	_ =	shalt  }
0x54: {  	_ =	shalt  }
0x55: {  	_ =	shalt  }
0x56: {  	_ =	shalt  }
0x57: {  	_ =	shalt  }
0x58: {  	_ =	shalt  }
0x59: {  	_ =	shalt  }
0x5a: {  	_ =	shalt  }
0x5b: {  	_ =	shalt  }
0x5c: {  	_ =	shalt  }
0x5d: {  	_ =	shalt  }
0x5e: {  	_ =	shalt  }
0x5f: {  	_ =	shalt  }
0x60: {  	_ =	shalt  }
0x61: {  	_ =	shalt  }
0x62: {  	_ =	shalt  }
0x63: {  	_ =	shalt  }
0x64: {  	_ =	shalt  }
0x65: {  	_ =	shalt  }
0x66: {  	_ =	shalt  }
0x67: {  	_ =	shalt  }
0x68: {  	_ =	shalt  }
0x69: {  	_ =	shalt  }
0x6a: {  	_ =	shalt  }
0x6b: {  	_ =	shalt  }
0x6c: {  	_ =	shalt  }
0x6d: {  	_ =	shalt  }
0x6e: {  	_ =	shalt  }
0x6f: {  	_ =	shalt  }
0x70: {  	_ =	shalt  }
0x71: {  	_ =	shalt  }
0x72: {  	_ =	shalt  }
0x73: {  	_ =	shalt  }
0x74: {  	_ =	shalt  }
0x75: {  	_ =	shalt  }
0x76: {  	_ =	shalt  }
0x77: {  	_ =	shalt  }
0x78: {  	_ =	shalt  }
0x79: {  	_ =	shalt  }
0x7a: {  	_ =	shalt  }
0x7b: {  	_ =	shalt  }
0x7c: {  	_ =	shalt  }
0x7d: {  	_ =	shalt  }
0x7e: {  	_ =	shalt  }
0x7f: {  	_ =	shalt  }
0x80: {  	_ =	shalt  }
0x81: {  	_ =	shalt  }
0x82: {  	_ =	shalt  }
0x83: {  	_ =	shalt  }
0x84: {  	_ =	shalt  }
0x85: {  	_ =	shalt  }
0x86: {  	_ =	shalt  }
0x87: {  	_ =	shalt  }
.Lfunc_end0:
.L_simem_size_0:
called_computation_lowered:
.L_overlay_start_0:
0x88: {  	s2 =	sld [smem:$0x3FD9]  }
0x89: {  	s3 =	sld [smem:$0x3FFE];
	_ =	sdelay $0x1  }
0x8a: {  	s1 =	srdreg.scid  }
0x8b: {  	s0 =	sand.u32 $0x1, s1  }
0x8c: {  	s18 =	sshll.u32 s0, $0xA;
	s2 =	sadd.s32 s3, s2  }
0x8d: {  	s2 =	sadd.s32 s2, s18  }
0x8e: {  	[smem:$0x3FC4] =	sst s2  }
0x8f: {  	_ = 	snop  }
0x90: {  	s2 =	sld [smem:$0x3FC9]  }
0x91: {  	s19 =	sld [smem:$0x3FC8]  }
0x92: {  	s4 =	sld [smem:$0x3FC7]  }
0x93: {  	s5 =	sld [smem:$0x3FC6]  }
0x94: {  	s6 =	sld [smem:$0x3FD0];
	(tm) =	ssettm $0x1  }
0x95: {  	s7 =	sld [smem:$0x3FFB];
	_ =	sdelay $0x3  }
0x96: {  	_ =	strace s7  }
0x97: {  	s7 =	sld [smem:$0x3FFC];
	_ =	sdelay $0x3  }
0x98: {  	_ =	strace s7  }
0x99: {  	s7 =	sld [smem:$0x3FFD];
	_ =	sdelay $0x3  }
0x9a: {  	_ =	strace s7  }
0x9b: {  	_ =	strace $0x8FFFFFFF  }
0x9c: {  	s20 =	sld [smem:$0x3FDB];
	_ =	sdelay $0x1  }
0x9d: {  	s8 =	simm.s32 $_scs_section_size  }
0x9e: {  	s9 =	simm.s32 $_size__tile_overlayer_lowered;
	s10 =	simm.s32 $_tile_overlayer_lowered  }
0x9f: {  	s23 =	simm.s32 $0x1BFF;
	s22 =	sshll.u32 s10, $0x1;
	s7 =	sadd.s32 s8, s20  }
0xa0: {  	s11 =	simm.s32 $0x0;
	s21 =	sshll.u32 s9, $0x1;
	s9 =	sadd.s32 s22, s7  }
0xa1: {  	[timem:s11], [sflag:s23] =	dma.local [hbm:s9], s21  }
0xa2: {  	_ =	swait.ge [sflag:s23], s21  }
0xa3: {  	s8 =	ssub.s32 $0x0, s21;
	[sflag:s23] =	ssyncset.done $0x0  }
0xa4: {  	[sflag:s23] =	ssyncadd.s32 s8;
	_ =	sdelay $0x1  }
0xa5: {  	s24 =	simm.s32 $0x1B8B  }
0xa6: {  	_ =	swait.ge [sflag:s24], $0x1  }
0xa7: {  	[sflag:s24] =	ssyncset.done $0x0  }
0xa8: {  	s25 =	simm.s32 $0x1B8E;
	[sflag:s24] =	ssyncadd.s32 $0xFFFFFFFF  }
0xa9: {  	s26 =	simm.s32 $execute0_lowered;
	[smem:$0x3FD2] =	sst s25  }
0xaa: {  	s8 =	sshll.u32 s26, $0x1;
	_ =	strace $0x80000046;
	[dreg:$0x1] =	wrdreg $0xFFFFFFFF  }
0xab: {  	s28 =	simm.s32 $_size_execute0_lowered;
	s7 =	sadd.s32 s7, s8;
	[dreg:$0x0] =	wrdreg $0x0  }
0xac: {  	s8 =	sshll.u32 s28, $0x1;
	[dreg:$0x2] =	wrdreg s7  }
0xad: {  	[dreg:$0x3] =	wrdreg s8  }
0xae: {  	[dreg:$0x4] =	wrdreg $0xC0  }
0xaf: {  	_ =	task [dreg:s11], $0x5FFFF  }
0xb0: {  	[dreg:$0x1] =	wrdreg $0xFFFFFFFF  }
0xb1: {  	[dreg:$0x0] =	wrdreg $0x60  }
0xb2: {  	[dreg:$0x2] =	wrdreg s2  }
0xb3: {  	[dreg:$0x3] =	wrdreg s19  }
0xb4: {  	[dreg:$0x4] =	wrdreg s4  }
0xb5: {  	[dreg:$0x5] =	wrdreg s5  }
0xb6: {  	[dreg:$0x6] =	wrdreg s6  }
0xb7: {  	[dreg:$0x7] =	wrdreg $0x9  }
0xb8: {  	_ =	task.clear_ibuf [dreg:s11], $0x8FFFF;
	_ =	strace $0x90000046  }
0xb9: {  	s29 =	simm.s32 $0x9;
	_ =	strace $0x80000048  }
0xba: {  	_ =	swait.ge [sflag:s29], $0x1  }
0xbb: {  	[sflag:s29] =	ssyncadd.s32 $0xFFFFFFFF  }
0xbc: {  	_ =	strace $0x90000048  }
0xbd: {  	_ =	sfence  }
0xbe: {  	s30 =	sld [smem:$0x0];
	_ =	sdelay $0x2  }
0xbf: {  	s31 =	sshll.u32 s1, $0xD;
	s1 =	sshrl.u32 s1, $0x2  }
0xc0: {  	s3 =	sand.u32 $0x4000, s31;
	s1 =	sadd.s32 s1, s30  }
0xc1: {  	s0 =	sor.u32 s3, s0;
	s1 =	sshll.u32 s1, $0x11  }
0xc2: {  	s0 =	sor.u32 s1, s0  }
0xc3: {  	s0 =	sadd.s32 $0x8F2B, s0  }
0xc4: {  	[sflag:s0] =	ssyncadd.remote.s32 $0x1  }
0xc5: {  	_ =	sfence.sel $0xFFFF  }
0xc6: {  	[dreg:$0x0] =	wrdreg $0xFFFFFFFF;
	(pc) =	sbr.abs _section_cstart, $3  }
0xc7: {  	[dreg:$0x1] =	wrdreg $0xFFFFFFFF  }
0xc8: {  	_ =	task.clear_ibuf [dreg:s11], $0x2FFFF;
	_ =	strace $0x9FFFFFFF  }
0xc9: {  	(tm) =	ssettm $0x7FFFFFFF  }
tec
execute0_lowered:
.L_overlay_start_1:
0x0: {  	(tag) =	ssettag $0x1  }
0x1: {  	v0 =	vimm.s32 $0x30201000;
	v1 =	vimm.s32 $0x70605040  }
0x2: {  	vm7 =	vcmask $0xF00;
	vm8 =	vcmask $0x1F10;
	vm6 =	vcmask $0x2320  }
0x3: {  	vm5 =	vcmask $0x2724;
	vm4 =	vcmask $0x2B28;
	vm3 =	vcmask $0x2F2C  }
0x4: {  	v7 =	vimm.s32 $0xB0A09080;
	vm0 =	vcmask $0x3330;
	v2 =	vimm.s32 $0xF0E0D0C0  }
0x5: {  	vm2 =	vcmask $0x3734;
	vm1 =	vcmask $0x3B38;
	v9 =	vimm.s32 $0x570  }
0x6: {  	vm14 =	vcmask $0x300;
	v10 =	vimm.s32 $0x5F0;
	vm13 =	vcmask $0x704  }
0x7: {  	vm12 =	vcmask $0xB08;
	vm11 =	vcmask $0xF0C;
	vm10 =	vcmask $0x1310  }
0x8: {  	vm9 =	vcmask $0x1714;
	vm15 =	vcmask $0x1F1C;
	v14 =	vimm.s32 $0x670  }
0x9: {  	v32 =	vimm.s32 $0x6F0;
	v4 =	vimm.s32 $0x770;
	v36 =	vimm.s32 $0x7F0  }
0xa: {  	v37 =	vimm.s32 $0x1470;
	v41 =	vimm.s32 $0x1570;
	v42 =	vimm.s32 $0x15F0  }
0xb: {  	v46 =	vimm.s32 $0x16F0;
	v47 =	vimm.s32 $0x1770;
	v51 =	vimm.s32 $0x2470  }
0xc: {  	v52 =	vimm.s32 $0x24F0;
	v16 =	vimm.s32 $0x2570;
	v55 =	vimm.s32 $0x25F0  }
0xd: {  	v56 =	vimm.s32 $0x2670;
	v19 =	vimm.s32 $0x26F0;
	v59 =	vimm.s32 $0x2770  }
0xe: {  	v60 =	vimm.s32 $0x27F0;
	v22 =	vimm.s32 $0x3470;
	v63 =	vimm.s32 $0x34F0  }
0xf: {  	v25 =	vimm.s32 $0x35F0;
	v28 =	vimm.s32 $0x3770;
	v31 =	vimm.s32 $0xCF0  }
0x10: {  	v0 =	vunpack.c.0.s8.s32 v0;
	v1 =	vunpack.c.0.s8.s32 v1;
	v2 =	vunpack.c.0.s8.s32 v2  }
0x11: {  	v4 =	vsel vm14, $0x300, v4;
	v16 =	vsel vm14, $0x2100, v16;
	v19 =	vsel vm14, $0x2280, v19  }
0x12: {  	v22 =	vsel vm14, $0x3000, v22;
	v25 =	vsel vm14, $0x3180, v25;
	v28 =	vsel vm14, $0x3300, v28  }
0x13: {  	v31 =	vsel vm14, $0x880, v31;
	v4 =	vsel vm13, $0x310, v4;
	v16 =	vsel vm13, $0x2110, v16  }
0x14: {  	v19 =	vsel vm13, $0x2290, v19;
	v22 =	vsel vm13, $0x3010, v22;
	v25 =	vsel vm13, $0x3190, v25  }
0x15: {  	v28 =	vsel vm13, $0x3310, v28;
	v31 =	vsel vm13, $0x890, v31;
	v0 =	vnsel vm7, $0x470, v0  }
0x16: {  	v2 =	vand.u32 $0xFF, v2;
	v4 =	vsel vm12, $0x320, v4;
	v16 =	vsel vm12, $0x2120, v16  }
0x17: {  	v19 =	vsel vm12, $0x22A0, v19;
	v22 =	vsel vm12, $0x3020, v22;
	v25 =	vsel vm12, $0x31A0, v25  }
0x18: {  	v28 =	vsel vm12, $0x3320, v28;
	v31 =	vsel vm12, $0x8A0, v31;
	v0 =	vsel vm8, v1, v0  }
0x19: {  	v1 =	vunpack.c.0.s8.s32 v7;
	v4 =	vsel vm11, $0x330, v4;
	v7 =	vimm.s32 $0x14F0  }
0x1a: {  	v16 =	vsel vm11, $0x2130, v16;
	v19 =	vsel vm11, $0x22B0, v19;
	v22 =	vsel vm11, $0x3030, v22  }
0x1b: {  	v25 =	vsel vm11, $0x31B0, v25;
	v28 =	vsel vm11, $0x3330, v28;
	v31 =	vsel vm11, $0x8B0, v31  }
0x1c: {  	v0 =	vsel vm6, $0x400, v0;
	v4 =	vsel vm10, $0x340, v4;
	v7 =	vsel vm14, $0x1080, v7  }
0x1d: {  	v16 =	vsel vm10, $0x2140, v16;
	v19 =	vsel vm10, $0x22C0, v19;
	v22 =	vsel vm10, $0x3040, v22  }
0x1e: {  	v25 =	vsel vm10, $0x31C0, v25;
	v28 =	vsel vm10, $0x3340, v28;
	v31 =	vsel vm10, $0x8C0, v31  }
0x1f: {  	v0 =	vsel vm5, $0x410, v0;
	v1 =	vand.u32 $0xFF, v1;
	v4 =	vsel vm9, $0x350, v4  }
0x20: {  	v7 =	vsel vm13, $0x1090, v7;
	v16 =	vsel vm9, $0x2150, v16;
	v19 =	vsel vm9, $0x22D0, v19  }
0x21: {  	v22 =	vsel vm9, $0x3050, v22;
	v25 =	vsel vm9, $0x31D0, v25;
	v28 =	vsel vm9, $0x3350, v28  }
0x22: {  	v31 =	vsel vm9, $0x8D0, v31;
	v0 =	vsel vm4, $0x420, v0;
	v1 =	vnsel vm7, $0x4F0, v1  }
0x23: {  	v7 =	vsel vm12, $0x10A0, v7;
	v0 =	vsel vm3, $0x430, v0;
	v8 =	vsel vm8, v2, v1  }
0x24: {  	v1 =	vsel vm14, $0x100, v9;
	v2 =	vsel vm14, $0x180, v10;
	vm8 =	vcmask $0x1B18  }
0x25: {  	v7 =	vsel vm11, $0x10B0, v7;
	v10 =	vimm.s32 $0x1670;
	v0 =	vsel vm0, $0x440, v0  }
0x26: {  	v1 =	vsel vm13, $0x110, v1;
	v2 =	vsel vm13, $0x190, v2;
	v4 =	vsel vm8, $0x360, v4  }
0x27: {  	v7 =	vsel vm10, $0x10C0, v7;
	v10 =	vsel vm14, $0x1200, v10;
	v16 =	vsel vm8, $0x2160, v16  }
0x28: {  	v19 =	vsel vm8, $0x22E0, v19;
	v22 =	vsel vm8, $0x3060, v22;
	v25 =	vsel vm8, $0x31E0, v25  }
0x29: {  	v28 =	vsel vm8, $0x3360, v28;
	v31 =	vsel vm8, $0x8E0, v31;
	v0 =	vsel vm2, $0x450, v0  }
0x2a: {  	v1 =	vsel vm12, $0x120, v1;
	v2 =	vsel vm12, $0x1A0, v2;
	v4 =	vsel vm15, $0x370, v4  }
0x2b: {  	v7 =	vsel vm9, $0x10D0, v7;
	v10 =	vsel vm13, $0x1210, v10;
	v16 =	vsel vm15, $0x2170, v16  }
0x2c: {  	v19 =	vsel vm15, $0x22F0, v19;
	v22 =	vsel vm15, $0x3070, v22;
	v25 =	vsel vm15, $0x31F0, v25  }
0x2d: {  	v28 =	vsel vm15, $0x3370, v28;
	v31 =	vsel vm15, $0x8F0, v31;
	v1 =	vsel vm11, $0x130, v1  }
0x2e: {  	v0 =	vsel vm1, $0x460, v0;
	v2 =	vsel vm11, $0x1B0, v2;
	v1 =	vsel vm10, $0x140, v1  }
0x2f: {  	v4 =	vsel vm6, $0x700, v4;
	v7 =	vsel vm8, $0x10E0, v7;
	v1 =	vsel vm9, $0x150, v1  }
0x30: {  	v10 =	vsel vm12, $0x1220, v10;
	v16 =	vsel vm6, $0x2500, v16;
	v1 =	vsel vm8, $0x160, v1  }
0x31: {  	v19 =	vsel vm6, $0x2680, v19;
	[tilespmem:$0x1FEE0] =	vst v0;
	v0 =	vsel vm6, $0x480, v8;
	v1 =	vsel vm15, $0x170, v1  }
0x32: {  	v22 =	vsel vm6, $0x3400, v22;
	v0 =	vsel vm5, $0x490, v0;
	v1 =	vsel vm6, $0x500, v1  }
0x33: {  	v25 =	vsel vm6, $0x3580, v25;
	v0 =	vsel vm4, $0x4A0, v0;
	v1 =	vsel vm5, $0x510, v1  }
0x34: {  	v28 =	vsel vm6, $0x3700, v28;
	v0 =	vsel vm3, $0x4B0, v0;
	v1 =	vsel vm4, $0x520, v1  }
0x35: {  	v31 =	vsel vm6, $0xC80, v31;
	v0 =	vsel vm0, $0x4C0, v0;
	v1 =	vsel vm3, $0x530, v1  }
0x36: {  	v2 =	vsel vm10, $0x1C0, v2;
	v0 =	vsel vm2, $0x4D0, v0;
	v1 =	vsel vm0, $0x540, v1  }
0x37: {  	v4 =	vsel vm5, $0x710, v4;
	v0 =	vsel vm1, $0x4E0, v0;
	v11 =	vsel vm2, $0x550, v1  }
0x38: {  	v7 =	vsel vm15, $0x10F0, v7;
	v10 =	vsel vm11, $0x1230, v10;
	[tilespmem:$0x1FEF0] =	vst v0;
	v0 =	vsel vm1, $0x560, v11  }
0x39: {  	v16 =	vsel vm5, $0x2510, v16;
	v1 =	vsel vm14, $0x280, v32;
	[tilespmem:$0x1FF00] =	vst v0;
	v0 =	vsel vm14, $0x200, v14  }
0x3a: {  	v19 =	vsel vm5, $0x2690, v19;
	v1 =	vsel vm13, $0x290, v1;
	v0 =	vsel vm13, $0x210, v0  }
0x3b: {  	v22 =	vsel vm5, $0x3410, v22;
	v1 =	vsel vm12, $0x2A0, v1;
	v0 =	vsel vm12, $0x220, v0  }
0x3c: {  	v25 =	vsel vm5, $0x3590, v25;
	v1 =	vsel vm11, $0x2B0, v1;
	v0 =	vsel vm11, $0x230, v0  }
0x3d: {  	v28 =	vsel vm5, $0x3710, v28;
	v1 =	vsel vm10, $0x2C0, v1;
	v0 =	vsel vm10, $0x240, v0  }
0x3e: {  	v31 =	vsel vm5, $0xC90, v31;
	v1 =	vsel vm9, $0x2D0, v1;
	v0 =	vsel vm9, $0x250, v0  }
0x3f: {  	v2 =	vsel vm9, $0x1D0, v2;
	v1 =	vsel vm8, $0x2E0, v1;
	v0 =	vsel vm8, $0x260, v0  }
0x40: {  	v4 =	vsel vm4, $0x720, v4;
	v1 =	vsel vm15, $0x2F0, v1;
	v0 =	vsel vm15, $0x270, v0  }
0x41: {  	v7 =	vsel vm6, $0x1480, v7;
	v1 =	vsel vm6, $0x680, v1;
	v0 =	vsel vm6, $0x600, v0  }
0x42: {  	v10 =	vsel vm10, $0x1240, v10;
	v1 =	vsel vm5, $0x690, v1;
	v0 =	vsel vm5, $0x610, v0  }
0x43: {  	v16 =	vsel vm4, $0x2520, v16;
	v1 =	vsel vm4, $0x6A0, v1;
	v0 =	vsel vm4, $0x620, v0  }
0x44: {  	v19 =	vsel vm4, $0x26A0, v19;
	v1 =	vsel vm3, $0x6B0, v1;
	v0 =	vsel vm3, $0x630, v0  }
0x45: {  	v22 =	vsel vm4, $0x3420, v22;
	v1 =	vsel vm0, $0x6C0, v1;
	v0 =	vsel vm0, $0x640, v0  }
0x46: {  	v33 =	vsel vm2, $0x6D0, v1;
	v1 =	vsel vm14, $0x1000, v37;
	v0 =	vsel vm2, $0x650, v0  }
0x47: {  	v25 =	vsel vm4, $0x35A0, v25;
	v1 =	vsel vm13, $0x1010, v1;
	v0 =	vsel vm1, $0x660, v0  }
0x48: {  	v28 =	vsel vm4, $0x3720, v28;
	v1 =	vsel vm12, $0x1020, v1;
	[tilespmem:$0x1FF20] =	vst v0;
	v0 =	vsel vm1, $0x6E0, v33  }
0x49: {  	v31 =	vsel vm4, $0xCA0, v31;
	v1 =	vsel vm11, $0x1030, v1;
	[tilespmem:$0x1FF30] =	vst v0;
	v0 =	vsel vm14, $0x380, v36  }
0x4a: {  	v2 =	vsel vm8, $0x1E0, v2;
	v1 =	vsel vm10, $0x1040, v1;
	v0 =	vsel vm13, $0x390, v0  }
0x4b: {  	v4 =	vsel vm3, $0x730, v4;
	v1 =	vsel vm9, $0x1050, v1;
	v0 =	vsel vm12, $0x3A0, v0  }
0x4c: {  	v7 =	vsel vm5, $0x1490, v7;
	v1 =	vsel vm8, $0x1060, v1;
	v0 =	vsel vm11, $0x3B0, v0  }
0x4d: {  	v10 =	vsel vm9, $0x1250, v10;
	v1 =	vsel vm15, $0x1070, v1;
	v0 =	vsel vm10, $0x3C0, v0  }
0x4e: {  	v16 =	vsel vm3, $0x2530, v16;
	v1 =	vsel vm6, $0x1400, v1;
	v0 =	vsel vm9, $0x3D0, v0  }
0x4f: {  	v19 =	vsel vm3, $0x26B0, v19;
	v1 =	vsel vm5, $0x1410, v1;
	v0 =	vsel vm8, $0x3E0, v0  }
0x50: {  	v22 =	vsel vm3, $0x3430, v22;
	v1 =	vsel vm4, $0x1420, v1;
	v0 =	vsel vm15, $0x3F0, v0  }
0x51: {  	v25 =	vsel vm3, $0x35B0, v25;
	v1 =	vsel vm3, $0x1430, v1;
	v0 =	vsel vm6, $0x780, v0  }
0x52: {  	v28 =	vsel vm3, $0x3730, v28;
	v1 =	vsel vm0, $0x1440, v1;
	v0 =	vsel vm5, $0x790, v0  }
0x53: {  	v38 =	vsel vm2, $0x1450, v1;
	v1 =	vsel vm14, $0x1180, v42;
	v0 =	vsel vm4, $0x7A0, v0  }
0x54: {  	v31 =	vsel vm3, $0xCB0, v31;
	v1 =	vsel vm13, $0x1190, v1;
	v0 =	vsel vm3, $0x7B0, v0  }
0x55: {  	v2 =	vsel vm15, $0x1F0, v2;
	v1 =	vsel vm12, $0x11A0, v1;
	v0 =	vsel vm0, $0x7C0, v0  }
0x56: {  	v5 =	vsel vm0, $0x740, v4;
	v1 =	vsel vm11, $0x11B0, v1;
	v0 =	vsel vm2, $0x7D0, v0  }
0x57: {  	v7 =	vsel vm4, $0x14A0, v7;
	v1 =	vsel vm10, $0x11C0, v1;
	v0 =	vsel vm1, $0x7E0, v0  }
0x58: {  	v10 =	vsel vm8, $0x1260, v10;
	v1 =	vsel vm9, $0x11D0, v1;
	[tilespmem:$0x1FF50] =	vst v0;
	v0 =	vsel vm1, $0x1460, v38  }
0x59: {  	v17 =	vsel vm0, $0x2540, v16;
	v1 =	vsel vm8, $0x11E0, v1;
	[tilespmem:$0x1FF60] =	vst v0;
	v0 =	vsel vm14, $0x1100, v41  }
0x5a: {  	v20 =	vsel vm0, $0x26C0, v19;
	v1 =	vsel vm15, $0x11F0, v1;
	v0 =	vsel vm13, $0x1110, v0  }
0x5b: {  	v23 =	vsel vm0, $0x3440, v22;
	v1 =	vsel vm6, $0x1580, v1;
	v0 =	vsel vm12, $0x1120, v0  }
0x5c: {  	v4 =	vimm.s32 $0x3570;
	v1 =	vsel vm5, $0x1590, v1;
	v0 =	vsel vm11, $0x1130, v0  }
0x5d: {  	v26 =	vsel vm0, $0x35C0, v25;
	v1 =	vsel vm4, $0x15A0, v1;
	v0 =	vsel vm10, $0x1140, v0  }
0x5e: {  	v29 =	vsel vm0, $0x3740, v28;
	v1 =	vsel vm3, $0x15B0, v1;
	v0 =	vsel vm9, $0x1150, v0  }
0x5f: {  	v2 =	vsel vm6, $0x580, v2;
	v1 =	vsel vm0, $0x15C0, v1;
	v0 =	vsel vm8, $0x1160, v0  }
0x60: {  	v43 =	vsel vm2, $0x15D0, v1;
	v1 =	vsel vm14, $0x1300, v47;
	v0 =	vsel vm15, $0x1170, v0  }
0x61: {  	v34 =	vsel vm2, $0x750, v5;
	v1 =	vsel vm13, $0x1310, v1;
	v0 =	vsel vm6, $0x1500, v0  }
0x62: {  	v7 =	vsel vm3, $0x14B0, v7;
	v1 =	vsel vm12, $0x1320, v1;
	v0 =	vsel vm5, $0x1510, v0  }
0x63: {  	v10 =	vsel vm15, $0x1270, v10;
	v1 =	vsel vm11, $0x1330, v1;
	v0 =	vsel vm4, $0x1520, v0  }
0x64: {  	v54 =	vsel vm2, $0x2550, v17;
	v1 =	vsel vm10, $0x1340, v1;
	v0 =	vsel vm3, $0x1530, v0  }
0x65: {  	v58 =	vsel vm2, $0x26D0, v20;
	v1 =	vsel vm9, $0x1350, v1;
	v0 =	vsel vm0, $0x1540, v0  }
0x66: {  	v62 =	vsel vm2, $0x3450, v23;
	v1 =	vsel vm8, $0x1360, v1;
	v0 =	vsel vm2, $0x1550, v0  }
0x67: {  	v6 =	vsel vm2, $0x35D0, v26;
	v1 =	vsel vm15, $0x1370, v1;
	v0 =	vsel vm1, $0x1560, v0  }
0x68: {  	v2 =	vsel vm5, $0x590, v2;
	v1 =	vsel vm6, $0x1700, v1;
	[tilespmem:$0x1FF80] =	vst v0;
	v0 =	vsel vm1, $0x15E0, v43  }
0x69: {  	v35 =	vsel vm1, $0x760, v34;
	v1 =	vsel vm5, $0x1710, v1;
	[tilespmem:$0x1FF90] =	vst v0;
	v0 =	vsel vm14, $0x1280, v46  }
0x6a: {  	v8 =	vsel vm0, $0x14C0, v7;
	v1 =	vsel vm4, $0x1720, v1;
	v0 =	vsel vm13, $0x1290, v0  }
0x6b: {  	v10 =	vsel vm6, $0x1600, v10;
	v1 =	vsel vm3, $0x1730, v1;
	v0 =	vsel vm12, $0x12A0, v0  }
0x6c: {  	v18 =	vsel vm1, $0x2560, v54;
	v1 =	vsel vm0, $0x1740, v1;
	v0 =	vsel vm11, $0x12B0, v0  }
0x6d: {  	v48 =	vsel vm2, $0x1750, v1;
	v1 =	vsel vm14, $0x2080, v52;
	v0 =	vsel vm10, $0x12C0, v0  }
0x6e: {  	v21 =	vsel vm1, $0x26E0, v58;
	v1 =	vsel vm13, $0x2090, v1;
	v0 =	vsel vm9, $0x12D0, v0  }
0x6f: {  	v24 =	vsel vm1, $0x3460, v62;
	v1 =	vsel vm12, $0x20A0, v1;
	v0 =	vsel vm8, $0x12E0, v0  }
0x70: {  	v27 =	vsel vm1, $0x35E0, v6;
	v1 =	vsel vm11, $0x20B0, v1;
	v0 =	vsel vm15, $0x12F0, v0  }
0x71: {  	v7 =	vimm.s32 $0x3670;
	v1 =	vsel vm10, $0x20C0, v1;
	v0 =	vsel vm6, $0x1680, v0  }
0x72: {  	v34 =	vimm.s32 $0xE70;
	v1 =	vsel vm9, $0x20D0, v1;
	v0 =	vsel vm5, $0x1690, v0  }
0x73: {  	v2 =	vsel vm4, $0x5A0, v2;
	v1 =	vsel vm8, $0x20E0, v1;
	v0 =	vsel vm4, $0x16A0, v0  }
0x74: {  	v39 =	vsel vm2, $0x14D0, v8;
	v1 =	vsel vm15, $0x20F0, v1;
	v0 =	vsel vm3, $0x16B0, v0  }
0x75: {  	v10 =	vsel vm5, $0x1610, v10;
	v1 =	vsel vm6, $0x2480, v1;
	v0 =	vsel vm0, $0x16C0, v0  }
0x76: {  	v8 =	vimm.s32 $0x36F0;
	v1 =	vsel vm5, $0x2490, v1;
	v0 =	vsel vm2, $0x16D0, v0  }
0x77: {  	[tilespmem:$0x1FF40] =	vst v35;
	v35 =	vimm.s32 $0xD70;
	v1 =	vsel vm4, $0x24A0, v1;
	v0 =	vsel vm1, $0x16E0, v0  }
0x78: {  	v34 =	vsel vm14, $0xA00, v34;
	v1 =	vsel vm3, $0x24B0, v1;
	[tilespmem:$0x1FFB0] =	vst v0;
	v0 =	vsel vm1, $0x1760, v48  }
0x79: {  	v2 =	vsel vm3, $0x5B0, v2;
	v1 =	vsel vm0, $0x24C0, v1;
	[tilespmem:$0x1FFC0] =	vst v0;
	v0 =	vsel vm14, $0x2000, v51  }
0x7a: {  	v53 =	vsel vm2, $0x24D0, v1;
	v1 =	vsel vm14, $0x2200, v56;
	v0 =	vsel vm13, $0x2010, v0  }
0x7b: {  	v40 =	vsel vm1, $0x14E0, v39;
	v1 =	vsel vm13, $0x2210, v1;
	v0 =	vsel vm12, $0x2020, v0  }
0x7c: {  	v10 =	vsel vm4, $0x1620, v10;
	v1 =	vsel vm12, $0x2220, v1;
	v0 =	vsel vm11, $0x2030, v0  }
0x7d: {  	v34 =	vsel vm13, $0xA10, v34;
	v1 =	vsel vm11, $0x2230, v1;
	v0 =	vsel vm10, $0x2040, v0  }
0x7e: {  	v39 =	vimm.s32 $0xEF0;
	v1 =	vsel vm10, $0x2240, v1;
	v0 =	vsel vm9, $0x2050, v0  }
0x7f: {  	v2 =	vsel vm0, $0x5C0, v2;
	v1 =	vsel vm9, $0x2250, v1;
	v0 =	vsel vm8, $0x2060, v0  }
0x80: {  	v10 =	vsel vm3, $0x1630, v10;
	v1 =	vsel vm8, $0x2260, v1;
	v0 =	vsel vm15, $0x2070, v0  }
0x81: {  	v34 =	vsel vm12, $0xA20, v34;
	v1 =	vsel vm15, $0x2270, v1;
	v0 =	vsel vm6, $0x2400, v0  }
0x82: {  	[tilespmem:$0x1FF70] =	vst v40;
	v40 =	vimm.s32 $0xF70;
	v1 =	vsel vm6, $0x2600, v1;
	v0 =	vsel vm5, $0x2410, v0  }
0x83: {  	v12 =	vsel vm2, $0x5D0, v2;
	v1 =	vsel vm5, $0x2610, v1;
	v0 =	vsel vm4, $0x2420, v0  }
0x84: {  	v32 =	vsel vm0, $0xCC0, v31;
	v1 =	vsel vm4, $0x2620, v1;
	v0 =	vsel vm3, $0x2430, v0  }
0x85: {  	v34 =	vsel vm11, $0xA30, v34;
	v1 =	vsel vm3, $0x2630, v1;
	v0 =	vsel vm0, $0x2440, v0  }
0x86: {  	v13 =	vsel vm1, $0x5E0, v12;
	v1 =	vsel vm0, $0x2640, v1;
	v0 =	vsel vm2, $0x2450, v0  }
0x87: {  	v57 =	vsel vm2, $0x2650, v1;
	v1 =	vsel vm14, $0x2380, v60;
	v0 =	vsel vm1, $0x2460, v0  }
0x88: {  	v11 =	vsel vm0, $0x1640, v10;
	v1 =	vsel vm13, $0x2390, v1;
	[tilespmem:$0x1FFE0] =	vst v0;
	v0 =	vsel vm14, $0x2180, v55  }
0x89: {  	v10 =	vsel vm2, $0x3750, v29;
	v1 =	vsel vm12, $0x23A0, v1;
	v0 =	vsel vm13, $0x2190, v0  }
0x8a: {  	v12 =	vimm.s32 $0xC70;
	v1 =	vsel vm11, $0x23B0, v1;
	v0 =	vsel vm12, $0x21A0, v0  }
0x8b: {  	v34 =	vsel vm10, $0xA40, v34;
	v1 =	vsel vm10, $0x23C0, v1;
	v0 =	vsel vm11, $0x21B0, v0  }
0x8c: {  	v44 =	vsel vm2, $0x1650, v11;
	v1 =	vsel vm9, $0x23D0, v1;
	v0 =	vsel vm10, $0x21C0, v0  }
0x8d: {  	[tilespmem:$0x1FF10] =	vst v13;
	v13 =	vimm.s32 $0x17F0;
	v1 =	vsel vm8, $0x23E0, v1;
	v0 =	vsel vm9, $0x21D0, v0  }
0x8e: {  	v30 =	vsel vm1, $0x3760, v10;
	v1 =	vsel vm15, $0x23F0, v1;
	v0 =	vsel vm8, $0x21E0, v0  }
0x8f: {  	v11 =	vimm.s32 $0x37F0;
	v1 =	vsel vm6, $0x2780, v1;
	v0 =	vsel vm15, $0x21F0, v0  }
0x90: {  	v34 =	vsel vm9, $0xA50, v34;
	v1 =	vsel vm5, $0x2790, v1;
	v0 =	vsel vm6, $0x2580, v0  }
0x91: {  	v45 =	vsel vm1, $0x1660, v44;
	v1 =	vsel vm4, $0x27A0, v1;
	v0 =	vsel vm5, $0x2590, v0  }
0x92: {  	v13 =	vsel vm14, $0x1380, v13;
	v1 =	vsel vm3, $0x27B0, v1;
	v0 =	vsel vm4, $0x25A0, v0  }
0x93: {  	v34 =	vsel vm8, $0xA60, v34;
	v1 =	vsel vm0, $0x27C0, v1;
	v0 =	vsel vm3, $0x25B0, v0  }
0x94: {  	v61 =	vsel vm2, $0x27D0, v1;
	v1 =	vsel vm14, $0x3100, v4;
	v0 =	vsel vm0, $0x25C0, v0  }
0x95: {  	v44 =	vimm.s32 $0x1CF0;
	v1 =	vsel vm13, $0x3110, v1;
	v0 =	vsel vm2, $0x25D0, v0  }
0x96: {  	v1 =	vsel vm12, $0x3120, v1;
	v19 =	vsel vm1, $0x25E0, v0;
	v0 =	vsel vm14, $0x2300, v59  }
0x97: {  	v13 =	vsel vm13, $0x1390, v13;
	v1 =	vsel vm11, $0x3130, v1;
	v0 =	vsel vm13, $0x2310, v0  }
0x98: {  	v34 =	vsel vm15, $0xA70, v34;
	v1 =	vsel vm10, $0x3140, v1;
	v0 =	vsel vm12, $0x2320, v0  }
0x99: {  	v13 =	vsel vm12, $0x13A0, v13;
	v1 =	vsel vm9, $0x3150, v1;
	v0 =	vsel vm11, $0x2330, v0  }
0x9a: {  	v34 =	vsel vm6, $0xE00, v34;
	v1 =	vsel vm8, $0x3160, v1;
	v0 =	vsel vm10, $0x2340, v0  }
0x9b: {  	v13 =	vsel vm11, $0x13B0, v13;
	v1 =	vsel vm15, $0x3170, v1;
	v0 =	vsel vm9, $0x2350, v0  }
0x9c: {  	v34 =	vsel vm5, $0xE10, v34;
	v1 =	vsel vm6, $0x3500, v1;
	v0 =	vsel vm8, $0x2360, v0  }
0x9d: {  	v13 =	vsel vm10, $0x13C0, v13;
	v1 =	vsel vm5, $0x3510, v1;
	v0 =	vsel vm15, $0x2370, v0  }
0x9e: {  	v34 =	vsel vm4, $0xE20, v34;
	v1 =	vsel vm4, $0x3520, v1;
	v0 =	vsel vm6, $0x2700, v0  }
0x9f: {  	v13 =	vsel vm9, $0x13D0, v13;
	v1 =	vsel vm3, $0x3530, v1;
	v0 =	vsel vm5, $0x2710, v0  }
0xa0: {  	v34 =	vsel vm3, $0xE30, v34;
	v1 =	vsel vm0, $0x3540, v1;
	v0 =	vsel vm4, $0x2720, v0  }
0xa1: {  	v5 =	vsel vm2, $0x3550, v1;
	v1 =	vsel vm14, $0x3280, v8;
	v0 =	vsel vm3, $0x2730, v0  }
0xa2: {  	v13 =	vsel vm8, $0x13E0, v13;
	v1 =	vsel vm13, $0x3290, v1;
	v0 =	vsel vm0, $0x2740, v0  }
0xa3: {  	v13 =	vsel vm15, $0x13F0, v13;
	v1 =	vsel vm12, $0x32A0, v1;
	v0 =	vsel vm2, $0x2750, v0  }
0xa4: {  	v1 =	vsel vm11, $0x32B0, v1;
	v22 =	vsel vm1, $0x2760, v0;
	v0 =	vsel vm14, $0x3080, v63  }
0xa5: {  	v13 =	vsel vm6, $0x1780, v13;
	v1 =	vsel vm10, $0x32C0, v1;
	v0 =	vsel vm13, $0x3090, v0  }
0xa6: {  	v13 =	vsel vm5, $0x1790, v13;
	v1 =	vsel vm9, $0x32D0, v1;
	v0 =	vsel vm12, $0x30A0, v0  }
0xa7: {  	v13 =	vsel vm4, $0x17A0, v13;
	v1 =	vsel vm8, $0x32E0, v1;
	v0 =	vsel vm11, $0x30B0, v0  }
0xa8: {  	v13 =	vsel vm3, $0x17B0, v13;
	v1 =	vsel vm15, $0x32F0, v1;
	v0 =	vsel vm10, $0x30C0, v0  }
0xa9: {  	v14 =	vsel vm0, $0x17C0, v13;
	v1 =	vsel vm6, $0x3680, v1;
	v0 =	vsel vm9, $0x30D0, v0  }
0xaa: {  	v49 =	vsel vm2, $0x17D0, v14;
	v1 =	vsel vm5, $0x3690, v1;
	v0 =	vsel vm8, $0x30E0, v0  }
0xab: {  	v14 =	vsel vm2, $0xCD0, v32;
	v1 =	vsel vm4, $0x36A0, v1;
	v0 =	vsel vm15, $0x30F0, v0  }
0xac: {  	v50 =	vsel vm1, $0x17E0, v49;
	v1 =	vsel vm3, $0x36B0, v1;
	v0 =	vsel vm6, $0x3480, v0  }
0xad: {  	v33 =	vsel vm1, $0xCE0, v14;
	v1 =	vsel vm0, $0x36C0, v1;
	v0 =	vsel vm5, $0x3490, v0  }
0xae: {  	v9 =	vsel vm2, $0x36D0, v1;
	v1 =	vsel vm14, $0x800, v12;
	v0 =	vsel vm4, $0x34A0, v0  }
0xaf: {  	v36 =	vimm.s32 $0xDF0;
	v1 =	vsel vm13, $0x810, v1;
	v0 =	vsel vm3, $0x34B0, v0  }
0xb0: {  	v47 =	vimm.s32 $0x1DF0;
	v1 =	vsel vm12, $0x820, v1;
	v0 =	vsel vm0, $0x34C0, v0  }
0xb1: {  	v43 =	vimm.s32 $0x1C70;
	v1 =	vsel vm11, $0x830, v1;
	v0 =	vsel vm2, $0x34D0, v0  }
0xb2: {  	v1 =	vsel vm10, $0x840, v1;
	v25 =	vsel vm1, $0x34E0, v0;
	v0 =	vsel vm14, $0x3200, v7  }
0xb3: {  	v52 =	vimm.s32 $0x1FF0;
	v1 =	vsel vm9, $0x850, v1;
	v0 =	vsel vm13, $0x3210, v0  }
0xb4: {  	v48 =	vimm.s32 $0x1E70;
	v1 =	vsel vm8, $0x860, v1;
	v0 =	vsel vm12, $0x3220, v0  }
0xb5: {  	v56 =	vimm.s32 $0x2D70;
	v1 =	vsel vm15, $0x870, v1;
	v0 =	vsel vm11, $0x3230, v0  }
0xb6: {  	v17 =	vsel vm1, $0x24E0, v53;
	v1 =	vsel vm6, $0xC00, v1;
	v0 =	vsel vm10, $0x3240, v0  }
0xb7: {  	v51 =	vimm.s32 $0x1F70;
	v1 =	vsel vm5, $0xC10, v1;
	v0 =	vsel vm9, $0x3250, v0  }
0xb8: {  	v60 =	vimm.s32 $0x2EF0;
	v1 =	vsel vm4, $0xC20, v1;
	v0 =	vsel vm8, $0x3260, v0  }
0xb9: {  	v20 =	vsel vm1, $0x2660, v57;
	v1 =	vsel vm3, $0xC30, v1;
	v0 =	vsel vm15, $0x3270, v0  }
0xba: {  	v55 =	vimm.s32 $0x2CF0;
	v1 =	vsel vm0, $0xC40, v1;
	v0 =	vsel vm6, $0x3600, v0  }
0xbb: {  	v13 =	vsel vm2, $0xC50, v1;
	v1 =	vsel vm14, $0x980, v36;
	v0 =	vsel vm5, $0x3610, v0  }
0xbc: {  	v4 =	vimm.s32 $0x3C70;
	v1 =	vsel vm13, $0x990, v1;
	v0 =	vsel vm4, $0x3620, v0  }
0xbd: {  	v23 =	vsel vm1, $0x27E0, v61;
	v1 =	vsel vm12, $0x9A0, v1;
	v0 =	vsel vm3, $0x3630, v0  }
0xbe: {  	v59 =	vimm.s32 $0x2E70;
	v1 =	vsel vm11, $0x9B0, v1;
	v0 =	vsel vm0, $0x3640, v0  }
0xbf: {  	v8 =	vimm.s32 $0x3DF0;
	v1 =	vsel vm10, $0x9C0, v1;
	v0 =	vsel vm2, $0x3650, v0  }
0xc0: {  	v1 =	vsel vm9, $0x9D0, v1;
	v28 =	vsel vm1, $0x3660, v0;
	v0 =	vsel vm14, $0x3380, v11  }
0xc1: {  	v26 =	vsel vm1, $0x3560, v5;
	v1 =	vsel vm8, $0x9E0, v1;
	v0 =	vsel vm13, $0x3390, v0  }
0xc2: {  	v63 =	vimm.s32 $0x2FF0;
	v1 =	vsel vm15, $0x9F0, v1;
	v0 =	vsel vm12, $0x33A0, v0  }
0xc3: {  	v12 =	vimm.s32 $0x3F70;
	v1 =	vsel vm6, $0xD80, v1;
	v0 =	vsel vm11, $0x33B0, v0  }
0xc4: {  	v29 =	vsel vm1, $0x36E0, v9;
	v1 =	vsel vm5, $0xD90, v1;
	v0 =	vsel vm10, $0x33C0, v0  }
0xc5: {  	v7 =	vimm.s32 $0x3D70;
	v1 =	vsel vm4, $0xDA0, v1;
	v0 =	vsel vm9, $0x33D0, v0  }
0xc6: {  	v32 =	vsel vm1, $0xC60, v13;
	v1 =	vsel vm3, $0xDB0, v1;
	v0 =	vsel vm8, $0x33E0, v0  }
0xc7: {  	v11 =	vimm.s32 $0x3EF0;
	v1 =	vsel vm0, $0xDC0, v1;
	v0 =	vsel vm15, $0x33F0, v0  }
0xc8: {  	v37 =	vsel vm2, $0xDD0, v1;
	v1 =	vsel vm14, $0xB00, v40;
	v0 =	vsel vm6, $0x3780, v0  }
0xc9: {  	v40 =	vimm.s32 $0x1D70;
	v1 =	vsel vm13, $0xB10, v1;
	v0 =	vsel vm5, $0x3790, v0  }
0xca: {  	v40 =	vsel vm14, $0x1900, v40;
	v1 =	vsel vm12, $0xB20, v1;
	v0 =	vsel vm4, $0x37A0, v0  }
0xcb: {  	v40 =	vsel vm13, $0x1910, v40;
	v1 =	vsel vm11, $0xB30, v1;
	v0 =	vsel vm3, $0x37B0, v0  }
0xcc: {  	v40 =	vsel vm12, $0x1920, v40;
	v1 =	vsel vm10, $0xB40, v1;
	v0 =	vsel vm0, $0x37C0, v0  }
0xcd: {  	v40 =	vsel vm11, $0x1930, v40;
	v1 =	vsel vm9, $0xB50, v1;
	v0 =	vsel vm2, $0x37D0, v0  }
0xce: {  	v40 =	vsel vm10, $0x1940, v40;
	v31 =	vsel vm1, $0x37E0, v0;
	v0 =	vsel vm14, $0x900, v35  }
0xcf: {  	v1 =	vsel vm8, $0xB60, v1;
	v40 =	vsel vm9, $0x1950, v40;
	v0 =	vsel vm13, $0x910, v0  }
0xd0: {  	v1 =	vsel vm15, $0xB70, v1;
	v40 =	vsel vm8, $0x1960, v40;
	v0 =	vsel vm12, $0x920, v0  }
0xd1: {  	v35 =	vsel vm0, $0xE40, v34;
	v1 =	vsel vm6, $0xF00, v1;
	v0 =	vsel vm11, $0x930, v0  }
0xd2: {  	v40 =	vsel vm15, $0x1970, v40;
	v38 =	vsel vm2, $0xE50, v35;
	v0 =	vsel vm10, $0x940, v0  }
0xd3: {  	v35 =	vsel vm1, $0xDE0, v37;
	v37 =	vimm.s32 $0xFF0;
	v0 =	vsel vm9, $0x950, v0  }
0xd4: {  	v1 =	vsel vm5, $0xF10, v1;
	v40 =	vsel vm6, $0x1D00, v40;
	v0 =	vsel vm8, $0x960, v0  }
0xd5: {  	v36 =	vsel vm1, $0xE60, v38;
	v37 =	vsel vm14, $0xB80, v37;
	v0 =	vsel vm15, $0x970, v0  }
0xd6: {  	v1 =	vsel vm4, $0xF20, v1;
	v40 =	vsel vm5, $0x1D10, v40;
	v0 =	vsel vm6, $0xD00, v0  }
0xd7: {  	v37 =	vsel vm13, $0xB90, v37;
	v1 =	vsel vm3, $0xF30, v1;
	v0 =	vsel vm5, $0xD10, v0  }
0xd8: {  	v40 =	vsel vm4, $0x1D20, v40;
	v37 =	vsel vm12, $0xBA0, v37;
	v0 =	vsel vm4, $0xD20, v0  }
0xd9: {  	v1 =	vsel vm0, $0xF40, v1;
	v40 =	vsel vm3, $0x1D30, v40;
	v0 =	vsel vm3, $0xD30, v0  }
0xda: {  	v37 =	vsel vm11, $0xBB0, v37;
	v41 =	vsel vm2, $0xF50, v1;
	v0 =	vsel vm0, $0xD40, v0  }
0xdb: {  	v1 =	vsel vm14, $0x1880, v44;
	v37 =	vsel vm10, $0xBC0, v37;
	v0 =	vsel vm2, $0xD50, v0  }
0xdc: {  	v1 =	vsel vm13, $0x1890, v1;
	v34 =	vsel vm1, $0xD60, v0;
	v0 =	vsel vm14, $0xA80, v39  }
0xdd: {  	v37 =	vsel vm9, $0xBD0, v37;
	v1 =	vsel vm12, $0x18A0, v1;
	v0 =	vsel vm13, $0xA90, v0  }
0xde: {  	v37 =	vsel vm8, $0xBE0, v37;
	v1 =	vsel vm11, $0x18B0, v1;
	v0 =	vsel vm12, $0xAA0, v0  }
0xdf: {  	v37 =	vsel vm15, $0xBF0, v37;
	v1 =	vsel vm10, $0x18C0, v1;
	v0 =	vsel vm11, $0xAB0, v0  }
0xe0: {  	v37 =	vsel vm6, $0xF80, v37;
	v1 =	vsel vm9, $0x18D0, v1;
	v0 =	vsel vm10, $0xAC0, v0  }
0xe1: {  	v37 =	vsel vm5, $0xF90, v37;
	v1 =	vsel vm8, $0x18E0, v1;
	v0 =	vsel vm9, $0xAD0, v0  }
0xe2: {  	v37 =	vsel vm4, $0xFA0, v37;
	v1 =	vsel vm15, $0x18F0, v1;
	v0 =	vsel vm8, $0xAE0, v0  }
0xe3: {  	v37 =	vsel vm3, $0xFB0, v37;
	v1 =	vsel vm6, $0x1C80, v1;
	v0 =	vsel vm15, $0xAF0, v0  }
0xe4: {  	v38 =	vsel vm0, $0xFC0, v37;
	v1 =	vsel vm5, $0x1C90, v1;
	v0 =	vsel vm6, $0xE80, v0  }
0xe5: {  	v42 =	vsel vm2, $0xFD0, v38;
	v38 =	vsel vm1, $0xF60, v41;
	v0 =	vsel vm5, $0xE90, v0  }
0xe6: {  	v1 =	vsel vm4, $0x1CA0, v1;
	v41 =	vsel vm0, $0x1D40, v40;
	v0 =	vsel vm4, $0xEA0, v0  }
0xe7: {  	v39 =	vsel vm1, $0xFE0, v42;
	v1 =	vsel vm3, $0x1CB0, v1;
	v0 =	vsel vm3, $0xEB0, v0  }
0xe8: {  	v46 =	vsel vm2, $0x1D50, v41;
	v1 =	vsel vm0, $0x1CC0, v1;
	v0 =	vsel vm0, $0xEC0, v0  }
0xe9: {  	v42 =	vsel vm1, $0x1D60, v46;
	v46 =	vimm.s32 $0x2C70;
	v0 =	vsel vm2, $0xED0, v0  }
0xea: {  	[tilespmem:$0x1FFA0] =	vst v45;
	v45 =	vsel vm2, $0x1CD0, v1;
	v37 =	vsel vm1, $0xEE0, v0;
	v0 =	vsel vm14, $0x1800, v43  }
0xeb: {  	v1 =	vsel vm14, $0x1A00, v48;
	v46 =	vsel vm14, $0x2800, v46;
	v0 =	vsel vm13, $0x1810, v0  }
0xec: {  	v41 =	vsel vm1, $0x1CE0, v45;
	v1 =	vsel vm13, $0x1A10, v1;
	v0 =	vsel vm12, $0x1820, v0  }
0xed: {  	v46 =	vsel vm13, $0x2810, v46;
	v1 =	vsel vm12, $0x1A20, v1;
	v0 =	vsel vm11, $0x1830, v0  }
0xee: {  	v46 =	vsel vm12, $0x2820, v46;
	v1 =	vsel vm11, $0x1A30, v1;
	v0 =	vsel vm10, $0x1840, v0  }
0xef: {  	v46 =	vsel vm11, $0x2830, v46;
	v1 =	vsel vm10, $0x1A40, v1;
	v0 =	vsel vm9, $0x1850, v0  }
0xf0: {  	v46 =	vsel vm10, $0x2840, v46;
	v1 =	vsel vm9, $0x1A50, v1;
	v0 =	vsel vm8, $0x1860, v0  }
0xf1: {  	v46 =	vsel vm9, $0x2850, v46;
	v1 =	vsel vm8, $0x1A60, v1;
	v0 =	vsel vm15, $0x1870, v0  }
0xf2: {  	v46 =	vsel vm8, $0x2860, v46;
	v1 =	vsel vm15, $0x1A70, v1;
	v0 =	vsel vm6, $0x1C00, v0  }
0xf3: {  	v46 =	vsel vm15, $0x2870, v46;
	v1 =	vsel vm6, $0x1E00, v1;
	v0 =	vsel vm5, $0x1C10, v0  }
0xf4: {  	v46 =	vsel vm6, $0x2C00, v46;
	v1 =	vsel vm5, $0x1E10, v1;
	v0 =	vsel vm4, $0x1C20, v0  }
0xf5: {  	v46 =	vsel vm5, $0x2C10, v46;
	v43 =	vimm.s32 $0x1EF0;
	v0 =	vsel vm3, $0x1C30, v0  }
0xf6: {  	v1 =	vsel vm4, $0x1E20, v1;
	v46 =	vsel vm4, $0x2C20, v46;
	v0 =	vsel vm0, $0x1C40, v0  }
0xf7: {  	v43 =	vsel vm14, $0x1A80, v43;
	v1 =	vsel vm3, $0x1E30, v1;
	v0 =	vsel vm2, $0x1C50, v0  }
0xf8: {  	v46 =	vsel vm3, $0x2C30, v46;
	v40 =	vsel vm1, $0x1C60, v0;
	v0 =	vsel vm14, $0x1980, v47  }
0xf9: {  	v43 =	vsel vm13, $0x1A90, v43;
	v1 =	vsel vm0, $0x1E40, v1;
	v0 =	vsel vm13, $0x1990, v0  }
0xfa: {  	v43 =	vsel vm12, $0x1AA0, v43;
	v49 =	vsel vm2, $0x1E50, v1;
	v0 =	vsel vm12, $0x19A0, v0  }
0xfb: {  	v1 =	vsel vm14, $0x1B80, v52;
	v52 =	vimm.s32 $0x2F70;
	v0 =	vsel vm11, $0x19B0, v0  }
0xfc: {  	v43 =	vsel vm11, $0x1AB0, v43;
	v1 =	vsel vm13, $0x1B90, v1;
	v0 =	vsel vm10, $0x19C0, v0  }
0xfd: {  	v52 =	vsel vm14, $0x2B00, v52;
	v43 =	vsel vm10, $0x1AC0, v43;
	v0 =	vsel vm9, $0x19D0, v0  }
0xfe: {  	v1 =	vsel vm12, $0x1BA0, v1;
	v52 =	vsel vm13, $0x2B10, v52;
	v0 =	vsel vm8, $0x19E0, v0  }
0xff: {  	v43 =	vsel vm9, $0x1AD0, v43;
	v1 =	vsel vm11, $0x1BB0, v1;
	v0 =	vsel vm15, $0x19F0, v0  }
0x100: {  	v52 =	vsel vm12, $0x2B20, v52;
	v43 =	vsel vm8, $0x1AE0, v43;
	v0 =	vsel vm6, $0x1D80, v0  }
0x101: {  	v1 =	vsel vm10, $0x1BC0, v1;
	v43 =	vsel vm15, $0x1AF0, v43;
	v0 =	vsel vm5, $0x1D90, v0  }
0x102: {  	v52 =	vsel vm11, $0x2B30, v52;
	v43 =	vsel vm6, $0x1E80, v43;
	v0 =	vsel vm4, $0x1DA0, v0  }
0x103: {  	v1 =	vsel vm9, $0x1BD0, v1;
	v43 =	vsel vm5, $0x1E90, v43;
	v0 =	vsel vm3, $0x1DB0, v0  }
0x104: {  	v52 =	vsel vm10, $0x2B40, v52;
	v43 =	vsel vm4, $0x1EA0, v43;
	v0 =	vsel vm0, $0x1DC0, v0  }
0x105: {  	v1 =	vsel vm8, $0x1BE0, v1;
	v43 =	vsel vm3, $0x1EB0, v43;
	v0 =	vsel vm2, $0x1DD0, v0  }
0x106: {  	v44 =	vsel vm0, $0x1EC0, v43;
	v43 =	vsel vm1, $0x1DE0, v0;
	v0 =	vsel vm14, $0x1B00, v51  }
0x107: {  	v52 =	vsel vm9, $0x2B50, v52;
	v1 =	vsel vm15, $0x1BF0, v1;
	v0 =	vsel vm13, $0x1B10, v0  }
0x108: {  	v52 =	vsel vm8, $0x2B60, v52;
	v1 =	vsel vm6, $0x1F80, v1;
	v0 =	vsel vm12, $0x1B20, v0  }
0x109: {  	v52 =	vsel vm15, $0x2B70, v52;
	v1 =	vsel vm5, $0x1F90, v1;
	v0 =	vsel vm11, $0x1B30, v0  }
0x10a: {  	v52 =	vsel vm6, $0x2F00, v52;
	v1 =	vsel vm4, $0x1FA0, v1;
	v0 =	vsel vm10, $0x1B40, v0  }
0x10b: {  	[tilespmem:$0x1FFD0] =	vst v50;
	v52 =	vsel vm5, $0x2F10, v52;
	v50 =	vsel vm2, $0x1ED0, v44;
	v0 =	vsel vm9, $0x1B50, v0  }
0x10c: {  	v44 =	vsel vm1, $0x1E60, v49;
	v1 =	vsel vm3, $0x1FB0, v1;
	v0 =	vsel vm8, $0x1B60, v0  }
0x10d: {  	v47 =	vsel vm0, $0x2C40, v46;
	v49 =	vimm.s32 $0x2DF0;
	v0 =	vsel vm15, $0x1B70, v0  }
0x10e: {  	v52 =	vsel vm4, $0x2F20, v52;
	v45 =	vsel vm1, $0x1EE0, v50;
	v0 =	vsel vm6, $0x1F00, v0  }
0x10f: {  	v1 =	vsel vm0, $0x1FC0, v1;
	v54 =	vsel vm2, $0x2C50, v47;
	v0 =	vsel vm5, $0x1F10, v0  }
0x110: {  	v49 =	vsel vm14, $0x2980, v49;
	v52 =	vsel vm3, $0x2F30, v52;
	v0 =	vsel vm4, $0x1F20, v0  }
0x111: {  	v53 =	vsel vm2, $0x1FD0, v1;
	v48 =	vsel vm1, $0x2C60, v54;
	v0 =	vsel vm3, $0x1F30, v0  }
0x112: {  	v1 =	vsel vm14, $0x2900, v56;
	v49 =	vsel vm13, $0x2990, v49;
	v0 =	vsel vm0, $0x1F40, v0  }
0x113: {  	v47 =	vsel vm1, $0x1FE0, v53;
	v1 =	vsel vm13, $0x2910, v1;
	v0 =	vsel vm2, $0x1F50, v0  }
0x114: {  	v49 =	vsel vm12, $0x29A0, v49;
	v46 =	vsel vm1, $0x1F60, v0;
	v0 =	vsel vm14, $0x2880, v55  }
0x115: {  	v53 =	vsel vm0, $0x2F40, v52;
	v1 =	vsel vm12, $0x2920, v1;
	v0 =	vsel vm13, $0x2890, v0  }
0x116: {  	v49 =	vsel vm11, $0x29B0, v49;
	v62 =	vsel vm2, $0x2F50, v53;
	v0 =	vsel vm12, $0x28A0, v0  }
0x117: {  	v1 =	vsel vm11, $0x2930, v1;
	v49 =	vsel vm10, $0x29C0, v49;
	v0 =	vsel vm11, $0x28B0, v0  }
0x118: {  	v54 =	vsel vm1, $0x2F60, v62;
	v1 =	vsel vm10, $0x2940, v1;
	v0 =	vsel vm10, $0x28C0, v0  }
0x119: {  	v49 =	vsel vm9, $0x29D0, v49;
	v1 =	vsel vm9, $0x2950, v1;
	v0 =	vsel vm9, $0x28D0, v0  }
0x11a: {  	v49 =	vsel vm8, $0x29E0, v49;
	v1 =	vsel vm8, $0x2960, v1;
	v0 =	vsel vm8, $0x28E0, v0  }
0x11b: {  	v49 =	vsel vm15, $0x29F0, v49;
	v1 =	vsel vm15, $0x2970, v1;
	v0 =	vsel vm15, $0x28F0, v0  }
0x11c: {  	v49 =	vsel vm6, $0x2D80, v49;
	v1 =	vsel vm6, $0x2D00, v1;
	v0 =	vsel vm6, $0x2C80, v0  }
0x11d: {  	v49 =	vsel vm5, $0x2D90, v49;
	v1 =	vsel vm5, $0x2D10, v1;
	v0 =	vsel vm5, $0x2C90, v0  }
0x11e: {  	v49 =	vsel vm4, $0x2DA0, v49;
	v1 =	vsel vm4, $0x2D20, v1;
	v0 =	vsel vm4, $0x2CA0, v0  }
0x11f: {  	v49 =	vsel vm3, $0x2DB0, v49;
	v1 =	vsel vm3, $0x2D30, v1;
	v0 =	vsel vm3, $0x2CB0, v0  }
0x120: {  	v50 =	vsel vm0, $0x2DC0, v49;
	v1 =	vsel vm0, $0x2D40, v1;
	v0 =	vsel vm0, $0x2CC0, v0  }
0x121: {  	v58 =	vsel vm2, $0x2DD0, v50;
	v57 =	vsel vm2, $0x2D50, v1;
	v0 =	vsel vm2, $0x2CD0, v0  }
0x122: {  	v1 =	vsel vm14, $0x2A80, v60;
	v49 =	vsel vm1, $0x2CE0, v0;
	v0 =	vsel vm14, $0x2A00, v59  }
0x123: {  	v51 =	vsel vm1, $0x2DE0, v58;
	v1 =	vsel vm13, $0x2A90, v1;
	v0 =	vsel vm13, $0x2A10, v0  }
0x124: {  	v58 =	vimm.s32 $0x3E70;
	v1 =	vsel vm12, $0x2AA0, v1;
	v0 =	vsel vm12, $0x2A20, v0  }
0x125: {  	v50 =	vsel vm1, $0x2D60, v57;
	v1 =	vsel vm11, $0x2AB0, v1;
	v0 =	vsel vm11, $0x2A30, v0  }
0x126: {  	v58 =	vsel vm14, $0x3A00, v58;
	v1 =	vsel vm10, $0x2AC0, v1;
	v0 =	vsel vm10, $0x2A40, v0  }
0x127: {  	v58 =	vsel vm13, $0x3A10, v58;
	v1 =	vsel vm9, $0x2AD0, v1;
	v0 =	vsel vm9, $0x2A50, v0  }
0x128: {  	v58 =	vsel vm12, $0x3A20, v58;
	v1 =	vsel vm8, $0x2AE0, v1;
	v0 =	vsel vm8, $0x2A60, v0  }
0x129: {  	v58 =	vsel vm11, $0x3A30, v58;
	v1 =	vsel vm15, $0x2AF0, v1;
	v0 =	vsel vm15, $0x2A70, v0  }
0x12a: {  	v58 =	vsel vm10, $0x3A40, v58;
	v1 =	vsel vm6, $0x2E80, v1;
	v0 =	vsel vm6, $0x2E00, v0  }
0x12b: {  	v58 =	vsel vm9, $0x3A50, v58;
	v1 =	vsel vm5, $0x2E90, v1;
	v0 =	vsel vm5, $0x2E10, v0  }
0x12c: {  	v58 =	vsel vm8, $0x3A60, v58;
	v1 =	vsel vm4, $0x2EA0, v1;
	v0 =	vsel vm4, $0x2E20, v0  }
0x12d: {  	v58 =	vsel vm15, $0x3A70, v58;
	v1 =	vsel vm3, $0x2EB0, v1;
	v0 =	vsel vm3, $0x2E30, v0  }
0x12e: {  	v58 =	vsel vm6, $0x3E00, v58;
	v1 =	vsel vm0, $0x2EC0, v1;
	v0 =	vsel vm0, $0x2E40, v0  }
0x12f: {  	v61 =	vsel vm2, $0x2ED0, v1;
	v55 =	vimm.s32 $0x3CF0;
	v0 =	vsel vm2, $0x2E50, v0  }
0x130: {  	v1 =	vsel vm14, $0x3800, v4;
	v52 =	vsel vm1, $0x2E60, v0;
	v0 =	vsel vm14, $0x2B80, v63  }
0x131: {  	v55 =	vsel vm14, $0x3880, v55;
	v1 =	vsel vm13, $0x3810, v1;
	v0 =	vsel vm13, $0x2B90, v0  }
0x132: {  	v55 =	vsel vm13, $0x3890, v55;
	v1 =	vsel vm12, $0x3820, v1;
	v0 =	vsel vm12, $0x2BA0, v0  }
0x133: {  	v55 =	vsel vm12, $0x38A0, v55;
	v1 =	vsel vm11, $0x3830, v1;
	v0 =	vsel vm11, $0x2BB0, v0  }
0x134: {  	v55 =	vsel vm11, $0x38B0, v55;
	v1 =	vsel vm10, $0x3840, v1;
	v0 =	vsel vm10, $0x2BC0, v0  }
0x135: {  	v55 =	vsel vm10, $0x38C0, v55;
	v1 =	vsel vm9, $0x3850, v1;
	v0 =	vsel vm9, $0x2BD0, v0  }
0x136: {  	v55 =	vsel vm9, $0x38D0, v55;
	v1 =	vsel vm8, $0x3860, v1;
	v0 =	vsel vm8, $0x2BE0, v0  }
0x137: {  	v55 =	vsel vm8, $0x38E0, v55;
	v1 =	vsel vm15, $0x3870, v1;
	v0 =	vsel vm15, $0x2BF0, v0  }
0x138: {  	v55 =	vsel vm15, $0x38F0, v55;
	v1 =	vsel vm6, $0x3C00, v1;
	v0 =	vsel vm6, $0x2F80, v0  }
0x139: {  	v55 =	vsel vm6, $0x3C80, v55;
	v1 =	vsel vm5, $0x3C10, v1;
	v0 =	vsel vm5, $0x2F90, v0  }
0x13a: {  	v55 =	vsel vm5, $0x3C90, v55;
	v1 =	vsel vm4, $0x3C20, v1;
	v0 =	vsel vm4, $0x2FA0, v0  }
0x13b: {  	v55 =	vsel vm4, $0x3CA0, v55;
	v1 =	vsel vm3, $0x3C30, v1;
	v0 =	vsel vm3, $0x2FB0, v0  }
0x13c: {  	v55 =	vsel vm3, $0x3CB0, v55;
	v1 =	vsel vm0, $0x3C40, v1;
	v0 =	vsel vm0, $0x2FC0, v0  }
0x13d: {  	v56 =	vsel vm0, $0x3CC0, v55;
	v5 =	vsel vm2, $0x3C50, v1;
	v0 =	vsel vm2, $0x2FD0, v0  }
0x13e: {  	v1 =	vsel vm14, $0x3980, v8;
	v55 =	vsel vm1, $0x2FE0, v0;
	v0 =	vsel vm14, $0x3900, v7  }
0x13f: {  	v58 =	vsel vm5, $0x3E10, v58;
	v1 =	vsel vm13, $0x3990, v1;
	v0 =	vsel vm13, $0x3910, v0  }
0x140: {  	v58 =	vsel vm4, $0x3E20, v58;
	v1 =	vsel vm12, $0x39A0, v1;
	v0 =	vsel vm12, $0x3920, v0  }
0x141: {  	v58 =	vsel vm3, $0x3E30, v58;
	v1 =	vsel vm11, $0x39B0, v1;
	v0 =	vsel vm11, $0x3930, v0  }
0x142: {  	v53 =	vsel vm1, $0x2EE0, v61;
	v1 =	vsel vm10, $0x39C0, v1;
	v0 =	vsel vm10, $0x3940, v0  }
0x143: {  	v61 =	vimm.s32 $0x3FF0;
	v1 =	vsel vm9, $0x39D0, v1;
	v0 =	vsel vm9, $0x3950, v0  }
0x144: {  	v61 =	vsel vm14, $0x3B80, v61;
	v1 =	vsel vm8, $0x39E0, v1;
	v0 =	vsel vm8, $0x3960, v0  }
0x145: {  	v61 =	vsel vm13, $0x3B90, v61;
	v1 =	vsel vm15, $0x39F0, v1;
	v0 =	vsel vm15, $0x3970, v0  }
0x146: {  	v61 =	vsel vm12, $0x3BA0, v61;
	v1 =	vsel vm6, $0x3D80, v1;
	v0 =	vsel vm6, $0x3D00, v0  }
0x147: {  	v61 =	vsel vm11, $0x3BB0, v61;
	v1 =	vsel vm5, $0x3D90, v1;
	v0 =	vsel vm5, $0x3D10, v0  }
0x148: {  	v61 =	vsel vm10, $0x3BC0, v61;
	v1 =	vsel vm4, $0x3DA0, v1;
	v0 =	vsel vm4, $0x3D20, v0  }
0x149: {  	v61 =	vsel vm9, $0x3BD0, v61;
	v1 =	vsel vm3, $0x3DB0, v1;
	v0 =	vsel vm3, $0x3D30, v0  }
0x14a: {  	v61 =	vsel vm8, $0x3BE0, v61;
	v1 =	vsel vm0, $0x3DC0, v1;
	v0 =	vsel vm0, $0x3D40, v0  }
0x14b: {  	v59 =	vsel vm0, $0x3E40, v58;
	v9 =	vsel vm2, $0x3DD0, v1;
	v0 =	vsel vm2, $0x3D50, v0  }
0x14c: {  	v1 =	vsel vm14, $0x3B00, v12;
	v58 =	vsel vm1, $0x3D60, v0;
	v0 =	vsel vm14, $0x3A80, v11  }
0x14d: {  	s2 =	rddreg [dreg:$0x0];
	v61 =	vsel vm15, $0x3BF0, v61;
	v1 =	vsel vm13, $0x3B10, v1;
	v0 =	vsel vm13, $0x3A90, v0  }
0x14e: {  	s4 =	rddreg [dreg:$0x1];
	v61 =	vsel vm6, $0x3F80, v61;
	v1 =	vsel vm12, $0x3B20, v1;
	v0 =	vsel vm12, $0x3AA0, v0  }
0x14f: {  	s0 =	rddreg [dreg:$0x2];
	v61 =	vsel vm5, $0x3F90, v61;
	v1 =	vsel vm11, $0x3B30, v1;
	v0 =	vsel vm11, $0x3AB0, v0  }
0x150: {  	s1 =	rddreg [dreg:$0x3];
	v61 =	vsel vm4, $0x3FA0, v61;
	v1 =	vsel vm10, $0x3B40, v1;
	v0 =	vsel vm10, $0x3AC0, v0  }
0x151: {  	s5 =	rddreg [dreg:$0x4];
	s6 =	srdreg.scid;
	v61 =	vsel vm3, $0x3FB0, v61;
	v1 =	vsel vm9, $0x3B50, v1;
	v0 =	vsel vm9, $0x3AD0, v0  }
0x152: {  	s3 =	simm.s32 $0x0;
	s9 =	stileid.u32;
	s12 =	simm.s32 $0x500;
	v6 =	vsel vm2, $0x3CD0, v56;
	v1 =	vsel vm8, $0x3B60, v1;
	v0 =	vsel vm8, $0x3AE0, v0  }
0x153: {  	s13 =	simm.s32 $0x4500;
	s14 =	simm.s32 $0x3;
	s6 =	sand.u32 $0x1, s6;
	v56 =	vsel vm1, $0x3C60, v5;
	v1 =	vsel vm15, $0x3B70, v1;
	v0 =	vsel vm15, $0x3AF0, v0  }
0x154: {  	s9 =	sshll.u32 s9, $0x7;
	s7 =	ssub.s32 $0x2, s6;
	s6 =	sshll.u32 s6, $0x6;
	v62 =	vsel vm0, $0x3FC0, v61;
	v1 =	vsel vm6, $0x3F00, v1;
	v0 =	vsel vm6, $0x3E80, v0  }
0x155: {  	s15 =	simm.s32 $0x4;
	s16 =	simm.s32 $0x8500;
	s6 =	sor.u32 s6, s9;
	v57 =	vsel vm1, $0x3CE0, v6;
	v1 =	vsel vm5, $0x3F10, v1;
	v0 =	vsel vm5, $0x3E90, v0  }
0x156: {  	[smem:$0x7FF] =	sst s3;
	s8 =	sshrl.u32 s7, $0x1;
	s2 =	sadd.s32 s2, s6;
	v10 =	vsel vm2, $0x3E50, v59;
	v1 =	vsel vm4, $0x3F20, v1;
	v0 =	vsel vm4, $0x3EA0, v0  }
0x157: {  	s29 =	sadd.s32 s4, s6;
	_ =	strace $0x80000047;
	[dreg:$0x6] =	wrdreg s2;
	v14 =	vsel vm2, $0x3FD0, v62;
	v1 =	vsel vm3, $0x3F30, v1;
	v0 =	vsel vm3, $0x3EB0, v0  }
0x158: {  	s8 =	ssub.s32 s7, s8;
	s30 =	sadd.s32 s5, s6;
	[dreg:$0x7] =	wrdreg s29;
	v60 =	vsel vm1, $0x3E60, v10;
	v1 =	vsel vm0, $0x3F40, v1;
	v0 =	vsel vm0, $0x3EC0, v0  }
0x159: {  	s17 =	simm.s32 $0xC500;
	s31 =	smax.u32 s8, $0x1;
	[dreg:$0x8] =	wrdreg s30;
	v59 =	vsel vm1, $0x3DE0, v9;
	v13 =	vsel vm2, $0x3F50, v1;
	v0 =	vsel vm2, $0x3ED0, v0  }
0x15a: {  	s4 =	simm.s32 $0x5;
	s5 =	simm.s32 $0x0;
	[dreg:$0x9] =	wrdreg s31;
	[tilespmem:$0x1FFF0] =	vst v17;
	v63 =	vsel vm1, $0x3FE0, v14;
	v62 =	vsel vm1, $0x3F60, v13;
	v61 =	vsel vm1, $0x3EE0, v0  }
.LBB2_1:
0x15b: {  	[dreg:$0xa] =	wrdreg s5  }
0x15c: {  	s2 =	rddreg [dreg:$0x6]  }
0x15d: {  	[tilespmem:s3], [sflag:$0x5] =	stream.linear.gather [hbm4b:s2+s3], $0x200, $0x38;
	[tilespmem:$0x10700] =	vst v63  }
0x15e: {  	_ =	swait.ge [sflag:s4], $0x200  }
0x15f: {  	[sflag:s4] =	ssyncset.done $0x0  }
0x160: {  	s21 =	simm.s32 $0x280;
	s29 =	rddreg [dreg:$0x7];
	[sflag:s4] =	ssyncadd.s32 $0xFFFFFE00  }
0x161: {  	[tilespmem:s21], [sflag:$0x5] =	stream.linear.gather [hbm4b:s29+s3], $0x200, $0x38;
	[tilespmem:$0x10700] =	vst v63  }
0x162: {  	_ =	swait.ge [sflag:s4], $0x200  }
0x163: {  	[sflag:s4] =	ssyncset.done $0x0  }
0x164: {  	v0 =	vimm.s32 $0x0;
	[sflag:s4] =	ssyncadd.s32 $0xFFFFFE00  }
0x165: {  	[tilespmem:$0x200] =	vst v0  }
0x166: {  	[tilespmem:$0x480] =	vst v0  }
0x167: {  	v0 =	vld [tilespmem:s3+$0x0];
	_ =	sdelay $0x4  }
0x168: {  	(v2sf) =	vpush v0, $0x0;
	_ =	sdelay $0xe  }
0x169: {  	s30 =	spop (v2sf)  }
0x16a: {  	s31 =	sshll.u32 s30, $0x3  }
0x16b: {  	s2 =	sand.u32 $0x70, s30;
	s4 =	sand.u32 $0xFFFFFC00, s31  }
0x16c: {  	s5 =	sand.u32 $0xC00, s3;
	s7 =	sand.u32 $0x70, s3;
	s2 =	sor.u32 s2, s4  }
0x16d: {  	s6 =	sshrl.u32 s2, $0x3;
	s2 =	sor.u32 s7, s5  }
0x16e: {  	s4 =	sadd.s32 s0, s6;
	s5 =	sadd.s32 $0x500, s2  }
0x16f: {  	v14 =	vld [tilespmem:s21+$0x0];
	[tilespmem:s5], [sflag:$0x1] =	stream.linear.gather [hbm4b:s4+s3], $0x10, $0x38  }
0x170: {  	s9 =	sadd.s32 $0x580, s2;
	s8 =	sadd.s32 $0x10, s4  }
0x171: {  	[tilespmem:s9], [sflag:$0x1] =	stream.linear.gather [hbm4b:s8+s3], $0x10, $0x38;
	[tilespmem:$0x10700] =	vst v63  }
0x172: {  	s11 =	sadd.s32 $0x600, s2;
	s10 =	sadd.s32 $0x20, s4  }
0x173: {  	[tilespmem:s11], [sflag:$0x1] =	stream.linear.gather [hbm4b:s10+s3], $0x10, $0x38;
	[tilespmem:$0x10700] =	vst v63  }
0x174: {  	s19 =	sadd.s32 $0x680, s2;
	s18 =	sadd.s32 $0x30, s4  }
0x175: {  	[tilespmem:s19], [sflag:$0x1] =	stream.linear.gather [hbm4b:s18+s3], $0x10, $0x38;
	[tilespmem:$0x10700] =	vst v63  }
0x176: {  	s22 =	sadd.s32 $0x700, s2;
	s20 =	sadd.s32 $0x40, s4  }
0x177: {  	[tilespmem:s22], [sflag:$0x1] =	stream.linear.gather [hbm4b:s20+s3], $0x10, $0x38;
	[tilespmem:$0x10700] =	vst v63  }
0x178: {  	s24 =	sadd.s32 $0x780, s2;
	s23 =	sadd.s32 $0x50, s4  }
0x179: {  	[tilespmem:s24], [sflag:$0x1] =	stream.linear.gather [hbm4b:s23+s3], $0x10, $0x38;
	[tilespmem:$0x10700] =	vst v63  }
0x17a: {  	s26 =	sadd.s32 $0x800, s2;
	s25 =	sadd.s32 $0x60, s4  }
0x17b: {  	[tilespmem:s26], [sflag:$0x1] =	stream.linear.gather [hbm4b:s25+s3], $0x10, $0x38;
	[tilespmem:$0x10700] =	vst v63  }
0x17c: {  	s29 =	sadd.s32 $0x880, s2;
	s28 =	sadd.s32 $0x70, s4  }
0x17d: {  	[tilespmem:s29], [sflag:$0x1] =	stream.linear.gather [hbm4b:s28+s3], $0x10, $0x38;
	[tilespmem:$0x10700] =	vst v63  }
0x17e: {  	s31 =	sadd.s32 $0x1500, s2;
	s30 =	sadd.s32 $0xF4280, s4  }
0x17f: {  	[tilespmem:s31], [sflag:$0x1] =	stream.linear.gather [hbm4b:s30+s3], $0x10, $0x38;
	[tilespmem:$0x10700] =	vst v63  }
0x180: {  	s7 =	sadd.s32 $0x10, s30;
	s18 =	sadd.s32 $0x1580, s2  }
0x181: {  	[tilespmem:s18], [sflag:$0x1] =	stream.linear.gather [hbm4b:s7+s3], $0x10, $0x38;
	[tilespmem:$0x10700] =	vst v63  }
0x182: {  	s8 =	sadd.s32 $0x20, s30;
	s9 =	sadd.s32 $0x1600, s2  }
0x183: {  	[tilespmem:s9], [sflag:$0x1] =	stream.linear.gather [hbm4b:s8+s3], $0x10, $0x38;
	[tilespmem:$0x10700] =	vst v63  }
0x184: {  	s10 =	sadd.s32 $0x30, s30;
	s11 =	sadd.s32 $0x1680, s2  }
0x185: {  	[tilespmem:s11], [sflag:$0x1] =	stream.linear.gather [hbm4b:s10+s3], $0x10, $0x38;
	[tilespmem:$0x10700] =	vst v63  }
0x186: {  	s19 =	sadd.s32 $0x1700, s2;
	s18 =	sadd.s32 $0x40, s30  }
0x187: {  	[tilespmem:s19], [sflag:$0x1] =	stream.linear.gather [hbm4b:s18+s3], $0x10, $0x38;
	[tilespmem:$0x10700] =	vst v63  }
0x188: {  	s20 =	sadd.s32 $0x50, s30;
	s22 =	sadd.s32 $0x1780, s2  }
0x189: {  	[tilespmem:s22], [sflag:$0x1] =	stream.linear.gather [hbm4b:s20+s3], $0x10, $0x38;
	[tilespmem:$0x10700] =	vst v63  }
0x18a: {  	s23 =	sadd.s32 $0x60, s30;
	s24 =	sadd.s32 $0x1800, s2  }
0x18b: {  	[tilespmem:s24], [sflag:$0x1] =	stream.linear.gather [hbm4b:s23+s3], $0x10, $0x38;
	[tilespmem:$0x10700] =	vst v63  }
0x18c: {  	s5 =	sadd.s32 $0x70, s30;
	s25 =	sadd.s32 $0x1880, s2  }
0x18d: {  	[tilespmem:s25], [sflag:$0x1] =	stream.linear.gather [hbm4b:s5+s3], $0x10, $0x38;
	[tilespmem:$0x10700] =	vst v63  }
0x18e: {  	s26 =	sadd.s32 $0x2500, s2;
	s28 =	sadd.s32 $0x1E8500, s4  }
0x18f: {  	[tilespmem:s26], [sflag:$0x1] =	stream.linear.gather [hbm4b:s28+s3], $0x10, $0x38;
	[tilespmem:$0x10700] =	vst v63  }
0x190: {  	s29 =	sadd.s32 $0x10, s28;
	s30 =	sadd.s32 $0x2580, s2  }
0x191: {  	[tilespmem:s30], [sflag:$0x1] =	stream.linear.gather [hbm4b:s29+s3], $0x10, $0x38;
	[tilespmem:$0x10700] =	vst v63  }
0x192: {  	s31 =	sadd.s32 $0x20, s28;
	s7 =	sadd.s32 $0x2600, s2  }
0x193: {  	(v2sf) =	vpush v14, $0x0;
	[tilespmem:s7], [sflag:$0x1] =	stream.linear.gather [hbm4b:s31+s3], $0x10, $0x38;
	[tilespmem:$0x10700] =	vst v63  }
0x194: {  	s8 =	sadd.s32 $0x30, s28;
	s9 =	sadd.s32 $0x2680, s2  }
0x195: {  	[tilespmem:s9], [sflag:$0x1] =	stream.linear.gather [hbm4b:s8+s3], $0x10, $0x38;
	[tilespmem:$0x10700] =	vst v63  }
0x196: {  	s10 =	sadd.s32 $0x2700, s2;
	s11 =	sadd.s32 $0x40, s28  }
0x197: {  	[tilespmem:s10], [sflag:$0x1] =	stream.linear.gather [hbm4b:s11+s3], $0x10, $0x38;
	[tilespmem:$0x10700] =	vst v63  }
0x198: {  	s19 =	sadd.s32 $0x2780, s2;
	s20 =	sadd.s32 $0x50, s28  }
0x199: {  	[tilespmem:s19], [sflag:$0x1] =	stream.linear.gather [hbm4b:s20+s3], $0x10, $0x38;
	[tilespmem:$0x10700] =	vst v63  }
0x19a: {  	s22 =	sadd.s32 $0x2800, s2;
	s23 =	sadd.s32 $0x60, s28  }
0x19b: {  	[tilespmem:s22], [sflag:$0x1] =	stream.linear.gather [hbm4b:s23+s3], $0x10, $0x38;
	[tilespmem:$0x10700] =	vst v63  }
0x19c: {  	s6 =	sadd.s32 $0x70, s28;
	s24 =	sadd.s32 $0x2880, s2  }
0x19d: {  	[tilespmem:s24], [sflag:$0x1] =	stream.linear.gather [hbm4b:s6+s3], $0x10, $0x38;
	[tilespmem:$0x10700] =	vst v63  }
0x19e: {  	s4 =	sadd.s32 $0x2DC780, s4;
	s25 =	sadd.s32 $0x3500, s2  }
0x19f: {  	[tilespmem:s25], [sflag:$0x1] =	stream.linear.gather [hbm4b:s4+s3], $0x10, $0x38;
	[tilespmem:$0x10700] =	vst v63  }
0x1a0: {  	s26 =	sadd.s32 $0x10, s4;
	s28 =	sadd.s32 $0x3580, s2  }
0x1a1: {  	[tilespmem:s28], [sflag:$0x1] =	stream.linear.gather [hbm4b:s26+s3], $0x10, $0x38;
	[tilespmem:$0x10700] =	vst v63  }
0x1a2: {  	s29 =	spop (v2sf);
	s30 =	sadd.s32 $0x20, s4;
	s31 =	sadd.s32 $0x3600, s2  }
0x1a3: {  	[tilespmem:s31], [sflag:$0x1] =	stream.linear.gather [hbm4b:s30+s3], $0x10, $0x38;
	[tilespmem:$0x10700] =	vst v63  }
0x1a4: {  	s5 =	sand.u32 $0x70, s29;
	s8 =	sadd.s32 $0x30, s4;
	s20 =	sadd.s32 $0x3680, s2  }
0x1a5: {  	[tilespmem:s20], [sflag:$0x1] =	stream.linear.gather [hbm4b:s8+s3], $0x10, $0x38;
	[tilespmem:$0x10700] =	vst v63  }
0x1a6: {  	s7 =	sshll.u32 s29, $0x3;
	s9 =	sadd.s32 $0x40, s4;
	s10 =	sadd.s32 $0x3700, s2  }
0x1a7: {  	[tilespmem:s10], [sflag:$0x1] =	stream.linear.gather [hbm4b:s9+s3], $0x10, $0x38;
	[tilespmem:$0x10700] =	vst v63  }
0x1a8: {  	s11 =	sadd.s32 $0x50, s4;
	s19 =	sadd.s32 $0x3780, s2;
	s6 =	sand.u32 $0xFFFFFC00, s7  }
0x1a9: {  	[tilespmem:s19], [sflag:$0x1] =	stream.linear.gather [hbm4b:s11+s3], $0x10, $0x38;
	[tilespmem:$0x10700] =	vst v63  }
0x1aa: {  	s22 =	sadd.s32 $0x3800, s2;
	s5 =	sor.u32 s5, s6;
	s20 =	sadd.s32 $0x60, s4  }
0x1ab: {  	[tilespmem:s22], [sflag:$0x1] =	stream.linear.gather [hbm4b:s20+s3], $0x10, $0x38;
	[tilespmem:$0x10700] =	vst v63  }
0x1ac: {  	s23 =	sadd.s32 $0x3880, s2;
	s5 =	sshrl.u32 s5, $0x3;
	s4 =	sadd.s32 $0x70, s4  }
0x1ad: {  	[tilespmem:s23], [sflag:$0x1] =	stream.linear.gather [hbm4b:s4+s3], $0x10, $0x38;
	[tilespmem:$0x10700] =	vst v63  }
0x1ae: {  	s24 =	sadd.s32 $0x4500, s2;
	s4 =	sadd.s32 s1, s5  }
0x1af: {  	[tilespmem:s24], [sflag:$0x2] =	stream.linear.gather [hbm4b:s4+s3], $0x10, $0x38;
	[tilespmem:$0x10700] =	vst v63  }
0x1b0: {  	s25 =	sadd.s32 $0x4580, s2;
	s26 =	sadd.s32 $0x10, s4  }
0x1b1: {  	[tilespmem:s25], [sflag:$0x2] =	stream.linear.gather [hbm4b:s26+s3], $0x10, $0x38;
	[tilespmem:$0x10700] =	vst v63  }
0x1b2: {  	s29 =	sadd.s32 $0x4600, s2;
	s28 =	sadd.s32 $0x20, s4  }
0x1b3: {  	[tilespmem:s29], [sflag:$0x2] =	stream.linear.gather [hbm4b:s28+s3], $0x10, $0x38;
	[tilespmem:$0x10700] =	vst v63  }
0x1b4: {  	s31 =	sadd.s32 $0x4680, s2;
	s30 =	sadd.s32 $0x30, s4  }
0x1b5: {  	[tilespmem:s31], [sflag:$0x2] =	stream.linear.gather [hbm4b:s30+s3], $0x10, $0x38;
	[tilespmem:$0x10700] =	vst v63  }
0x1b6: {  	s8 =	sadd.s32 $0x4700, s2;
	s7 =	sadd.s32 $0x40, s4  }
0x1b7: {  	[tilespmem:s8], [sflag:$0x2] =	stream.linear.gather [hbm4b:s7+s3], $0x10, $0x38;
	[tilespmem:$0x10700] =	vst v63  }
0x1b8: {  	s10 =	sadd.s32 $0x4780, s2;
	s9 =	sadd.s32 $0x50, s4  }
0x1b9: {  	[tilespmem:s10], [sflag:$0x2] =	stream.linear.gather [hbm4b:s9+s3], $0x10, $0x38;
	[tilespmem:$0x10700] =	vst v63  }
0x1ba: {  	s18 =	sadd.s32 $0x4800, s2;
	s11 =	sadd.s32 $0x60, s4  }
0x1bb: {  	[tilespmem:s18], [sflag:$0x2] =	stream.linear.gather [hbm4b:s11+s3], $0x10, $0x38;
	[tilespmem:$0x10700] =	vst v63  }
0x1bc: {  	s20 =	sadd.s32 $0x4880, s2;
	s19 =	sadd.s32 $0x70, s4  }
0x1bd: {  	[tilespmem:s20], [sflag:$0x2] =	stream.linear.gather [hbm4b:s19+s3], $0x10, $0x38;
	[tilespmem:$0x10700] =	vst v63  }
0x1be: {  	s23 =	sadd.s32 $0x5500, s2;
	s22 =	sadd.s32 $0xF4280, s4  }
0x1bf: {  	[tilespmem:s23], [sflag:$0x2] =	stream.linear.gather [hbm4b:s22+s3], $0x10, $0x38;
	[tilespmem:$0x10700] =	vst v63  }
0x1c0: {  	s24 =	sadd.s32 $0x10, s22;
	s25 =	sadd.s32 $0x5580, s2  }
0x1c1: {  	[tilespmem:s25], [sflag:$0x2] =	stream.linear.gather [hbm4b:s24+s3], $0x10, $0x38;
	[tilespmem:$0x10700] =	vst v63  }
0x1c2: {  	s26 =	sadd.s32 $0x20, s22;
	s28 =	sadd.s32 $0x5600, s2  }
0x1c3: {  	[tilespmem:s28], [sflag:$0x2] =	stream.linear.gather [hbm4b:s26+s3], $0x10, $0x38;
	[tilespmem:$0x10700] =	vst v63  }
0x1c4: {  	s29 =	sadd.s32 $0x30, s22;
	s30 =	sadd.s32 $0x5680, s2  }
0x1c5: {  	[tilespmem:s30], [sflag:$0x2] =	stream.linear.gather [hbm4b:s29+s3], $0x10, $0x38;
	[tilespmem:$0x10700] =	vst v63  }
0x1c6: {  	s31 =	sadd.s32 $0x40, s22;
	s7 =	sadd.s32 $0x5700, s2  }
0x1c7: {  	[tilespmem:s7], [sflag:$0x2] =	stream.linear.gather [hbm4b:s31+s3], $0x10, $0x38;
	[tilespmem:$0x10700] =	vst v63  }
0x1c8: {  	s8 =	sadd.s32 $0x50, s22;
	s9 =	sadd.s32 $0x5780, s2  }
0x1c9: {  	[tilespmem:s9], [sflag:$0x2] =	stream.linear.gather [hbm4b:s8+s3], $0x10, $0x38;
	[tilespmem:$0x10700] =	vst v63  }
0x1ca: {  	s10 =	sadd.s32 $0x60, s22;
	s11 =	sadd.s32 $0x5800, s2  }
0x1cb: {  	[tilespmem:s11], [sflag:$0x2] =	stream.linear.gather [hbm4b:s10+s3], $0x10, $0x38;
	[tilespmem:$0x10700] =	vst v63  }
0x1cc: {  	s5 =	sadd.s32 $0x70, s22;
	s18 =	sadd.s32 $0x5880, s2  }
0x1cd: {  	[tilespmem:s18], [sflag:$0x2] =	stream.linear.gather [hbm4b:s5+s3], $0x10, $0x38;
	[tilespmem:$0x10700] =	vst v63  }
0x1ce: {  	s19 =	sadd.s32 $0x1E8500, s4;
	s20 =	sadd.s32 $0x6500, s2  }
0x1cf: {  	[tilespmem:s20], [sflag:$0x2] =	stream.linear.gather [hbm4b:s19+s3], $0x10, $0x38;
	[tilespmem:$0x10700] =	vst v63  }
0x1d0: {  	s22 =	sadd.s32 $0x10, s19;
	s23 =	sadd.s32 $0x6580, s2  }
0x1d1: {  	[tilespmem:s23], [sflag:$0x2] =	stream.linear.gather [hbm4b:s22+s3], $0x10, $0x38;
	[tilespmem:$0x10700] =	vst v63  }
0x1d2: {  	s24 =	sadd.s32 $0x20, s19;
	s25 =	sadd.s32 $0x6600, s2  }
0x1d3: {  	[tilespmem:s25], [sflag:$0x2] =	stream.linear.gather [hbm4b:s24+s3], $0x10, $0x38;
	[tilespmem:$0x10700] =	vst v63  }
0x1d4: {  	s26 =	sadd.s32 $0x30, s19;
	s28 =	sadd.s32 $0x6680, s2  }
0x1d5: {  	[tilespmem:s28], [sflag:$0x2] =	stream.linear.gather [hbm4b:s26+s3], $0x10, $0x38;
	[tilespmem:$0x10700] =	vst v63  }
0x1d6: {  	s29 =	sadd.s32 $0x40, s19;
	s30 =	sadd.s32 $0x6700, s2  }
0x1d7: {  	[tilespmem:s30], [sflag:$0x2] =	stream.linear.gather [hbm4b:s29+s3], $0x10, $0x38;
	[tilespmem:$0x10700] =	vst v63  }
0x1d8: {  	s31 =	sadd.s32 $0x50, s19;
	s7 =	sadd.s32 $0x6780, s2  }
0x1d9: {  	[tilespmem:s7], [sflag:$0x2] =	stream.linear.gather [hbm4b:s31+s3], $0x10, $0x38;
	[tilespmem:$0x10700] =	vst v63  }
0x1da: {  	s8 =	sadd.s32 $0x60, s19;
	s9 =	sadd.s32 $0x6800, s2  }
0x1db: {  	[tilespmem:s9], [sflag:$0x2] =	stream.linear.gather [hbm4b:s8+s3], $0x10, $0x38;
	[tilespmem:$0x10700] =	vst v63  }
0x1dc: {  	s10 =	sadd.s32 $0x6880, s2;
	s5 =	sadd.s32 $0x70, s19  }
0x1dd: {  	[tilespmem:s10], [sflag:$0x2] =	stream.linear.gather [hbm4b:s5+s3], $0x10, $0x38;
	[tilespmem:$0x10700] =	vst v63  }
0x1de: {  	s4 =	sadd.s32 $0x2DC780, s4;
	s11 =	sadd.s32 $0x7500, s2  }
0x1df: {  	[tilespmem:s11], [sflag:$0x2] =	stream.linear.gather [hbm4b:s4+s3], $0x10, $0x38;
	[tilespmem:$0x10700] =	vst v63  }
0x1e0: {  	s18 =	sadd.s32 $0x10, s4;
	s19 =	sadd.s32 $0x7580, s2;
	s20 =	sadd.s32 $0x20, s4  }
0x1e1: {  	[tilespmem:s19], [sflag:$0x2] =	stream.linear.gather [hbm4b:s18+s3], $0x10, $0x38;
	[tilespmem:$0x10700] =	vst v63  }
0x1e2: {  	s22 =	sadd.s32 $0x7600, s2;
	s23 =	sadd.s32 $0x30, s4;
	s24 =	sadd.s32 $0x7680, s2  }
0x1e3: {  	[tilespmem:s22], [sflag:$0x2] =	stream.linear.gather [hbm4b:s20+s3], $0x10, $0x38;
	[tilespmem:$0x10700] =	vst v63  }
0x1e4: {  	s25 =	sadd.s32 $0x40, s4;
	s26 =	sadd.s32 $0x7700, s2;
	s28 =	sadd.s32 $0x50, s4  }
0x1e5: {  	[tilespmem:s24], [sflag:$0x2] =	stream.linear.gather [hbm4b:s23+s3], $0x10, $0x38;
	[tilespmem:$0x10700] =	vst v63  }
0x1e6: {  	s29 =	sadd.s32 $0x7780, s2;
	s30 =	sadd.s32 $0x60, s4;
	s31 =	sadd.s32 $0x7800, s2  }
0x1e7: {  	[tilespmem:s26], [sflag:$0x2] =	stream.linear.gather [hbm4b:s25+s3], $0x10, $0x38;
	[tilespmem:$0x10700] =	vst v63  }
0x1e8: {  	s2 =	sadd.s32 $0x7880, s2;
	s4 =	sadd.s32 $0x70, s4;
	s22 =	simm.s32 $0x10  }
0x1e9: {  	[tilespmem:s29], [sflag:$0x2] =	stream.linear.gather [hbm4b:s28+s3], $0x10, $0x38;
	[tilespmem:$0x10700] =	vst v63  }
0x1ea: {  	s20 =	simm.s32 $0x0;
	s23 =	simm.s32 $0x0;
	s24 =	simm.s32 $0x0  }
0x1eb: {  	[tilespmem:s31], [sflag:$0x2] =	stream.linear.gather [hbm4b:s30+s3], $0x10, $0x38;
	[tilespmem:$0x10700] =	vst v63  }
.LBB2_2:
0x1ec: {  	s23 =	sadd.s32 $0x80, s23;
	s21 =	sadd.s32 $0x1, s21;
	s24 =	sadd.s32 $0x1, s24  }
0x1ed: {  	[tilespmem:s2], [sflag:$0x2] =	stream.linear.gather [hbm4b:s4+s20], $0x10, $0x38;
	[tilespmem:$0x10700] =	vst v63  }
0x1ee: {  	p0 =	sne.s32 s22, $0x1F0;
	s2 =	smov.u32 s22;
	s22 =	sadd.s32 $0x10, s22;
	v0 =	vld [tilespmem:s24+$0x0]  }
0x1ef: {  	_ =	sdelay $0x3  }
0x1f0: {  	(v2sf) =	vpush v0, $0x0;
	_ =	sdelay $0xe  }
0x1f1: {  	s4 =	spop (v2sf)  }
0x1f2: {  	s5 =	sshll.u32 s4, $0x3  }
0x1f3: {  	s4 =	sand.u32 $0x70, s4;
	s5 =	sand.u32 $0xFFFFFC00, s5  }
0x1f4: {  	s2 =	sand.u32 $0x70, s2;
	s4 =	sor.u32 s4, s5;
	s5 =	sand.u32 $0xC00, s23  }
0x1f5: {  	s4 =	sshrl.u32 s4, $0x3;
	s2 =	sor.u32 s2, s5  }
0x1f6: {  	s20 =	simm.s32 $0x0;
	s4 =	sadd.s32 s0, s4;
	s5 =	sadd.s32 $0x500, s2;
	v0 =	vld [tilespmem:s21+$0x0]  }
0x1f7: {  	[tilespmem:s5], [sflag:$0x1] =	stream.linear.gather [hbm4b:s4+s20], $0x10, $0x38;
	[tilespmem:$0x10700] =	vst v63  }
0x1f8: {  	s6 =	sadd.s32 $0x580, s2;
	s5 =	sadd.s32 $0x10, s4  }
0x1f9: {  	[tilespmem:s6], [sflag:$0x1] =	stream.linear.gather [hbm4b:s5+s20], $0x10, $0x38;
	[tilespmem:$0x10700] =	vst v63  }
0x1fa: {  	s5 =	sadd.s32 $0x20, s4;
	s6 =	sadd.s32 $0x600, s2  }
0x1fb: {  	[tilespmem:s6], [sflag:$0x1] =	stream.linear.gather [hbm4b:s5+s20], $0x10, $0x38;
	(v2sf) =	vpush v0, $0x0;
	[tilespmem:$0x10700] =	vst v63  }
0x1fc: {  	s5 =	sadd.s32 $0x30, s4;
	s6 =	sadd.s32 $0x680, s2  }
0x1fd: {  	[tilespmem:s6], [sflag:$0x1] =	stream.linear.gather [hbm4b:s5+s20], $0x10, $0x38;
	[tilespmem:$0x10700] =	vst v63  }
0x1fe: {  	s5 =	sadd.s32 $0x40, s4;
	s6 =	sadd.s32 $0x700, s2  }
0x1ff: {  	[tilespmem:s6], [sflag:$0x1] =	stream.linear.gather [hbm4b:s5+s20], $0x10, $0x38;
	[tilespmem:$0x10700] =	vst v63  }
0x200: {  	s5 =	sadd.s32 $0x50, s4;
	s6 =	sadd.s32 $0x780, s2  }
0x201: {  	[tilespmem:s6], [sflag:$0x1] =	stream.linear.gather [hbm4b:s5+s20], $0x10, $0x38;
	[tilespmem:$0x10700] =	vst v63  }
0x202: {  	s5 =	sadd.s32 $0x60, s4;
	s6 =	sadd.s32 $0x800, s2  }
0x203: {  	[tilespmem:s6], [sflag:$0x1] =	stream.linear.gather [hbm4b:s5+s20], $0x10, $0x38;
	[tilespmem:$0x10700] =	vst v63  }
0x204: {  	s5 =	sadd.s32 $0x70, s4;
	s6 =	sadd.s32 $0x880, s2  }
0x205: {  	[tilespmem:s6], [sflag:$0x1] =	stream.linear.gather [hbm4b:s5+s20], $0x10, $0x38;
	[tilespmem:$0x10700] =	vst v63  }
0x206: {  	s5 =	sadd.s32 $0xF4280, s4;
	s6 =	sadd.s32 $0x1500, s2  }
0x207: {  	[tilespmem:s6], [sflag:$0x1] =	stream.linear.gather [hbm4b:s5+s20], $0x10, $0x38;
	[tilespmem:$0x10700] =	vst v63  }
0x208: {  	s18 =	sadd.s32 $0x1580, s2;
	s6 =	sadd.s32 $0x10, s5  }
0x209: {  	[tilespmem:s18], [sflag:$0x1] =	stream.linear.gather [hbm4b:s6+s20], $0x10, $0x38;
	[tilespmem:$0x10700] =	vst v63  }
0x20a: {  	s6 =	sadd.s32 $0x20, s5;
	s18 =	sadd.s32 $0x1600, s2;
	s25 =	spop (v2sf)  }
0x20b: {  	s28 =	sadd.s32 $0x1680, s2;
	s26 =	sadd.s32 $0x30, s5;
	s29 =	sshll.u32 s25, $0x3  }
0x20c: {  	[tilespmem:s18], [sflag:$0x1] =	stream.linear.gather [hbm4b:s6+s20], $0x10, $0x38;
	[tilespmem:$0x10700] =	vst v63  }
0x20d: {  	s6 =	sand.u32 $0xFFFFFC00, s29;
	s18 =	sand.u32 $0x70, s25  }
0x20e: {  	[tilespmem:s28], [sflag:$0x1] =	stream.linear.gather [hbm4b:s26+s20], $0x10, $0x38;
	[tilespmem:$0x10700] =	vst v63  }
0x20f: {  	s25 =	sadd.s32 $0x40, s5;
	s6 =	sor.u32 s18, s6;
	s26 =	sadd.s32 $0x1700, s2  }
0x210: {  	[tilespmem:s26], [sflag:$0x1] =	stream.linear.gather [hbm4b:s25+s20], $0x10, $0x38;
	[tilespmem:$0x10700] =	vst v63  }
0x211: {  	s18 =	sshrl.u32 s6, $0x3;
	s25 =	sadd.s32 $0x50, s5;
	s26 =	sadd.s32 $0x1780, s2  }
0x212: {  	[tilespmem:s26], [sflag:$0x1] =	stream.linear.gather [hbm4b:s25+s20], $0x10, $0x38;
	[tilespmem:$0x10700] =	vst v63  }
0x213: {  	s6 =	sadd.s32 $0x60, s5;
	s25 =	sadd.s32 $0x1800, s2  }
0x214: {  	[tilespmem:s25], [sflag:$0x1] =	stream.linear.gather [hbm4b:s6+s20], $0x10, $0x38;
	[tilespmem:$0x10700] =	vst v63  }
0x215: {  	s5 =	sadd.s32 $0x70, s5;
	s6 =	sadd.s32 $0x1880, s2;
	s25 =	sadd.s32 $0x2500, s2  }
0x216: {  	[tilespmem:s6], [sflag:$0x1] =	stream.linear.gather [hbm4b:s5+s20], $0x10, $0x38;
	[tilespmem:$0x10700] =	vst v63  }
0x217: {  	s5 =	sadd.s32 $0x1E8500, s4  }
0x218: {  	[tilespmem:s25], [sflag:$0x1] =	stream.linear.gather [hbm4b:s5+s20], $0x10, $0x38;
	[tilespmem:$0x10700] =	vst v63  }
0x219: {  	s6 =	sadd.s32 $0x10, s5;
	s25 =	sadd.s32 $0x2580, s2  }
0x21a: {  	[tilespmem:s25], [sflag:$0x1] =	stream.linear.gather [hbm4b:s6+s20], $0x10, $0x38;
	[tilespmem:$0x10700] =	vst v63  }
0x21b: {  	s6 =	sadd.s32 $0x20, s5;
	s25 =	sadd.s32 $0x2600, s2  }
0x21c: {  	[tilespmem:s25], [sflag:$0x1] =	stream.linear.gather [hbm4b:s6+s20], $0x10, $0x38;
	[tilespmem:$0x10700] =	vst v63  }
0x21d: {  	s26 =	sadd.s32 $0x2700, s2;
	s6 =	sadd.s32 $0x30, s5;
	s25 =	sadd.s32 $0x2680, s2  }
0x21e: {  	[tilespmem:s25], [sflag:$0x1] =	stream.linear.gather [hbm4b:s6+s20], $0x10, $0x38;
	[tilespmem:$0x10700] =	vst v63  }
0x21f: {  	s6 =	sadd.s32 $0x40, s5;
	s25 =	sadd.s32 $0x2780, s2  }
0x220: {  	[tilespmem:s26], [sflag:$0x1] =	stream.linear.gather [hbm4b:s6+s20], $0x10, $0x38;
	[tilespmem:$0x10700] =	vst v63  }
0x221: {  	s6 =	sadd.s32 $0x50, s5;
	s26 =	sadd.s32 $0x2800, s2  }
0x222: {  	[tilespmem:s25], [sflag:$0x1] =	stream.linear.gather [hbm4b:s6+s20], $0x10, $0x38;
	[tilespmem:$0x10700] =	vst v63  }
0x223: {  	s6 =	sadd.s32 $0x60, s5;
	s25 =	sadd.s32 $0x2880, s2  }
0x224: {  	[tilespmem:s26], [sflag:$0x1] =	stream.linear.gather [hbm4b:s6+s20], $0x10, $0x38;
	[tilespmem:$0x10700] =	vst v63  }
0x225: {  	s4 =	sadd.s32 $0x2DC780, s4;
	s5 =	sadd.s32 $0x70, s5;
	s6 =	sadd.s32 $0x3500, s2  }
0x226: {  	[tilespmem:s25], [sflag:$0x1] =	stream.linear.gather [hbm4b:s5+s20], $0x10, $0x38;
	[tilespmem:$0x10700] =	vst v63  }
0x227: {  	s5 =	sadd.s32 $0x10, s4;
	s25 =	sadd.s32 $0x3580, s2  }
0x228: {  	[tilespmem:s6], [sflag:$0x1] =	stream.linear.gather [hbm4b:s4+s20], $0x10, $0x38;
	[tilespmem:$0x10700] =	vst v63  }
0x229: {  	s26 =	sadd.s32 $0x3600, s2;
	s6 =	sadd.s32 $0x20, s4  }
0x22a: {  	[tilespmem:s25], [sflag:$0x1] =	stream.linear.gather [hbm4b:s5+s20], $0x10, $0x38;
	[tilespmem:$0x10700] =	vst v63  }
0x22b: {  	s5 =	sadd.s32 $0x30, s4;
	s25 =	sadd.s32 $0x3680, s2  }
0x22c: {  	[tilespmem:s26], [sflag:$0x1] =	stream.linear.gather [hbm4b:s6+s20], $0x10, $0x38;
	[tilespmem:$0x10700] =	vst v63  }
0x22d: {  	s6 =	sadd.s32 $0x40, s4;
	s26 =	sadd.s32 $0x3700, s2  }
0x22e: {  	[tilespmem:s25], [sflag:$0x1] =	stream.linear.gather [hbm4b:s5+s20], $0x10, $0x38;
	[tilespmem:$0x10700] =	vst v63  }
0x22f: {  	s5 =	sadd.s32 $0x50, s4;
	s25 =	sadd.s32 $0x3780, s2  }
0x230: {  	[tilespmem:s26], [sflag:$0x1] =	stream.linear.gather [hbm4b:s6+s20], $0x10, $0x38;
	[tilespmem:$0x10700] =	vst v63  }
0x231: {  	s6 =	sadd.s32 $0x60, s4;
	s26 =	sadd.s32 $0x3800, s2  }
0x232: {  	[tilespmem:s25], [sflag:$0x1] =	stream.linear.gather [hbm4b:s5+s20], $0x10, $0x38;
	[tilespmem:$0x10700] =	vst v63  }
0x233: {  	s4 =	sadd.s32 $0x70, s4;
	s5 =	sadd.s32 $0x3880, s2  }
0x234: {  	[tilespmem:s26], [sflag:$0x1] =	stream.linear.gather [hbm4b:s6+s20], $0x10, $0x38;
	[tilespmem:$0x10700] =	vst v63  }
0x235: {  	_ = 	snop  }
0x236: {  	[tilespmem:s5], [sflag:$0x1] =	stream.linear.gather [hbm4b:s4+s20], $0x10, $0x38;
	[tilespmem:$0x10700] =	vst v63  }
0x237: {  	s6 =	sadd.s32 $0x4580, s2;
	s4 =	sadd.s32 s1, s18;
	s5 =	sadd.s32 $0x4500, s2  }
0x238: {  	[tilespmem:s5], [sflag:$0x2] =	stream.linear.gather [hbm4b:s4+s20], $0x10, $0x38;
	[tilespmem:$0x10700] =	vst v63  }
0x239: {  	s25 =	sadd.s32 $0x4600, s2;
	s18 =	sadd.s32 $0x20, s4;
	s5 =	sadd.s32 $0x10, s4  }
0x23a: {  	[tilespmem:s6], [sflag:$0x2] =	stream.linear.gather [hbm4b:s5+s20], $0x10, $0x38;
	[tilespmem:$0x10700] =	vst v63  }
0x23b: {  	s5 =	sadd.s32 $0x30, s4;
	s6 =	sadd.s32 $0x4680, s2  }
0x23c: {  	[tilespmem:s25], [sflag:$0x2] =	stream.linear.gather [hbm4b:s18+s20], $0x10, $0x38;
	[tilespmem:$0x10700] =	vst v63  }
0x23d: {  	s18 =	sadd.s32 $0x40, s4;
	s25 =	sadd.s32 $0x4700, s2  }
0x23e: {  	[tilespmem:s6], [sflag:$0x2] =	stream.linear.gather [hbm4b:s5+s20], $0x10, $0x38;
	[tilespmem:$0x10700] =	vst v63  }
0x23f: {  	s5 =	sadd.s32 $0x50, s4;
	s6 =	sadd.s32 $0x4780, s2  }
0x240: {  	[tilespmem:s25], [sflag:$0x2] =	stream.linear.gather [hbm4b:s18+s20], $0x10, $0x38;
	[tilespmem:$0x10700] =	vst v63  }
0x241: {  	s18 =	sadd.s32 $0x60, s4;
	s25 =	sadd.s32 $0x4800, s2  }
0x242: {  	[tilespmem:s6], [sflag:$0x2] =	stream.linear.gather [hbm4b:s5+s20], $0x10, $0x38;
	[tilespmem:$0x10700] =	vst v63  }
0x243: {  	s5 =	sadd.s32 $0x70, s4;
	s6 =	sadd.s32 $0x4880, s2  }
0x244: {  	[tilespmem:s25], [sflag:$0x2] =	stream.linear.gather [hbm4b:s18+s20], $0x10, $0x38;
	[tilespmem:$0x10700] =	vst v63  }
0x245: {  	s18 =	sadd.s32 $0xF4280, s4;
	s25 =	sadd.s32 $0x5500, s2  }
0x246: {  	[tilespmem:s6], [sflag:$0x2] =	stream.linear.gather [hbm4b:s5+s20], $0x10, $0x38;
	[tilespmem:$0x10700] =	vst v63  }
0x247: {  	s5 =	sadd.s32 $0x10, s18;
	s6 =	sadd.s32 $0x5580, s2  }
0x248: {  	[tilespmem:s25], [sflag:$0x2] =	stream.linear.gather [hbm4b:s18+s20], $0x10, $0x38;
	[tilespmem:$0x10700] =	vst v63  }
0x249: {  	s26 =	sadd.s32 $0x5600, s2;
	s25 =	sadd.s32 $0x20, s18  }
0x24a: {  	[tilespmem:s6], [sflag:$0x2] =	stream.linear.gather [hbm4b:s5+s20], $0x10, $0x38;
	[tilespmem:$0x10700] =	vst v63  }
0x24b: {  	s5 =	sadd.s32 $0x30, s18;
	s6 =	sadd.s32 $0x5680, s2  }
0x24c: {  	[tilespmem:s26], [sflag:$0x2] =	stream.linear.gather [hbm4b:s25+s20], $0x10, $0x38;
	[tilespmem:$0x10700] =	vst v63  }
0x24d: {  	s25 =	sadd.s32 $0x40, s18;
	s26 =	sadd.s32 $0x5700, s2  }
0x24e: {  	[tilespmem:s6], [sflag:$0x2] =	stream.linear.gather [hbm4b:s5+s20], $0x10, $0x38;
	[tilespmem:$0x10700] =	vst v63  }
0x24f: {  	s5 =	sadd.s32 $0x50, s18;
	s6 =	sadd.s32 $0x5780, s2  }
0x250: {  	[tilespmem:s26], [sflag:$0x2] =	stream.linear.gather [hbm4b:s25+s20], $0x10, $0x38;
	[tilespmem:$0x10700] =	vst v63  }
0x251: {  	s25 =	sadd.s32 $0x60, s18;
	s26 =	sadd.s32 $0x5800, s2  }
0x252: {  	[tilespmem:s6], [sflag:$0x2] =	stream.linear.gather [hbm4b:s5+s20], $0x10, $0x38;
	[tilespmem:$0x10700] =	vst v63  }
0x253: {  	s5 =	sadd.s32 $0x70, s18;
	s6 =	sadd.s32 $0x5880, s2  }
0x254: {  	[tilespmem:s26], [sflag:$0x2] =	stream.linear.gather [hbm4b:s25+s20], $0x10, $0x38;
	[tilespmem:$0x10700] =	vst v63  }
0x255: {  	s18 =	sadd.s32 $0x1E8500, s4;
	s25 =	sadd.s32 $0x6500, s2  }
0x256: {  	[tilespmem:s6], [sflag:$0x2] =	stream.linear.gather [hbm4b:s5+s20], $0x10, $0x38;
	[tilespmem:$0x10700] =	vst v63  }
0x257: {  	s5 =	sadd.s32 $0x10, s18;
	s6 =	sadd.s32 $0x6580, s2  }
0x258: {  	[tilespmem:s25], [sflag:$0x2] =	stream.linear.gather [hbm4b:s18+s20], $0x10, $0x38;
	[tilespmem:$0x10700] =	vst v63  }
0x259: {  	s26 =	sadd.s32 $0x6600, s2;
	s25 =	sadd.s32 $0x20, s18  }
0x25a: {  	[tilespmem:s6], [sflag:$0x2] =	stream.linear.gather [hbm4b:s5+s20], $0x10, $0x38;
	[tilespmem:$0x10700] =	vst v63  }
0x25b: {  	s5 =	sadd.s32 $0x30, s18;
	s6 =	sadd.s32 $0x6680, s2  }
0x25c: {  	[tilespmem:s26], [sflag:$0x2] =	stream.linear.gather [hbm4b:s25+s20], $0x10, $0x38;
	[tilespmem:$0x10700] =	vst v63  }
0x25d: {  	s25 =	sadd.s32 $0x40, s18;
	s26 =	sadd.s32 $0x6700, s2  }
0x25e: {  	[tilespmem:s6], [sflag:$0x2] =	stream.linear.gather [hbm4b:s5+s20], $0x10, $0x38;
	[tilespmem:$0x10700] =	vst v63  }
0x25f: {  	s5 =	sadd.s32 $0x50, s18;
	s6 =	sadd.s32 $0x6780, s2  }
0x260: {  	[tilespmem:s26], [sflag:$0x2] =	stream.linear.gather [hbm4b:s25+s20], $0x10, $0x38;
	[tilespmem:$0x10700] =	vst v63  }
0x261: {  	s25 =	sadd.s32 $0x60, s18;
	s26 =	sadd.s32 $0x6800, s2  }
0x262: {  	[tilespmem:s6], [sflag:$0x2] =	stream.linear.gather [hbm4b:s5+s20], $0x10, $0x38;
	[tilespmem:$0x10700] =	vst v63  }
0x263: {  	s5 =	sadd.s32 $0x70, s18;
	s6 =	sadd.s32 $0x6880, s2  }
0x264: {  	[tilespmem:s26], [sflag:$0x2] =	stream.linear.gather [hbm4b:s25+s20], $0x10, $0x38;
	[tilespmem:$0x10700] =	vst v63  }
0x265: {  	s4 =	sadd.s32 $0x2DC780, s4;
	s18 =	sadd.s32 $0x7500, s2  }
0x266: {  	[tilespmem:s6], [sflag:$0x2] =	stream.linear.gather [hbm4b:s5+s20], $0x10, $0x38;
	[tilespmem:$0x10700] =	vst v63  }
0x267: {  	s5 =	sadd.s32 $0x10, s4;
	s6 =	sadd.s32 $0x7580, s2  }
0x268: {  	[tilespmem:s18], [sflag:$0x2] =	stream.linear.gather [hbm4b:s4+s20], $0x10, $0x38;
	[tilespmem:$0x10700] =	vst v63  }
0x269: {  	s25 =	sadd.s32 $0x7600, s2;
	s18 =	sadd.s32 $0x20, s4  }
0x26a: {  	[tilespmem:s6], [sflag:$0x2] =	stream.linear.gather [hbm4b:s5+s20], $0x10, $0x38;
	[tilespmem:$0x10700] =	vst v63  }
0x26b: {  	s5 =	sadd.s32 $0x30, s4;
	s6 =	sadd.s32 $0x7680, s2  }
0x26c: {  	[tilespmem:s25], [sflag:$0x2] =	stream.linear.gather [hbm4b:s18+s20], $0x10, $0x38;
	[tilespmem:$0x10700] =	vst v63  }
0x26d: {  	s18 =	sadd.s32 $0x40, s4;
	s25 =	sadd.s32 $0x7700, s2  }
0x26e: {  	[tilespmem:s6], [sflag:$0x2] =	stream.linear.gather [hbm4b:s5+s20], $0x10, $0x38;
	[tilespmem:$0x10700] =	vst v63  }
0x26f: {  	s5 =	sadd.s32 $0x50, s4;
	s6 =	sadd.s32 $0x7780, s2  }
0x270: {  	[tilespmem:s25], [sflag:$0x2] =	stream.linear.gather [hbm4b:s18+s20], $0x10, $0x38;
	[tilespmem:$0x10700] =	vst v63  }
.Ltmp0:
0x271: {  	_ = 	snop;
	(pc) =	sbr.rel @p0 .LBB2_2-.Ltmp0, $4  }
0x272: {  	s18 =	sadd.s32 $0x60, s4;
	s25 =	sadd.s32 $0x7800, s2  }
0x273: {  	[tilespmem:s6], [sflag:$0x2] =	stream.linear.gather [hbm4b:s5+s20], $0x10, $0x38;
	[tilespmem:$0x10700] =	vst v63  }
0x274: {  	s4 =	sadd.s32 $0x70, s4;
	s2 =	sadd.s32 $0x7880, s2  }
0x275: {  	[tilespmem:s25], [sflag:$0x2] =	stream.linear.gather [hbm4b:s18+s20], $0x10, $0x38;
	[tilespmem:$0x10700] =	vst v63  }
0x276: {  	[tilespmem:s2], [sflag:$0x2] =	stream.linear.gather [hbm4b:s4+s20], $0x10, $0x38;
	[tilespmem:$0x10700] =	vst v63  }
0x277: {  	s21 =	simm.s32 $0x20;
	s22 =	simm.s32 $0x2A0  }
0x278: {  	s23 =	simm.s32 $0x40;
	s24 =	simm.s32 $0x2C0;
	s25 =	simm.s32 $0x0;
	v15 =	vld [tilespmem:$0x1FEE0]  }
.LBB2_4:
0x279: {  	v0 =	vld [tilespmem:s21+$0x0];
	_ =	sdelay $0x4  }
0x27a: {  	(v2sf) =	vpush v0, $0x0;
	_ =	sdelay $0xe  }
0x27b: {  	s2 =	spop (v2sf)  }
0x27c: {  	s4 =	sshll.u32 s2, $0x3  }
0x27d: {  	s2 =	sand.u32 $0x70, s2;
	s4 =	sand.u32 $0xFFFFFC00, s4  }
0x27e: {  	s5 =	sand.u32 $0xC00, s20;
	s6 =	sand.u32 $0x70, s20;
	s4 =	sor.u32 s2, s4  }
0x27f: {  	s2 =	sor.u32 s6, s5;
	s4 =	sshrl.u32 s4, $0x3  }
0x280: {  	s5 =	sadd.s32 $0x8500, s2;
	s4 =	sadd.s32 s0, s4  }
0x281: {  	v11 =	vld [tilespmem:s22+$0x0];
	[tilespmem:s5], [sflag:$0x3] =	stream.linear.gather [hbm4b:s4+s3], $0x10, $0x38  }
0x282: {  	s6 =	sadd.s32 $0x8580, s2;
	s8 =	sadd.s32 $0x10, s4  }
0x283: {  	[tilespmem:s6], [sflag:$0x3] =	stream.linear.gather [hbm4b:s8+s3], $0x10, $0x38;
	[tilespmem:$0x10700] =	vst v63  }
0x284: {  	s10 =	sadd.s32 $0x8600, s2;
	s9 =	sadd.s32 $0x20, s4  }
0x285: {  	[tilespmem:s10], [sflag:$0x3] =	stream.linear.gather [hbm4b:s9+s3], $0x10, $0x38;
	[tilespmem:$0x10700] =	vst v63  }
0x286: {  	s18 =	sadd.s32 $0x8680, s2;
	s11 =	sadd.s32 $0x30, s4  }
0x287: {  	[tilespmem:s18], [sflag:$0x3] =	stream.linear.gather [hbm4b:s11+s3], $0x10, $0x38;
	[tilespmem:$0x10700] =	vst v63  }
0x288: {  	s26 =	sadd.s32 $0x8700, s2;
	s19 =	sadd.s32 $0x40, s4  }
0x289: {  	[tilespmem:s26], [sflag:$0x3] =	stream.linear.gather [hbm4b:s19+s3], $0x10, $0x38;
	[tilespmem:$0x10700] =	vst v63  }
0x28a: {  	s7 =	sadd.s32 $0x8780, s2;
	s6 =	sadd.s32 $0x50, s4  }
0x28b: {  	[tilespmem:s7], [sflag:$0x3] =	stream.linear.gather [hbm4b:s6+s3], $0x10, $0x38;
	[tilespmem:$0x10700] =	vst v63  }
0x28c: {  	s8 =	sadd.s32 $0x60, s4;
	s9 =	sadd.s32 $0x8800, s2  }
0x28d: {  	[tilespmem:s9], [sflag:$0x3] =	stream.linear.gather [hbm4b:s8+s3], $0x10, $0x38;
	[tilespmem:$0x10700] =	vst v63  }
0x28e: {  	s10 =	sadd.s32 $0x70, s4;
	s11 =	sadd.s32 $0x8880, s2  }
0x28f: {  	[tilespmem:s11], [sflag:$0x3] =	stream.linear.gather [hbm4b:s10+s3], $0x10, $0x38;
	[tilespmem:$0x10700] =	vst v63  }
0x290: {  	s5 =	sadd.s32 $0xF4280, s4;
	s18 =	sadd.s32 $0x9500, s2  }
0x291: {  	[tilespmem:s18], [sflag:$0x3] =	stream.linear.gather [hbm4b:s5+s3], $0x10, $0x38;
	[tilespmem:$0x10700] =	vst v63  }
0x292: {  	s19 =	sadd.s32 $0x9580, s2;
	s18 =	sadd.s32 $0x10, s5  }
0x293: {  	[tilespmem:s19], [sflag:$0x3] =	stream.linear.gather [hbm4b:s18+s3], $0x10, $0x38;
	[tilespmem:$0x10700] =	vst v63  }
0x294: {  	s26 =	sadd.s32 $0x9600, s2;
	s7 =	sadd.s32 $0x20, s5  }
0x295: {  	[tilespmem:s26], [sflag:$0x3] =	stream.linear.gather [hbm4b:s7+s3], $0x10, $0x38;
	[tilespmem:$0x10700] =	vst v63  }
0x296: {  	s8 =	sadd.s32 $0x9680, s2;
	s9 =	sadd.s32 $0x30, s5  }
0x297: {  	[tilespmem:s8], [sflag:$0x3] =	stream.linear.gather [hbm4b:s9+s3], $0x10, $0x38;
	[tilespmem:$0x10700] =	vst v63  }
0x298: {  	s10 =	sadd.s32 $0x40, s5;
	s11 =	sadd.s32 $0x9700, s2  }
0x299: {  	[tilespmem:s11], [sflag:$0x3] =	stream.linear.gather [hbm4b:s10+s3], $0x10, $0x38;
	[tilespmem:$0x10700] =	vst v63  }
0x29a: {  	s18 =	sadd.s32 $0x50, s5;
	s19 =	sadd.s32 $0x9780, s2  }
0x29b: {  	[tilespmem:s19], [sflag:$0x3] =	stream.linear.gather [hbm4b:s18+s3], $0x10, $0x38;
	[tilespmem:$0x10700] =	vst v63  }
0x29c: {  	s26 =	sadd.s32 $0x60, s5;
	s7 =	sadd.s32 $0x9800, s2  }
0x29d: {  	[tilespmem:s7], [sflag:$0x3] =	stream.linear.gather [hbm4b:s26+s3], $0x10, $0x38;
	[tilespmem:$0x10700] =	vst v63  }
0x29e: {  	s5 =	sadd.s32 $0x70, s5;
	s8 =	sadd.s32 $0x9880, s2  }
0x29f: {  	[tilespmem:s8], [sflag:$0x3] =	stream.linear.gather [hbm4b:s5+s3], $0x10, $0x38;
	[tilespmem:$0x10700] =	vst v63  }
0x2a0: {  	s9 =	sadd.s32 $0xA500, s2;
	s5 =	sadd.s32 $0x1E8500, s4  }
0x2a1: {  	[tilespmem:s9], [sflag:$0x3] =	stream.linear.gather [hbm4b:s5+s3], $0x10, $0x38;
	[tilespmem:$0x10700] =	vst v63  }
0x2a2: {  	s11 =	sadd.s32 $0xA580, s2;
	s10 =	sadd.s32 $0x10, s5  }
0x2a3: {  	[tilespmem:s11], [sflag:$0x3] =	stream.linear.gather [hbm4b:s10+s3], $0x10, $0x38;
	[tilespmem:$0x10700] =	vst v63  }
0x2a4: {  	s19 =	sadd.s32 $0xA600, s2;
	s18 =	sadd.s32 $0x20, s5  }
0x2a5: {  	(v2sf) =	vpush v11, $0x0;
	[tilespmem:s19], [sflag:$0x3] =	stream.linear.gather [hbm4b:s18+s3], $0x10, $0x38;
	[tilespmem:$0x10700] =	vst v63  }
0x2a6: {  	s7 =	sadd.s32 $0xA680, s2;
	s26 =	sadd.s32 $0x30, s5  }
0x2a7: {  	[tilespmem:s7], [sflag:$0x3] =	stream.linear.gather [hbm4b:s26+s3], $0x10, $0x38;
	[tilespmem:$0x10700] =	vst v63  }
0x2a8: {  	s8 =	sadd.s32 $0x40, s5;
	s9 =	sadd.s32 $0xA700, s2  }
0x2a9: {  	[tilespmem:s9], [sflag:$0x3] =	stream.linear.gather [hbm4b:s8+s3], $0x10, $0x38;
	[tilespmem:$0x10700] =	vst v63  }
0x2aa: {  	s10 =	sadd.s32 $0x50, s5;
	s11 =	sadd.s32 $0xA780, s2  }
0x2ab: {  	[tilespmem:s11], [sflag:$0x3] =	stream.linear.gather [hbm4b:s10+s3], $0x10, $0x38;
	[tilespmem:$0x10700] =	vst v63  }
0x2ac: {  	s18 =	sadd.s32 $0x60, s5;
	s19 =	sadd.s32 $0xA800, s2  }
0x2ad: {  	[tilespmem:s19], [sflag:$0x3] =	stream.linear.gather [hbm4b:s18+s3], $0x10, $0x38;
	[tilespmem:$0x10700] =	vst v63  }
0x2ae: {  	s5 =	sadd.s32 $0x70, s5;
	s26 =	sadd.s32 $0xA880, s2  }
0x2af: {  	[tilespmem:s26], [sflag:$0x3] =	stream.linear.gather [hbm4b:s5+s3], $0x10, $0x38;
	[tilespmem:$0x10700] =	vst v63  }
0x2b0: {  	s6 =	sadd.s32 $0xB500, s2;
	s4 =	sadd.s32 $0x2DC780, s4  }
0x2b1: {  	[tilespmem:s6], [sflag:$0x3] =	stream.linear.gather [hbm4b:s4+s3], $0x10, $0x38;
	[tilespmem:$0x10700] =	vst v63  }
0x2b2: {  	s7 =	sadd.s32 $0x10, s4;
	s8 =	sadd.s32 $0xB580, s2  }
0x2b3: {  	[tilespmem:s8], [sflag:$0x3] =	stream.linear.gather [hbm4b:s7+s3], $0x10, $0x38;
	[tilespmem:$0x10700] =	vst v63  }
0x2b4: {  	s9 =	spop (v2sf);
	s10 =	sadd.s32 $0x20, s4;
	s11 =	sadd.s32 $0xB600, s2  }
0x2b5: {  	[tilespmem:s11], [sflag:$0x3] =	stream.linear.gather [hbm4b:s10+s3], $0x10, $0x38;
	[tilespmem:$0x10700] =	vst v63  }
0x2b6: {  	s19 =	sshll.u32 s9, $0x3;
	s26 =	sadd.s32 $0xB680, s2;
	s7 =	sadd.s32 $0x30, s4  }
0x2b7: {  	[tilespmem:s26], [sflag:$0x3] =	stream.linear.gather [hbm4b:s7+s3], $0x10, $0x38;
	[tilespmem:$0x10700] =	vst v63  }
0x2b8: {  	s5 =	sand.u32 $0x70, s9;
	s9 =	sadd.s32 $0xB700, s2;
	s8 =	sadd.s32 $0x40, s4  }
0x2b9: {  	[tilespmem:s9], [sflag:$0x3] =	stream.linear.gather [hbm4b:s8+s3], $0x10, $0x38;
	[tilespmem:$0x10700] =	vst v63  }
0x2ba: {  	s6 =	sand.u32 $0xFFFFFC00, s19;
	s10 =	sadd.s32 $0x50, s4;
	s11 =	sadd.s32 $0xB780, s2  }
0x2bb: {  	[tilespmem:s11], [sflag:$0x3] =	stream.linear.gather [hbm4b:s10+s3], $0x10, $0x38;
	[tilespmem:$0x10700] =	vst v63  }
0x2bc: {  	s19 =	sadd.s32 $0x60, s4;
	s5 =	sor.u32 s5, s6;
	s26 =	sadd.s32 $0xB800, s2  }
0x2bd: {  	[tilespmem:s26], [sflag:$0x3] =	stream.linear.gather [hbm4b:s19+s3], $0x10, $0x38;
	[tilespmem:$0x10700] =	vst v63  }
0x2be: {  	s5 =	sshrl.u32 s5, $0x3;
	s4 =	sadd.s32 $0x70, s4;
	s7 =	sadd.s32 $0xB880, s2  }
0x2bf: {  	[tilespmem:s7], [sflag:$0x3] =	stream.linear.gather [hbm4b:s4+s3], $0x10, $0x38;
	[tilespmem:$0x10700] =	vst v63  }
0x2c0: {  	s8 =	sadd.s32 $0xC500, s2;
	s4 =	sadd.s32 s1, s5  }
0x2c1: {  	[tilespmem:s8], [sflag:$0x4] =	stream.linear.gather [hbm4b:s4+s3], $0x10, $0x38;
	[tilespmem:$0x10700] =	vst v63  }
0x2c2: {  	s10 =	sadd.s32 $0xC580, s2;
	s9 =	sadd.s32 $0x10, s4  }
0x2c3: {  	[tilespmem:s10], [sflag:$0x4] =	stream.linear.gather [hbm4b:s9+s3], $0x10, $0x38;
	[tilespmem:$0x10700] =	vst v63  }
0x2c4: {  	s18 =	sadd.s32 $0xC600, s2;
	s11 =	sadd.s32 $0x20, s4  }
0x2c5: {  	[tilespmem:s18], [sflag:$0x4] =	stream.linear.gather [hbm4b:s11+s3], $0x10, $0x38;
	[tilespmem:$0x10700] =	vst v63  }
0x2c6: {  	s26 =	sadd.s32 $0xC680, s2;
	s19 =	sadd.s32 $0x30, s4  }
0x2c7: {  	[tilespmem:s26], [sflag:$0x4] =	stream.linear.gather [hbm4b:s19+s3], $0x10, $0x38;
	[tilespmem:$0x10700] =	vst v63  }
0x2c8: {  	s7 =	sadd.s32 $0x40, s4;
	s8 =	sadd.s32 $0xC700, s2  }
0x2c9: {  	[tilespmem:s8], [sflag:$0x4] =	stream.linear.gather [hbm4b:s7+s3], $0x10, $0x38;
	[tilespmem:$0x10700] =	vst v63  }
0x2ca: {  	s9 =	sadd.s32 $0x50, s4;
	s10 =	sadd.s32 $0xC780, s2  }
0x2cb: {  	[tilespmem:s10], [sflag:$0x4] =	stream.linear.gather [hbm4b:s9+s3], $0x10, $0x38;
	[tilespmem:$0x10700] =	vst v63  }
0x2cc: {  	s11 =	sadd.s32 $0x60, s4;
	s18 =	sadd.s32 $0xC800, s2  }
0x2cd: {  	[tilespmem:s18], [sflag:$0x4] =	stream.linear.gather [hbm4b:s11+s3], $0x10, $0x38;
	[tilespmem:$0x10700] =	vst v63  }
0x2ce: {  	s19 =	sadd.s32 $0x70, s4;
	s26 =	sadd.s32 $0xC880, s2  }
0x2cf: {  	[tilespmem:s26], [sflag:$0x4] =	stream.linear.gather [hbm4b:s19+s3], $0x10, $0x38;
	[tilespmem:$0x10700] =	vst v63  }
0x2d0: {  	s5 =	sadd.s32 $0xF4280, s4;
	s7 =	sadd.s32 $0xD500, s2  }
0x2d1: {  	[tilespmem:s7], [sflag:$0x4] =	stream.linear.gather [hbm4b:s5+s3], $0x10, $0x38;
	[tilespmem:$0x10700] =	vst v63  }
0x2d2: {  	s8 =	sadd.s32 $0x10, s5;
	s9 =	sadd.s32 $0xD580, s2  }
0x2d3: {  	[tilespmem:s9], [sflag:$0x4] =	stream.linear.gather [hbm4b:s8+s3], $0x10, $0x38;
	[tilespmem:$0x10700] =	vst v63  }
0x2d4: {  	s10 =	sadd.s32 $0x20, s5;
	s11 =	sadd.s32 $0xD600, s2  }
0x2d5: {  	[tilespmem:s11], [sflag:$0x4] =	stream.linear.gather [hbm4b:s10+s3], $0x10, $0x38;
	[tilespmem:$0x10700] =	vst v63  }
0x2d6: {  	s18 =	sadd.s32 $0x30, s5;
	s19 =	sadd.s32 $0xD680, s2  }
0x2d7: {  	[tilespmem:s19], [sflag:$0x4] =	stream.linear.gather [hbm4b:s18+s3], $0x10, $0x38;
	[tilespmem:$0x10700] =	vst v63  }
0x2d8: {  	s26 =	sadd.s32 $0x40, s5;
	s7 =	sadd.s32 $0xD700, s2  }
0x2d9: {  	[tilespmem:s7], [sflag:$0x4] =	stream.linear.gather [hbm4b:s26+s3], $0x10, $0x38;
	[tilespmem:$0x10700] =	vst v63  }
0x2da: {  	s8 =	sadd.s32 $0x50, s5;
	s9 =	sadd.s32 $0xD780, s2  }
0x2db: {  	[tilespmem:s9], [sflag:$0x4] =	stream.linear.gather [hbm4b:s8+s3], $0x10, $0x38;
	[tilespmem:$0x10700] =	vst v63  }
0x2dc: {  	s10 =	sadd.s32 $0x60, s5;
	s11 =	sadd.s32 $0xD800, s2  }
0x2dd: {  	[tilespmem:s11], [sflag:$0x4] =	stream.linear.gather [hbm4b:s10+s3], $0x10, $0x38;
	[tilespmem:$0x10700] =	vst v63  }
0x2de: {  	s5 =	sadd.s32 $0x70, s5;
	s18 =	sadd.s32 $0xD880, s2  }
0x2df: {  	[tilespmem:s18], [sflag:$0x4] =	stream.linear.gather [hbm4b:s5+s3], $0x10, $0x38;
	[tilespmem:$0x10700] =	vst v63  }
0x2e0: {  	s19 =	sadd.s32 $0xE500, s2;
	s5 =	sadd.s32 $0x1E8500, s4  }
0x2e1: {  	[tilespmem:s19], [sflag:$0x4] =	stream.linear.gather [hbm4b:s5+s3], $0x10, $0x38;
	[tilespmem:$0x10700] =	vst v63  }
0x2e2: {  	s7 =	sadd.s32 $0xE580, s2;
	s26 =	sadd.s32 $0x10, s5  }
0x2e3: {  	[tilespmem:s7], [sflag:$0x4] =	stream.linear.gather [hbm4b:s26+s3], $0x10, $0x38;
	[tilespmem:$0x10700] =	vst v63  }
0x2e4: {  	s9 =	sadd.s32 $0xE600, s2;
	s8 =	sadd.s32 $0x20, s5  }
0x2e5: {  	[tilespmem:s9], [sflag:$0x4] =	stream.linear.gather [hbm4b:s8+s3], $0x10, $0x38;
	[tilespmem:$0x10700] =	vst v63  }
0x2e6: {  	s11 =	sadd.s32 $0xE680, s2;
	s10 =	sadd.s32 $0x30, s5  }
0x2e7: {  	[tilespmem:s11], [sflag:$0x4] =	stream.linear.gather [hbm4b:s10+s3], $0x10, $0x38;
	[tilespmem:$0x10700] =	vst v63  }
0x2e8: {  	s19 =	sadd.s32 $0x40, s5;
	s26 =	sadd.s32 $0xE700, s2  }
0x2e9: {  	[tilespmem:s26], [sflag:$0x4] =	stream.linear.gather [hbm4b:s19+s3], $0x10, $0x38;
	[tilespmem:$0x10700] =	vst v63  }
0x2ea: {  	s7 =	sadd.s32 $0x50, s5;
	s8 =	sadd.s32 $0xE780, s2  }
0x2eb: {  	[tilespmem:s8], [sflag:$0x4] =	stream.linear.gather [hbm4b:s7+s3], $0x10, $0x38;
	[tilespmem:$0x10700] =	vst v63  }
0x2ec: {  	s9 =	sadd.s32 $0x60, s5;
	s10 =	sadd.s32 $0xE800, s2  }
0x2ed: {  	[tilespmem:s10], [sflag:$0x4] =	stream.linear.gather [hbm4b:s9+s3], $0x10, $0x38;
	[tilespmem:$0x10700] =	vst v63  }
0x2ee: {  	s29 =	simm.s32 $0x10;
	s5 =	sadd.s32 $0x70, s5;
	s11 =	sadd.s32 $0xE880, s2  }
0x2ef: {  	[tilespmem:s11], [sflag:$0x4] =	stream.linear.gather [hbm4b:s5+s3], $0x10, $0x38;
	[tilespmem:$0x10700] =	vst v63  }
0x2f0: {  	s30 =	sadd.s32 $0x1, s22;
	s4 =	sadd.s32 $0x2DC780, s4;
	s18 =	sadd.s32 $0xF500, s2  }
0x2f1: {  	[tilespmem:s18], [sflag:$0x4] =	stream.linear.gather [hbm4b:s4+s3], $0x10, $0x38;
	[tilespmem:$0x10700] =	vst v63  }
0x2f2: {  	s31 =	sadd.s32 $0x1, s21;
	s19 =	sadd.s32 $0x10, s4;
	s26 =	sadd.s32 $0xF580, s2  }
0x2f3: {  	[tilespmem:s26], [sflag:$0x4] =	stream.linear.gather [hbm4b:s19+s3], $0x10, $0x38;
	[tilespmem:$0x10700] =	vst v63  }
0x2f4: {  	s6 =	sadd.s32 $0x20, s4;
	s7 =	sadd.s32 $0xF600, s2;
	s8 =	sadd.s32 $0x30, s4  }
0x2f5: {  	[tilespmem:s7], [sflag:$0x4] =	stream.linear.gather [hbm4b:s6+s3], $0x10, $0x38;
	[tilespmem:$0x10700] =	vst v63  }
0x2f6: {  	s9 =	sadd.s32 $0xF680, s2;
	s10 =	sadd.s32 $0x40, s4;
	s11 =	sadd.s32 $0xF700, s2  }
0x2f7: {  	[tilespmem:s9], [sflag:$0x4] =	stream.linear.gather [hbm4b:s8+s3], $0x10, $0x38;
	[tilespmem:$0x10700] =	vst v63  }
0x2f8: {  	s5 =	sadd.s32 $0x60, s4;
	s18 =	sadd.s32 $0x50, s4;
	s26 =	sshll.u32 s25, $0x6  }
0x2f9: {  	[tilespmem:s11], [sflag:$0x4] =	stream.linear.gather [hbm4b:s10+s3], $0x10, $0x38;
	[tilespmem:$0x10700] =	vst v63  }
0x2fa: {  	s19 =	sadd.s32 $0xF780, s2;
	s28 =	sor.u32 $0x20, s26;
	s6 =	sadd.s32 $0x70, s4  }
0x2fb: {  	[tilespmem:s19], [sflag:$0x4] =	stream.linear.gather [hbm4b:s18+s3], $0x10, $0x38;
	[tilespmem:$0x10700] =	vst v63  }
0x2fc: {  	s4 =	sadd.s32 $0xF880, s2;
	s18 =	sadd.s32 $0xF800, s2;
	s2 =	simm.s32 $0x80  }
.LBB2_5:
0x2fd: {  	[tilespmem:s18], [sflag:$0x4] =	stream.linear.gather [hbm4b:s5+s3], $0x10, $0x38;
	[tilespmem:$0x10700] =	vst v63  }
0x2fe: {  	p0 =	sne.s32 s29, $0x1F0;
	s5 =	smov.u32 s29;
	s29 =	sadd.s32 $0x10, s29  }
0x2ff: {  	[tilespmem:s4], [sflag:$0x4] =	stream.linear.gather [hbm4b:s6+s3], $0x10, $0x38;
	[tilespmem:$0x10700] =	vst v63  }
0x300: {  	v0 =	vld [tilespmem:s31+$0x0];
	_ =	sdelay $0x4  }
0x301: {  	(v2sf) =	vpush v0, $0x0;
	_ =	sdelay $0xe  }
0x302: {  	s4 =	spop (v2sf)  }
0x303: {  	s18 =	sand.u32 $0xC00, s2;
	s5 =	sand.u32 $0x70, s5;
	s6 =	sshll.u32 s4, $0x3  }
0x304: {  	s7 =	sand.u32 $0x70, s4;
	s4 =	sor.u32 s5, s18;
	s6 =	sand.u32 $0xFFFFFC00, s6  }
0x305: {  	s5 =	sor.u32 s7, s6;
	s6 =	sadd.s32 $0x8500, s4;
	v0 =	vld [tilespmem:s30+$0x0]  }
0x306: {  	s5 =	sshrl.u32 s5, $0x3  }
0x307: {  	s18 =	sadd.s32 s0, s5  }
0x308: {  	[tilespmem:s6], [sflag:$0x3] =	stream.linear.gather [hbm4b:s18+s3], $0x10, $0x38;
	[tilespmem:$0x10700] =	vst v63  }
0x309: {  	s5 =	sadd.s32 $0x10, s18;
	s6 =	sadd.s32 $0x8580, s4  }
0x30a: {  	[tilespmem:s6], [sflag:$0x3] =	stream.linear.gather [hbm4b:s5+s3], $0x10, $0x38;
	(v2sf) =	vpush v0, $0x0;
	[tilespmem:$0x10700] =	vst v63  }
0x30b: {  	s5 =	sadd.s32 $0x20, s18;
	s6 =	sadd.s32 $0x8600, s4  }
0x30c: {  	[tilespmem:s6], [sflag:$0x3] =	stream.linear.gather [hbm4b:s5+s3], $0x10, $0x38;
	[tilespmem:$0x10700] =	vst v63  }
0x30d: {  	s5 =	sadd.s32 $0x30, s18;
	s6 =	sadd.s32 $0x8680, s4  }
0x30e: {  	[tilespmem:s6], [sflag:$0x3] =	stream.linear.gather [hbm4b:s5+s3], $0x10, $0x38;
	[tilespmem:$0x10700] =	vst v63  }
0x30f: {  	s5 =	sadd.s32 $0x40, s18;
	s6 =	sadd.s32 $0x8700, s4  }
0x310: {  	[tilespmem:s6], [sflag:$0x3] =	stream.linear.gather [hbm4b:s5+s3], $0x10, $0x38;
	[tilespmem:$0x10700] =	vst v63  }
0x311: {  	s5 =	sadd.s32 $0x50, s18;
	s6 =	sadd.s32 $0x8780, s4  }
0x312: {  	[tilespmem:s6], [sflag:$0x3] =	stream.linear.gather [hbm4b:s5+s3], $0x10, $0x38;
	[tilespmem:$0x10700] =	vst v63  }
0x313: {  	s7 =	sadd.s32 $0x9680, s4;
	s5 =	sadd.s32 $0x60, s18;
	s6 =	sadd.s32 $0x8800, s4  }
0x314: {  	[tilespmem:s6], [sflag:$0x3] =	stream.linear.gather [hbm4b:s5+s3], $0x10, $0x38;
	[tilespmem:$0x10700] =	vst v63  }
0x315: {  	s8 =	sadd.s32 $0x9600, s4;
	s5 =	sadd.s32 $0x70, s18;
	s6 =	sadd.s32 $0x8880, s4  }
0x316: {  	[tilespmem:s6], [sflag:$0x3] =	stream.linear.gather [hbm4b:s5+s3], $0x10, $0x38;
	[tilespmem:$0x10700] =	vst v63  }
0x317: {  	s9 =	sadd.s32 $0x9580, s4;
	s6 =	sadd.s32 $0xF4280, s18;
	s5 =	sadd.s32 $0x9500, s4  }
0x318: {  	[tilespmem:s5], [sflag:$0x3] =	stream.linear.gather [hbm4b:s6+s3], $0x10, $0x38;
	[tilespmem:$0x10700] =	vst v63  }
0x319: {  	s19 =	sadd.s32 $0x20, s6;
	s5 =	sadd.s32 $0x10, s6;
	s10 =	spop (v2sf)  }
0x31a: {  	[tilespmem:s9], [sflag:$0x3] =	stream.linear.gather [hbm4b:s5+s3], $0x10, $0x38;
	[tilespmem:$0x10700] =	vst v63  }
0x31b: {  	s5 =	sadd.s32 $0x30, s6;
	s9 =	sshll.u32 s10, $0x3;
	s10 =	sand.u32 $0x70, s10  }
0x31c: {  	[tilespmem:s8], [sflag:$0x3] =	stream.linear.gather [hbm4b:s19+s3], $0x10, $0x38;
	[tilespmem:$0x10700] =	vst v63  }
0x31d: {  	s9 =	sand.u32 $0xFFFFFC00, s9;
	s8 =	sadd.s32 $0x40, s6;
	s19 =	sadd.s32 $0x9700, s4  }
0x31e: {  	[tilespmem:s7], [sflag:$0x3] =	stream.linear.gather [hbm4b:s5+s3], $0x10, $0x38;
	[tilespmem:$0x10700] =	vst v63  }
0x31f: {  	s11 =	sadd.s32 $0x9780, s4;
	s7 =	sadd.s32 $0x50, s6;
	s5 =	sor.u32 s10, s9  }
0x320: {  	[tilespmem:s19], [sflag:$0x3] =	stream.linear.gather [hbm4b:s8+s3], $0x10, $0x38;
	[tilespmem:$0x10700] =	vst v63  }
0x321: {  	s9 =	sadd.s32 $0x9800, s4;
	s5 =	sshrl.u32 s5, $0x3;
	s8 =	sadd.s32 $0x60, s6  }
0x322: {  	[tilespmem:s11], [sflag:$0x3] =	stream.linear.gather [hbm4b:s7+s3], $0x10, $0x38;
	[tilespmem:$0x10700] =	vst v63  }
0x323: {  	s6 =	sadd.s32 $0x70, s6;
	s7 =	sadd.s32 $0x9880, s4  }
0x324: {  	[tilespmem:s9], [sflag:$0x3] =	stream.linear.gather [hbm4b:s8+s3], $0x10, $0x38;
	[tilespmem:$0x10700] =	vst v63  }
0x325: {  	s8 =	sadd.s32 $0x1E8500, s18;
	s9 =	sadd.s32 $0xA500, s4  }
0x326: {  	[tilespmem:s7], [sflag:$0x3] =	stream.linear.gather [hbm4b:s6+s3], $0x10, $0x38;
	[tilespmem:$0x10700] =	vst v63  }
0x327: {  	s6 =	sadd.s32 $0x10, s8;
	s7 =	sadd.s32 $0xA580, s4  }
0x328: {  	[tilespmem:s9], [sflag:$0x3] =	stream.linear.gather [hbm4b:s8+s3], $0x10, $0x38;
	[tilespmem:$0x10700] =	vst v63  }
0x329: {  	s10 =	sadd.s32 $0xA600, s4;
	s9 =	sadd.s32 $0x20, s8  }
0x32a: {  	[tilespmem:s7], [sflag:$0x3] =	stream.linear.gather [hbm4b:s6+s3], $0x10, $0x38;
	[tilespmem:$0x10700] =	vst v63  }
0x32b: {  	s6 =	sadd.s32 $0x30, s8;
	s7 =	sadd.s32 $0xA680, s4  }
0x32c: {  	[tilespmem:s10], [sflag:$0x3] =	stream.linear.gather [hbm4b:s9+s3], $0x10, $0x38;
	[tilespmem:$0x10700] =	vst v63  }
0x32d: {  	s9 =	sadd.s32 $0x40, s8;
	s10 =	sadd.s32 $0xA700, s4  }
0x32e: {  	[tilespmem:s7], [sflag:$0x3] =	stream.linear.gather [hbm4b:s6+s3], $0x10, $0x38;
	[tilespmem:$0x10700] =	vst v63  }
0x32f: {  	s6 =	sadd.s32 $0x50, s8;
	s7 =	sadd.s32 $0xA780, s4  }
0x330: {  	[tilespmem:s10], [sflag:$0x3] =	stream.linear.gather [hbm4b:s9+s3], $0x10, $0x38;
	[tilespmem:$0x10700] =	vst v63  }
0x331: {  	s9 =	sadd.s32 $0x60, s8;
	s10 =	sadd.s32 $0xA800, s4  }
0x332: {  	[tilespmem:s7], [sflag:$0x3] =	stream.linear.gather [hbm4b:s6+s3], $0x10, $0x38;
	[tilespmem:$0x10700] =	vst v63  }
0x333: {  	s6 =	sadd.s32 $0x70, s8;
	s7 =	sadd.s32 $0xA880, s4  }
0x334: {  	[tilespmem:s10], [sflag:$0x3] =	stream.linear.gather [hbm4b:s9+s3], $0x10, $0x38;
	[tilespmem:$0x10700] =	vst v63  }
0x335: {  	s8 =	sadd.s32 $0x2DC780, s18;
	s9 =	sadd.s32 $0xB500, s4  }
0x336: {  	[tilespmem:s7], [sflag:$0x3] =	stream.linear.gather [hbm4b:s6+s3], $0x10, $0x38;
	[tilespmem:$0x10700] =	vst v63  }
0x337: {  	s6 =	sadd.s32 $0x10, s8;
	s7 =	sadd.s32 $0xB580, s4  }
0x338: {  	[tilespmem:s9], [sflag:$0x3] =	stream.linear.gather [hbm4b:s8+s3], $0x10, $0x38;
	[tilespmem:$0x10700] =	vst v63  }
0x339: {  	s10 =	sadd.s32 $0xB600, s4;
	s9 =	sadd.s32 $0x20, s8  }
0x33a: {  	[tilespmem:s7], [sflag:$0x3] =	stream.linear.gather [hbm4b:s6+s3], $0x10, $0x38;
	[tilespmem:$0x10700] =	vst v63  }
0x33b: {  	s6 =	sadd.s32 $0x30, s8;
	s7 =	sadd.s32 $0xB680, s4  }
0x33c: {  	[tilespmem:s10], [sflag:$0x3] =	stream.linear.gather [hbm4b:s9+s3], $0x10, $0x38;
	[tilespmem:$0x10700] =	vst v63  }
0x33d: {  	s9 =	sadd.s32 $0x40, s8;
	s10 =	sadd.s32 $0xB700, s4  }
0x33e: {  	[tilespmem:s7], [sflag:$0x3] =	stream.linear.gather [hbm4b:s6+s3], $0x10, $0x38;
	[tilespmem:$0x10700] =	vst v63  }
0x33f: {  	s6 =	sadd.s32 $0x50, s8;
	s7 =	sadd.s32 $0xB780, s4  }
0x340: {  	[tilespmem:s10], [sflag:$0x3] =	stream.linear.gather [hbm4b:s9+s3], $0x10, $0x38;
	[tilespmem:$0x10700] =	vst v63  }
0x341: {  	s9 =	sadd.s32 $0x60, s8;
	s10 =	sadd.s32 $0xB800, s4  }
0x342: {  	[tilespmem:s7], [sflag:$0x3] =	stream.linear.gather [hbm4b:s6+s3], $0x10, $0x38;
	[tilespmem:$0x10700] =	vst v63  }
0x343: {  	s6 =	sadd.s32 $0x70, s8;
	s7 =	sadd.s32 $0xB880, s4  }
0x344: {  	[tilespmem:s10], [sflag:$0x3] =	stream.linear.gather [hbm4b:s9+s3], $0x10, $0x38;
	[tilespmem:$0x10700] =	vst v63  }
0x345: {  	s18 =	sadd.s32 s1, s5;
	s5 =	sadd.s32 $0xC500, s4  }
0x346: {  	[tilespmem:s7], [sflag:$0x3] =	stream.linear.gather [hbm4b:s6+s3], $0x10, $0x38;
	[tilespmem:$0x10700] =	vst v63  }
0x347: {  	s6 =	sadd.s32 $0x10, s18;
	s7 =	sadd.s32 $0xC580, s4  }
0x348: {  	[tilespmem:s5], [sflag:$0x4] =	stream.linear.gather [hbm4b:s18+s3], $0x10, $0x38;
	[tilespmem:$0x10700] =	vst v63  }
0x349: {  	s8 =	sadd.s32 $0xC600, s4;
	s5 =	sadd.s32 $0x20, s18  }
0x34a: {  	[tilespmem:s7], [sflag:$0x4] =	stream.linear.gather [hbm4b:s6+s3], $0x10, $0x38;
	[tilespmem:$0x10700] =	vst v63  }
0x34b: {  	s6 =	sadd.s32 $0x30, s18;
	s7 =	sadd.s32 $0xC680, s4  }
0x34c: {  	[tilespmem:s8], [sflag:$0x4] =	stream.linear.gather [hbm4b:s5+s3], $0x10, $0x38;
	[tilespmem:$0x10700] =	vst v63  }
0x34d: {  	s5 =	sadd.s32 $0x40, s18;
	s8 =	sadd.s32 $0xC700, s4  }
0x34e: {  	[tilespmem:s7], [sflag:$0x4] =	stream.linear.gather [hbm4b:s6+s3], $0x10, $0x38;
	[tilespmem:$0x10700] =	vst v63  }
0x34f: {  	s6 =	sadd.s32 $0x50, s18;
	s7 =	sadd.s32 $0xC780, s4  }
0x350: {  	[tilespmem:s8], [sflag:$0x4] =	stream.linear.gather [hbm4b:s5+s3], $0x10, $0x38;
	[tilespmem:$0x10700] =	vst v63  }
0x351: {  	s5 =	sadd.s32 $0x60, s18;
	s8 =	sadd.s32 $0xC800, s4  }
0x352: {  	[tilespmem:s7], [sflag:$0x4] =	stream.linear.gather [hbm4b:s6+s3], $0x10, $0x38;
	[tilespmem:$0x10700] =	vst v63  }
0x353: {  	s6 =	sadd.s32 $0x70, s18;
	s7 =	sadd.s32 $0xC880, s4  }
0x354: {  	[tilespmem:s8], [sflag:$0x4] =	stream.linear.gather [hbm4b:s5+s3], $0x10, $0x38;
	[tilespmem:$0x10700] =	vst v63  }
0x355: {  	s5 =	sadd.s32 $0xF4280, s18;
	s8 =	sadd.s32 $0xD500, s4  }
0x356: {  	[tilespmem:s7], [sflag:$0x4] =	stream.linear.gather [hbm4b:s6+s3], $0x10, $0x38;
	[tilespmem:$0x10700] =	vst v63  }
0x357: {  	s6 =	sadd.s32 $0x10, s5;
	s7 =	sadd.s32 $0xD580, s4  }
0x358: {  	[tilespmem:s8], [sflag:$0x4] =	stream.linear.gather [hbm4b:s5+s3], $0x10, $0x38;
	[tilespmem:$0x10700] =	vst v63  }
0x359: {  	s9 =	sadd.s32 $0xD600, s4;
	s8 =	sadd.s32 $0x20, s5  }
0x35a: {  	[tilespmem:s7], [sflag:$0x4] =	stream.linear.gather [hbm4b:s6+s3], $0x10, $0x38;
	[tilespmem:$0x10700] =	vst v63  }
0x35b: {  	s6 =	sadd.s32 $0x30, s5;
	s7 =	sadd.s32 $0xD680, s4  }
0x35c: {  	[tilespmem:s9], [sflag:$0x4] =	stream.linear.gather [hbm4b:s8+s3], $0x10, $0x38;
	[tilespmem:$0x10700] =	vst v63  }
0x35d: {  	s8 =	sadd.s32 $0x40, s5;
	s9 =	sadd.s32 $0xD700, s4  }
0x35e: {  	[tilespmem:s7], [sflag:$0x4] =	stream.linear.gather [hbm4b:s6+s3], $0x10, $0x38;
	[tilespmem:$0x10700] =	vst v63  }
0x35f: {  	s6 =	sadd.s32 $0x50, s5;
	s7 =	sadd.s32 $0xD780, s4  }
0x360: {  	[tilespmem:s9], [sflag:$0x4] =	stream.linear.gather [hbm4b:s8+s3], $0x10, $0x38;
	[tilespmem:$0x10700] =	vst v63  }
0x361: {  	s8 =	sadd.s32 $0x60, s5;
	s9 =	sadd.s32 $0xD800, s4  }
0x362: {  	[tilespmem:s7], [sflag:$0x4] =	stream.linear.gather [hbm4b:s6+s3], $0x10, $0x38;
	[tilespmem:$0x10700] =	vst v63  }
0x363: {  	s5 =	sadd.s32 $0x70, s5;
	s6 =	sadd.s32 $0xD880, s4  }
0x364: {  	[tilespmem:s9], [sflag:$0x4] =	stream.linear.gather [hbm4b:s8+s3], $0x10, $0x38;
	[tilespmem:$0x10700] =	vst v63  }
0x365: {  	s7 =	sadd.s32 $0x1E8500, s18;
	s8 =	sadd.s32 $0xE500, s4  }
0x366: {  	[tilespmem:s6], [sflag:$0x4] =	stream.linear.gather [hbm4b:s5+s3], $0x10, $0x38;
	[tilespmem:$0x10700] =	vst v63  }
0x367: {  	s5 =	sadd.s32 $0x10, s7;
	s6 =	sadd.s32 $0xE580, s4  }
0x368: {  	[tilespmem:s8], [sflag:$0x4] =	stream.linear.gather [hbm4b:s7+s3], $0x10, $0x38;
	[tilespmem:$0x10700] =	vst v63  }
0x369: {  	s9 =	sadd.s32 $0xE600, s4;
	s8 =	sadd.s32 $0x20, s7  }
0x36a: {  	[tilespmem:s6], [sflag:$0x4] =	stream.linear.gather [hbm4b:s5+s3], $0x10, $0x38;
	[tilespmem:$0x10700] =	vst v63  }
0x36b: {  	s5 =	sadd.s32 $0x30, s7;
	s6 =	sadd.s32 $0xE680, s4  }
0x36c: {  	[tilespmem:s9], [sflag:$0x4] =	stream.linear.gather [hbm4b:s8+s3], $0x10, $0x38;
	[tilespmem:$0x10700] =	vst v63  }
0x36d: {  	s8 =	sadd.s32 $0x40, s7;
	s9 =	sadd.s32 $0xE700, s4  }
0x36e: {  	[tilespmem:s6], [sflag:$0x4] =	stream.linear.gather [hbm4b:s5+s3], $0x10, $0x38;
	[tilespmem:$0x10700] =	vst v63  }
0x36f: {  	s5 =	sadd.s32 $0x50, s7;
	s6 =	sadd.s32 $0xE780, s4  }
0x370: {  	[tilespmem:s9], [sflag:$0x4] =	stream.linear.gather [hbm4b:s8+s3], $0x10, $0x38;
	[tilespmem:$0x10700] =	vst v63  }
0x371: {  	s8 =	sadd.s32 $0x60, s7;
	s9 =	sadd.s32 $0xE800, s4  }
0x372: {  	[tilespmem:s6], [sflag:$0x4] =	stream.linear.gather [hbm4b:s5+s3], $0x10, $0x38;
	[tilespmem:$0x10700] =	vst v63  }
0x373: {  	s5 =	sadd.s32 $0x70, s7;
	s6 =	sadd.s32 $0xE880, s4  }
0x374: {  	[tilespmem:s9], [sflag:$0x4] =	stream.linear.gather [hbm4b:s8+s3], $0x10, $0x38;
	[tilespmem:$0x10700] =	vst v63  }
0x375: {  	s7 =	sadd.s32 $0x2DC780, s18;
	s8 =	sadd.s32 $0xF500, s4  }
0x376: {  	[tilespmem:s6], [sflag:$0x4] =	stream.linear.gather [hbm4b:s5+s3], $0x10, $0x38;
	[tilespmem:$0x10700] =	vst v63  }
0x377: {  	s5 =	sadd.s32 $0x10, s7;
	s6 =	sadd.s32 $0xF580, s4  }
0x378: {  	[tilespmem:s8], [sflag:$0x4] =	stream.linear.gather [hbm4b:s7+s3], $0x10, $0x38;
	[tilespmem:$0x10700] =	vst v63  }
0x379: {  	s9 =	sadd.s32 $0xF600, s4;
	s8 =	sadd.s32 $0x20, s7  }
0x37a: {  	[tilespmem:s6], [sflag:$0x4] =	stream.linear.gather [hbm4b:s5+s3], $0x10, $0x38;
	[tilespmem:$0x10700] =	vst v63  }
0x37b: {  	s5 =	sadd.s32 $0x30, s7;
	s6 =	sadd.s32 $0xF680, s4  }
0x37c: {  	[tilespmem:s9], [sflag:$0x4] =	stream.linear.gather [hbm4b:s8+s3], $0x10, $0x38;
	[tilespmem:$0x10700] =	vst v63  }
0x37d: {  	s30 =	sadd.s32 $0x1, s30;
	s8 =	sadd.s32 $0x40, s7;
	s9 =	sadd.s32 $0xF700, s4  }
0x37e: {  	[tilespmem:s6], [sflag:$0x4] =	stream.linear.gather [hbm4b:s5+s3], $0x10, $0x38;
	[tilespmem:$0x10700] =	vst v63  }
.Ltmp1:
0x37f: {  	s10 =	sadd.s32 $0xF780, s4;
	s6 =	sadd.s32 $0x50, s7;
	(pc) =	sbr.rel @p0 .LBB2_5-.Ltmp1, $4  }
0x380: {  	[tilespmem:s9], [sflag:$0x4] =	stream.linear.gather [hbm4b:s8+s3], $0x10, $0x38;
	[tilespmem:$0x10700] =	vst v63  }
0x381: {  	s31 =	sadd.s32 $0x1, s31;
	s18 =	sadd.s32 $0xF800, s4;
	s5 =	sadd.s32 $0x60, s7  }
0x382: {  	[tilespmem:s10], [sflag:$0x4] =	stream.linear.gather [hbm4b:s6+s3], $0x10, $0x38;
	[tilespmem:$0x10700] =	vst v63  }
0x383: {  	s2 =	sadd.s32 $0x80, s2;
	s4 =	sadd.s32 $0xF880, s4;
	s6 =	sadd.s32 $0x70, s7  }
0x384: {  	[tilespmem:s18], [sflag:$0x4] =	stream.linear.gather [hbm4b:s5+s3], $0x10, $0x38;
	[tilespmem:$0x10700] =	vst v63  }
0x385: {  	s2 =	simm.s32 $0x1  }
0x386: {  	[tilespmem:s4], [sflag:$0x4] =	stream.linear.gather [hbm4b:s6+s3], $0x10, $0x38;
	[tilespmem:$0x10700] =	vst v63  }
0x387: {  	_ =	swait.ge [sflag:s2], $0x4000  }
0x388: {  	[sflag:s2] =	ssyncset.done $0x0  }
0x389: {  	s5 =	simm.s32 $0x2;
	[sflag:s2] =	ssyncadd.s32 $0xFFFFC000  }
0x38a: {  	_ =	swait.ge [sflag:s5], $0x4000  }
0x38b: {  	[sflag:s5] =	ssyncset.done $0x0  }
0x38c: {  	[sflag:s5] =	ssyncadd.s32 $0xFFFFC000  }
0x38d: {  	v0 =	vld [tilespmem:s26+$0x0]  }
0x38e: {  	v2 =	vld [tilespmem:s26+$0x280];
	_ =	sdelay $0x1  }
0x38f: {  	v5 =	vld [tilespmem:$0x1FEF0];
	_ =	sdelay $0x1  }
0x390: {  	v7 =	vld [tilespmem:$0x1FF00];
	v1 =	vand.u32 $0xF, v0  }
0x391: {  	v9 =	vld [tilespmem:$0x1FF10];
	v0 =	vand.u32 $0xF, v2;
	v10 =	vor.u32 v15, v1  }
0x392: {  	v11 =	vld [tilespmem:$0x1FF20];
	v3 =	vor.u32 v15, v0  }
0x393: {  	v13 =	vld [tilespmem:$0x1FF30];
	v4 =	vor.u32 v5, v1  }
0x394: {  	v14 =	vld [tilespmem:$0x1FF40];
	v5 =	vor.u32 v5, v0  }
0x395: {  	v16 =	vld [tilespmem:$0x1FF50];
	v6 =	vor.u32 v7, v1  }
0x396: {  	v7 =	vor.u32 v7, v0;
	v2 =	vld.idx.msk [tilespmem:v10+s12+$0x0], $0xffff  }
0x397: {  	v3 =	vld.idx.msk [tilespmem:v3+s13+$0x0], $0xffff  }
0x398: {  	v8 =	vor.u32 v9, v1;
	v9 =	vor.u32 v9, v0;
	v4 =	vld.idx.msk [tilespmem:v4+s12+$0x0], $0xffff  }
0x399: {  	v5 =	vld.idx.msk [tilespmem:v5+s13+$0x0], $0xffff  }
0x39a: {  	v10 =	vor.u32 v11, v1;
	v6 =	vld.idx.msk [tilespmem:v6+s12+$0x0], $0xffff  }
0x39b: {  	v7 =	vld.idx.msk [tilespmem:v7+s13+$0x0], $0xffff  }
0x39c: {  	v2 =	vmul.f32 v3, v2  }
0x39d: {  	v12 =	vor.u32 v13, v1;
	v11 =	vor.u32 v11, v0;
	v9 =	vld.idx.msk [tilespmem:v9+s13+$0x0], $0xffff  }
0x39e: {  	v3 =	vld.idx.msk [tilespmem:v8+s12+$0x0], $0xffff;
	v8 =	vor.u32 v13, v0;
	v4 =	vmul.f32 v5, v4;
	v2 =	vadd.f32 $0.0e+00, v2  }
0x39f: {  	v13 =	vor.u32 v14, v1;
	v5 =	vld.idx.msk [tilespmem:v10+s12+$0x0], $0xffff;
	v10 =	vor.u32 v14, v0;
	v14 =	vor.u32 v16, v1  }
0x3a0: {  	v2 =	vadd.f32 v4, v2;
	v4 =	vmul.f32 v7, v6;
	v7 =	vor.u32 v16, v0;
	v16 =	vld [tilespmem:$0x1FF60];
	_ =	sdelay $0x2  }
0x3a1: {  	v11 =	vld.idx.msk [tilespmem:v11+s13+$0x0], $0xffff  }
0x3a2: {  	v6 =	vld.idx.msk [tilespmem:v12+s12+$0x0], $0xffff  }
0x3a3: {  	v3 =	vmul.f32 v9, v3;
	v12 =	vor.u32 v16, v1;
	v9 =	vor.u32 v16, v0;
	v16 =	vld [tilespmem:$0x1FF70];
	_ =	sdelay $0x1  }
0x3a4: {  	v2 =	vadd.f32 v4, v2  }
0x3a5: {  	v8 =	vld.idx.msk [tilespmem:v8+s13+$0x0], $0xffff  }
0x3a6: {  	v4 =	vld.idx.msk [tilespmem:v13+s12+$0x0], $0xffff;
	v2 =	vadd.f32 v3, v2  }
0x3a7: {  	v3 =	vmul.f32 v11, v5;
	v13 =	vor.u32 v16, v1;
	v11 =	vor.u32 v16, v0;
	v16 =	vld [tilespmem:$0x1FF80];
	_ =	sdelay $0x2  }
0x3a8: {  	v10 =	vld.idx.msk [tilespmem:v10+s13+$0x0], $0xffff  }
0x3a9: {  	v5 =	vld.idx.msk [tilespmem:v14+s12+$0x0], $0xffff;
	v2 =	vadd.f32 v3, v2  }
0x3aa: {  	v3 =	vmul.f32 v8, v6;
	v14 =	vor.u32 v16, v1;
	v8 =	vor.u32 v16, v0;
	v16 =	vld [tilespmem:$0x1FF90];
	_ =	sdelay $0x2  }
0x3ab: {  	v7 =	vld.idx.msk [tilespmem:v7+s13+$0x0], $0xffff  }
0x3ac: {  	v2 =	vadd.f32 v3, v2;
	v6 =	vld.idx.msk [tilespmem:v12+s12+$0x0], $0xffff  }
0x3ad: {  	v3 =	vmul.f32 v10, v4;
	v12 =	vor.u32 v16, v1;
	v10 =	vor.u32 v16, v0;
	v16 =	vld [tilespmem:$0x1FFA0];
	_ =	sdelay $0x2  }
0x3ae: {  	v9 =	vld.idx.msk [tilespmem:v9+s13+$0x0], $0xffff  }
0x3af: {  	v2 =	vadd.f32 v3, v2;
	v4 =	vld.idx.msk [tilespmem:v13+s12+$0x0], $0xffff  }
0x3b0: {  	v3 =	vmul.f32 v7, v5;
	v13 =	vor.u32 v16, v1;
	v7 =	vor.u32 v16, v0;
	v16 =	vld [tilespmem:$0x1FFB0];
	_ =	sdelay $0x2  }
0x3b1: {  	v11 =	vld.idx.msk [tilespmem:v11+s13+$0x0], $0xffff  }
0x3b2: {  	v2 =	vadd.f32 v3, v2;
	v5 =	vld.idx.msk [tilespmem:v14+s12+$0x0], $0xffff  }
0x3b3: {  	v3 =	vmul.f32 v9, v6;
	v14 =	vor.u32 v16, v1;
	v9 =	vor.u32 v16, v0;
	v16 =	vld [tilespmem:$0x1FFC0];
	_ =	sdelay $0x2  }
0x3b4: {  	v8 =	vld.idx.msk [tilespmem:v8+s13+$0x0], $0xffff  }
0x3b5: {  	v2 =	vadd.f32 v3, v2;
	v6 =	vld.idx.msk [tilespmem:v12+s12+$0x0], $0xffff  }
0x3b6: {  	v3 =	vmul.f32 v11, v4;
	v12 =	vor.u32 v16, v1;
	v11 =	vor.u32 v16, v0;
	v16 =	vld [tilespmem:$0x1FFD0];
	_ =	sdelay $0x2  }
0x3b7: {  	v10 =	vld.idx.msk [tilespmem:v10+s13+$0x0], $0xffff  }
0x3b8: {  	v2 =	vadd.f32 v3, v2;
	v4 =	vld.idx.msk [tilespmem:v13+s12+$0x0], $0xffff  }
0x3b9: {  	v3 =	vmul.f32 v8, v5;
	v13 =	vor.u32 v16, v1;
	v8 =	vor.u32 v16, v0;
	v16 =	vld [tilespmem:$0x1FFE0];
	_ =	sdelay $0x1  }
0x3ba: {  	v7 =	vld.idx.msk [tilespmem:v7+s13+$0x0], $0xffff  }
0x3bb: {  	v5 =	vld.idx.msk [tilespmem:v14+s12+$0x0], $0xffff  }
0x3bc: {  	v9 =	vld.idx.msk [tilespmem:v9+s13+$0x0], $0xffff  }
0x3bd: {  	v2 =	vadd.f32 v3, v2;
	v3 =	vmul.f32 v10, v6;
	v6 =	vld.idx.msk [tilespmem:v12+s12+$0x0], $0xffff;
	v14 =	vor.u32 v16, v1  }
0x3be: {  	v11 =	vld.idx.msk [tilespmem:v11+s13+$0x0], $0xffff;
	v10 =	vor.u32 v16, v0  }
0x3bf: {  	v2 =	vadd.f32 v3, v2;
	v3 =	vmul.f32 v7, v4;
	v7 =	vor.u32 v17, v0;
	v4 =	vld.idx.msk [tilespmem:v13+s12+$0x0], $0xffff  }
0x3c0: {  	v12 =	vor.u32 v17, v1;
	v8 =	vld.idx.msk [tilespmem:v8+s13+$0x0], $0xffff  }
0x3c1: {  	v2 =	vadd.f32 v3, v2;
	v3 =	vmul.f32 v9, v5;
	v9 =	vor.u32 v18, v0  }
0x3c2: {  	v13 =	vor.u32 v18, v1;
	v5 =	vld.idx.msk [tilespmem:v14+s12+$0x0], $0xffff  }
0x3c3: {  	v2 =	vadd.f32 v3, v2;
	v3 =	vmul.f32 v11, v6;
	v11 =	vor.u32 v19, v0;
	v10 =	vld.idx.msk [tilespmem:v10+s13+$0x0], $0xffff  }
0x3c4: {  	v7 =	vld.idx.msk [tilespmem:v7+s13+$0x0], $0xffff;
	v14 =	vor.u32 v19, v1  }
0x3c5: {  	v6 =	vld.idx.msk [tilespmem:v12+s12+$0x0], $0xffff;
	v2 =	vadd.f32 v3, v2;
	v3 =	vmul.f32 v8, v4;
	v8 =	vor.u32 v20, v0  }
0x3c6: {  	v12 =	vor.u32 v20, v1;
	v9 =	vld.idx.msk [tilespmem:v9+s13+$0x0], $0xffff  }
0x3c7: {  	v4 =	vld.idx.msk [tilespmem:v13+s12+$0x0], $0xffff;
	v13 =	vor.u32 v21, v1  }
0x3c8: {  	v11 =	vld.idx.msk [tilespmem:v11+s13+$0x0], $0xffff;
	v2 =	vadd.f32 v3, v2;
	v3 =	vmul.f32 v10, v5;
	v10 =	vor.u32 v21, v0  }
0x3c9: {  	v5 =	vld.idx.msk [tilespmem:v14+s12+$0x0], $0xffff;
	v14 =	vor.u32 v22, v1  }
0x3ca: {  	v8 =	vld.idx.msk [tilespmem:v8+s13+$0x0], $0xffff;
	v2 =	vadd.f32 v3, v2;
	v3 =	vmul.f32 v7, v6;
	v7 =	vor.u32 v22, v0  }
0x3cb: {  	v6 =	vld.idx.msk [tilespmem:v12+s12+$0x0], $0xffff;
	v12 =	vor.u32 v23, v1  }
0x3cc: {  	v2 =	vadd.f32 v3, v2;
	v3 =	vmul.f32 v9, v4;
	v4 =	vld.idx.msk [tilespmem:v13+s12+$0x0], $0xffff;
	v9 =	vor.u32 v23, v0  }
0x3cd: {  	v13 =	vor.u32 v24, v1;
	v10 =	vld.idx.msk [tilespmem:v10+s13+$0x0], $0xffff  }
0x3ce: {  	v2 =	vadd.f32 v3, v2;
	v3 =	vmul.f32 v11, v5;
	v5 =	vld.idx.msk [tilespmem:v14+s12+$0x0], $0xffff;
	v11 =	vor.u32 v24, v0  }
0x3cf: {  	v14 =	vor.u32 v25, v1;
	v7 =	vld.idx.msk [tilespmem:v7+s13+$0x0], $0xffff  }
0x3d0: {  	v2 =	vadd.f32 v3, v2;
	v3 =	vmul.f32 v8, v6;
	v6 =	vld.idx.msk [tilespmem:v12+s12+$0x0], $0xffff;
	v8 =	vor.u32 v25, v0  }
0x3d1: {  	v12 =	vor.u32 v26, v1;
	v9 =	vld.idx.msk [tilespmem:v9+s13+$0x0], $0xffff  }
0x3d2: {  	v2 =	vadd.f32 v3, v2;
	v3 =	vmul.f32 v10, v4;
	v4 =	vld.idx.msk [tilespmem:v13+s12+$0x0], $0xffff;
	v10 =	vor.u32 v26, v0  }
0x3d3: {  	v13 =	vor.u32 v27, v1;
	v11 =	vld.idx.msk [tilespmem:v11+s13+$0x0], $0xffff  }
0x3d4: {  	v2 =	vadd.f32 v3, v2;
	v3 =	vmul.f32 v7, v5;
	v5 =	vld.idx.msk [tilespmem:v14+s12+$0x0], $0xffff;
	v7 =	vor.u32 v27, v0  }
0x3d5: {  	v14 =	vor.u32 v28, v1;
	v8 =	vld.idx.msk [tilespmem:v8+s13+$0x0], $0xffff  }
0x3d6: {  	v2 =	vadd.f32 v3, v2;
	v3 =	vmul.f32 v9, v6;
	v6 =	vld.idx.msk [tilespmem:v12+s12+$0x0], $0xffff;
	v9 =	vor.u32 v28, v0  }
0x3d7: {  	v12 =	vor.u32 v29, v1;
	v10 =	vld.idx.msk [tilespmem:v10+s13+$0x0], $0xffff  }
0x3d8: {  	v2 =	vadd.f32 v3, v2;
	v3 =	vmul.f32 v11, v4;
	v4 =	vld.idx.msk [tilespmem:v13+s12+$0x0], $0xffff;
	v11 =	vor.u32 v29, v0  }
0x3d9: {  	v13 =	vor.u32 v30, v1;
	v7 =	vld.idx.msk [tilespmem:v7+s13+$0x0], $0xffff  }
0x3da: {  	v2 =	vadd.f32 v3, v2;
	v3 =	vmul.f32 v8, v5;
	v5 =	vld.idx.msk [tilespmem:v14+s12+$0x0], $0xffff;
	v8 =	vor.u32 v30, v0  }
0x3db: {  	v1 =	vor.u32 v31, v1;
	v9 =	vld.idx.msk [tilespmem:v9+s13+$0x0], $0xffff  }
0x3dc: {  	v0 =	vor.u32 v31, v0;
	v2 =	vadd.f32 v3, v2;
	v3 =	vmul.f32 v10, v6;
	v6 =	vld.idx.msk [tilespmem:v12+s12+$0x0], $0xffff  }
0x3dd: {  	v10 =	vld.idx.msk [tilespmem:v11+s13+$0x0], $0xffff  }
0x3de: {  	v2 =	vadd.f32 v3, v2;
	v11 =	vmul.f32 v7, v4;
	v4 =	vld.idx.msk [tilespmem:v13+s12+$0x0], $0xffff  }
0x3df: {  	v7 =	vld.idx.msk [tilespmem:v8+s13+$0x0], $0xffff  }
0x3e0: {  	v1 =	vld.idx.msk [tilespmem:v1+s12+$0x0], $0xffff;
	v2 =	vadd.f32 v11, v2;
	v11 =	vmul.f32 v9, v5  }
0x3e1: {  	v0 =	vld.idx.msk [tilespmem:v0+s13+$0x0], $0xffff  }
0x3e2: {  	v2 =	vadd.f32 v11, v2;
	v6 =	vmul.f32 v10, v6;
	_ =	sdelay $0x1  }
0x3e3: {  	v2 =	vadd.f32 v6, v2;
	v7 =	vmul.f32 v7, v4;
	_ =	sdelay $0x1  }
0x3e4: {  	v0 =	vmul.f32 v0, v1;
	v2 =	vadd.f32 v7, v2;
	_ =	sdelay $0x1  }
0x3e5: {  	v0 =	vadd.f32 v0, v2;
	_ =	sdelay $0x1  }
0x3e6: {  	s6 =	sor.u32 $0x10, s26;
	[tilespmem:s26+$0x10500] =	vst v0  }
0x3e7: {  	v0 =	vld [tilespmem:s6+$0x0]  }
0x3e8: {  	v8 =	vld [tilespmem:s26+$0x290];
	_ =	sdelay $0x3  }
0x3e9: {  	v1 =	vand.u32 $0xF, v0  }
0x3ea: {  	v0 =	vand.u32 $0xF, v8;
	v9 =	vor.u32 v32, v1  }
0x3eb: {  	v10 =	vor.u32 v32, v0  }
0x3ec: {  	v4 =	vor.u32 v33, v1  }
0x3ed: {  	v5 =	vor.u32 v33, v0  }
0x3ee: {  	v6 =	vor.u32 v34, v1  }
0x3ef: {  	v7 =	vor.u32 v34, v0;
	v2 =	vld.idx.msk [tilespmem:v9+s12+$0x0], $0xffff  }
0x3f0: {  	v8 =	vor.u32 v35, v1;
	v3 =	vld.idx.msk [tilespmem:v10+s13+$0x0], $0xffff  }
0x3f1: {  	v4 =	vld.idx.msk [tilespmem:v4+s12+$0x0], $0xffff;
	v9 =	vor.u32 v35, v0  }
0x3f2: {  	v5 =	vld.idx.msk [tilespmem:v5+s13+$0x0], $0xffff;
	v10 =	vor.u32 v36, v1  }
0x3f3: {  	v6 =	vld.idx.msk [tilespmem:v6+s12+$0x0], $0xffff  }
0x3f4: {  	v11 =	vor.u32 v36, v0;
	v7 =	vld.idx.msk [tilespmem:v7+s13+$0x0], $0xffff  }
0x3f5: {  	v12 =	vor.u32 v37, v1;
	v2 =	vmul.f32 v3, v2;
	v3 =	vld.idx.msk [tilespmem:v8+s12+$0x0], $0xffff  }
0x3f6: {  	v8 =	vor.u32 v37, v0;
	v9 =	vld.idx.msk [tilespmem:v9+s13+$0x0], $0xffff  }
0x3f7: {  	v4 =	vmul.f32 v5, v4;
	v5 =	vld.idx.msk [tilespmem:v10+s12+$0x0], $0xffff;
	v10 =	vor.u32 v38, v0  }
0x3f8: {  	v13 =	vor.u32 v38, v1;
	v2 =	vadd.f32 $0.0e+00, v2  }
0x3f9: {  	v14 =	vor.u32 v39, v1;
	v11 =	vld.idx.msk [tilespmem:v11+s13+$0x0], $0xffff  }
0x3fa: {  	v2 =	vadd.f32 v4, v2;
	v4 =	vmul.f32 v7, v6;
	v6 =	vld.idx.msk [tilespmem:v12+s12+$0x0], $0xffff;
	v7 =	vor.u32 v39, v0  }
0x3fb: {  	v12 =	vor.u32 v40, v1;
	v8 =	vld.idx.msk [tilespmem:v8+s13+$0x0], $0xffff  }
0x3fc: {  	v3 =	vmul.f32 v9, v3;
	v9 =	vor.u32 v40, v0;
	v10 =	vld.idx.msk [tilespmem:v10+s13+$0x0], $0xffff;
	v2 =	vadd.f32 v4, v2  }
0x3fd: {  	v4 =	vld.idx.msk [tilespmem:v13+s12+$0x0], $0xffff;
	v13 =	vor.u32 v41, v1  }
0x3fe: {  	v2 =	vadd.f32 v3, v2;
	v3 =	vmul.f32 v11, v5;
	v5 =	vld.idx.msk [tilespmem:v14+s12+$0x0], $0xffff;
	v11 =	vor.u32 v41, v0  }
0x3ff: {  	v14 =	vor.u32 v42, v1;
	v7 =	vld.idx.msk [tilespmem:v7+s13+$0x0], $0xffff  }
0x400: {  	v2 =	vadd.f32 v3, v2;
	v3 =	vmul.f32 v8, v6;
	v6 =	vld.idx.msk [tilespmem:v12+s12+$0x0], $0xffff;
	v8 =	vor.u32 v42, v0  }
0x401: {  	v9 =	vld.idx.msk [tilespmem:v9+s13+$0x0], $0xffff;
	v12 =	vor.u32 v43, v1  }
0x402: {  	v2 =	vadd.f32 v3, v2;
	v3 =	vmul.f32 v10, v4;
	v4 =	vld.idx.msk [tilespmem:v13+s12+$0x0], $0xffff;
	v10 =	vor.u32 v43, v0  }
0x403: {  	v13 =	vor.u32 v44, v1;
	v11 =	vld.idx.msk [tilespmem:v11+s13+$0x0], $0xffff  }
0x404: {  	v2 =	vadd.f32 v3, v2;
	v3 =	vmul.f32 v7, v5;
	v5 =	vld.idx.msk [tilespmem:v14+s12+$0x0], $0xffff;
	v7 =	vor.u32 v44, v0  }
0x405: {  	v14 =	vor.u32 v45, v1;
	v8 =	vld.idx.msk [tilespmem:v8+s13+$0x0], $0xffff  }
0x406: {  	v2 =	vadd.f32 v3, v2;
	v3 =	vmul.f32 v9, v6;
	v6 =	vld.idx.msk [tilespmem:v12+s12+$0x0], $0xffff;
	v9 =	vor.u32 v45, v0  }
0x407: {  	v12 =	vor.u32 v46, v1;
	v10 =	vld.idx.msk [tilespmem:v10+s13+$0x0], $0xffff  }
0x408: {  	v2 =	vadd.f32 v3, v2;
	v3 =	vmul.f32 v11, v4;
	v4 =	vld.idx.msk [tilespmem:v13+s12+$0x0], $0xffff;
	v11 =	vor.u32 v46, v0  }
0x409: {  	v13 =	vor.u32 v47, v1;
	v7 =	vld.idx.msk [tilespmem:v7+s13+$0x0], $0xffff  }
0x40a: {  	v2 =	vadd.f32 v3, v2;
	v3 =	vmul.f32 v8, v5;
	v5 =	vld.idx.msk [tilespmem:v14+s12+$0x0], $0xffff;
	v8 =	vor.u32 v47, v0  }
0x40b: {  	v14 =	vor.u32 v48, v1;
	v9 =	vld.idx.msk [tilespmem:v9+s13+$0x0], $0xffff  }
0x40c: {  	v2 =	vadd.f32 v3, v2;
	v3 =	vmul.f32 v10, v6;
	v6 =	vld.idx.msk [tilespmem:v12+s12+$0x0], $0xffff;
	v10 =	vor.u32 v48, v0  }
0x40d: {  	v12 =	vor.u32 v49, v1;
	v11 =	vld.idx.msk [tilespmem:v11+s13+$0x0], $0xffff  }
0x40e: {  	v2 =	vadd.f32 v3, v2;
	v3 =	vmul.f32 v7, v4;
	v4 =	vld.idx.msk [tilespmem:v13+s12+$0x0], $0xffff;
	v7 =	vor.u32 v49, v0  }
0x40f: {  	v13 =	vor.u32 v50, v1;
	v8 =	vld.idx.msk [tilespmem:v8+s13+$0x0], $0xffff  }
0x410: {  	v2 =	vadd.f32 v3, v2;
	v3 =	vmul.f32 v9, v5;
	v5 =	vld.idx.msk [tilespmem:v14+s12+$0x0], $0xffff;
	v9 =	vor.u32 v50, v0  }
0x411: {  	v14 =	vor.u32 v51, v1;
	v10 =	vld.idx.msk [tilespmem:v10+s13+$0x0], $0xffff  }
0x412: {  	v2 =	vadd.f32 v3, v2;
	v3 =	vmul.f32 v11, v6;
	v6 =	vld.idx.msk [tilespmem:v12+s12+$0x0], $0xffff;
	v11 =	vor.u32 v51, v0  }
0x413: {  	v12 =	vor.u32 v52, v1;
	v7 =	vld.idx.msk [tilespmem:v7+s13+$0x0], $0xffff  }
0x414: {  	v2 =	vadd.f32 v3, v2;
	v3 =	vmul.f32 v8, v4;
	v4 =	vld.idx.msk [tilespmem:v13+s12+$0x0], $0xffff;
	v8 =	vor.u32 v52, v0  }
0x415: {  	v13 =	vor.u32 v53, v1;
	v9 =	vld.idx.msk [tilespmem:v9+s13+$0x0], $0xffff  }
0x416: {  	v2 =	vadd.f32 v3, v2;
	v3 =	vmul.f32 v10, v5;
	v5 =	vld.idx.msk [tilespmem:v14+s12+$0x0], $0xffff;
	v10 =	vor.u32 v53, v0  }
0x417: {  	v14 =	vor.u32 v54, v1;
	v11 =	vld.idx.msk [tilespmem:v11+s13+$0x0], $0xffff  }
0x418: {  	v2 =	vadd.f32 v3, v2;
	v3 =	vmul.f32 v7, v6;
	v6 =	vld.idx.msk [tilespmem:v12+s12+$0x0], $0xffff;
	v7 =	vor.u32 v54, v0  }
0x419: {  	v12 =	vor.u32 v55, v1;
	v8 =	vld.idx.msk [tilespmem:v8+s13+$0x0], $0xffff  }
0x41a: {  	v2 =	vadd.f32 v3, v2;
	v3 =	vmul.f32 v9, v4;
	v4 =	vld.idx.msk [tilespmem:v13+s12+$0x0], $0xffff;
	v9 =	vor.u32 v55, v0  }
0x41b: {  	v13 =	vor.u32 v56, v1;
	v10 =	vld.idx.msk [tilespmem:v10+s13+$0x0], $0xffff  }
0x41c: {  	v2 =	vadd.f32 v3, v2;
	v3 =	vmul.f32 v11, v5;
	v5 =	vld.idx.msk [tilespmem:v14+s12+$0x0], $0xffff;
	v11 =	vor.u32 v56, v0  }
0x41d: {  	v14 =	vor.u32 v57, v1;
	v7 =	vld.idx.msk [tilespmem:v7+s13+$0x0], $0xffff  }
0x41e: {  	v2 =	vadd.f32 v3, v2;
	v3 =	vmul.f32 v8, v6;
	v6 =	vld.idx.msk [tilespmem:v12+s12+$0x0], $0xffff;
	v8 =	vor.u32 v57, v0  }
0x41f: {  	v12 =	vor.u32 v58, v1;
	v9 =	vld.idx.msk [tilespmem:v9+s13+$0x0], $0xffff  }
0x420: {  	v2 =	vadd.f32 v3, v2;
	v3 =	vmul.f32 v10, v4;
	v4 =	vld.idx.msk [tilespmem:v13+s12+$0x0], $0xffff;
	v10 =	vor.u32 v58, v0  }
0x421: {  	v13 =	vor.u32 v59, v1;
	v11 =	vld.idx.msk [tilespmem:v11+s13+$0x0], $0xffff  }
0x422: {  	v2 =	vadd.f32 v3, v2;
	v3 =	vmul.f32 v7, v5;
	v5 =	vld.idx.msk [tilespmem:v14+s12+$0x0], $0xffff;
	v7 =	vor.u32 v59, v0  }
0x423: {  	v14 =	vor.u32 v60, v1;
	v8 =	vld.idx.msk [tilespmem:v8+s13+$0x0], $0xffff  }
0x424: {  	v2 =	vadd.f32 v3, v2;
	v3 =	vmul.f32 v9, v6;
	v6 =	vld.idx.msk [tilespmem:v12+s12+$0x0], $0xffff;
	v9 =	vor.u32 v60, v0  }
0x425: {  	v12 =	vor.u32 v61, v1;
	v10 =	vld.idx.msk [tilespmem:v10+s13+$0x0], $0xffff  }
0x426: {  	v2 =	vadd.f32 v3, v2;
	v3 =	vmul.f32 v11, v4;
	v4 =	vld.idx.msk [tilespmem:v13+s12+$0x0], $0xffff;
	v11 =	vor.u32 v61, v0  }
0x427: {  	v13 =	vor.u32 v62, v1;
	v7 =	vld.idx.msk [tilespmem:v7+s13+$0x0], $0xffff  }
0x428: {  	v2 =	vadd.f32 v3, v2;
	v3 =	vmul.f32 v8, v5;
	v5 =	vld.idx.msk [tilespmem:v14+s12+$0x0], $0xffff;
	v8 =	vor.u32 v62, v0  }
0x429: {  	v1 =	vor.u32 v63, v1;
	v9 =	vld.idx.msk [tilespmem:v9+s13+$0x0], $0xffff  }
0x42a: {  	v0 =	vor.u32 v63, v0;
	v2 =	vadd.f32 v3, v2;
	v3 =	vmul.f32 v10, v6;
	v6 =	vld.idx.msk [tilespmem:v12+s12+$0x0], $0xffff  }
0x42b: {  	v10 =	vld.idx.msk [tilespmem:v11+s13+$0x0], $0xffff  }
0x42c: {  	v2 =	vadd.f32 v3, v2;
	v3 =	vmul.f32 v7, v4;
	v4 =	vld.idx.msk [tilespmem:v13+s12+$0x0], $0xffff  }
0x42d: {  	v11 =	vld.idx.msk [tilespmem:v8+s13+$0x0], $0xffff  }
0x42e: {  	v1 =	vld.idx.msk [tilespmem:v1+s12+$0x0], $0xffff;
	v2 =	vadd.f32 v3, v2;
	v8 =	vmul.f32 v9, v5  }
0x42f: {  	v0 =	vld.idx.msk [tilespmem:v0+s13+$0x0], $0xffff  }
0x430: {  	v2 =	vadd.f32 v8, v2;
	v9 =	vmul.f32 v10, v6;
	_ =	sdelay $0x1  }
0x431: {  	v2 =	vadd.f32 v9, v2;
	v10 =	vmul.f32 v11, v4;
	_ =	sdelay $0x1  }
0x432: {  	v0 =	vmul.f32 v0, v1;
	v2 =	vadd.f32 v10, v2;
	_ =	sdelay $0x1  }
0x433: {  	v0 =	vadd.f32 v0, v2;
	_ =	sdelay $0x1  }
0x434: {  	[tilespmem:s26+$0x10510] =	vst v0  }
0x435: {  	v0 =	vld [tilespmem:s23+$0x0];
	_ =	sdelay $0x4  }
0x436: {  	(v2sf) =	vpush v0, $0x0;
	_ =	sdelay $0xe  }
0x437: {  	s7 =	spop (v2sf)  }
0x438: {  	s8 =	sshll.u32 s7, $0x3  }
0x439: {  	s9 =	simm.s32 $0x0;
	s2 =	sand.u32 $0x70, s7;
	s4 =	sand.u32 $0xFFFFFC00, s8  }
0x43a: {  	s10 =	sand.u32 $0xC00, s9;
	s5 =	sand.u32 $0x70, s9;
	s4 =	sor.u32 s2, s4  }
0x43b: {  	s2 =	sor.u32 s5, s10;
	s4 =	sshrl.u32 s4, $0x3  }
0x43c: {  	s5 =	sadd.s32 $0x500, s2;
	s4 =	sadd.s32 s0, s4  }
0x43d: {  	v11 =	vld [tilespmem:s24+$0x0];
	[tilespmem:s5], [sflag:$0x1] =	stream.linear.gather [hbm4b:s4+s3], $0x10, $0x38  }
0x43e: {  	s6 =	sadd.s32 $0x580, s2;
	s11 =	sadd.s32 $0x10, s4  }
0x43f: {  	[tilespmem:s6], [sflag:$0x1] =	stream.linear.gather [hbm4b:s11+s3], $0x10, $0x38;
	[tilespmem:$0x10700] =	vst v63  }
0x440: {  	s19 =	sadd.s32 $0x600, s2;
	s18 =	sadd.s32 $0x20, s4  }
0x441: {  	[tilespmem:s19], [sflag:$0x1] =	stream.linear.gather [hbm4b:s18+s3], $0x10, $0x38;
	[tilespmem:$0x10700] =	vst v63  }
0x442: {  	s7 =	sadd.s32 $0x680, s2;
	s6 =	sadd.s32 $0x30, s4  }
0x443: {  	[tilespmem:s7], [sflag:$0x1] =	stream.linear.gather [hbm4b:s6+s3], $0x10, $0x38;
	[tilespmem:$0x10700] =	vst v63  }
0x444: {  	s9 =	sadd.s32 $0x700, s2;
	s8 =	sadd.s32 $0x40, s4  }
0x445: {  	[tilespmem:s9], [sflag:$0x1] =	stream.linear.gather [hbm4b:s8+s3], $0x10, $0x38;
	[tilespmem:$0x10700] =	vst v63  }
0x446: {  	s10 =	sadd.s32 $0x50, s4;
	s11 =	sadd.s32 $0x780, s2  }
0x447: {  	[tilespmem:s11], [sflag:$0x1] =	stream.linear.gather [hbm4b:s10+s3], $0x10, $0x38;
	[tilespmem:$0x10700] =	vst v63  }
0x448: {  	s18 =	sadd.s32 $0x60, s4;
	s19 =	sadd.s32 $0x800, s2  }
0x449: {  	[tilespmem:s19], [sflag:$0x1] =	stream.linear.gather [hbm4b:s18+s3], $0x10, $0x38;
	[tilespmem:$0x10700] =	vst v63  }
0x44a: {  	s6 =	sadd.s32 $0x70, s4;
	s7 =	sadd.s32 $0x880, s2  }
0x44b: {  	[tilespmem:s7], [sflag:$0x1] =	stream.linear.gather [hbm4b:s6+s3], $0x10, $0x38;
	[tilespmem:$0x10700] =	vst v63  }
0x44c: {  	s5 =	sadd.s32 $0xF4280, s4;
	s8 =	sadd.s32 $0x1500, s2  }
0x44d: {  	[tilespmem:s8], [sflag:$0x1] =	stream.linear.gather [hbm4b:s5+s3], $0x10, $0x38;
	[tilespmem:$0x10700] =	vst v63  }
0x44e: {  	s9 =	sadd.s32 $0x1580, s2;
	s7 =	sadd.s32 $0x10, s5  }
0x44f: {  	[tilespmem:s9], [sflag:$0x1] =	stream.linear.gather [hbm4b:s7+s3], $0x10, $0x38;
	[tilespmem:$0x10700] =	vst v63  }
0x450: {  	s10 =	sadd.s32 $0x1600, s2;
	s11 =	sadd.s32 $0x20, s5  }
0x451: {  	[tilespmem:s10], [sflag:$0x1] =	stream.linear.gather [hbm4b:s11+s3], $0x10, $0x38;
	[tilespmem:$0x10700] =	vst v63  }
0x452: {  	s18 =	sadd.s32 $0x1680, s2;
	s19 =	sadd.s32 $0x30, s5  }
0x453: {  	[tilespmem:s18], [sflag:$0x1] =	stream.linear.gather [hbm4b:s19+s3], $0x10, $0x38;
	[tilespmem:$0x10700] =	vst v63  }
0x454: {  	s8 =	sadd.s32 $0x40, s5;
	s9 =	sadd.s32 $0x1700, s2  }
0x455: {  	[tilespmem:s9], [sflag:$0x1] =	stream.linear.gather [hbm4b:s8+s3], $0x10, $0x38;
	[tilespmem:$0x10700] =	vst v63  }
0x456: {  	s10 =	sadd.s32 $0x50, s5;
	s11 =	sadd.s32 $0x1780, s2  }
0x457: {  	[tilespmem:s11], [sflag:$0x1] =	stream.linear.gather [hbm4b:s10+s3], $0x10, $0x38;
	[tilespmem:$0x10700] =	vst v63  }
0x458: {  	s18 =	sadd.s32 $0x60, s5;
	s19 =	sadd.s32 $0x1800, s2  }
0x459: {  	[tilespmem:s19], [sflag:$0x1] =	stream.linear.gather [hbm4b:s18+s3], $0x10, $0x38;
	[tilespmem:$0x10700] =	vst v63  }
0x45a: {  	s5 =	sadd.s32 $0x70, s5;
	s8 =	sadd.s32 $0x1880, s2  }
0x45b: {  	[tilespmem:s8], [sflag:$0x1] =	stream.linear.gather [hbm4b:s5+s3], $0x10, $0x38;
	[tilespmem:$0x10700] =	vst v63  }
0x45c: {  	s9 =	sadd.s32 $0x2500, s2;
	s5 =	sadd.s32 $0x1E8500, s4  }
0x45d: {  	[tilespmem:s9], [sflag:$0x1] =	stream.linear.gather [hbm4b:s5+s3], $0x10, $0x38;
	[tilespmem:$0x10700] =	vst v63  }
0x45e: {  	s11 =	sadd.s32 $0x2580, s2;
	s10 =	sadd.s32 $0x10, s5  }
0x45f: {  	[tilespmem:s11], [sflag:$0x1] =	stream.linear.gather [hbm4b:s10+s3], $0x10, $0x38;
	[tilespmem:$0x10700] =	vst v63  }
0x460: {  	s19 =	sadd.s32 $0x2600, s2;
	s18 =	sadd.s32 $0x20, s5  }
0x461: {  	(v2sf) =	vpush v11, $0x0;
	[tilespmem:s19], [sflag:$0x1] =	stream.linear.gather [hbm4b:s18+s3], $0x10, $0x38;
	[tilespmem:$0x10700] =	vst v63  }
0x462: {  	s8 =	sadd.s32 $0x30, s5;
	s9 =	sadd.s32 $0x2680, s2  }
0x463: {  	[tilespmem:s9], [sflag:$0x1] =	stream.linear.gather [hbm4b:s8+s3], $0x10, $0x38;
	[tilespmem:$0x10700] =	vst v63  }
0x464: {  	s10 =	sadd.s32 $0x40, s5;
	s11 =	sadd.s32 $0x2700, s2  }
0x465: {  	[tilespmem:s11], [sflag:$0x1] =	stream.linear.gather [hbm4b:s10+s3], $0x10, $0x38;
	[tilespmem:$0x10700] =	vst v63  }
0x466: {  	s18 =	sadd.s32 $0x50, s5;
	s19 =	sadd.s32 $0x2780, s2  }
0x467: {  	[tilespmem:s19], [sflag:$0x1] =	stream.linear.gather [hbm4b:s18+s3], $0x10, $0x38;
	[tilespmem:$0x10700] =	vst v63  }
0x468: {  	s7 =	sadd.s32 $0x60, s5;
	s8 =	sadd.s32 $0x2800, s2  }
0x469: {  	[tilespmem:s8], [sflag:$0x1] =	stream.linear.gather [hbm4b:s7+s3], $0x10, $0x38;
	[tilespmem:$0x10700] =	vst v63  }
0x46a: {  	s5 =	sadd.s32 $0x70, s5;
	s9 =	sadd.s32 $0x2880, s2  }
0x46b: {  	[tilespmem:s9], [sflag:$0x1] =	stream.linear.gather [hbm4b:s5+s3], $0x10, $0x38;
	[tilespmem:$0x10700] =	vst v63  }
0x46c: {  	s4 =	sadd.s32 $0x2DC780, s4;
	s10 =	sadd.s32 $0x3500, s2  }
0x46d: {  	[tilespmem:s10], [sflag:$0x1] =	stream.linear.gather [hbm4b:s4+s3], $0x10, $0x38;
	[tilespmem:$0x10700] =	vst v63  }
0x46e: {  	s11 =	sadd.s32 $0x10, s4;
	s18 =	sadd.s32 $0x3580, s2  }
0x46f: {  	[tilespmem:s18], [sflag:$0x1] =	stream.linear.gather [hbm4b:s11+s3], $0x10, $0x38;
	[tilespmem:$0x10700] =	vst v63  }
0x470: {  	s19 =	spop (v2sf);
	s8 =	sadd.s32 $0x20, s4;
	s9 =	sadd.s32 $0x3600, s2  }
0x471: {  	[tilespmem:s9], [sflag:$0x1] =	stream.linear.gather [hbm4b:s8+s3], $0x10, $0x38;
	[tilespmem:$0x10700] =	vst v63  }
0x472: {  	s5 =	sand.u32 $0x70, s19;
	s11 =	sadd.s32 $0x30, s4;
	s8 =	sadd.s32 $0x3680, s2  }
0x473: {  	[tilespmem:s8], [sflag:$0x1] =	stream.linear.gather [hbm4b:s11+s3], $0x10, $0x38;
	[tilespmem:$0x10700] =	vst v63  }
0x474: {  	s10 =	sshll.u32 s19, $0x3;
	s19 =	sadd.s32 $0x3700, s2;
	s18 =	sadd.s32 $0x40, s4  }
0x475: {  	[tilespmem:s19], [sflag:$0x1] =	stream.linear.gather [hbm4b:s18+s3], $0x10, $0x38;
	[tilespmem:$0x10700] =	vst v63  }
0x476: {  	s6 =	sand.u32 $0xFFFFFC00, s10;
	s10 =	sadd.s32 $0x3780, s2;
	s9 =	sadd.s32 $0x50, s4  }
0x477: {  	[tilespmem:s10], [sflag:$0x1] =	stream.linear.gather [hbm4b:s9+s3], $0x10, $0x38;
	[tilespmem:$0x10700] =	vst v63  }
0x478: {  	s5 =	sor.u32 s5, s6;
	s11 =	sadd.s32 $0x60, s4;
	s18 =	sadd.s32 $0x3800, s2  }
0x479: {  	[tilespmem:s18], [sflag:$0x1] =	stream.linear.gather [hbm4b:s11+s3], $0x10, $0x38;
	[tilespmem:$0x10700] =	vst v63  }
0x47a: {  	s5 =	sshrl.u32 s5, $0x3;
	s4 =	sadd.s32 $0x70, s4;
	s19 =	sadd.s32 $0x3880, s2  }
0x47b: {  	[tilespmem:s19], [sflag:$0x1] =	stream.linear.gather [hbm4b:s4+s3], $0x10, $0x38;
	[tilespmem:$0x10700] =	vst v63  }
0x47c: {  	s7 =	sadd.s32 $0x4500, s2;
	s4 =	sadd.s32 s1, s5  }
0x47d: {  	[tilespmem:s7], [sflag:$0x2] =	stream.linear.gather [hbm4b:s4+s3], $0x10, $0x38;
	[tilespmem:$0x10700] =	vst v63  }
0x47e: {  	s9 =	sadd.s32 $0x4580, s2;
	s8 =	sadd.s32 $0x10, s4  }
0x47f: {  	[tilespmem:s9], [sflag:$0x2] =	stream.linear.gather [hbm4b:s8+s3], $0x10, $0x38;
	[tilespmem:$0x10700] =	vst v63  }
0x480: {  	s11 =	sadd.s32 $0x4600, s2;
	s10 =	sadd.s32 $0x20, s4  }
0x481: {  	[tilespmem:s11], [sflag:$0x2] =	stream.linear.gather [hbm4b:s10+s3], $0x10, $0x38;
	[tilespmem:$0x10700] =	vst v63  }
0x482: {  	s19 =	sadd.s32 $0x4680, s2;
	s18 =	sadd.s32 $0x30, s4  }
0x483: {  	[tilespmem:s19], [sflag:$0x2] =	stream.linear.gather [hbm4b:s18+s3], $0x10, $0x38;
	[tilespmem:$0x10700] =	vst v63  }
0x484: {  	s6 =	sadd.s32 $0x40, s4;
	s7 =	sadd.s32 $0x4700, s2  }
0x485: {  	[tilespmem:s7], [sflag:$0x2] =	stream.linear.gather [hbm4b:s6+s3], $0x10, $0x38;
	[tilespmem:$0x10700] =	vst v63  }
0x486: {  	s8 =	sadd.s32 $0x50, s4;
	s9 =	sadd.s32 $0x4780, s2  }
0x487: {  	[tilespmem:s9], [sflag:$0x2] =	stream.linear.gather [hbm4b:s8+s3], $0x10, $0x38;
	[tilespmem:$0x10700] =	vst v63  }
0x488: {  	s10 =	sadd.s32 $0x60, s4;
	s11 =	sadd.s32 $0x4800, s2  }
0x489: {  	[tilespmem:s11], [sflag:$0x2] =	stream.linear.gather [hbm4b:s10+s3], $0x10, $0x38;
	[tilespmem:$0x10700] =	vst v63  }
0x48a: {  	s18 =	sadd.s32 $0x70, s4;
	s19 =	sadd.s32 $0x4880, s2  }
0x48b: {  	[tilespmem:s19], [sflag:$0x2] =	stream.linear.gather [hbm4b:s18+s3], $0x10, $0x38;
	[tilespmem:$0x10700] =	vst v63  }
0x48c: {  	s5 =	sadd.s32 $0xF4280, s4;
	s7 =	sadd.s32 $0x5500, s2  }
0x48d: {  	[tilespmem:s7], [sflag:$0x2] =	stream.linear.gather [hbm4b:s5+s3], $0x10, $0x38;
	[tilespmem:$0x10700] =	vst v63  }
0x48e: {  	s8 =	sadd.s32 $0x10, s5;
	s9 =	sadd.s32 $0x5580, s2  }
0x48f: {  	[tilespmem:s9], [sflag:$0x2] =	stream.linear.gather [hbm4b:s8+s3], $0x10, $0x38;
	[tilespmem:$0x10700] =	vst v63  }
0x490: {  	s10 =	sadd.s32 $0x20, s5;
	s11 =	sadd.s32 $0x5600, s2  }
0x491: {  	[tilespmem:s11], [sflag:$0x2] =	stream.linear.gather [hbm4b:s10+s3], $0x10, $0x38;
	[tilespmem:$0x10700] =	vst v63  }
0x492: {  	s18 =	sadd.s32 $0x30, s5;
	s19 =	sadd.s32 $0x5680, s2  }
0x493: {  	[tilespmem:s19], [sflag:$0x2] =	stream.linear.gather [hbm4b:s18+s3], $0x10, $0x38;
	[tilespmem:$0x10700] =	vst v63  }
0x494: {  	s8 =	sadd.s32 $0x40, s5;
	s9 =	sadd.s32 $0x5700, s2  }
0x495: {  	[tilespmem:s9], [sflag:$0x2] =	stream.linear.gather [hbm4b:s8+s3], $0x10, $0x38;
	[tilespmem:$0x10700] =	vst v63  }
0x496: {  	s10 =	sadd.s32 $0x50, s5;
	s11 =	sadd.s32 $0x5780, s2  }
0x497: {  	[tilespmem:s11], [sflag:$0x2] =	stream.linear.gather [hbm4b:s10+s3], $0x10, $0x38;
	[tilespmem:$0x10700] =	vst v63  }
0x498: {  	s18 =	sadd.s32 $0x60, s5;
	s19 =	sadd.s32 $0x5800, s2  }
0x499: {  	[tilespmem:s19], [sflag:$0x2] =	stream.linear.gather [hbm4b:s18+s3], $0x10, $0x38;
	[tilespmem:$0x10700] =	vst v63  }
0x49a: {  	s5 =	sadd.s32 $0x70, s5;
	s8 =	sadd.s32 $0x5880, s2  }
0x49b: {  	[tilespmem:s8], [sflag:$0x2] =	stream.linear.gather [hbm4b:s5+s3], $0x10, $0x38;
	[tilespmem:$0x10700] =	vst v63  }
0x49c: {  	s9 =	sadd.s32 $0x6500, s2;
	s5 =	sadd.s32 $0x1E8500, s4  }
0x49d: {  	[tilespmem:s9], [sflag:$0x2] =	stream.linear.gather [hbm4b:s5+s3], $0x10, $0x38;
	[tilespmem:$0x10700] =	vst v63  }
0x49e: {  	s11 =	sadd.s32 $0x6580, s2;
	s10 =	sadd.s32 $0x10, s5  }
0x49f: {  	[tilespmem:s11], [sflag:$0x2] =	stream.linear.gather [hbm4b:s10+s3], $0x10, $0x38;
	[tilespmem:$0x10700] =	vst v63  }
0x4a0: {  	s19 =	sadd.s32 $0x6600, s2;
	s18 =	sadd.s32 $0x20, s5  }
0x4a1: {  	[tilespmem:s19], [sflag:$0x2] =	stream.linear.gather [hbm4b:s18+s3], $0x10, $0x38;
	[tilespmem:$0x10700] =	vst v63  }
0x4a2: {  	s8 =	sadd.s32 $0x30, s5;
	s9 =	sadd.s32 $0x6680, s2  }
0x4a3: {  	[tilespmem:s9], [sflag:$0x2] =	stream.linear.gather [hbm4b:s8+s3], $0x10, $0x38;
	[tilespmem:$0x10700] =	vst v63  }
0x4a4: {  	s10 =	sadd.s32 $0x40, s5;
	s11 =	sadd.s32 $0x6700, s2  }
0x4a5: {  	[tilespmem:s11], [sflag:$0x2] =	stream.linear.gather [hbm4b:s10+s3], $0x10, $0x38;
	[tilespmem:$0x10700] =	vst v63  }
0x4a6: {  	s18 =	sadd.s32 $0x50, s5;
	s19 =	sadd.s32 $0x6780, s2  }
0x4a7: {  	[tilespmem:s19], [sflag:$0x2] =	stream.linear.gather [hbm4b:s18+s3], $0x10, $0x38;
	[tilespmem:$0x10700] =	vst v63  }
0x4a8: {  	s8 =	sadd.s32 $0x60, s5;
	s9 =	sadd.s32 $0x6800, s2  }
0x4a9: {  	[tilespmem:s9], [sflag:$0x2] =	stream.linear.gather [hbm4b:s8+s3], $0x10, $0x38;
	[tilespmem:$0x10700] =	vst v63  }
0x4aa: {  	s5 =	sadd.s32 $0x70, s5;
	s10 =	sadd.s32 $0x6880, s2  }
0x4ab: {  	[tilespmem:s10], [sflag:$0x2] =	stream.linear.gather [hbm4b:s5+s3], $0x10, $0x38;
	[tilespmem:$0x10700] =	vst v63  }
0x4ac: {  	s4 =	sadd.s32 $0x2DC780, s4;
	s11 =	sadd.s32 $0x7500, s2  }
0x4ad: {  	[tilespmem:s11], [sflag:$0x2] =	stream.linear.gather [hbm4b:s4+s3], $0x10, $0x38;
	[tilespmem:$0x10700] =	vst v63  }
0x4ae: {  	s29 =	simm.s32 $0x10;
	s18 =	sadd.s32 $0x10, s4;
	s19 =	sadd.s32 $0x7580, s2  }
0x4af: {  	[tilespmem:s19], [sflag:$0x2] =	stream.linear.gather [hbm4b:s18+s3], $0x10, $0x38;
	[tilespmem:$0x10700] =	vst v63  }
0x4b0: {  	s30 =	sadd.s32 $0x1, s24;
	s7 =	sadd.s32 $0x7600, s2;
	s6 =	sadd.s32 $0x20, s4  }
0x4b1: {  	[tilespmem:s7], [sflag:$0x2] =	stream.linear.gather [hbm4b:s6+s3], $0x10, $0x38;
	[tilespmem:$0x10700] =	vst v63  }
0x4b2: {  	s31 =	sadd.s32 $0x1, s23;
	s8 =	sadd.s32 $0x30, s4;
	s9 =	sadd.s32 $0x7680, s2  }
0x4b3: {  	[tilespmem:s9], [sflag:$0x2] =	stream.linear.gather [hbm4b:s8+s3], $0x10, $0x38;
	[tilespmem:$0x10700] =	vst v63  }
0x4b4: {  	s10 =	sadd.s32 $0x40, s4;
	s5 =	sadd.s32 $0x60, s4;
	s11 =	sadd.s32 $0x7700, s2  }
0x4b5: {  	[tilespmem:s11], [sflag:$0x2] =	stream.linear.gather [hbm4b:s10+s3], $0x10, $0x38;
	[tilespmem:$0x10700] =	vst v63  }
0x4b6: {  	s18 =	sadd.s32 $0x50, s4;
	s19 =	sadd.s32 $0x7780, s2;
	s6 =	sadd.s32 $0x7800, s2  }
0x4b7: {  	[tilespmem:s19], [sflag:$0x2] =	stream.linear.gather [hbm4b:s18+s3], $0x10, $0x38;
	[tilespmem:$0x10700] =	vst v63  }
0x4b8: {  	s18 =	sadd.s32 $0x70, s4;
	s4 =	sadd.s32 $0x7880, s2;
	s2 =	simm.s32 $0x80  }
.LBB2_7:
0x4b9: {  	[tilespmem:s6], [sflag:$0x2] =	stream.linear.gather [hbm4b:s5+s3], $0x10, $0x38;
	[tilespmem:$0x10700] =	vst v63  }
0x4ba: {  	p0 =	sne.s32 s29, $0x1F0;
	s5 =	smov.u32 s29;
	s29 =	sadd.s32 $0x10, s29  }
0x4bb: {  	[tilespmem:s4], [sflag:$0x2] =	stream.linear.gather [hbm4b:s18+s3], $0x10, $0x38;
	[tilespmem:$0x10700] =	vst v63  }
0x4bc: {  	v0 =	vld [tilespmem:s31+$0x0];
	_ =	sdelay $0x4  }
0x4bd: {  	(v2sf) =	vpush v0, $0x0;
	_ =	sdelay $0xe  }
0x4be: {  	s4 =	spop (v2sf)  }
0x4bf: {  	s7 =	sand.u32 $0xC00, s2;
	s5 =	sand.u32 $0x70, s5;
	s6 =	sshll.u32 s4, $0x3  }
0x4c0: {  	s8 =	sand.u32 $0x70, s4;
	s4 =	sor.u32 s5, s7;
	s6 =	sand.u32 $0xFFFFFC00, s6  }
0x4c1: {  	s5 =	sor.u32 s8, s6;
	s6 =	sadd.s32 $0x500, s4;
	v0 =	vld [tilespmem:s30+$0x0]  }
0x4c2: {  	s5 =	sshrl.u32 s5, $0x3  }
0x4c3: {  	s18 =	sadd.s32 s0, s5  }
0x4c4: {  	[tilespmem:s6], [sflag:$0x1] =	stream.linear.gather [hbm4b:s18+s3], $0x10, $0x38;
	[tilespmem:$0x10700] =	vst v63  }
0x4c5: {  	s5 =	sadd.s32 $0x10, s18;
	s6 =	sadd.s32 $0x580, s4  }
0x4c6: {  	[tilespmem:s6], [sflag:$0x1] =	stream.linear.gather [hbm4b:s5+s3], $0x10, $0x38;
	(v2sf) =	vpush v0, $0x0;
	[tilespmem:$0x10700] =	vst v63  }
0x4c7: {  	s5 =	sadd.s32 $0x20, s18;
	s6 =	sadd.s32 $0x600, s4  }
0x4c8: {  	[tilespmem:s6], [sflag:$0x1] =	stream.linear.gather [hbm4b:s5+s3], $0x10, $0x38;
	[tilespmem:$0x10700] =	vst v63  }
0x4c9: {  	s5 =	sadd.s32 $0x30, s18;
	s6 =	sadd.s32 $0x680, s4  }
0x4ca: {  	[tilespmem:s6], [sflag:$0x1] =	stream.linear.gather [hbm4b:s5+s3], $0x10, $0x38;
	[tilespmem:$0x10700] =	vst v63  }
0x4cb: {  	s5 =	sadd.s32 $0x40, s18;
	s6 =	sadd.s32 $0x700, s4  }
0x4cc: {  	[tilespmem:s6], [sflag:$0x1] =	stream.linear.gather [hbm4b:s5+s3], $0x10, $0x38;
	[tilespmem:$0x10700] =	vst v63  }
0x4cd: {  	s5 =	sadd.s32 $0x50, s18;
	s6 =	sadd.s32 $0x780, s4  }
0x4ce: {  	[tilespmem:s6], [sflag:$0x1] =	stream.linear.gather [hbm4b:s5+s3], $0x10, $0x38;
	[tilespmem:$0x10700] =	vst v63  }
0x4cf: {  	s7 =	sadd.s32 $0x1680, s4;
	s5 =	sadd.s32 $0x60, s18;
	s6 =	sadd.s32 $0x800, s4  }
0x4d0: {  	[tilespmem:s6], [sflag:$0x1] =	stream.linear.gather [hbm4b:s5+s3], $0x10, $0x38;
	[tilespmem:$0x10700] =	vst v63  }
0x4d1: {  	s8 =	sadd.s32 $0x1600, s4;
	s5 =	sadd.s32 $0x70, s18;
	s6 =	sadd.s32 $0x880, s4  }
0x4d2: {  	[tilespmem:s6], [sflag:$0x1] =	stream.linear.gather [hbm4b:s5+s3], $0x10, $0x38;
	[tilespmem:$0x10700] =	vst v63  }
0x4d3: {  	s9 =	sadd.s32 $0x1580, s4;
	s6 =	sadd.s32 $0xF4280, s18;
	s5 =	sadd.s32 $0x1500, s4  }
0x4d4: {  	[tilespmem:s5], [sflag:$0x1] =	stream.linear.gather [hbm4b:s6+s3], $0x10, $0x38;
	[tilespmem:$0x10700] =	vst v63  }
0x4d5: {  	s10 =	sadd.s32 $0x20, s6;
	s5 =	sadd.s32 $0x10, s6;
	s11 =	spop (v2sf)  }
0x4d6: {  	[tilespmem:s9], [sflag:$0x1] =	stream.linear.gather [hbm4b:s5+s3], $0x10, $0x38;
	[tilespmem:$0x10700] =	vst v63  }
0x4d7: {  	s5 =	sadd.s32 $0x30, s6;
	s9 =	sshll.u32 s11, $0x3;
	s11 =	sand.u32 $0x70, s11  }
0x4d8: {  	[tilespmem:s8], [sflag:$0x1] =	stream.linear.gather [hbm4b:s10+s3], $0x10, $0x38;
	[tilespmem:$0x10700] =	vst v63  }
0x4d9: {  	s9 =	sand.u32 $0xFFFFFC00, s9;
	s8 =	sadd.s32 $0x40, s6;
	s10 =	sadd.s32 $0x1700, s4  }
0x4da: {  	[tilespmem:s7], [sflag:$0x1] =	stream.linear.gather [hbm4b:s5+s3], $0x10, $0x38;
	[tilespmem:$0x10700] =	vst v63  }
0x4db: {  	s19 =	sadd.s32 $0x1780, s4;
	s7 =	sadd.s32 $0x50, s6;
	s5 =	sor.u32 s11, s9  }
0x4dc: {  	[tilespmem:s10], [sflag:$0x1] =	stream.linear.gather [hbm4b:s8+s3], $0x10, $0x38;
	[tilespmem:$0x10700] =	vst v63  }
0x4dd: {  	s9 =	sadd.s32 $0x1800, s4;
	s5 =	sshrl.u32 s5, $0x3;
	s8 =	sadd.s32 $0x60, s6  }
0x4de: {  	[tilespmem:s19], [sflag:$0x1] =	stream.linear.gather [hbm4b:s7+s3], $0x10, $0x38;
	[tilespmem:$0x10700] =	vst v63  }
0x4df: {  	s6 =	sadd.s32 $0x70, s6;
	s7 =	sadd.s32 $0x1880, s4  }
0x4e0: {  	[tilespmem:s9], [sflag:$0x1] =	stream.linear.gather [hbm4b:s8+s3], $0x10, $0x38;
	[tilespmem:$0x10700] =	vst v63  }
0x4e1: {  	s8 =	sadd.s32 $0x1E8500, s18;
	s9 =	sadd.s32 $0x2500, s4  }
0x4e2: {  	[tilespmem:s7], [sflag:$0x1] =	stream.linear.gather [hbm4b:s6+s3], $0x10, $0x38;
	[tilespmem:$0x10700] =	vst v63  }
0x4e3: {  	s6 =	sadd.s32 $0x10, s8;
	s7 =	sadd.s32 $0x2580, s4  }
0x4e4: {  	[tilespmem:s9], [sflag:$0x1] =	stream.linear.gather [hbm4b:s8+s3], $0x10, $0x38;
	[tilespmem:$0x10700] =	vst v63  }
0x4e5: {  	s10 =	sadd.s32 $0x2600, s4;
	s9 =	sadd.s32 $0x20, s8  }
0x4e6: {  	[tilespmem:s7], [sflag:$0x1] =	stream.linear.gather [hbm4b:s6+s3], $0x10, $0x38;
	[tilespmem:$0x10700] =	vst v63  }
0x4e7: {  	s6 =	sadd.s32 $0x30, s8;
	s7 =	sadd.s32 $0x2680, s4  }
0x4e8: {  	[tilespmem:s10], [sflag:$0x1] =	stream.linear.gather [hbm4b:s9+s3], $0x10, $0x38;
	[tilespmem:$0x10700] =	vst v63  }
0x4e9: {  	s9 =	sadd.s32 $0x40, s8;
	s10 =	sadd.s32 $0x2700, s4  }
0x4ea: {  	[tilespmem:s7], [sflag:$0x1] =	stream.linear.gather [hbm4b:s6+s3], $0x10, $0x38;
	[tilespmem:$0x10700] =	vst v63  }
0x4eb: {  	s6 =	sadd.s32 $0x50, s8;
	s7 =	sadd.s32 $0x2780, s4  }
0x4ec: {  	[tilespmem:s10], [sflag:$0x1] =	stream.linear.gather [hbm4b:s9+s3], $0x10, $0x38;
	[tilespmem:$0x10700] =	vst v63  }
0x4ed: {  	s9 =	sadd.s32 $0x60, s8;
	s10 =	sadd.s32 $0x2800, s4  }
0x4ee: {  	[tilespmem:s7], [sflag:$0x1] =	stream.linear.gather [hbm4b:s6+s3], $0x10, $0x38;
	[tilespmem:$0x10700] =	vst v63  }
0x4ef: {  	s6 =	sadd.s32 $0x70, s8;
	s7 =	sadd.s32 $0x2880, s4  }
0x4f0: {  	[tilespmem:s10], [sflag:$0x1] =	stream.linear.gather [hbm4b:s9+s3], $0x10, $0x38;
	[tilespmem:$0x10700] =	vst v63  }
0x4f1: {  	s8 =	sadd.s32 $0x2DC780, s18;
	s9 =	sadd.s32 $0x3500, s4  }
0x4f2: {  	[tilespmem:s7], [sflag:$0x1] =	stream.linear.gather [hbm4b:s6+s3], $0x10, $0x38;
	[tilespmem:$0x10700] =	vst v63  }
0x4f3: {  	s6 =	sadd.s32 $0x10, s8;
	s7 =	sadd.s32 $0x3580, s4  }
0x4f4: {  	[tilespmem:s9], [sflag:$0x1] =	stream.linear.gather [hbm4b:s8+s3], $0x10, $0x38;
	[tilespmem:$0x10700] =	vst v63  }
0x4f5: {  	s10 =	sadd.s32 $0x3600, s4;
	s9 =	sadd.s32 $0x20, s8  }
0x4f6: {  	[tilespmem:s7], [sflag:$0x1] =	stream.linear.gather [hbm4b:s6+s3], $0x10, $0x38;
	[tilespmem:$0x10700] =	vst v63  }
0x4f7: {  	s6 =	sadd.s32 $0x30, s8;
	s7 =	sadd.s32 $0x3680, s4  }
0x4f8: {  	[tilespmem:s10], [sflag:$0x1] =	stream.linear.gather [hbm4b:s9+s3], $0x10, $0x38;
	[tilespmem:$0x10700] =	vst v63  }
0x4f9: {  	s9 =	sadd.s32 $0x40, s8;
	s10 =	sadd.s32 $0x3700, s4  }
0x4fa: {  	[tilespmem:s7], [sflag:$0x1] =	stream.linear.gather [hbm4b:s6+s3], $0x10, $0x38;
	[tilespmem:$0x10700] =	vst v63  }
0x4fb: {  	s6 =	sadd.s32 $0x50, s8;
	s7 =	sadd.s32 $0x3780, s4  }
0x4fc: {  	[tilespmem:s10], [sflag:$0x1] =	stream.linear.gather [hbm4b:s9+s3], $0x10, $0x38;
	[tilespmem:$0x10700] =	vst v63  }
0x4fd: {  	s9 =	sadd.s32 $0x60, s8;
	s10 =	sadd.s32 $0x3800, s4  }
0x4fe: {  	[tilespmem:s7], [sflag:$0x1] =	stream.linear.gather [hbm4b:s6+s3], $0x10, $0x38;
	[tilespmem:$0x10700] =	vst v63  }
0x4ff: {  	s6 =	sadd.s32 $0x70, s8;
	s7 =	sadd.s32 $0x3880, s4  }
0x500: {  	[tilespmem:s10], [sflag:$0x1] =	stream.linear.gather [hbm4b:s9+s3], $0x10, $0x38;
	[tilespmem:$0x10700] =	vst v63  }
0x501: {  	s18 =	sadd.s32 s1, s5;
	s5 =	sadd.s32 $0x4500, s4  }
0x502: {  	[tilespmem:s7], [sflag:$0x1] =	stream.linear.gather [hbm4b:s6+s3], $0x10, $0x38;
	[tilespmem:$0x10700] =	vst v63  }
0x503: {  	s6 =	sadd.s32 $0x10, s18;
	s7 =	sadd.s32 $0x4580, s4  }
0x504: {  	[tilespmem:s5], [sflag:$0x2] =	stream.linear.gather [hbm4b:s18+s3], $0x10, $0x38;
	[tilespmem:$0x10700] =	vst v63  }
0x505: {  	s8 =	sadd.s32 $0x4600, s4;
	s5 =	sadd.s32 $0x20, s18  }
0x506: {  	[tilespmem:s7], [sflag:$0x2] =	stream.linear.gather [hbm4b:s6+s3], $0x10, $0x38;
	[tilespmem:$0x10700] =	vst v63  }
0x507: {  	s6 =	sadd.s32 $0x30, s18;
	s7 =	sadd.s32 $0x4680, s4  }
0x508: {  	[tilespmem:s8], [sflag:$0x2] =	stream.linear.gather [hbm4b:s5+s3], $0x10, $0x38;
	[tilespmem:$0x10700] =	vst v63  }
0x509: {  	s5 =	sadd.s32 $0x40, s18;
	s8 =	sadd.s32 $0x4700, s4  }
0x50a: {  	[tilespmem:s7], [sflag:$0x2] =	stream.linear.gather [hbm4b:s6+s3], $0x10, $0x38;
	[tilespmem:$0x10700] =	vst v63  }
0x50b: {  	s6 =	sadd.s32 $0x50, s18;
	s7 =	sadd.s32 $0x4780, s4  }
0x50c: {  	[tilespmem:s8], [sflag:$0x2] =	stream.linear.gather [hbm4b:s5+s3], $0x10, $0x38;
	[tilespmem:$0x10700] =	vst v63  }
0x50d: {  	s5 =	sadd.s32 $0x60, s18;
	s8 =	sadd.s32 $0x4800, s4  }
0x50e: {  	[tilespmem:s7], [sflag:$0x2] =	stream.linear.gather [hbm4b:s6+s3], $0x10, $0x38;
	[tilespmem:$0x10700] =	vst v63  }
0x50f: {  	s6 =	sadd.s32 $0x70, s18;
	s7 =	sadd.s32 $0x4880, s4  }
0x510: {  	[tilespmem:s8], [sflag:$0x2] =	stream.linear.gather [hbm4b:s5+s3], $0x10, $0x38;
	[tilespmem:$0x10700] =	vst v63  }
0x511: {  	s5 =	sadd.s32 $0xF4280, s18;
	s8 =	sadd.s32 $0x5500, s4  }
0x512: {  	[tilespmem:s7], [sflag:$0x2] =	stream.linear.gather [hbm4b:s6+s3], $0x10, $0x38;
	[tilespmem:$0x10700] =	vst v63  }
0x513: {  	s6 =	sadd.s32 $0x10, s5;
	s7 =	sadd.s32 $0x5580, s4  }
0x514: {  	[tilespmem:s8], [sflag:$0x2] =	stream.linear.gather [hbm4b:s5+s3], $0x10, $0x38;
	[tilespmem:$0x10700] =	vst v63  }
0x515: {  	s9 =	sadd.s32 $0x5600, s4;
	s8 =	sadd.s32 $0x20, s5  }
0x516: {  	[tilespmem:s7], [sflag:$0x2] =	stream.linear.gather [hbm4b:s6+s3], $0x10, $0x38;
	[tilespmem:$0x10700] =	vst v63  }
0x517: {  	s6 =	sadd.s32 $0x30, s5;
	s7 =	sadd.s32 $0x5680, s4  }
0x518: {  	[tilespmem:s9], [sflag:$0x2] =	stream.linear.gather [hbm4b:s8+s3], $0x10, $0x38;
	[tilespmem:$0x10700] =	vst v63  }
0x519: {  	s8 =	sadd.s32 $0x40, s5;
	s9 =	sadd.s32 $0x5700, s4  }
0x51a: {  	[tilespmem:s7], [sflag:$0x2] =	stream.linear.gather [hbm4b:s6+s3], $0x10, $0x38;
	[tilespmem:$0x10700] =	vst v63  }
0x51b: {  	s6 =	sadd.s32 $0x50, s5;
	s7 =	sadd.s32 $0x5780, s4  }
0x51c: {  	[tilespmem:s9], [sflag:$0x2] =	stream.linear.gather [hbm4b:s8+s3], $0x10, $0x38;
	[tilespmem:$0x10700] =	vst v63  }
0x51d: {  	s8 =	sadd.s32 $0x60, s5;
	s9 =	sadd.s32 $0x5800, s4  }
0x51e: {  	[tilespmem:s7], [sflag:$0x2] =	stream.linear.gather [hbm4b:s6+s3], $0x10, $0x38;
	[tilespmem:$0x10700] =	vst v63  }
0x51f: {  	s5 =	sadd.s32 $0x70, s5;
	s6 =	sadd.s32 $0x5880, s4  }
0x520: {  	[tilespmem:s9], [sflag:$0x2] =	stream.linear.gather [hbm4b:s8+s3], $0x10, $0x38;
	[tilespmem:$0x10700] =	vst v63  }
0x521: {  	s7 =	sadd.s32 $0x1E8500, s18;
	s8 =	sadd.s32 $0x6500, s4  }
0x522: {  	[tilespmem:s6], [sflag:$0x2] =	stream.linear.gather [hbm4b:s5+s3], $0x10, $0x38;
	[tilespmem:$0x10700] =	vst v63  }
0x523: {  	s5 =	sadd.s32 $0x10, s7;
	s6 =	sadd.s32 $0x6580, s4  }
0x524: {  	[tilespmem:s8], [sflag:$0x2] =	stream.linear.gather [hbm4b:s7+s3], $0x10, $0x38;
	[tilespmem:$0x10700] =	vst v63  }
0x525: {  	s9 =	sadd.s32 $0x6600, s4;
	s8 =	sadd.s32 $0x20, s7  }
0x526: {  	[tilespmem:s6], [sflag:$0x2] =	stream.linear.gather [hbm4b:s5+s3], $0x10, $0x38;
	[tilespmem:$0x10700] =	vst v63  }
0x527: {  	s5 =	sadd.s32 $0x30, s7;
	s6 =	sadd.s32 $0x6680, s4  }
0x528: {  	[tilespmem:s9], [sflag:$0x2] =	stream.linear.gather [hbm4b:s8+s3], $0x10, $0x38;
	[tilespmem:$0x10700] =	vst v63  }
0x529: {  	s8 =	sadd.s32 $0x40, s7;
	s9 =	sadd.s32 $0x6700, s4  }
0x52a: {  	[tilespmem:s6], [sflag:$0x2] =	stream.linear.gather [hbm4b:s5+s3], $0x10, $0x38;
	[tilespmem:$0x10700] =	vst v63  }
0x52b: {  	s5 =	sadd.s32 $0x50, s7;
	s6 =	sadd.s32 $0x6780, s4  }
0x52c: {  	[tilespmem:s9], [sflag:$0x2] =	stream.linear.gather [hbm4b:s8+s3], $0x10, $0x38;
	[tilespmem:$0x10700] =	vst v63  }
0x52d: {  	s8 =	sadd.s32 $0x60, s7;
	s9 =	sadd.s32 $0x6800, s4  }
0x52e: {  	[tilespmem:s6], [sflag:$0x2] =	stream.linear.gather [hbm4b:s5+s3], $0x10, $0x38;
	[tilespmem:$0x10700] =	vst v63  }
0x52f: {  	s5 =	sadd.s32 $0x70, s7;
	s6 =	sadd.s32 $0x6880, s4  }
0x530: {  	[tilespmem:s9], [sflag:$0x2] =	stream.linear.gather [hbm4b:s8+s3], $0x10, $0x38;
	[tilespmem:$0x10700] =	vst v63  }
0x531: {  	s7 =	sadd.s32 $0x2DC780, s18;
	s8 =	sadd.s32 $0x7500, s4  }
0x532: {  	[tilespmem:s6], [sflag:$0x2] =	stream.linear.gather [hbm4b:s5+s3], $0x10, $0x38;
	[tilespmem:$0x10700] =	vst v63  }
0x533: {  	s5 =	sadd.s32 $0x10, s7;
	s6 =	sadd.s32 $0x7580, s4  }
0x534: {  	[tilespmem:s8], [sflag:$0x2] =	stream.linear.gather [hbm4b:s7+s3], $0x10, $0x38;
	[tilespmem:$0x10700] =	vst v63  }
0x535: {  	s9 =	sadd.s32 $0x7600, s4;
	s8 =	sadd.s32 $0x20, s7  }
0x536: {  	[tilespmem:s6], [sflag:$0x2] =	stream.linear.gather [hbm4b:s5+s3], $0x10, $0x38;
	[tilespmem:$0x10700] =	vst v63  }
0x537: {  	s5 =	sadd.s32 $0x30, s7;
	s6 =	sadd.s32 $0x7680, s4  }
0x538: {  	[tilespmem:s9], [sflag:$0x2] =	stream.linear.gather [hbm4b:s8+s3], $0x10, $0x38;
	[tilespmem:$0x10700] =	vst v63  }
0x539: {  	s30 =	sadd.s32 $0x1, s30;
	s8 =	sadd.s32 $0x40, s7;
	s9 =	sadd.s32 $0x7700, s4  }
0x53a: {  	[tilespmem:s6], [sflag:$0x2] =	stream.linear.gather [hbm4b:s5+s3], $0x10, $0x38;
	[tilespmem:$0x10700] =	vst v63  }
.Ltmp2:
0x53b: {  	s11 =	sadd.s32 $0x7780, s4;
	s10 =	sadd.s32 $0x50, s7;
	(pc) =	sbr.rel @p0 .LBB2_7-.Ltmp2, $4  }
0x53c: {  	[tilespmem:s9], [sflag:$0x2] =	stream.linear.gather [hbm4b:s8+s3], $0x10, $0x38;
	[tilespmem:$0x10700] =	vst v63  }
0x53d: {  	s31 =	sadd.s32 $0x1, s31;
	s5 =	sadd.s32 $0x60, s7;
	s6 =	sadd.s32 $0x7800, s4  }
0x53e: {  	[tilespmem:s11], [sflag:$0x2] =	stream.linear.gather [hbm4b:s10+s3], $0x10, $0x38;
	[tilespmem:$0x10700] =	vst v63  }
0x53f: {  	s2 =	sadd.s32 $0x80, s2;
	s18 =	sadd.s32 $0x70, s7;
	s4 =	sadd.s32 $0x7880, s4  }
0x540: {  	[tilespmem:s6], [sflag:$0x2] =	stream.linear.gather [hbm4b:s5+s3], $0x10, $0x38;
	[tilespmem:$0x10700] =	vst v63  }
0x541: {  	_ = 	snop  }
0x542: {  	[tilespmem:s4], [sflag:$0x2] =	stream.linear.gather [hbm4b:s18+s3], $0x10, $0x38;
	[tilespmem:$0x10700] =	vst v63  }
0x543: {  	_ =	swait.ge [sflag:s14], $0x4000  }
0x544: {  	[sflag:s14] =	ssyncset.done $0x0  }
0x545: {  	[sflag:s14] =	ssyncadd.s32 $0xFFFFC000  }
0x546: {  	_ =	swait.ge [sflag:s15], $0x4000  }
0x547: {  	[sflag:s15] =	ssyncset.done $0x0  }
0x548: {  	[sflag:s15] =	ssyncadd.s32 $0xFFFFC000  }
0x549: {  	v0 =	vld [tilespmem:s28+$0x0]  }
0x54a: {  	v2 =	vld [tilespmem:s28+$0x280];
	_ =	sdelay $0x1  }
0x54b: {  	v5 =	vld [tilespmem:$0x1FEF0];
	_ =	sdelay $0x1  }
0x54c: {  	v7 =	vld [tilespmem:$0x1FF00];
	v1 =	vand.u32 $0xF, v0  }
0x54d: {  	v9 =	vld [tilespmem:$0x1FF10];
	v0 =	vand.u32 $0xF, v2;
	v10 =	vor.u32 v15, v1  }
0x54e: {  	v11 =	vld [tilespmem:$0x1FF20];
	v3 =	vor.u32 v15, v0  }
0x54f: {  	v13 =	vld [tilespmem:$0x1FF30];
	v4 =	vor.u32 v5, v1  }
0x550: {  	v14 =	vld [tilespmem:$0x1FF40];
	v5 =	vor.u32 v5, v0  }
0x551: {  	v16 =	vld [tilespmem:$0x1FF50];
	v6 =	vor.u32 v7, v1  }
0x552: {  	v7 =	vor.u32 v7, v0;
	v2 =	vld.idx.msk [tilespmem:v10+s16+$0x0], $0xffff  }
0x553: {  	v3 =	vld.idx.msk [tilespmem:v3+s17+$0x0], $0xffff  }
0x554: {  	v8 =	vor.u32 v9, v1;
	v9 =	vor.u32 v9, v0;
	v4 =	vld.idx.msk [tilespmem:v4+s16+$0x0], $0xffff  }
0x555: {  	v5 =	vld.idx.msk [tilespmem:v5+s17+$0x0], $0xffff  }
0x556: {  	v10 =	vor.u32 v11, v1;
	v6 =	vld.idx.msk [tilespmem:v6+s16+$0x0], $0xffff  }
0x557: {  	v7 =	vld.idx.msk [tilespmem:v7+s17+$0x0], $0xffff  }
0x558: {  	v2 =	vmul.f32 v3, v2  }
0x559: {  	v12 =	vor.u32 v13, v1;
	v11 =	vor.u32 v11, v0;
	v9 =	vld.idx.msk [tilespmem:v9+s17+$0x0], $0xffff  }
0x55a: {  	v3 =	vld.idx.msk [tilespmem:v8+s16+$0x0], $0xffff;
	v8 =	vor.u32 v13, v0;
	v4 =	vmul.f32 v5, v4;
	v2 =	vadd.f32 $0.0e+00, v2  }
0x55b: {  	v13 =	vor.u32 v14, v1;
	v5 =	vld.idx.msk [tilespmem:v10+s16+$0x0], $0xffff;
	v10 =	vor.u32 v14, v0;
	v14 =	vor.u32 v16, v1  }
0x55c: {  	v2 =	vadd.f32 v4, v2;
	v4 =	vmul.f32 v7, v6;
	v7 =	vor.u32 v16, v0;
	v16 =	vld [tilespmem:$0x1FF60];
	_ =	sdelay $0x2  }
0x55d: {  	v11 =	vld.idx.msk [tilespmem:v11+s17+$0x0], $0xffff  }
0x55e: {  	v6 =	vld.idx.msk [tilespmem:v12+s16+$0x0], $0xffff  }
0x55f: {  	v3 =	vmul.f32 v9, v3;
	v12 =	vor.u32 v16, v1;
	v9 =	vor.u32 v16, v0;
	v16 =	vld [tilespmem:$0x1FF70];
	_ =	sdelay $0x1  }
0x560: {  	v2 =	vadd.f32 v4, v2  }
0x561: {  	v8 =	vld.idx.msk [tilespmem:v8+s17+$0x0], $0xffff  }
0x562: {  	v4 =	vld.idx.msk [tilespmem:v13+s16+$0x0], $0xffff;
	v2 =	vadd.f32 v3, v2  }
0x563: {  	v3 =	vmul.f32 v11, v5;
	v13 =	vor.u32 v16, v1;
	v11 =	vor.u32 v16, v0;
	v16 =	vld [tilespmem:$0x1FF80];
	_ =	sdelay $0x2  }
0x564: {  	v10 =	vld.idx.msk [tilespmem:v10+s17+$0x0], $0xffff  }
0x565: {  	v5 =	vld.idx.msk [tilespmem:v14+s16+$0x0], $0xffff;
	v2 =	vadd.f32 v3, v2  }
0x566: {  	v3 =	vmul.f32 v8, v6;
	v14 =	vor.u32 v16, v1;
	v8 =	vor.u32 v16, v0;
	v16 =	vld [tilespmem:$0x1FF90];
	_ =	sdelay $0x2  }
0x567: {  	v7 =	vld.idx.msk [tilespmem:v7+s17+$0x0], $0xffff  }
0x568: {  	v2 =	vadd.f32 v3, v2;
	v6 =	vld.idx.msk [tilespmem:v12+s16+$0x0], $0xffff  }
0x569: {  	v3 =	vmul.f32 v10, v4;
	v12 =	vor.u32 v16, v1;
	v10 =	vor.u32 v16, v0;
	v16 =	vld [tilespmem:$0x1FFA0];
	_ =	sdelay $0x2  }
0x56a: {  	v9 =	vld.idx.msk [tilespmem:v9+s17+$0x0], $0xffff  }
0x56b: {  	v2 =	vadd.f32 v3, v2;
	v4 =	vld.idx.msk [tilespmem:v13+s16+$0x0], $0xffff  }
0x56c: {  	v3 =	vmul.f32 v7, v5;
	v13 =	vor.u32 v16, v1;
	v7 =	vor.u32 v16, v0;
	v16 =	vld [tilespmem:$0x1FFB0];
	_ =	sdelay $0x2  }
0x56d: {  	v11 =	vld.idx.msk [tilespmem:v11+s17+$0x0], $0xffff  }
0x56e: {  	v2 =	vadd.f32 v3, v2;
	v5 =	vld.idx.msk [tilespmem:v14+s16+$0x0], $0xffff  }
0x56f: {  	v3 =	vmul.f32 v9, v6;
	v14 =	vor.u32 v16, v1;
	v9 =	vor.u32 v16, v0;
	v16 =	vld [tilespmem:$0x1FFC0];
	_ =	sdelay $0x2  }
0x570: {  	v8 =	vld.idx.msk [tilespmem:v8+s17+$0x0], $0xffff  }
0x571: {  	v2 =	vadd.f32 v3, v2;
	v6 =	vld.idx.msk [tilespmem:v12+s16+$0x0], $0xffff  }
0x572: {  	v3 =	vmul.f32 v11, v4;
	v12 =	vor.u32 v16, v1;
	v11 =	vor.u32 v16, v0;
	v16 =	vld [tilespmem:$0x1FFD0];
	_ =	sdelay $0x2  }
0x573: {  	v10 =	vld.idx.msk [tilespmem:v10+s17+$0x0], $0xffff  }
0x574: {  	v2 =	vadd.f32 v3, v2;
	v4 =	vld.idx.msk [tilespmem:v13+s16+$0x0], $0xffff  }
0x575: {  	v3 =	vmul.f32 v8, v5;
	v13 =	vor.u32 v16, v1;
	v8 =	vor.u32 v16, v0;
	v16 =	vld [tilespmem:$0x1FFE0];
	_ =	sdelay $0x1  }
0x576: {  	v7 =	vld.idx.msk [tilespmem:v7+s17+$0x0], $0xffff  }
0x577: {  	v5 =	vld.idx.msk [tilespmem:v14+s16+$0x0], $0xffff  }
0x578: {  	v9 =	vld.idx.msk [tilespmem:v9+s17+$0x0], $0xffff  }
0x579: {  	v2 =	vadd.f32 v3, v2;
	v3 =	vmul.f32 v10, v6;
	v6 =	vld.idx.msk [tilespmem:v12+s16+$0x0], $0xffff;
	v14 =	vor.u32 v16, v1  }
0x57a: {  	v11 =	vld.idx.msk [tilespmem:v11+s17+$0x0], $0xffff;
	v10 =	vor.u32 v16, v0  }
0x57b: {  	v2 =	vadd.f32 v3, v2;
	v3 =	vmul.f32 v7, v4;
	v7 =	vor.u32 v17, v0;
	v4 =	vld.idx.msk [tilespmem:v13+s16+$0x0], $0xffff  }
0x57c: {  	v12 =	vor.u32 v17, v1;
	v8 =	vld.idx.msk [tilespmem:v8+s17+$0x0], $0xffff  }
0x57d: {  	v2 =	vadd.f32 v3, v2;
	v3 =	vmul.f32 v9, v5;
	v9 =	vor.u32 v18, v0  }
0x57e: {  	v13 =	vor.u32 v18, v1;
	v5 =	vld.idx.msk [tilespmem:v14+s16+$0x0], $0xffff  }
0x57f: {  	v2 =	vadd.f32 v3, v2;
	v3 =	vmul.f32 v11, v6;
	v11 =	vor.u32 v19, v0;
	v10 =	vld.idx.msk [tilespmem:v10+s17+$0x0], $0xffff  }
0x580: {  	v7 =	vld.idx.msk [tilespmem:v7+s17+$0x0], $0xffff;
	v14 =	vor.u32 v19, v1  }
0x581: {  	v6 =	vld.idx.msk [tilespmem:v12+s16+$0x0], $0xffff;
	v2 =	vadd.f32 v3, v2;
	v3 =	vmul.f32 v8, v4;
	v8 =	vor.u32 v20, v0  }
0x582: {  	v12 =	vor.u32 v20, v1;
	v9 =	vld.idx.msk [tilespmem:v9+s17+$0x0], $0xffff  }
0x583: {  	v4 =	vld.idx.msk [tilespmem:v13+s16+$0x0], $0xffff;
	v13 =	vor.u32 v21, v1  }
0x584: {  	v11 =	vld.idx.msk [tilespmem:v11+s17+$0x0], $0xffff;
	v2 =	vadd.f32 v3, v2;
	v3 =	vmul.f32 v10, v5;
	v10 =	vor.u32 v21, v0  }
0x585: {  	v5 =	vld.idx.msk [tilespmem:v14+s16+$0x0], $0xffff;
	v14 =	vor.u32 v22, v1  }
0x586: {  	v8 =	vld.idx.msk [tilespmem:v8+s17+$0x0], $0xffff;
	v2 =	vadd.f32 v3, v2;
	v3 =	vmul.f32 v7, v6;
	v7 =	vor.u32 v22, v0  }
0x587: {  	v6 =	vld.idx.msk [tilespmem:v12+s16+$0x0], $0xffff;
	v12 =	vor.u32 v23, v1  }
0x588: {  	v2 =	vadd.f32 v3, v2;
	v3 =	vmul.f32 v9, v4;
	v4 =	vld.idx.msk [tilespmem:v13+s16+$0x0], $0xffff;
	v9 =	vor.u32 v23, v0  }
0x589: {  	v13 =	vor.u32 v24, v1;
	v10 =	vld.idx.msk [tilespmem:v10+s17+$0x0], $0xffff  }
0x58a: {  	v2 =	vadd.f32 v3, v2;
	v3 =	vmul.f32 v11, v5;
	v5 =	vld.idx.msk [tilespmem:v14+s16+$0x0], $0xffff;
	v11 =	vor.u32 v24, v0  }
0x58b: {  	v14 =	vor.u32 v25, v1;
	v7 =	vld.idx.msk [tilespmem:v7+s17+$0x0], $0xffff  }
0x58c: {  	v2 =	vadd.f32 v3, v2;
	v3 =	vmul.f32 v8, v6;
	v6 =	vld.idx.msk [tilespmem:v12+s16+$0x0], $0xffff;
	v8 =	vor.u32 v25, v0  }
0x58d: {  	v12 =	vor.u32 v26, v1;
	v9 =	vld.idx.msk [tilespmem:v9+s17+$0x0], $0xffff  }
0x58e: {  	v2 =	vadd.f32 v3, v2;
	v3 =	vmul.f32 v10, v4;
	v4 =	vld.idx.msk [tilespmem:v13+s16+$0x0], $0xffff;
	v10 =	vor.u32 v26, v0  }
0x58f: {  	v13 =	vor.u32 v27, v1;
	v11 =	vld.idx.msk [tilespmem:v11+s17+$0x0], $0xffff  }
0x590: {  	v2 =	vadd.f32 v3, v2;
	v3 =	vmul.f32 v7, v5;
	v5 =	vld.idx.msk [tilespmem:v14+s16+$0x0], $0xffff;
	v7 =	vor.u32 v27, v0  }
0x591: {  	v14 =	vor.u32 v28, v1;
	v8 =	vld.idx.msk [tilespmem:v8+s17+$0x0], $0xffff  }
0x592: {  	v2 =	vadd.f32 v3, v2;
	v3 =	vmul.f32 v9, v6;
	v6 =	vld.idx.msk [tilespmem:v12+s16+$0x0], $0xffff;
	v9 =	vor.u32 v28, v0  }
0x593: {  	v12 =	vor.u32 v29, v1;
	v10 =	vld.idx.msk [tilespmem:v10+s17+$0x0], $0xffff  }
0x594: {  	v2 =	vadd.f32 v3, v2;
	v3 =	vmul.f32 v11, v4;
	v4 =	vld.idx.msk [tilespmem:v13+s16+$0x0], $0xffff;
	v11 =	vor.u32 v29, v0  }
0x595: {  	v13 =	vor.u32 v30, v1;
	v7 =	vld.idx.msk [tilespmem:v7+s17+$0x0], $0xffff  }
0x596: {  	v2 =	vadd.f32 v3, v2;
	v3 =	vmul.f32 v8, v5;
	v5 =	vld.idx.msk [tilespmem:v14+s16+$0x0], $0xffff;
	v8 =	vor.u32 v30, v0  }
0x597: {  	v1 =	vor.u32 v31, v1;
	v9 =	vld.idx.msk [tilespmem:v9+s17+$0x0], $0xffff  }
0x598: {  	v0 =	vor.u32 v31, v0;
	v2 =	vadd.f32 v3, v2;
	v3 =	vmul.f32 v10, v6;
	v6 =	vld.idx.msk [tilespmem:v12+s16+$0x0], $0xffff  }
0x599: {  	v10 =	vld.idx.msk [tilespmem:v11+s17+$0x0], $0xffff  }
0x59a: {  	v2 =	vadd.f32 v3, v2;
	v11 =	vmul.f32 v7, v4;
	v4 =	vld.idx.msk [tilespmem:v13+s16+$0x0], $0xffff  }
0x59b: {  	v7 =	vld.idx.msk [tilespmem:v8+s17+$0x0], $0xffff  }
0x59c: {  	v1 =	vld.idx.msk [tilespmem:v1+s16+$0x0], $0xffff;
	v2 =	vadd.f32 v11, v2;
	v11 =	vmul.f32 v9, v5  }
0x59d: {  	v0 =	vld.idx.msk [tilespmem:v0+s17+$0x0], $0xffff  }
0x59e: {  	v2 =	vadd.f32 v11, v2;
	v6 =	vmul.f32 v10, v6;
	_ =	sdelay $0x1  }
0x59f: {  	v2 =	vadd.f32 v6, v2;
	v7 =	vmul.f32 v7, v4;
	_ =	sdelay $0x1  }
0x5a0: {  	v0 =	vmul.f32 v0, v1;
	v2 =	vadd.f32 v7, v2;
	_ =	sdelay $0x1  }
0x5a1: {  	v0 =	vadd.f32 v0, v2;
	_ =	sdelay $0x1  }
0x5a2: {  	s2 =	sor.u32 $0x30, s26;
	[tilespmem:s28+$0x10500] =	vst v0  }
0x5a3: {  	v0 =	vld [tilespmem:s2+$0x0]  }
0x5a4: {  	v8 =	vld [tilespmem:s26+$0x2B0];
	_ =	sdelay $0x3  }
0x5a5: {  	v1 =	vand.u32 $0xF, v0  }
0x5a6: {  	v0 =	vand.u32 $0xF, v8;
	v9 =	vor.u32 v32, v1  }
0x5a7: {  	v10 =	vor.u32 v32, v0  }
0x5a8: {  	v4 =	vor.u32 v33, v1  }
0x5a9: {  	v5 =	vor.u32 v33, v0  }
0x5aa: {  	v6 =	vor.u32 v34, v1  }
0x5ab: {  	v7 =	vor.u32 v34, v0;
	v2 =	vld.idx.msk [tilespmem:v9+s16+$0x0], $0xffff  }
0x5ac: {  	v8 =	vor.u32 v35, v1;
	v3 =	vld.idx.msk [tilespmem:v10+s17+$0x0], $0xffff  }
0x5ad: {  	v4 =	vld.idx.msk [tilespmem:v4+s16+$0x0], $0xffff;
	v9 =	vor.u32 v35, v0  }
0x5ae: {  	v5 =	vld.idx.msk [tilespmem:v5+s17+$0x0], $0xffff;
	v10 =	vor.u32 v36, v1  }
0x5af: {  	v6 =	vld.idx.msk [tilespmem:v6+s16+$0x0], $0xffff  }
0x5b0: {  	v11 =	vor.u32 v36, v0;
	v7 =	vld.idx.msk [tilespmem:v7+s17+$0x0], $0xffff  }
0x5b1: {  	v12 =	vor.u32 v37, v1;
	v2 =	vmul.f32 v3, v2;
	v3 =	vld.idx.msk [tilespmem:v8+s16+$0x0], $0xffff  }
0x5b2: {  	v8 =	vor.u32 v37, v0;
	v9 =	vld.idx.msk [tilespmem:v9+s17+$0x0], $0xffff  }
0x5b3: {  	v4 =	vmul.f32 v5, v4;
	v5 =	vld.idx.msk [tilespmem:v10+s16+$0x0], $0xffff;
	v10 =	vor.u32 v38, v0  }
0x5b4: {  	v13 =	vor.u32 v38, v1;
	v2 =	vadd.f32 $0.0e+00, v2  }
0x5b5: {  	v14 =	vor.u32 v39, v1;
	v11 =	vld.idx.msk [tilespmem:v11+s17+$0x0], $0xffff  }
0x5b6: {  	v2 =	vadd.f32 v4, v2;
	v4 =	vmul.f32 v7, v6;
	v6 =	vld.idx.msk [tilespmem:v12+s16+$0x0], $0xffff;
	v7 =	vor.u32 v39, v0  }
0x5b7: {  	v12 =	vor.u32 v40, v1;
	v8 =	vld.idx.msk [tilespmem:v8+s17+$0x0], $0xffff  }
0x5b8: {  	v3 =	vmul.f32 v9, v3;
	v9 =	vor.u32 v40, v0;
	v10 =	vld.idx.msk [tilespmem:v10+s17+$0x0], $0xffff;
	v2 =	vadd.f32 v4, v2  }
0x5b9: {  	v4 =	vld.idx.msk [tilespmem:v13+s16+$0x0], $0xffff;
	v13 =	vor.u32 v41, v1  }
0x5ba: {  	v2 =	vadd.f32 v3, v2;
	v3 =	vmul.f32 v11, v5;
	v5 =	vld.idx.msk [tilespmem:v14+s16+$0x0], $0xffff;
	v11 =	vor.u32 v41, v0  }
0x5bb: {  	v14 =	vor.u32 v42, v1;
	v7 =	vld.idx.msk [tilespmem:v7+s17+$0x0], $0xffff  }
0x5bc: {  	v2 =	vadd.f32 v3, v2;
	v3 =	vmul.f32 v8, v6;
	v6 =	vld.idx.msk [tilespmem:v12+s16+$0x0], $0xffff;
	v8 =	vor.u32 v42, v0  }
0x5bd: {  	v9 =	vld.idx.msk [tilespmem:v9+s17+$0x0], $0xffff;
	v12 =	vor.u32 v43, v1  }
0x5be: {  	v2 =	vadd.f32 v3, v2;
	v3 =	vmul.f32 v10, v4;
	v4 =	vld.idx.msk [tilespmem:v13+s16+$0x0], $0xffff;
	v10 =	vor.u32 v43, v0  }
0x5bf: {  	v13 =	vor.u32 v44, v1;
	v11 =	vld.idx.msk [tilespmem:v11+s17+$0x0], $0xffff  }
0x5c0: {  	v2 =	vadd.f32 v3, v2;
	v3 =	vmul.f32 v7, v5;
	v5 =	vld.idx.msk [tilespmem:v14+s16+$0x0], $0xffff;
	v7 =	vor.u32 v44, v0  }
0x5c1: {  	v14 =	vor.u32 v45, v1;
	v8 =	vld.idx.msk [tilespmem:v8+s17+$0x0], $0xffff  }
0x5c2: {  	v2 =	vadd.f32 v3, v2;
	v3 =	vmul.f32 v9, v6;
	v6 =	vld.idx.msk [tilespmem:v12+s16+$0x0], $0xffff;
	v9 =	vor.u32 v45, v0  }
0x5c3: {  	v12 =	vor.u32 v46, v1;
	v10 =	vld.idx.msk [tilespmem:v10+s17+$0x0], $0xffff  }
0x5c4: {  	v2 =	vadd.f32 v3, v2;
	v3 =	vmul.f32 v11, v4;
	v4 =	vld.idx.msk [tilespmem:v13+s16+$0x0], $0xffff;
	v11 =	vor.u32 v46, v0  }
0x5c5: {  	v13 =	vor.u32 v47, v1;
	v7 =	vld.idx.msk [tilespmem:v7+s17+$0x0], $0xffff  }
0x5c6: {  	v2 =	vadd.f32 v3, v2;
	v3 =	vmul.f32 v8, v5;
	v5 =	vld.idx.msk [tilespmem:v14+s16+$0x0], $0xffff;
	v8 =	vor.u32 v47, v0  }
0x5c7: {  	v14 =	vor.u32 v48, v1;
	v9 =	vld.idx.msk [tilespmem:v9+s17+$0x0], $0xffff  }
0x5c8: {  	v2 =	vadd.f32 v3, v2;
	v3 =	vmul.f32 v10, v6;
	v6 =	vld.idx.msk [tilespmem:v12+s16+$0x0], $0xffff;
	v10 =	vor.u32 v48, v0  }
0x5c9: {  	v12 =	vor.u32 v49, v1;
	v11 =	vld.idx.msk [tilespmem:v11+s17+$0x0], $0xffff  }
0x5ca: {  	v2 =	vadd.f32 v3, v2;
	v3 =	vmul.f32 v7, v4;
	v4 =	vld.idx.msk [tilespmem:v13+s16+$0x0], $0xffff;
	v7 =	vor.u32 v49, v0  }
0x5cb: {  	v13 =	vor.u32 v50, v1;
	v8 =	vld.idx.msk [tilespmem:v8+s17+$0x0], $0xffff  }
0x5cc: {  	v2 =	vadd.f32 v3, v2;
	v3 =	vmul.f32 v9, v5;
	v5 =	vld.idx.msk [tilespmem:v14+s16+$0x0], $0xffff;
	v9 =	vor.u32 v50, v0  }
0x5cd: {  	v14 =	vor.u32 v51, v1;
	v10 =	vld.idx.msk [tilespmem:v10+s17+$0x0], $0xffff  }
0x5ce: {  	v2 =	vadd.f32 v3, v2;
	v3 =	vmul.f32 v11, v6;
	v6 =	vld.idx.msk [tilespmem:v12+s16+$0x0], $0xffff;
	v11 =	vor.u32 v51, v0  }
0x5cf: {  	v12 =	vor.u32 v52, v1;
	v7 =	vld.idx.msk [tilespmem:v7+s17+$0x0], $0xffff  }
0x5d0: {  	v2 =	vadd.f32 v3, v2;
	v3 =	vmul.f32 v8, v4;
	v4 =	vld.idx.msk [tilespmem:v13+s16+$0x0], $0xffff;
	v8 =	vor.u32 v52, v0  }
0x5d1: {  	v13 =	vor.u32 v53, v1;
	v9 =	vld.idx.msk [tilespmem:v9+s17+$0x0], $0xffff  }
0x5d2: {  	v2 =	vadd.f32 v3, v2;
	v3 =	vmul.f32 v10, v5;
	v5 =	vld.idx.msk [tilespmem:v14+s16+$0x0], $0xffff;
	v10 =	vor.u32 v53, v0  }
0x5d3: {  	v14 =	vor.u32 v54, v1;
	v11 =	vld.idx.msk [tilespmem:v11+s17+$0x0], $0xffff  }
0x5d4: {  	v2 =	vadd.f32 v3, v2;
	v3 =	vmul.f32 v7, v6;
	v6 =	vld.idx.msk [tilespmem:v12+s16+$0x0], $0xffff;
	v7 =	vor.u32 v54, v0  }
0x5d5: {  	v12 =	vor.u32 v55, v1;
	v8 =	vld.idx.msk [tilespmem:v8+s17+$0x0], $0xffff  }
0x5d6: {  	v2 =	vadd.f32 v3, v2;
	v3 =	vmul.f32 v9, v4;
	v4 =	vld.idx.msk [tilespmem:v13+s16+$0x0], $0xffff;
	v9 =	vor.u32 v55, v0  }
0x5d7: {  	v13 =	vor.u32 v56, v1;
	v10 =	vld.idx.msk [tilespmem:v10+s17+$0x0], $0xffff  }
0x5d8: {  	v2 =	vadd.f32 v3, v2;
	v3 =	vmul.f32 v11, v5;
	v5 =	vld.idx.msk [tilespmem:v14+s16+$0x0], $0xffff;
	v11 =	vor.u32 v56, v0  }
0x5d9: {  	v14 =	vor.u32 v57, v1;
	v7 =	vld.idx.msk [tilespmem:v7+s17+$0x0], $0xffff  }
0x5da: {  	v2 =	vadd.f32 v3, v2;
	v3 =	vmul.f32 v8, v6;
	v6 =	vld.idx.msk [tilespmem:v12+s16+$0x0], $0xffff;
	v8 =	vor.u32 v57, v0  }
0x5db: {  	v12 =	vor.u32 v58, v1;
	v9 =	vld.idx.msk [tilespmem:v9+s17+$0x0], $0xffff  }
0x5dc: {  	v2 =	vadd.f32 v3, v2;
	v3 =	vmul.f32 v10, v4;
	v4 =	vld.idx.msk [tilespmem:v13+s16+$0x0], $0xffff;
	v10 =	vor.u32 v58, v0  }
0x5dd: {  	v13 =	vor.u32 v59, v1;
	v11 =	vld.idx.msk [tilespmem:v11+s17+$0x0], $0xffff  }
0x5de: {  	v2 =	vadd.f32 v3, v2;
	v3 =	vmul.f32 v7, v5;
	v5 =	vld.idx.msk [tilespmem:v14+s16+$0x0], $0xffff;
	v7 =	vor.u32 v59, v0  }
0x5df: {  	v14 =	vor.u32 v60, v1;
	v8 =	vld.idx.msk [tilespmem:v8+s17+$0x0], $0xffff  }
0x5e0: {  	v2 =	vadd.f32 v3, v2;
	v3 =	vmul.f32 v9, v6;
	v6 =	vld.idx.msk [tilespmem:v12+s16+$0x0], $0xffff;
	v9 =	vor.u32 v60, v0  }
0x5e1: {  	v12 =	vor.u32 v61, v1;
	v10 =	vld.idx.msk [tilespmem:v10+s17+$0x0], $0xffff  }
0x5e2: {  	v2 =	vadd.f32 v3, v2;
	v3 =	vmul.f32 v11, v4;
	v4 =	vld.idx.msk [tilespmem:v13+s16+$0x0], $0xffff;
	v11 =	vor.u32 v61, v0  }
0x5e3: {  	v13 =	vor.u32 v62, v1;
	v7 =	vld.idx.msk [tilespmem:v7+s17+$0x0], $0xffff  }
0x5e4: {  	v2 =	vadd.f32 v3, v2;
	v3 =	vmul.f32 v8, v5;
	v5 =	vld.idx.msk [tilespmem:v14+s16+$0x0], $0xffff;
	v8 =	vor.u32 v62, v0  }
0x5e5: {  	v1 =	vor.u32 v63, v1;
	v9 =	vld.idx.msk [tilespmem:v9+s17+$0x0], $0xffff  }
0x5e6: {  	v0 =	vor.u32 v63, v0;
	v2 =	vadd.f32 v3, v2;
	v3 =	vmul.f32 v10, v6;
	v6 =	vld.idx.msk [tilespmem:v12+s16+$0x0], $0xffff  }
0x5e7: {  	v10 =	vld.idx.msk [tilespmem:v11+s17+$0x0], $0xffff  }
0x5e8: {  	v2 =	vadd.f32 v3, v2;
	v3 =	vmul.f32 v7, v4;
	v4 =	vld.idx.msk [tilespmem:v13+s16+$0x0], $0xffff  }
0x5e9: {  	v11 =	vld.idx.msk [tilespmem:v8+s17+$0x0], $0xffff  }
0x5ea: {  	v1 =	vld.idx.msk [tilespmem:v1+s16+$0x0], $0xffff;
	v2 =	vadd.f32 v3, v2;
	v9 =	vmul.f32 v9, v5  }
0x5eb: {  	v0 =	vld.idx.msk [tilespmem:v0+s17+$0x0], $0xffff  }
0x5ec: {  	v2 =	vadd.f32 v9, v2;
	v10 =	vmul.f32 v10, v6;
	_ =	sdelay $0x1  }
0x5ed: {  	s25 =	sadd.s32 $0x1, s25;
	v2 =	vadd.f32 v10, v2;
	v11 =	vmul.f32 v11, v4  }
0x5ee: {  	p0 =	sne.s32 s25, $0x7  }
.Ltmp3:
0x5ef: {  	v0 =	vmul.f32 v0, v1;
	v2 =	vadd.f32 v11, v2;
	(pc) =	sbr.rel @p0 .LBB2_4-.Ltmp3, $4  }
0x5f0: {  	_ = 	snop  }
0x5f1: {  	v0 =	vadd.f32 v0, v2  }
0x5f2: {  	s21 =	sadd.s32 $0x40, s21  }
0x5f3: {  	s22 =	sadd.s32 $0x40, s22;
	s23 =	sadd.s32 $0x40, s23;
	s24 =	sadd.s32 $0x40, s24;
	[tilespmem:s26+$0x10530] =	vst v0  }
0x5f4: {  	s2 =	simm.s32 $0x1E0  }
0x5f5: {  	v0 =	vld [tilespmem:s2+$0x0];
	_ =	sdelay $0x4  }
0x5f6: {  	(v2sf) =	vpush v0, $0x0;
	_ =	sdelay $0xe  }
0x5f7: {  	s23 =	spop (v2sf)  }
0x5f8: {  	s4 =	sshll.u32 s23, $0x3  }
0x5f9: {  	s5 =	simm.s32 $0x0;
	s2 =	sand.u32 $0x70, s23;
	s4 =	sand.u32 $0xFFFFFC00, s4  }
0x5fa: {  	s6 =	sand.u32 $0xC00, s5;
	s5 =	sand.u32 $0x70, s5;
	s4 =	sor.u32 s2, s4  }
0x5fb: {  	s2 =	sor.u32 s5, s6;
	s4 =	sshrl.u32 s4, $0x3  }
0x5fc: {  	s7 =	simm.s32 $0x460;
	s5 =	sadd.s32 $0x8500, s2;
	s4 =	sadd.s32 s0, s4  }
0x5fd: {  	v11 =	vld [tilespmem:s7+$0x0];
	[tilespmem:s5], [sflag:$0x3] =	stream.linear.gather [hbm4b:s4+s3], $0x10, $0x38  }
0x5fe: {  	s6 =	sadd.s32 $0x8580, s2;
	s24 =	sadd.s32 $0x10, s4  }
0x5ff: {  	[tilespmem:s6], [sflag:$0x3] =	stream.linear.gather [hbm4b:s24+s3], $0x10, $0x38;
	[tilespmem:$0x10700] =	vst v63  }
0x600: {  	s26 =	sadd.s32 $0x8600, s2;
	s25 =	sadd.s32 $0x20, s4  }
0x601: {  	[tilespmem:s26], [sflag:$0x3] =	stream.linear.gather [hbm4b:s25+s3], $0x10, $0x38;
	[tilespmem:$0x10700] =	vst v63  }
0x602: {  	s29 =	sadd.s32 $0x8680, s2;
	s28 =	sadd.s32 $0x30, s4  }
0x603: {  	[tilespmem:s29], [sflag:$0x3] =	stream.linear.gather [hbm4b:s28+s3], $0x10, $0x38;
	[tilespmem:$0x10700] =	vst v63  }
0x604: {  	s31 =	sadd.s32 $0x8700, s2;
	s30 =	sadd.s32 $0x40, s4  }
0x605: {  	[tilespmem:s31], [sflag:$0x3] =	stream.linear.gather [hbm4b:s30+s3], $0x10, $0x38;
	[tilespmem:$0x10700] =	vst v63  }
0x606: {  	s8 =	sadd.s32 $0x8780, s2;
	s7 =	sadd.s32 $0x50, s4  }
0x607: {  	[tilespmem:s8], [sflag:$0x3] =	stream.linear.gather [hbm4b:s7+s3], $0x10, $0x38;
	[tilespmem:$0x10700] =	vst v63  }
0x608: {  	s10 =	sadd.s32 $0x8800, s2;
	s9 =	sadd.s32 $0x60, s4  }
0x609: {  	[tilespmem:s10], [sflag:$0x3] =	stream.linear.gather [hbm4b:s9+s3], $0x10, $0x38;
	[tilespmem:$0x10700] =	vst v63  }
0x60a: {  	s18 =	sadd.s32 $0x8880, s2;
	s11 =	sadd.s32 $0x70, s4  }
0x60b: {  	[tilespmem:s18], [sflag:$0x3] =	stream.linear.gather [hbm4b:s11+s3], $0x10, $0x38;
	[tilespmem:$0x10700] =	vst v63  }
0x60c: {  	s20 =	sadd.s32 $0x9500, s2;
	s19 =	sadd.s32 $0xF4280, s4  }
0x60d: {  	[tilespmem:s20], [sflag:$0x3] =	stream.linear.gather [hbm4b:s19+s3], $0x10, $0x38;
	[tilespmem:$0x10700] =	vst v63  }
0x60e: {  	s21 =	sadd.s32 $0x9580, s2;
	s22 =	sadd.s32 $0x10, s19  }
0x60f: {  	[tilespmem:s21], [sflag:$0x3] =	stream.linear.gather [hbm4b:s22+s3], $0x10, $0x38;
	[tilespmem:$0x10700] =	vst v63  }
0x610: {  	s23 =	sadd.s32 $0x9600, s2;
	s24 =	sadd.s32 $0x20, s19  }
0x611: {  	[tilespmem:s23], [sflag:$0x3] =	stream.linear.gather [hbm4b:s24+s3], $0x10, $0x38;
	[tilespmem:$0x10700] =	vst v63  }
0x612: {  	s25 =	sadd.s32 $0x9680, s2;
	s26 =	sadd.s32 $0x30, s19  }
0x613: {  	[tilespmem:s25], [sflag:$0x3] =	stream.linear.gather [hbm4b:s26+s3], $0x10, $0x38;
	[tilespmem:$0x10700] =	vst v63  }
0x614: {  	s28 =	sadd.s32 $0x40, s19;
	s29 =	sadd.s32 $0x9700, s2  }
0x615: {  	[tilespmem:s29], [sflag:$0x3] =	stream.linear.gather [hbm4b:s28+s3], $0x10, $0x38;
	[tilespmem:$0x10700] =	vst v63  }
0x616: {  	s30 =	sadd.s32 $0x50, s19;
	s31 =	sadd.s32 $0x9780, s2  }
0x617: {  	[tilespmem:s31], [sflag:$0x3] =	stream.linear.gather [hbm4b:s30+s3], $0x10, $0x38;
	[tilespmem:$0x10700] =	vst v63  }
0x618: {  	s7 =	sadd.s32 $0x60, s19;
	s8 =	sadd.s32 $0x9800, s2  }
0x619: {  	[tilespmem:s8], [sflag:$0x3] =	stream.linear.gather [hbm4b:s7+s3], $0x10, $0x38;
	[tilespmem:$0x10700] =	vst v63  }
0x61a: {  	s5 =	sadd.s32 $0x70, s19;
	s9 =	sadd.s32 $0x9880, s2  }
0x61b: {  	[tilespmem:s9], [sflag:$0x3] =	stream.linear.gather [hbm4b:s5+s3], $0x10, $0x38;
	[tilespmem:$0x10700] =	vst v63  }
0x61c: {  	s10 =	sadd.s32 $0x1E8500, s4;
	s11 =	sadd.s32 $0xA500, s2  }
0x61d: {  	[tilespmem:s11], [sflag:$0x3] =	stream.linear.gather [hbm4b:s10+s3], $0x10, $0x38;
	[tilespmem:$0x10700] =	vst v63  }
0x61e: {  	s18 =	sadd.s32 $0x10, s10;
	s19 =	sadd.s32 $0xA580, s2  }
0x61f: {  	[tilespmem:s19], [sflag:$0x3] =	stream.linear.gather [hbm4b:s18+s3], $0x10, $0x38;
	[tilespmem:$0x10700] =	vst v63  }
0x620: {  	s20 =	sadd.s32 $0x20, s10;
	s21 =	sadd.s32 $0xA600, s2  }
0x621: {  	(v2sf) =	vpush v11, $0x0;
	[tilespmem:s21], [sflag:$0x3] =	stream.linear.gather [hbm4b:s20+s3], $0x10, $0x38;
	[tilespmem:$0x10700] =	vst v63  }
0x622: {  	s22 =	sadd.s32 $0x30, s10;
	s23 =	sadd.s32 $0xA680, s2  }
0x623: {  	[tilespmem:s23], [sflag:$0x3] =	stream.linear.gather [hbm4b:s22+s3], $0x10, $0x38;
	[tilespmem:$0x10700] =	vst v63  }
0x624: {  	s24 =	sadd.s32 $0x40, s10;
	s25 =	sadd.s32 $0xA700, s2  }
0x625: {  	[tilespmem:s25], [sflag:$0x3] =	stream.linear.gather [hbm4b:s24+s3], $0x10, $0x38;
	[tilespmem:$0x10700] =	vst v63  }
0x626: {  	s26 =	sadd.s32 $0x50, s10;
	s28 =	sadd.s32 $0xA780, s2  }
0x627: {  	[tilespmem:s28], [sflag:$0x3] =	stream.linear.gather [hbm4b:s26+s3], $0x10, $0x38;
	[tilespmem:$0x10700] =	vst v63  }
0x628: {  	s29 =	sadd.s32 $0x60, s10;
	s30 =	sadd.s32 $0xA800, s2  }
0x629: {  	[tilespmem:s30], [sflag:$0x3] =	stream.linear.gather [hbm4b:s29+s3], $0x10, $0x38;
	[tilespmem:$0x10700] =	vst v63  }
0x62a: {  	s31 =	sadd.s32 $0xA880, s2;
	s5 =	sadd.s32 $0x70, s10  }
0x62b: {  	[tilespmem:s31], [sflag:$0x3] =	stream.linear.gather [hbm4b:s5+s3], $0x10, $0x38;
	[tilespmem:$0x10700] =	vst v63  }
0x62c: {  	s4 =	sadd.s32 $0x2DC780, s4;
	s7 =	sadd.s32 $0xB500, s2  }
0x62d: {  	[tilespmem:s7], [sflag:$0x3] =	stream.linear.gather [hbm4b:s4+s3], $0x10, $0x38;
	[tilespmem:$0x10700] =	vst v63  }
0x62e: {  	s8 =	sadd.s32 $0x10, s4;
	s9 =	sadd.s32 $0xB580, s2  }
0x62f: {  	[tilespmem:s9], [sflag:$0x3] =	stream.linear.gather [hbm4b:s8+s3], $0x10, $0x38;
	[tilespmem:$0x10700] =	vst v63  }
0x630: {  	s10 =	spop (v2sf);
	s11 =	sadd.s32 $0x20, s4;
	s18 =	sadd.s32 $0xB600, s2  }
0x631: {  	[tilespmem:s18], [sflag:$0x3] =	stream.linear.gather [hbm4b:s11+s3], $0x10, $0x38;
	[tilespmem:$0x10700] =	vst v63  }
0x632: {  	s19 =	sshll.u32 s10, $0x3;
	s20 =	sadd.s32 $0x30, s4;
	s8 =	sadd.s32 $0xB680, s2  }
0x633: {  	[tilespmem:s8], [sflag:$0x3] =	stream.linear.gather [hbm4b:s20+s3], $0x10, $0x38;
	[tilespmem:$0x10700] =	vst v63  }
0x634: {  	s6 =	sand.u32 $0xFFFFFC00, s19;
	s21 =	sadd.s32 $0x40, s4;
	s22 =	sadd.s32 $0xB700, s2  }
0x635: {  	[tilespmem:s22], [sflag:$0x3] =	stream.linear.gather [hbm4b:s21+s3], $0x10, $0x38;
	[tilespmem:$0x10700] =	vst v63  }
0x636: {  	s23 =	sadd.s32 $0x50, s4;
	s24 =	sadd.s32 $0xB780, s2;
	s5 =	sand.u32 $0x70, s10  }
0x637: {  	[tilespmem:s24], [sflag:$0x3] =	stream.linear.gather [hbm4b:s23+s3], $0x10, $0x38;
	[tilespmem:$0x10700] =	vst v63  }
0x638: {  	s25 =	sadd.s32 $0x60, s4;
	s26 =	sadd.s32 $0xB800, s2;
	s5 =	sor.u32 s5, s6  }
0x639: {  	[tilespmem:s26], [sflag:$0x3] =	stream.linear.gather [hbm4b:s25+s3], $0x10, $0x38;
	[tilespmem:$0x10700] =	vst v63  }
0x63a: {  	s28 =	sadd.s32 $0xB880, s2;
	s5 =	sshrl.u32 s5, $0x3;
	s4 =	sadd.s32 $0x70, s4  }
0x63b: {  	[tilespmem:s28], [sflag:$0x3] =	stream.linear.gather [hbm4b:s4+s3], $0x10, $0x38;
	[tilespmem:$0x10700] =	vst v63  }
0x63c: {  	s29 =	sadd.s32 $0xC500, s2;
	s4 =	sadd.s32 s1, s5  }
0x63d: {  	[tilespmem:s29], [sflag:$0x4] =	stream.linear.gather [hbm4b:s4+s3], $0x10, $0x38;
	[tilespmem:$0x10700] =	vst v63  }
0x63e: {  	s31 =	sadd.s32 $0xC580, s2;
	s30 =	sadd.s32 $0x10, s4  }
0x63f: {  	[tilespmem:s31], [sflag:$0x4] =	stream.linear.gather [hbm4b:s30+s3], $0x10, $0x38;
	[tilespmem:$0x10700] =	vst v63  }
0x640: {  	s8 =	sadd.s32 $0xC600, s2;
	s7 =	sadd.s32 $0x20, s4  }
0x641: {  	[tilespmem:s8], [sflag:$0x4] =	stream.linear.gather [hbm4b:s7+s3], $0x10, $0x38;
	[tilespmem:$0x10700] =	vst v63  }
0x642: {  	s10 =	sadd.s32 $0xC680, s2;
	s9 =	sadd.s32 $0x30, s4  }
0x643: {  	[tilespmem:s10], [sflag:$0x4] =	stream.linear.gather [hbm4b:s9+s3], $0x10, $0x38;
	[tilespmem:$0x10700] =	vst v63  }
0x644: {  	s18 =	sadd.s32 $0xC700, s2;
	s11 =	sadd.s32 $0x40, s4  }
0x645: {  	[tilespmem:s18], [sflag:$0x4] =	stream.linear.gather [hbm4b:s11+s3], $0x10, $0x38;
	[tilespmem:$0x10700] =	vst v63  }
0x646: {  	s20 =	sadd.s32 $0xC780, s2;
	s19 =	sadd.s32 $0x50, s4  }
0x647: {  	[tilespmem:s20], [sflag:$0x4] =	stream.linear.gather [hbm4b:s19+s3], $0x10, $0x38;
	[tilespmem:$0x10700] =	vst v63  }
0x648: {  	s22 =	sadd.s32 $0xC800, s2;
	s21 =	sadd.s32 $0x60, s4  }
0x649: {  	[tilespmem:s22], [sflag:$0x4] =	stream.linear.gather [hbm4b:s21+s3], $0x10, $0x38;
	[tilespmem:$0x10700] =	vst v63  }
0x64a: {  	s24 =	sadd.s32 $0xC880, s2;
	s23 =	sadd.s32 $0x70, s4  }
0x64b: {  	[tilespmem:s24], [sflag:$0x4] =	stream.linear.gather [hbm4b:s23+s3], $0x10, $0x38;
	[tilespmem:$0x10700] =	vst v63  }
0x64c: {  	s26 =	sadd.s32 $0xD500, s2;
	s25 =	sadd.s32 $0xF4280, s4  }
0x64d: {  	[tilespmem:s26], [sflag:$0x4] =	stream.linear.gather [hbm4b:s25+s3], $0x10, $0x38;
	[tilespmem:$0x10700] =	vst v63  }
0x64e: {  	s28 =	sadd.s32 $0x10, s25;
	s29 =	sadd.s32 $0xD580, s2  }
0x64f: {  	[tilespmem:s29], [sflag:$0x4] =	stream.linear.gather [hbm4b:s28+s3], $0x10, $0x38;
	[tilespmem:$0x10700] =	vst v63  }
0x650: {  	s30 =	sadd.s32 $0x20, s25;
	s31 =	sadd.s32 $0xD600, s2  }
0x651: {  	[tilespmem:s31], [sflag:$0x4] =	stream.linear.gather [hbm4b:s30+s3], $0x10, $0x38;
	[tilespmem:$0x10700] =	vst v63  }
0x652: {  	s8 =	sadd.s32 $0x30, s25;
	s9 =	sadd.s32 $0xD680, s2  }
0x653: {  	[tilespmem:s9], [sflag:$0x4] =	stream.linear.gather [hbm4b:s8+s3], $0x10, $0x38;
	[tilespmem:$0x10700] =	vst v63  }
0x654: {  	s10 =	sadd.s32 $0x40, s25;
	s11 =	sadd.s32 $0xD700, s2  }
0x655: {  	[tilespmem:s11], [sflag:$0x4] =	stream.linear.gather [hbm4b:s10+s3], $0x10, $0x38;
	[tilespmem:$0x10700] =	vst v63  }
0x656: {  	s18 =	sadd.s32 $0x50, s25;
	s19 =	sadd.s32 $0xD780, s2  }
0x657: {  	[tilespmem:s19], [sflag:$0x4] =	stream.linear.gather [hbm4b:s18+s3], $0x10, $0x38;
	[tilespmem:$0x10700] =	vst v63  }
0x658: {  	s20 =	sadd.s32 $0x60, s25;
	s21 =	sadd.s32 $0xD800, s2  }
0x659: {  	[tilespmem:s21], [sflag:$0x4] =	stream.linear.gather [hbm4b:s20+s3], $0x10, $0x38;
	[tilespmem:$0x10700] =	vst v63  }
0x65a: {  	s5 =	sadd.s32 $0x70, s25;
	s22 =	sadd.s32 $0xD880, s2  }
0x65b: {  	[tilespmem:s22], [sflag:$0x4] =	stream.linear.gather [hbm4b:s5+s3], $0x10, $0x38;
	[tilespmem:$0x10700] =	vst v63  }
0x65c: {  	s23 =	sadd.s32 $0x1E8500, s4;
	s24 =	sadd.s32 $0xE500, s2  }
0x65d: {  	[tilespmem:s24], [sflag:$0x4] =	stream.linear.gather [hbm4b:s23+s3], $0x10, $0x38;
	[tilespmem:$0x10700] =	vst v63  }
0x65e: {  	s25 =	sadd.s32 $0x10, s23;
	s26 =	sadd.s32 $0xE580, s2  }
0x65f: {  	[tilespmem:s26], [sflag:$0x4] =	stream.linear.gather [hbm4b:s25+s3], $0x10, $0x38;
	[tilespmem:$0x10700] =	vst v63  }
0x660: {  	s28 =	sadd.s32 $0x20, s23;
	s29 =	sadd.s32 $0xE600, s2  }
0x661: {  	[tilespmem:s29], [sflag:$0x4] =	stream.linear.gather [hbm4b:s28+s3], $0x10, $0x38;
	[tilespmem:$0x10700] =	vst v63  }
0x662: {  	s30 =	sadd.s32 $0x30, s23;
	s31 =	sadd.s32 $0xE680, s2  }
0x663: {  	[tilespmem:s31], [sflag:$0x4] =	stream.linear.gather [hbm4b:s30+s3], $0x10, $0x38;
	[tilespmem:$0x10700] =	vst v63  }
0x664: {  	s7 =	sadd.s32 $0x40, s23;
	s8 =	sadd.s32 $0xE700, s2  }
0x665: {  	[tilespmem:s8], [sflag:$0x4] =	stream.linear.gather [hbm4b:s7+s3], $0x10, $0x38;
	[tilespmem:$0x10700] =	vst v63  }
0x666: {  	s9 =	sadd.s32 $0x50, s23;
	s10 =	sadd.s32 $0xE780, s2  }
0x667: {  	[tilespmem:s10], [sflag:$0x4] =	stream.linear.gather [hbm4b:s9+s3], $0x10, $0x38;
	[tilespmem:$0x10700] =	vst v63  }
0x668: {  	s6 =	sadd.s32 $0xF800, s2;
	s11 =	sadd.s32 $0x60, s23;
	s18 =	sadd.s32 $0xE800, s2  }
0x669: {  	[tilespmem:s18], [sflag:$0x4] =	stream.linear.gather [hbm4b:s11+s3], $0x10, $0x38;
	[tilespmem:$0x10700] =	vst v63  }
0x66a: {  	s4 =	sadd.s32 $0x2DC780, s4;
	s19 =	sadd.s32 $0xE880, s2;
	s5 =	sadd.s32 $0x70, s23  }
0x66b: {  	[tilespmem:s19], [sflag:$0x4] =	stream.linear.gather [hbm4b:s5+s3], $0x10, $0x38;
	[tilespmem:$0x10700] =	vst v63  }
0x66c: {  	s20 =	sadd.s32 $0xF500, s2;
	s21 =	sadd.s32 $0x10, s4;
	s22 =	sadd.s32 $0xF580, s2  }
0x66d: {  	[tilespmem:s20], [sflag:$0x4] =	stream.linear.gather [hbm4b:s4+s3], $0x10, $0x38;
	[tilespmem:$0x10700] =	vst v63  }
0x66e: {  	s23 =	sadd.s32 $0x20, s4;
	s24 =	sadd.s32 $0xF600, s2;
	s25 =	sadd.s32 $0x30, s4  }
0x66f: {  	[tilespmem:s22], [sflag:$0x4] =	stream.linear.gather [hbm4b:s21+s3], $0x10, $0x38;
	[tilespmem:$0x10700] =	vst v63  }
0x670: {  	s26 =	sadd.s32 $0xF680, s2;
	s28 =	sadd.s32 $0x40, s4;
	s29 =	sadd.s32 $0xF700, s2  }
0x671: {  	[tilespmem:s24], [sflag:$0x4] =	stream.linear.gather [hbm4b:s23+s3], $0x10, $0x38;
	[tilespmem:$0x10700] =	vst v63  }
0x672: {  	s30 =	sadd.s32 $0x50, s4;
	s31 =	sadd.s32 $0xF780, s2;
	s18 =	sadd.s32 $0x70, s4  }
0x673: {  	[tilespmem:s26], [sflag:$0x4] =	stream.linear.gather [hbm4b:s25+s3], $0x10, $0x38;
	[tilespmem:$0x10700] =	vst v63  }
0x674: {  	s5 =	sadd.s32 $0x60, s4;
	s20 =	simm.s32 $0x10;
	s4 =	sadd.s32 $0xF880, s2  }
0x675: {  	[tilespmem:s29], [sflag:$0x4] =	stream.linear.gather [hbm4b:s28+s3], $0x10, $0x38;
	[tilespmem:$0x10700] =	vst v63  }
0x676: {  	s2 =	simm.s32 $0x80;
	s21 =	simm.s32 $0x1E1;
	s22 =	simm.s32 $0x461  }
0x677: {  	[tilespmem:s31], [sflag:$0x4] =	stream.linear.gather [hbm4b:s30+s3], $0x10, $0x38;
	[tilespmem:$0x10700] =	vst v63  }
.LBB2_10:
0x678: {  	[tilespmem:s6], [sflag:$0x4] =	stream.linear.gather [hbm4b:s5+s3], $0x10, $0x38;
	[tilespmem:$0x10700] =	vst v63  }
0x679: {  	p0 =	sne.s32 s20, $0x1F0;
	s5 =	smov.u32 s20;
	s20 =	sadd.s32 $0x10, s20  }
0x67a: {  	[tilespmem:s4], [sflag:$0x4] =	stream.linear.gather [hbm4b:s18+s3], $0x10, $0x38;
	[tilespmem:$0x10700] =	vst v63  }
0x67b: {  	v0 =	vld [tilespmem:s21+$0x0];
	_ =	sdelay $0x4  }
0x67c: {  	(v2sf) =	vpush v0, $0x0;
	_ =	sdelay $0xe  }
0x67d: {  	s4 =	spop (v2sf)  }
0x67e: {  	s7 =	sand.u32 $0xC00, s2;
	s5 =	sand.u32 $0x70, s5;
	s6 =	sshll.u32 s4, $0x3  }
0x67f: {  	s8 =	sand.u32 $0x70, s4;
	s4 =	sor.u32 s5, s7;
	s6 =	sand.u32 $0xFFFFFC00, s6  }
0x680: {  	s5 =	sor.u32 s8, s6;
	s6 =	sadd.s32 $0x8500, s4;
	v0 =	vld [tilespmem:s22+$0x0]  }
0x681: {  	s5 =	sshrl.u32 s5, $0x3  }
0x682: {  	s18 =	sadd.s32 s0, s5  }
0x683: {  	[tilespmem:s6], [sflag:$0x3] =	stream.linear.gather [hbm4b:s18+s3], $0x10, $0x38;
	[tilespmem:$0x10700] =	vst v63  }
0x684: {  	s5 =	sadd.s32 $0x10, s18;
	s6 =	sadd.s32 $0x8580, s4  }
0x685: {  	[tilespmem:s6], [sflag:$0x3] =	stream.linear.gather [hbm4b:s5+s3], $0x10, $0x38;
	(v2sf) =	vpush v0, $0x0;
	[tilespmem:$0x10700] =	vst v63  }
0x686: {  	s5 =	sadd.s32 $0x20, s18;
	s6 =	sadd.s32 $0x8600, s4  }
0x687: {  	[tilespmem:s6], [sflag:$0x3] =	stream.linear.gather [hbm4b:s5+s3], $0x10, $0x38;
	[tilespmem:$0x10700] =	vst v63  }
0x688: {  	s5 =	sadd.s32 $0x30, s18;
	s6 =	sadd.s32 $0x8680, s4  }
0x689: {  	[tilespmem:s6], [sflag:$0x3] =	stream.linear.gather [hbm4b:s5+s3], $0x10, $0x38;
	[tilespmem:$0x10700] =	vst v63  }
0x68a: {  	s5 =	sadd.s32 $0x40, s18;
	s6 =	sadd.s32 $0x8700, s4  }
0x68b: {  	[tilespmem:s6], [sflag:$0x3] =	stream.linear.gather [hbm4b:s5+s3], $0x10, $0x38;
	[tilespmem:$0x10700] =	vst v63  }
0x68c: {  	s5 =	sadd.s32 $0x50, s18;
	s6 =	sadd.s32 $0x8780, s4  }
0x68d: {  	[tilespmem:s6], [sflag:$0x3] =	stream.linear.gather [hbm4b:s5+s3], $0x10, $0x38;
	[tilespmem:$0x10700] =	vst v63  }
0x68e: {  	s7 =	sadd.s32 $0x9680, s4;
	s5 =	sadd.s32 $0x60, s18;
	s6 =	sadd.s32 $0x8800, s4  }
0x68f: {  	[tilespmem:s6], [sflag:$0x3] =	stream.linear.gather [hbm4b:s5+s3], $0x10, $0x38;
	[tilespmem:$0x10700] =	vst v63  }
0x690: {  	s8 =	sadd.s32 $0x9600, s4;
	s5 =	sadd.s32 $0x70, s18;
	s6 =	sadd.s32 $0x8880, s4  }
0x691: {  	[tilespmem:s6], [sflag:$0x3] =	stream.linear.gather [hbm4b:s5+s3], $0x10, $0x38;
	[tilespmem:$0x10700] =	vst v63  }
0x692: {  	s9 =	sadd.s32 $0x9580, s4;
	s6 =	sadd.s32 $0xF4280, s18;
	s5 =	sadd.s32 $0x9500, s4  }
0x693: {  	[tilespmem:s5], [sflag:$0x3] =	stream.linear.gather [hbm4b:s6+s3], $0x10, $0x38;
	[tilespmem:$0x10700] =	vst v63  }
0x694: {  	s10 =	sadd.s32 $0x20, s6;
	s5 =	sadd.s32 $0x10, s6;
	s11 =	spop (v2sf)  }
0x695: {  	[tilespmem:s9], [sflag:$0x3] =	stream.linear.gather [hbm4b:s5+s3], $0x10, $0x38;
	[tilespmem:$0x10700] =	vst v63  }
0x696: {  	s5 =	sadd.s32 $0x30, s6;
	s9 =	sshll.u32 s11, $0x3;
	s11 =	sand.u32 $0x70, s11  }
0x697: {  	[tilespmem:s8], [sflag:$0x3] =	stream.linear.gather [hbm4b:s10+s3], $0x10, $0x38;
	[tilespmem:$0x10700] =	vst v63  }
0x698: {  	s9 =	sand.u32 $0xFFFFFC00, s9;
	s8 =	sadd.s32 $0x40, s6;
	s10 =	sadd.s32 $0x9700, s4  }
0x699: {  	[tilespmem:s7], [sflag:$0x3] =	stream.linear.gather [hbm4b:s5+s3], $0x10, $0x38;
	[tilespmem:$0x10700] =	vst v63  }
0x69a: {  	s19 =	sadd.s32 $0x9780, s4;
	s7 =	sadd.s32 $0x50, s6;
	s5 =	sor.u32 s11, s9  }
0x69b: {  	[tilespmem:s10], [sflag:$0x3] =	stream.linear.gather [hbm4b:s8+s3], $0x10, $0x38;
	[tilespmem:$0x10700] =	vst v63  }
0x69c: {  	s9 =	sadd.s32 $0x9800, s4;
	s5 =	sshrl.u32 s5, $0x3;
	s8 =	sadd.s32 $0x60, s6  }
0x69d: {  	[tilespmem:s19], [sflag:$0x3] =	stream.linear.gather [hbm4b:s7+s3], $0x10, $0x38;
	[tilespmem:$0x10700] =	vst v63  }
0x69e: {  	s6 =	sadd.s32 $0x70, s6;
	s7 =	sadd.s32 $0x9880, s4  }
0x69f: {  	[tilespmem:s9], [sflag:$0x3] =	stream.linear.gather [hbm4b:s8+s3], $0x10, $0x38;
	[tilespmem:$0x10700] =	vst v63  }
0x6a0: {  	s8 =	sadd.s32 $0x1E8500, s18;
	s9 =	sadd.s32 $0xA500, s4  }
0x6a1: {  	[tilespmem:s7], [sflag:$0x3] =	stream.linear.gather [hbm4b:s6+s3], $0x10, $0x38;
	[tilespmem:$0x10700] =	vst v63  }
0x6a2: {  	s6 =	sadd.s32 $0x10, s8;
	s7 =	sadd.s32 $0xA580, s4  }
0x6a3: {  	[tilespmem:s9], [sflag:$0x3] =	stream.linear.gather [hbm4b:s8+s3], $0x10, $0x38;
	[tilespmem:$0x10700] =	vst v63  }
0x6a4: {  	s10 =	sadd.s32 $0xA600, s4;
	s9 =	sadd.s32 $0x20, s8  }
0x6a5: {  	[tilespmem:s7], [sflag:$0x3] =	stream.linear.gather [hbm4b:s6+s3], $0x10, $0x38;
	[tilespmem:$0x10700] =	vst v63  }
0x6a6: {  	s6 =	sadd.s32 $0x30, s8;
	s7 =	sadd.s32 $0xA680, s4  }
0x6a7: {  	[tilespmem:s10], [sflag:$0x3] =	stream.linear.gather [hbm4b:s9+s3], $0x10, $0x38;
	[tilespmem:$0x10700] =	vst v63  }
0x6a8: {  	s9 =	sadd.s32 $0x40, s8;
	s10 =	sadd.s32 $0xA700, s4  }
0x6a9: {  	[tilespmem:s7], [sflag:$0x3] =	stream.linear.gather [hbm4b:s6+s3], $0x10, $0x38;
	[tilespmem:$0x10700] =	vst v63  }
0x6aa: {  	s6 =	sadd.s32 $0x50, s8;
	s7 =	sadd.s32 $0xA780, s4  }
0x6ab: {  	[tilespmem:s10], [sflag:$0x3] =	stream.linear.gather [hbm4b:s9+s3], $0x10, $0x38;
	[tilespmem:$0x10700] =	vst v63  }
0x6ac: {  	s9 =	sadd.s32 $0x60, s8;
	s10 =	sadd.s32 $0xA800, s4  }
0x6ad: {  	[tilespmem:s7], [sflag:$0x3] =	stream.linear.gather [hbm4b:s6+s3], $0x10, $0x38;
	[tilespmem:$0x10700] =	vst v63  }
0x6ae: {  	s6 =	sadd.s32 $0x70, s8;
	s7 =	sadd.s32 $0xA880, s4  }
0x6af: {  	[tilespmem:s10], [sflag:$0x3] =	stream.linear.gather [hbm4b:s9+s3], $0x10, $0x38;
	[tilespmem:$0x10700] =	vst v63  }
0x6b0: {  	s8 =	sadd.s32 $0x2DC780, s18;
	s9 =	sadd.s32 $0xB500, s4  }
0x6b1: {  	[tilespmem:s7], [sflag:$0x3] =	stream.linear.gather [hbm4b:s6+s3], $0x10, $0x38;
	[tilespmem:$0x10700] =	vst v63  }
0x6b2: {  	s6 =	sadd.s32 $0x10, s8;
	s7 =	sadd.s32 $0xB580, s4  }
0x6b3: {  	[tilespmem:s9], [sflag:$0x3] =	stream.linear.gather [hbm4b:s8+s3], $0x10, $0x38;
	[tilespmem:$0x10700] =	vst v63  }
0x6b4: {  	s10 =	sadd.s32 $0xB600, s4;
	s9 =	sadd.s32 $0x20, s8  }
0x6b5: {  	[tilespmem:s7], [sflag:$0x3] =	stream.linear.gather [hbm4b:s6+s3], $0x10, $0x38;
	[tilespmem:$0x10700] =	vst v63  }
0x6b6: {  	s6 =	sadd.s32 $0x30, s8;
	s7 =	sadd.s32 $0xB680, s4  }
0x6b7: {  	[tilespmem:s10], [sflag:$0x3] =	stream.linear.gather [hbm4b:s9+s3], $0x10, $0x38;
	[tilespmem:$0x10700] =	vst v63  }
0x6b8: {  	s9 =	sadd.s32 $0x40, s8;
	s10 =	sadd.s32 $0xB700, s4  }
0x6b9: {  	[tilespmem:s7], [sflag:$0x3] =	stream.linear.gather [hbm4b:s6+s3], $0x10, $0x38;
	[tilespmem:$0x10700] =	vst v63  }
0x6ba: {  	s6 =	sadd.s32 $0x50, s8;
	s7 =	sadd.s32 $0xB780, s4  }
0x6bb: {  	[tilespmem:s10], [sflag:$0x3] =	stream.linear.gather [hbm4b:s9+s3], $0x10, $0x38;
	[tilespmem:$0x10700] =	vst v63  }
0x6bc: {  	s9 =	sadd.s32 $0x60, s8;
	s10 =	sadd.s32 $0xB800, s4  }
0x6bd: {  	[tilespmem:s7], [sflag:$0x3] =	stream.linear.gather [hbm4b:s6+s3], $0x10, $0x38;
	[tilespmem:$0x10700] =	vst v63  }
0x6be: {  	s6 =	sadd.s32 $0x70, s8;
	s7 =	sadd.s32 $0xB880, s4  }
0x6bf: {  	[tilespmem:s10], [sflag:$0x3] =	stream.linear.gather [hbm4b:s9+s3], $0x10, $0x38;
	[tilespmem:$0x10700] =	vst v63  }
0x6c0: {  	s18 =	sadd.s32 s1, s5;
	s5 =	sadd.s32 $0xC500, s4  }
0x6c1: {  	[tilespmem:s7], [sflag:$0x3] =	stream.linear.gather [hbm4b:s6+s3], $0x10, $0x38;
	[tilespmem:$0x10700] =	vst v63  }
0x6c2: {  	s6 =	sadd.s32 $0x10, s18;
	s7 =	sadd.s32 $0xC580, s4  }
0x6c3: {  	[tilespmem:s5], [sflag:$0x4] =	stream.linear.gather [hbm4b:s18+s3], $0x10, $0x38;
	[tilespmem:$0x10700] =	vst v63  }
0x6c4: {  	s8 =	sadd.s32 $0xC600, s4;
	s5 =	sadd.s32 $0x20, s18  }
0x6c5: {  	[tilespmem:s7], [sflag:$0x4] =	stream.linear.gather [hbm4b:s6+s3], $0x10, $0x38;
	[tilespmem:$0x10700] =	vst v63  }
0x6c6: {  	s6 =	sadd.s32 $0x30, s18;
	s7 =	sadd.s32 $0xC680, s4  }
0x6c7: {  	[tilespmem:s8], [sflag:$0x4] =	stream.linear.gather [hbm4b:s5+s3], $0x10, $0x38;
	[tilespmem:$0x10700] =	vst v63  }
0x6c8: {  	s5 =	sadd.s32 $0x40, s18;
	s8 =	sadd.s32 $0xC700, s4  }
0x6c9: {  	[tilespmem:s7], [sflag:$0x4] =	stream.linear.gather [hbm4b:s6+s3], $0x10, $0x38;
	[tilespmem:$0x10700] =	vst v63  }
0x6ca: {  	s6 =	sadd.s32 $0x50, s18;
	s7 =	sadd.s32 $0xC780, s4  }
0x6cb: {  	[tilespmem:s8], [sflag:$0x4] =	stream.linear.gather [hbm4b:s5+s3], $0x10, $0x38;
	[tilespmem:$0x10700] =	vst v63  }
0x6cc: {  	s5 =	sadd.s32 $0x60, s18;
	s8 =	sadd.s32 $0xC800, s4  }
0x6cd: {  	[tilespmem:s7], [sflag:$0x4] =	stream.linear.gather [hbm4b:s6+s3], $0x10, $0x38;
	[tilespmem:$0x10700] =	vst v63  }
0x6ce: {  	s6 =	sadd.s32 $0x70, s18;
	s7 =	sadd.s32 $0xC880, s4  }
0x6cf: {  	[tilespmem:s8], [sflag:$0x4] =	stream.linear.gather [hbm4b:s5+s3], $0x10, $0x38;
	[tilespmem:$0x10700] =	vst v63  }
0x6d0: {  	s5 =	sadd.s32 $0xF4280, s18;
	s8 =	sadd.s32 $0xD500, s4  }
0x6d1: {  	[tilespmem:s7], [sflag:$0x4] =	stream.linear.gather [hbm4b:s6+s3], $0x10, $0x38;
	[tilespmem:$0x10700] =	vst v63  }
0x6d2: {  	s6 =	sadd.s32 $0x10, s5;
	s7 =	sadd.s32 $0xD580, s4  }
0x6d3: {  	[tilespmem:s8], [sflag:$0x4] =	stream.linear.gather [hbm4b:s5+s3], $0x10, $0x38;
	[tilespmem:$0x10700] =	vst v63  }
0x6d4: {  	s9 =	sadd.s32 $0xD600, s4;
	s8 =	sadd.s32 $0x20, s5  }
0x6d5: {  	[tilespmem:s7], [sflag:$0x4] =	stream.linear.gather [hbm4b:s6+s3], $0x10, $0x38;
	[tilespmem:$0x10700] =	vst v63  }
0x6d6: {  	s6 =	sadd.s32 $0x30, s5;
	s7 =	sadd.s32 $0xD680, s4  }
0x6d7: {  	[tilespmem:s9], [sflag:$0x4] =	stream.linear.gather [hbm4b:s8+s3], $0x10, $0x38;
	[tilespmem:$0x10700] =	vst v63  }
0x6d8: {  	s8 =	sadd.s32 $0x40, s5;
	s9 =	sadd.s32 $0xD700, s4  }
0x6d9: {  	[tilespmem:s7], [sflag:$0x4] =	stream.linear.gather [hbm4b:s6+s3], $0x10, $0x38;
	[tilespmem:$0x10700] =	vst v63  }
0x6da: {  	s6 =	sadd.s32 $0x50, s5;
	s7 =	sadd.s32 $0xD780, s4  }
0x6db: {  	[tilespmem:s9], [sflag:$0x4] =	stream.linear.gather [hbm4b:s8+s3], $0x10, $0x38;
	[tilespmem:$0x10700] =	vst v63  }
0x6dc: {  	s8 =	sadd.s32 $0x60, s5;
	s9 =	sadd.s32 $0xD800, s4  }
0x6dd: {  	[tilespmem:s7], [sflag:$0x4] =	stream.linear.gather [hbm4b:s6+s3], $0x10, $0x38;
	[tilespmem:$0x10700] =	vst v63  }
0x6de: {  	s5 =	sadd.s32 $0x70, s5;
	s6 =	sadd.s32 $0xD880, s4  }
0x6df: {  	[tilespmem:s9], [sflag:$0x4] =	stream.linear.gather [hbm4b:s8+s3], $0x10, $0x38;
	[tilespmem:$0x10700] =	vst v63  }
0x6e0: {  	s7 =	sadd.s32 $0x1E8500, s18;
	s8 =	sadd.s32 $0xE500, s4  }
0x6e1: {  	[tilespmem:s6], [sflag:$0x4] =	stream.linear.gather [hbm4b:s5+s3], $0x10, $0x38;
	[tilespmem:$0x10700] =	vst v63  }
0x6e2: {  	s5 =	sadd.s32 $0x10, s7;
	s6 =	sadd.s32 $0xE580, s4  }
0x6e3: {  	[tilespmem:s8], [sflag:$0x4] =	stream.linear.gather [hbm4b:s7+s3], $0x10, $0x38;
	[tilespmem:$0x10700] =	vst v63  }
0x6e4: {  	s9 =	sadd.s32 $0xE600, s4;
	s8 =	sadd.s32 $0x20, s7  }
0x6e5: {  	[tilespmem:s6], [sflag:$0x4] =	stream.linear.gather [hbm4b:s5+s3], $0x10, $0x38;
	[tilespmem:$0x10700] =	vst v63  }
0x6e6: {  	s5 =	sadd.s32 $0x30, s7;
	s6 =	sadd.s32 $0xE680, s4  }
0x6e7: {  	[tilespmem:s9], [sflag:$0x4] =	stream.linear.gather [hbm4b:s8+s3], $0x10, $0x38;
	[tilespmem:$0x10700] =	vst v63  }
0x6e8: {  	s8 =	sadd.s32 $0x40, s7;
	s9 =	sadd.s32 $0xE700, s4  }
0x6e9: {  	[tilespmem:s6], [sflag:$0x4] =	stream.linear.gather [hbm4b:s5+s3], $0x10, $0x38;
	[tilespmem:$0x10700] =	vst v63  }
0x6ea: {  	s5 =	sadd.s32 $0x50, s7;
	s6 =	sadd.s32 $0xE780, s4  }
0x6eb: {  	[tilespmem:s9], [sflag:$0x4] =	stream.linear.gather [hbm4b:s8+s3], $0x10, $0x38;
	[tilespmem:$0x10700] =	vst v63  }
0x6ec: {  	s8 =	sadd.s32 $0x60, s7;
	s9 =	sadd.s32 $0xE800, s4  }
0x6ed: {  	[tilespmem:s6], [sflag:$0x4] =	stream.linear.gather [hbm4b:s5+s3], $0x10, $0x38;
	[tilespmem:$0x10700] =	vst v63  }
0x6ee: {  	s5 =	sadd.s32 $0x70, s7;
	s6 =	sadd.s32 $0xE880, s4  }
0x6ef: {  	[tilespmem:s9], [sflag:$0x4] =	stream.linear.gather [hbm4b:s8+s3], $0x10, $0x38;
	[tilespmem:$0x10700] =	vst v63  }
0x6f0: {  	s7 =	sadd.s32 $0x2DC780, s18;
	s8 =	sadd.s32 $0xF500, s4  }
0x6f1: {  	[tilespmem:s6], [sflag:$0x4] =	stream.linear.gather [hbm4b:s5+s3], $0x10, $0x38;
	[tilespmem:$0x10700] =	vst v63  }
0x6f2: {  	s5 =	sadd.s32 $0x10, s7;
	s6 =	sadd.s32 $0xF580, s4  }
0x6f3: {  	[tilespmem:s8], [sflag:$0x4] =	stream.linear.gather [hbm4b:s7+s3], $0x10, $0x38;
	[tilespmem:$0x10700] =	vst v63  }
0x6f4: {  	s9 =	sadd.s32 $0xF600, s4;
	s8 =	sadd.s32 $0x20, s7  }
0x6f5: {  	[tilespmem:s6], [sflag:$0x4] =	stream.linear.gather [hbm4b:s5+s3], $0x10, $0x38;
	[tilespmem:$0x10700] =	vst v63  }
0x6f6: {  	s5 =	sadd.s32 $0x30, s7;
	s6 =	sadd.s32 $0xF680, s4  }
0x6f7: {  	[tilespmem:s9], [sflag:$0x4] =	stream.linear.gather [hbm4b:s8+s3], $0x10, $0x38;
	[tilespmem:$0x10700] =	vst v63  }
0x6f8: {  	s21 =	sadd.s32 $0x1, s21;
	s8 =	sadd.s32 $0x40, s7;
	s9 =	sadd.s32 $0xF700, s4  }
0x6f9: {  	[tilespmem:s6], [sflag:$0x4] =	stream.linear.gather [hbm4b:s5+s3], $0x10, $0x38;
	[tilespmem:$0x10700] =	vst v63  }
.Ltmp4:
0x6fa: {  	s11 =	sadd.s32 $0xF780, s4;
	s10 =	sadd.s32 $0x50, s7;
	(pc) =	sbr.rel @p0 .LBB2_10-.Ltmp4, $4  }
0x6fb: {  	[tilespmem:s9], [sflag:$0x4] =	stream.linear.gather [hbm4b:s8+s3], $0x10, $0x38;
	[tilespmem:$0x10700] =	vst v63  }
0x6fc: {  	s22 =	sadd.s32 $0x1, s22;
	s5 =	sadd.s32 $0x60, s7;
	s6 =	sadd.s32 $0xF800, s4  }
0x6fd: {  	[tilespmem:s11], [sflag:$0x4] =	stream.linear.gather [hbm4b:s10+s3], $0x10, $0x38;
	[tilespmem:$0x10700] =	vst v63  }
0x6fe: {  	s2 =	sadd.s32 $0x80, s2;
	s18 =	sadd.s32 $0x70, s7;
	s4 =	sadd.s32 $0xF880, s4  }
0x6ff: {  	[tilespmem:s6], [sflag:$0x4] =	stream.linear.gather [hbm4b:s5+s3], $0x10, $0x38;
	[tilespmem:$0x10700] =	vst v63  }
0x700: {  	s2 =	simm.s32 $0x1  }
0x701: {  	[tilespmem:s4], [sflag:$0x4] =	stream.linear.gather [hbm4b:s18+s3], $0x10, $0x38;
	[tilespmem:$0x10700] =	vst v63  }
0x702: {  	_ =	swait.ge [sflag:s2], $0x4000  }
0x703: {  	[sflag:s2] =	ssyncset.done $0x0  }
0x704: {  	s26 =	simm.s32 $0x2;
	[sflag:s2] =	ssyncadd.s32 $0xFFFFC000  }
0x705: {  	_ =	swait.ge [sflag:s26], $0x4000  }
0x706: {  	[sflag:s26] =	ssyncset.done $0x0  }
0x707: {  	[sflag:s26] =	ssyncadd.s32 $0xFFFFC000  }
0x708: {  	v0 =	vld [tilespmem:$0x1C0];
	_ =	sdelay $0x2  }
0x709: {  	v2 =	vld [tilespmem:$0x440];
	_ =	sdelay $0x1  }
0x70a: {  	v5 =	vld [tilespmem:$0x1FEF0];
	v1 =	vand.u32 $0xF, v0  }
0x70b: {  	v11 =	vor.u32 v15, v1  }
0x70c: {  	v7 =	vld [tilespmem:$0x1FF00]  }
0x70d: {  	v9 =	vld [tilespmem:$0x1FF10];
	v0 =	vand.u32 $0xF, v2  }
0x70e: {  	v13 =	vld [tilespmem:$0x1FF30];
	v3 =	vor.u32 v15, v0  }
0x70f: {  	v14 =	vld [tilespmem:$0x1FF40];
	v4 =	vor.u32 v5, v1  }
0x710: {  	v5 =	vor.u32 v5, v0;
	v2 =	vld.idx.msk [tilespmem:v11+s12+$0x0], $0xffff  }
0x711: {  	v6 =	vor.u32 v7, v1;
	v11 =	vld [tilespmem:$0x1FF20]  }
0x712: {  	v16 =	vld [tilespmem:$0x1FF50];
	v7 =	vor.u32 v7, v0  }
0x713: {  	v8 =	vor.u32 v9, v1;
	v3 =	vld.idx.msk [tilespmem:v3+s13+$0x0], $0xffff  }
0x714: {  	v12 =	vor.u32 v13, v1;
	v4 =	vld.idx.msk [tilespmem:v4+s12+$0x0], $0xffff  }
0x715: {  	v9 =	vor.u32 v9, v0;
	v5 =	vld.idx.msk [tilespmem:v5+s13+$0x0], $0xffff  }
0x716: {  	v6 =	vld.idx.msk [tilespmem:v6+s12+$0x0], $0xffff;
	v10 =	vor.u32 v11, v1  }
0x717: {  	v7 =	vld.idx.msk [tilespmem:v7+s13+$0x0], $0xffff;
	v11 =	vor.u32 v11, v0  }
0x718: {  	v8 =	vld.idx.msk [tilespmem:v8+s12+$0x0], $0xffff  }
0x719: {  	v13 =	vor.u32 v13, v0;
	v12 =	vld.idx.msk [tilespmem:v12+s12+$0x0], $0xffff;
	v2 =	vmul.f32 v3, v2  }
0x71a: {  	v3 =	vld.idx.msk [tilespmem:v9+s13+$0x0], $0xffff;
	v9 =	vor.u32 v14, v1;
	v14 =	vor.u32 v14, v0  }
0x71b: {  	v4 =	vmul.f32 v5, v4;
	v2 =	vadd.f32 $0.0e+00, v2;
	v10 =	vld.idx.msk [tilespmem:v10+s12+$0x0], $0xffff  }
0x71c: {  	v15 =	vor.u32 v16, v0;
	v5 =	vld.idx.msk [tilespmem:v11+s13+$0x0], $0xffff  }
0x71d: {  	v2 =	vadd.f32 v4, v2;
	v4 =	vmul.f32 v7, v6;
	v11 =	vor.u32 v16, v1;
	v16 =	vld [tilespmem:$0x1FF60]  }
0x71e: {  	v6 =	vld.idx.msk [tilespmem:v13+s13+$0x0], $0xffff  }
0x71f: {  	v3 =	vmul.f32 v3, v8;
	v2 =	vadd.f32 v4, v2;
	v4 =	vld.idx.msk [tilespmem:v14+s13+$0x0], $0xffff  }
0x720: {  	v14 =	vld [tilespmem:$0x1FF70]  }
0x721: {  	v2 =	vadd.f32 v3, v2;
	v3 =	vmul.f32 v5, v10;
	v5 =	vld.idx.msk [tilespmem:v15+s13+$0x0], $0xffff  }
0x722: {  	v13 =	vor.u32 v16, v0;
	v15 =	vld [tilespmem:$0x1FF80];
	_ =	sdelay $0x1  }
0x723: {  	v7 =	vor.u32 v16, v1  }
0x724: {  	v9 =	vld.idx.msk [tilespmem:v9+s12+$0x0], $0xffff;
	v8 =	vor.u32 v14, v1;
	v14 =	vor.u32 v14, v0  }
0x725: {  	v11 =	vld.idx.msk [tilespmem:v11+s12+$0x0], $0xffff;
	v2 =	vadd.f32 v3, v2  }
0x726: {  	v3 =	vmul.f32 v6, v12;
	v10 =	vor.u32 v15, v1;
	v15 =	vor.u32 v15, v0;
	v6 =	vld.idx.msk [tilespmem:v13+s13+$0x0], $0xffff  }
0x727: {  	v13 =	vld [tilespmem:$0x1FF90]  }
0x728: {  	v7 =	vld.idx.msk [tilespmem:v7+s12+$0x0], $0xffff  }
0x729: {  	v2 =	vadd.f32 v3, v2;
	v3 =	vmul.f32 v4, v9;
	v4 =	vld.idx.msk [tilespmem:v14+s13+$0x0], $0xffff  }
0x72a: {  	v14 =	vld [tilespmem:$0x1FFA0]  }
0x72b: {  	v2 =	vadd.f32 v3, v2;
	v3 =	vmul.f32 v5, v11;
	v5 =	vld.idx.msk [tilespmem:v15+s13+$0x0], $0xffff  }
0x72c: {  	v12 =	vor.u32 v13, v1;
	v13 =	vor.u32 v13, v0;
	v15 =	vld [tilespmem:$0x1FFB0];
	_ =	sdelay $0x1  }
0x72d: {  	v17 =	vld [tilespmem:$0x1FFF0]  }
0x72e: {  	v8 =	vld.idx.msk [tilespmem:v8+s12+$0x0], $0xffff;
	v9 =	vor.u32 v14, v1;
	v14 =	vor.u32 v14, v0  }
0x72f: {  	v2 =	vadd.f32 v3, v2;
	v10 =	vld.idx.msk [tilespmem:v10+s12+$0x0], $0xffff  }
0x730: {  	v3 =	vmul.f32 v6, v7;
	v11 =	vor.u32 v15, v1;
	v15 =	vor.u32 v15, v0;
	v6 =	vld.idx.msk [tilespmem:v13+s13+$0x0], $0xffff  }
0x731: {  	v13 =	vld [tilespmem:$0x1FFC0]  }
0x732: {  	v12 =	vld.idx.msk [tilespmem:v12+s12+$0x0], $0xffff  }
0x733: {  	v2 =	vadd.f32 v3, v2;
	v3 =	vmul.f32 v4, v8;
	v4 =	vld.idx.msk [tilespmem:v14+s13+$0x0], $0xffff  }
0x734: {  	v14 =	vld [tilespmem:$0x1FFD0]  }
0x735: {  	v2 =	vadd.f32 v3, v2;
	v3 =	vmul.f32 v5, v10;
	v5 =	vld.idx.msk [tilespmem:v15+s13+$0x0], $0xffff  }
0x736: {  	v7 =	vor.u32 v13, v1;
	v15 =	vld [tilespmem:$0x1FFE0]  }
0x737: {  	v13 =	vor.u32 v13, v0  }
0x738: {  	v9 =	vld.idx.msk [tilespmem:v9+s12+$0x0], $0xffff;
	v2 =	vadd.f32 v3, v2;
	v3 =	vmul.f32 v6, v12;
	v12 =	vor.u32 v17, v1  }
0x739: {  	v8 =	vor.u32 v14, v1  }
0x73a: {  	v11 =	vld.idx.msk [tilespmem:v11+s12+$0x0], $0xffff;
	v14 =	vor.u32 v14, v0  }
0x73b: {  	v10 =	vor.u32 v15, v1;
	v7 =	vld.idx.msk [tilespmem:v7+s12+$0x0], $0xffff  }
0x73c: {  	v15 =	vor.u32 v15, v0;
	v6 =	vld.idx.msk [tilespmem:v13+s13+$0x0], $0xffff  }
0x73d: {  	v2 =	vadd.f32 v3, v2;
	v3 =	vmul.f32 v4, v9;
	v9 =	vor.u32 v18, v1;
	v12 =	vld.idx.msk [tilespmem:v12+s12+$0x0], $0xffff  }
0x73e: {  	v13 =	vor.u32 v17, v0;
	v8 =	vld.idx.msk [tilespmem:v8+s12+$0x0], $0xffff  }
0x73f: {  	v2 =	vadd.f32 v3, v2;
	v3 =	vmul.f32 v5, v11;
	v11 =	vor.u32 v19, v1;
	v4 =	vld.idx.msk [tilespmem:v14+s13+$0x0], $0xffff  }
0x740: {  	v14 =	vor.u32 v18, v0;
	v10 =	vld.idx.msk [tilespmem:v10+s12+$0x0], $0xffff  }
0x741: {  	v5 =	vld.idx.msk [tilespmem:v15+s13+$0x0], $0xffff;
	v15 =	vor.u32 v19, v0  }
0x742: {  	v2 =	vadd.f32 v3, v2;
	v9 =	vld.idx.msk [tilespmem:v9+s12+$0x0], $0xffff;
	v3 =	vmul.f32 v6, v7;
	v7 =	vor.u32 v20, v1  }
0x743: {  	v6 =	vld.idx.msk [tilespmem:v13+s13+$0x0], $0xffff;
	v13 =	vor.u32 v20, v0  }
0x744: {  	v11 =	vld.idx.msk [tilespmem:v11+s12+$0x0], $0xffff;
	v2 =	vadd.f32 v3, v2;
	v3 =	vmul.f32 v4, v8;
	v8 =	vor.u32 v21, v1  }
0x745: {  	v4 =	vld.idx.msk [tilespmem:v14+s13+$0x0], $0xffff;
	v14 =	vor.u32 v21, v0  }
0x746: {  	v2 =	vadd.f32 v3, v2;
	v3 =	vmul.f32 v5, v10;
	v5 =	vld.idx.msk [tilespmem:v15+s13+$0x0], $0xffff;
	v10 =	vor.u32 v22, v1  }
0x747: {  	v7 =	vld.idx.msk [tilespmem:v7+s12+$0x0], $0xffff;
	v15 =	vor.u32 v22, v0  }
0x748: {  	v2 =	vadd.f32 v3, v2;
	v3 =	vmul.f32 v6, v12;
	v6 =	vld.idx.msk [tilespmem:v13+s13+$0x0], $0xffff;
	v12 =	vor.u32 v23, v1  }
0x749: {  	v8 =	vld.idx.msk [tilespmem:v8+s12+$0x0], $0xffff;
	v13 =	vor.u32 v23, v0  }
0x74a: {  	v2 =	vadd.f32 v3, v2;
	v3 =	vmul.f32 v4, v9;
	v4 =	vld.idx.msk [tilespmem:v14+s13+$0x0], $0xffff;
	v9 =	vor.u32 v24, v1  }
0x74b: {  	v14 =	vor.u32 v24, v0;
	v10 =	vld.idx.msk [tilespmem:v10+s12+$0x0], $0xffff  }
0x74c: {  	v2 =	vadd.f32 v3, v2;
	v3 =	vmul.f32 v5, v11;
	v5 =	vld.idx.msk [tilespmem:v15+s13+$0x0], $0xffff;
	v11 =	vor.u32 v25, v1  }
0x74d: {  	v15 =	vor.u32 v25, v0;
	v12 =	vld.idx.msk [tilespmem:v12+s12+$0x0], $0xffff  }
0x74e: {  	v2 =	vadd.f32 v3, v2;
	v3 =	vmul.f32 v6, v7;
	v6 =	vld.idx.msk [tilespmem:v13+s13+$0x0], $0xffff;
	v7 =	vor.u32 v26, v1  }
0x74f: {  	v13 =	vor.u32 v26, v0;
	v9 =	vld.idx.msk [tilespmem:v9+s12+$0x0], $0xffff  }
0x750: {  	v2 =	vadd.f32 v3, v2;
	v3 =	vmul.f32 v4, v8;
	v4 =	vld.idx.msk [tilespmem:v14+s13+$0x0], $0xffff;
	v8 =	vor.u32 v27, v1  }
0x751: {  	v14 =	vor.u32 v27, v0;
	v11 =	vld.idx.msk [tilespmem:v11+s12+$0x0], $0xffff  }
0x752: {  	v2 =	vadd.f32 v3, v2;
	v3 =	vmul.f32 v5, v10;
	v5 =	vld.idx.msk [tilespmem:v15+s13+$0x0], $0xffff;
	v10 =	vor.u32 v28, v1  }
0x753: {  	v15 =	vor.u32 v28, v0;
	v7 =	vld.idx.msk [tilespmem:v7+s12+$0x0], $0xffff  }
0x754: {  	v2 =	vadd.f32 v3, v2;
	v3 =	vmul.f32 v6, v12;
	v6 =	vld.idx.msk [tilespmem:v13+s13+$0x0], $0xffff;
	v12 =	vor.u32 v29, v1  }
0x755: {  	v13 =	vor.u32 v29, v0;
	v8 =	vld.idx.msk [tilespmem:v8+s12+$0x0], $0xffff  }
0x756: {  	v2 =	vadd.f32 v3, v2;
	v3 =	vmul.f32 v4, v9;
	v4 =	vld.idx.msk [tilespmem:v14+s13+$0x0], $0xffff;
	v9 =	vor.u32 v30, v1  }
0x757: {  	v14 =	vor.u32 v30, v0;
	v10 =	vld.idx.msk [tilespmem:v10+s12+$0x0], $0xffff  }
0x758: {  	v1 =	vor.u32 v31, v1;
	v2 =	vadd.f32 v3, v2;
	v3 =	vmul.f32 v5, v11;
	v5 =	vld.idx.msk [tilespmem:v15+s13+$0x0], $0xffff  }
0x759: {  	v0 =	vor.u32 v31, v0;
	v11 =	vld.idx.msk [tilespmem:v12+s12+$0x0], $0xffff  }
0x75a: {  	v12 =	vmul.f32 v6, v7;
	v6 =	vld.idx.msk [tilespmem:v13+s13+$0x0], $0xffff  }
0x75b: {  	v2 =	vadd.f32 v3, v2;
	v7 =	vld.idx.msk [tilespmem:v9+s12+$0x0], $0xffff  }
0x75c: {  	v13 =	vmul.f32 v4, v8;
	v4 =	vld.idx.msk [tilespmem:v14+s13+$0x0], $0xffff  }
0x75d: {  	v8 =	vld.idx.msk [tilespmem:v1+s12+$0x0], $0xffff;
	v2 =	vadd.f32 v12, v2  }
0x75e: {  	v0 =	vld.idx.msk [tilespmem:v0+s13+$0x0], $0xffff  }
0x75f: {  	v12 =	vadd.f32 v13, v2;
	v13 =	vmul.f32 v5, v10;
	v10 =	vld [tilespmem:$0x450]  }
0x760: {  	v14 =	vld [tilespmem:$0x1D0]  }
0x761: {  	v9 =	vmul.f32 v6, v11;
	v1 =	vadd.f32 v13, v12;
	_ =	sdelay $0x1  }
0x762: {  	v11 =	vmul.f32 v4, v7;
	v1 =	vadd.f32 v9, v1  }
0x763: {  	v12 =	vmul.f32 v0, v8;
	v0 =	vand.u32 $0xF, v10  }
0x764: {  	v2 =	vadd.f32 v11, v1;
	v1 =	vand.u32 $0xF, v14;
	v5 =	vor.u32 v32, v0  }
0x765: {  	v13 =	vor.u32 v32, v1  }
0x766: {  	v14 =	vor.u32 v33, v0;
	v2 =	vadd.f32 v12, v2  }
0x767: {  	v3 =	vor.u32 v33, v1  }
0x768: {  	v9 =	vor.u32 v35, v0;
	[tilespmem:$0x106C0] =	vst v2  }
0x769: {  	v12 =	vor.u32 v34, v1;
	v5 =	vld.idx.msk [tilespmem:v5+s13+$0x0], $0xffff  }
0x76a: {  	v4 =	vld.idx.msk [tilespmem:v13+s12+$0x0], $0xffff;
	v13 =	vor.u32 v34, v0  }
0x76b: {  	v8 =	vor.u32 v35, v1;
	v6 =	vld.idx.msk [tilespmem:v14+s13+$0x0], $0xffff  }
0x76c: {  	v10 =	vor.u32 v36, v1;
	v3 =	vld.idx.msk [tilespmem:v3+s12+$0x0], $0xffff  }
0x76d: {  	v9 =	vld.idx.msk [tilespmem:v9+s13+$0x0], $0xffff  }
0x76e: {  	v11 =	vor.u32 v36, v0;
	v2 =	vld.idx.msk [tilespmem:v12+s12+$0x0], $0xffff  }
0x76f: {  	v12 =	vor.u32 v37, v1;
	v7 =	vld.idx.msk [tilespmem:v13+s13+$0x0], $0xffff  }
0x770: {  	v4 =	vmul.f32 v5, v4;
	v5 =	vld.idx.msk [tilespmem:v8+s12+$0x0], $0xffff;
	v8 =	vor.u32 v37, v0  }
0x771: {  	v3 =	vmul.f32 v6, v3;
	v6 =	vld.idx.msk [tilespmem:v10+s12+$0x0], $0xffff;
	v10 =	vor.u32 v38, v0  }
0x772: {  	v13 =	vor.u32 v38, v1;
	v4 =	vadd.f32 $0.0e+00, v4  }
0x773: {  	v11 =	vld.idx.msk [tilespmem:v11+s13+$0x0], $0xffff;
	v14 =	vor.u32 v39, v1  }
0x774: {  	v3 =	vadd.f32 v3, v4;
	v4 =	vld.idx.msk [tilespmem:v12+s12+$0x0], $0xffff;
	v2 =	vmul.f32 v7, v2;
	v7 =	vor.u32 v39, v0  }
0x775: {  	v12 =	vor.u32 v40, v1;
	v8 =	vld.idx.msk [tilespmem:v8+s13+$0x0], $0xffff  }
0x776: {  	v10 =	vld.idx.msk [tilespmem:v10+s13+$0x0], $0xffff;
	v2 =	vadd.f32 v2, v3;
	v3 =	vmul.f32 v9, v5;
	v9 =	vor.u32 v40, v0  }
0x777: {  	v5 =	vld.idx.msk [tilespmem:v13+s12+$0x0], $0xffff;
	v13 =	vor.u32 v41, v1  }
0x778: {  	v2 =	vadd.f32 v3, v2;
	v3 =	vmul.f32 v11, v6;
	v6 =	vld.idx.msk [tilespmem:v14+s12+$0x0], $0xffff;
	v11 =	vor.u32 v41, v0  }
0x779: {  	v14 =	vor.u32 v42, v1;
	v7 =	vld.idx.msk [tilespmem:v7+s13+$0x0], $0xffff  }
0x77a: {  	v2 =	vadd.f32 v3, v2;
	v3 =	vmul.f32 v8, v4;
	v4 =	vld.idx.msk [tilespmem:v12+s12+$0x0], $0xffff;
	v8 =	vor.u32 v42, v0  }
0x77b: {  	v12 =	vor.u32 v43, v1;
	v9 =	vld.idx.msk [tilespmem:v9+s13+$0x0], $0xffff  }
0x77c: {  	v2 =	vadd.f32 v3, v2;
	v3 =	vmul.f32 v10, v5;
	v5 =	vld.idx.msk [tilespmem:v13+s12+$0x0], $0xffff;
	v10 =	vor.u32 v43, v0  }
0x77d: {  	v13 =	vor.u32 v44, v1;
	v11 =	vld.idx.msk [tilespmem:v11+s13+$0x0], $0xffff  }
0x77e: {  	v2 =	vadd.f32 v3, v2;
	v3 =	vmul.f32 v7, v6;
	v6 =	vld.idx.msk [tilespmem:v14+s12+$0x0], $0xffff;
	v7 =	vor.u32 v44, v0  }
0x77f: {  	v14 =	vor.u32 v45, v1;
	v8 =	vld.idx.msk [tilespmem:v8+s13+$0x0], $0xffff  }
0x780: {  	v2 =	vadd.f32 v3, v2;
	v3 =	vmul.f32 v9, v4;
	v4 =	vld.idx.msk [tilespmem:v12+s12+$0x0], $0xffff;
	v9 =	vor.u32 v45, v0  }
0x781: {  	v12 =	vor.u32 v46, v1;
	v10 =	vld.idx.msk [tilespmem:v10+s13+$0x0], $0xffff  }
0x782: {  	v2 =	vadd.f32 v3, v2;
	v3 =	vmul.f32 v11, v5;
	v5 =	vld.idx.msk [tilespmem:v13+s12+$0x0], $0xffff;
	v11 =	vor.u32 v46, v0  }
0x783: {  	v13 =	vor.u32 v47, v1;
	v7 =	vld.idx.msk [tilespmem:v7+s13+$0x0], $0xffff  }
0x784: {  	v2 =	vadd.f32 v3, v2;
	v3 =	vmul.f32 v8, v6;
	v6 =	vld.idx.msk [tilespmem:v14+s12+$0x0], $0xffff;
	v8 =	vor.u32 v47, v0  }
0x785: {  	v14 =	vor.u32 v48, v1;
	v9 =	vld.idx.msk [tilespmem:v9+s13+$0x0], $0xffff  }
0x786: {  	v2 =	vadd.f32 v3, v2;
	v3 =	vmul.f32 v10, v4;
	v4 =	vld.idx.msk [tilespmem:v12+s12+$0x0], $0xffff;
	v10 =	vor.u32 v48, v0  }
0x787: {  	v12 =	vor.u32 v49, v1;
	v11 =	vld.idx.msk [tilespmem:v11+s13+$0x0], $0xffff  }
0x788: {  	v2 =	vadd.f32 v3, v2;
	v3 =	vmul.f32 v7, v5;
	v5 =	vld.idx.msk [tilespmem:v13+s12+$0x0], $0xffff;
	v7 =	vor.u32 v49, v0  }
0x789: {  	v13 =	vor.u32 v50, v1;
	v8 =	vld.idx.msk [tilespmem:v8+s13+$0x0], $0xffff  }
0x78a: {  	v2 =	vadd.f32 v3, v2;
	v3 =	vmul.f32 v9, v6;
	v6 =	vld.idx.msk [tilespmem:v14+s12+$0x0], $0xffff;
	v9 =	vor.u32 v50, v0  }
0x78b: {  	v14 =	vor.u32 v51, v1;
	v10 =	vld.idx.msk [tilespmem:v10+s13+$0x0], $0xffff  }
0x78c: {  	v2 =	vadd.f32 v3, v2;
	v3 =	vmul.f32 v11, v4;
	v4 =	vld.idx.msk [tilespmem:v12+s12+$0x0], $0xffff;
	v11 =	vor.u32 v51, v0  }
0x78d: {  	v12 =	vor.u32 v52, v1;
	v7 =	vld.idx.msk [tilespmem:v7+s13+$0x0], $0xffff  }
0x78e: {  	v2 =	vadd.f32 v3, v2;
	v3 =	vmul.f32 v8, v5;
	v5 =	vld.idx.msk [tilespmem:v13+s12+$0x0], $0xffff;
	v8 =	vor.u32 v52, v0  }
0x78f: {  	v13 =	vor.u32 v53, v1;
	v9 =	vld.idx.msk [tilespmem:v9+s13+$0x0], $0xffff  }
0x790: {  	v2 =	vadd.f32 v3, v2;
	v3 =	vmul.f32 v10, v6;
	v6 =	vld.idx.msk [tilespmem:v14+s12+$0x0], $0xffff;
	v10 =	vor.u32 v53, v0  }
0x791: {  	v14 =	vor.u32 v54, v1;
	v11 =	vld.idx.msk [tilespmem:v11+s13+$0x0], $0xffff  }
0x792: {  	v2 =	vadd.f32 v3, v2;
	v3 =	vmul.f32 v7, v4;
	v4 =	vld.idx.msk [tilespmem:v12+s12+$0x0], $0xffff;
	v7 =	vor.u32 v54, v0  }
0x793: {  	v12 =	vor.u32 v55, v1;
	v8 =	vld.idx.msk [tilespmem:v8+s13+$0x0], $0xffff  }
0x794: {  	v2 =	vadd.f32 v3, v2;
	v3 =	vmul.f32 v9, v5;
	v5 =	vld.idx.msk [tilespmem:v13+s12+$0x0], $0xffff;
	v9 =	vor.u32 v55, v0  }
0x795: {  	v13 =	vor.u32 v56, v1;
	v10 =	vld.idx.msk [tilespmem:v10+s13+$0x0], $0xffff  }
0x796: {  	v2 =	vadd.f32 v3, v2;
	v3 =	vmul.f32 v11, v6;
	v6 =	vld.idx.msk [tilespmem:v14+s12+$0x0], $0xffff;
	v11 =	vor.u32 v56, v0  }
0x797: {  	v14 =	vor.u32 v57, v1;
	v7 =	vld.idx.msk [tilespmem:v7+s13+$0x0], $0xffff  }
0x798: {  	v2 =	vadd.f32 v3, v2;
	v3 =	vmul.f32 v8, v4;
	v4 =	vld.idx.msk [tilespmem:v12+s12+$0x0], $0xffff;
	v8 =	vor.u32 v57, v0  }
0x799: {  	v12 =	vor.u32 v58, v1;
	v9 =	vld.idx.msk [tilespmem:v9+s13+$0x0], $0xffff  }
0x79a: {  	v2 =	vadd.f32 v3, v2;
	v3 =	vmul.f32 v10, v5;
	v5 =	vld.idx.msk [tilespmem:v13+s12+$0x0], $0xffff;
	v10 =	vor.u32 v58, v0  }
0x79b: {  	v13 =	vor.u32 v59, v1;
	v11 =	vld.idx.msk [tilespmem:v11+s13+$0x0], $0xffff  }
0x79c: {  	v2 =	vadd.f32 v3, v2;
	v3 =	vmul.f32 v7, v6;
	v6 =	vld.idx.msk [tilespmem:v14+s12+$0x0], $0xffff;
	v7 =	vor.u32 v59, v0  }
0x79d: {  	v14 =	vor.u32 v60, v1;
	v8 =	vld.idx.msk [tilespmem:v8+s13+$0x0], $0xffff  }
0x79e: {  	v2 =	vadd.f32 v3, v2;
	v3 =	vmul.f32 v9, v4;
	v4 =	vld.idx.msk [tilespmem:v12+s12+$0x0], $0xffff;
	v9 =	vor.u32 v60, v0  }
0x79f: {  	v12 =	vor.u32 v61, v1;
	v10 =	vld.idx.msk [tilespmem:v10+s13+$0x0], $0xffff  }
0x7a0: {  	v2 =	vadd.f32 v3, v2;
	v3 =	vmul.f32 v11, v5;
	v5 =	vld.idx.msk [tilespmem:v13+s12+$0x0], $0xffff;
	v11 =	vor.u32 v61, v0  }
0x7a1: {  	v13 =	vor.u32 v62, v1;
	v7 =	vld.idx.msk [tilespmem:v7+s13+$0x0], $0xffff  }
0x7a2: {  	v2 =	vadd.f32 v3, v2;
	v3 =	vmul.f32 v8, v6;
	v6 =	vld.idx.msk [tilespmem:v14+s12+$0x0], $0xffff;
	v8 =	vor.u32 v62, v0  }
0x7a3: {  	v1 =	vor.u32 v63, v1;
	v9 =	vld.idx.msk [tilespmem:v9+s13+$0x0], $0xffff  }
0x7a4: {  	v0 =	vor.u32 v63, v0;
	v2 =	vadd.f32 v3, v2;
	v14 =	vmul.f32 v10, v4;
	v4 =	vld.idx.msk [tilespmem:v12+s12+$0x0], $0xffff  }
0x7a5: {  	v10 =	vld.idx.msk [tilespmem:v11+s13+$0x0], $0xffff  }
0x7a6: {  	v11 =	vld.idx.msk [tilespmem:v13+s12+$0x0], $0xffff;
	v2 =	vadd.f32 v14, v2;
	v14 =	vmul.f32 v7, v5  }
0x7a7: {  	v12 =	vld.idx.msk [tilespmem:v8+s13+$0x0], $0xffff  }
0x7a8: {  	v1 =	vld.idx.msk [tilespmem:v1+s12+$0x0], $0xffff;
	v2 =	vadd.f32 v14, v2;
	v13 =	vmul.f32 v9, v6  }
0x7a9: {  	v0 =	vld.idx.msk [tilespmem:v0+s13+$0x0], $0xffff  }
0x7aa: {  	v2 =	vadd.f32 v13, v2;
	v14 =	vmul.f32 v10, v4;
	_ =	sdelay $0x1  }
0x7ab: {  	v2 =	vadd.f32 v14, v2;
	v6 =	vmul.f32 v12, v11;
	_ =	sdelay $0x1  }
0x7ac: {  	v0 =	vmul.f32 v0, v1;
	v2 =	vadd.f32 v6, v2;
	_ =	sdelay $0x1  }
0x7ad: {  	v0 =	vadd.f32 v0, v2;
	_ =	sdelay $0x1  }
0x7ae: {  	[tilespmem:$0x106D0] =	vst v0  }
0x7af: {  	_ =	swait.ge [sflag:s14], $0x4000  }
0x7b0: {  	[sflag:s14] =	ssyncset.done $0x0  }
0x7b1: {  	[sflag:s14] =	ssyncadd.s32 $0xFFFFC000  }
0x7b2: {  	_ =	swait.ge [sflag:s15], $0x4000  }
0x7b3: {  	[sflag:s15] =	ssyncset.done $0x0  }
0x7b4: {  	[sflag:s15] =	ssyncadd.s32 $0xFFFFC000  }
0x7b5: {  	v7 =	vld [tilespmem:$0x1E0]  }
0x7b6: {  	v13 =	vld [tilespmem:$0x1FEF0];
	_ =	sdelay $0x1  }
0x7b7: {  	v9 =	vld [tilespmem:$0x1FEE0]  }
0x7b8: {  	v8 =	vld [tilespmem:$0x460]  }
0x7b9: {  	v1 =	vand.u32 $0xF, v7  }
0x7ba: {  	v14 =	vor.u32 v13, v1;
	_ =	sdelay $0x2  }
0x7bb: {  	v11 =	vld [tilespmem:$0x1FF00];
	v0 =	vand.u32 $0xF, v8;
	v10 =	vor.u32 v9, v1  }
0x7bc: {  	v5 =	vor.u32 v13, v0;
	v13 =	vld [tilespmem:$0x1FF10]  }
0x7bd: {  	v3 =	vor.u32 v9, v0;
	v4 =	vld.idx.msk [tilespmem:v14+s16+$0x0], $0xffff  }
0x7be: {  	v14 =	vld [tilespmem:$0x1FF20]  }
0x7bf: {  	v15 =	vld [tilespmem:$0x1FF50]  }
0x7c0: {  	v12 =	vor.u32 v11, v1;
	v2 =	vld.idx.msk [tilespmem:v10+s16+$0x0], $0xffff  }
0x7c1: {  	v7 =	vor.u32 v11, v0;
	v8 =	vor.u32 v13, v1;
	v9 =	vor.u32 v13, v0;
	v13 =	vld [tilespmem:$0x1FF30]  }
0x7c2: {  	v3 =	vld.idx.msk [tilespmem:v3+s17+$0x0], $0xffff  }
0x7c3: {  	v10 =	vor.u32 v14, v1;
	v11 =	vor.u32 v14, v0;
	v14 =	vld [tilespmem:$0x1FF40]  }
0x7c4: {  	v5 =	vld.idx.msk [tilespmem:v5+s17+$0x0], $0xffff  }
0x7c5: {  	v6 =	vld.idx.msk [tilespmem:v12+s16+$0x0], $0xffff  }
0x7c6: {  	v7 =	vld.idx.msk [tilespmem:v7+s17+$0x0], $0xffff;
	v12 =	vor.u32 v13, v1  }
0x7c7: {  	v8 =	vld.idx.msk [tilespmem:v8+s16+$0x0], $0xffff;
	v13 =	vor.u32 v13, v0;
	v2 =	vmul.f32 v3, v2  }
0x7c8: {  	v3 =	vld.idx.msk [tilespmem:v9+s17+$0x0], $0xffff;
	v9 =	vor.u32 v14, v1;
	v14 =	vor.u32 v14, v0  }
0x7c9: {  	v4 =	vmul.f32 v5, v4;
	v2 =	vadd.f32 $0.0e+00, v2;
	v10 =	vld.idx.msk [tilespmem:v10+s16+$0x0], $0xffff  }
0x7ca: {  	v5 =	vld.idx.msk [tilespmem:v11+s17+$0x0], $0xffff;
	v11 =	vor.u32 v15, v1;
	v15 =	vor.u32 v15, v0  }
0x7cb: {  	v2 =	vadd.f32 v4, v2;
	v4 =	vmul.f32 v7, v6;
	v12 =	vld.idx.msk [tilespmem:v12+s16+$0x0], $0xffff  }
0x7cc: {  	v6 =	vld.idx.msk [tilespmem:v13+s17+$0x0], $0xffff  }
0x7cd: {  	v3 =	vmul.f32 v3, v8;
	v2 =	vadd.f32 v4, v2;
	v4 =	vld.idx.msk [tilespmem:v14+s17+$0x0], $0xffff  }
0x7ce: {  	v14 =	vld [tilespmem:$0x1FF70]  }
0x7cf: {  	v2 =	vadd.f32 v3, v2;
	v3 =	vmul.f32 v5, v10;
	v5 =	vld.idx.msk [tilespmem:v15+s17+$0x0], $0xffff  }
0x7d0: {  	v13 =	vor.u32 v16, v0;
	v15 =	vld [tilespmem:$0x1FF80];
	_ =	sdelay $0x1  }
0x7d1: {  	v7 =	vor.u32 v16, v1  }
0x7d2: {  	v9 =	vld.idx.msk [tilespmem:v9+s16+$0x0], $0xffff;
	v8 =	vor.u32 v14, v1;
	v14 =	vor.u32 v14, v0  }
0x7d3: {  	v11 =	vld.idx.msk [tilespmem:v11+s16+$0x0], $0xffff;
	v2 =	vadd.f32 v3, v2  }
0x7d4: {  	v3 =	vmul.f32 v6, v12;
	v6 =	vld.idx.msk [tilespmem:v13+s17+$0x0], $0xffff;
	v10 =	vor.u32 v15, v1;
	v15 =	vor.u32 v15, v0  }
0x7d5: {  	v13 =	vld [tilespmem:$0x1FF90]  }
0x7d6: {  	v7 =	vld.idx.msk [tilespmem:v7+s16+$0x0], $0xffff  }
0x7d7: {  	v2 =	vadd.f32 v3, v2;
	v3 =	vmul.f32 v4, v9;
	v4 =	vld.idx.msk [tilespmem:v14+s17+$0x0], $0xffff  }
0x7d8: {  	v14 =	vld [tilespmem:$0x1FFA0]  }
0x7d9: {  	v2 =	vadd.f32 v3, v2;
	v3 =	vmul.f32 v5, v11;
	v5 =	vld.idx.msk [tilespmem:v15+s17+$0x0], $0xffff  }
0x7da: {  	v12 =	vor.u32 v13, v1;
	v13 =	vor.u32 v13, v0;
	v15 =	vld [tilespmem:$0x1FFB0];
	_ =	sdelay $0x2  }
0x7db: {  	v8 =	vld.idx.msk [tilespmem:v8+s16+$0x0], $0xffff;
	v9 =	vor.u32 v14, v1;
	v14 =	vor.u32 v14, v0  }
0x7dc: {  	v2 =	vadd.f32 v3, v2;
	v10 =	vld.idx.msk [tilespmem:v10+s16+$0x0], $0xffff  }
0x7dd: {  	v3 =	vmul.f32 v6, v7;
	v6 =	vld.idx.msk [tilespmem:v13+s17+$0x0], $0xffff;
	v11 =	vor.u32 v15, v1;
	v15 =	vor.u32 v15, v0  }
0x7de: {  	v13 =	vld [tilespmem:$0x1FFC0]  }
0x7df: {  	v12 =	vld.idx.msk [tilespmem:v12+s16+$0x0], $0xffff  }
0x7e0: {  	v2 =	vadd.f32 v3, v2;
	v3 =	vmul.f32 v4, v8;
	v4 =	vld.idx.msk [tilespmem:v14+s17+$0x0], $0xffff  }
0x7e1: {  	v14 =	vld [tilespmem:$0x1FFD0]  }
0x7e2: {  	v2 =	vadd.f32 v3, v2;
	v3 =	vmul.f32 v5, v10;
	v5 =	vld.idx.msk [tilespmem:v15+s17+$0x0], $0xffff  }
0x7e3: {  	v7 =	vor.u32 v13, v1;
	v15 =	vld [tilespmem:$0x1FFE0]  }
0x7e4: {  	v13 =	vor.u32 v13, v0  }
0x7e5: {  	v2 =	vadd.f32 v3, v2;
	v3 =	vmul.f32 v6, v12;
	v12 =	vor.u32 v17, v1;
	v9 =	vld.idx.msk [tilespmem:v9+s16+$0x0], $0xffff  }
0x7e6: {  	v8 =	vor.u32 v14, v1  }
0x7e7: {  	v11 =	vld.idx.msk [tilespmem:v11+s16+$0x0], $0xffff;
	v14 =	vor.u32 v14, v0  }
0x7e8: {  	v7 =	vld.idx.msk [tilespmem:v7+s16+$0x0], $0xffff;
	v10 =	vor.u32 v15, v1  }
0x7e9: {  	v6 =	vld.idx.msk [tilespmem:v13+s17+$0x0], $0xffff;
	v15 =	vor.u32 v15, v0  }
0x7ea: {  	v2 =	vadd.f32 v3, v2;
	v13 =	vor.u32 v17, v0;
	v12 =	vld.idx.msk [tilespmem:v12+s16+$0x0], $0xffff;
	v3 =	vmul.f32 v4, v9  }
0x7eb: {  	v9 =	vor.u32 v18, v1;
	v8 =	vld.idx.msk [tilespmem:v8+s16+$0x0], $0xffff  }
0x7ec: {  	v2 =	vadd.f32 v3, v2;
	v3 =	vmul.f32 v5, v11;
	v11 =	vor.u32 v19, v1;
	v4 =	vld.idx.msk [tilespmem:v14+s17+$0x0], $0xffff  }
0x7ed: {  	v10 =	vld.idx.msk [tilespmem:v10+s16+$0x0], $0xffff;
	v14 =	vor.u32 v18, v0  }
0x7ee: {  	v2 =	vadd.f32 v3, v2;
	v3 =	vmul.f32 v6, v7;
	v7 =	vor.u32 v20, v1;
	v5 =	vld.idx.msk [tilespmem:v15+s17+$0x0], $0xffff  }
0x7ef: {  	v6 =	vld.idx.msk [tilespmem:v13+s17+$0x0], $0xffff;
	v15 =	vor.u32 v19, v0  }
0x7f0: {  	v13 =	vor.u32 v20, v0;
	v9 =	vld.idx.msk [tilespmem:v9+s16+$0x0], $0xffff  }
0x7f1: {  	v2 =	vadd.f32 v3, v2;
	v11 =	vld.idx.msk [tilespmem:v11+s16+$0x0], $0xffff;
	v3 =	vmul.f32 v4, v8;
	v8 =	vor.u32 v21, v1  }
0x7f2: {  	v4 =	vld.idx.msk [tilespmem:v14+s17+$0x0], $0xffff;
	v14 =	vor.u32 v21, v0  }
0x7f3: {  	v7 =	vld.idx.msk [tilespmem:v7+s16+$0x0], $0xffff;
	v2 =	vadd.f32 v3, v2;
	v3 =	vmul.f32 v5, v10;
	v10 =	vor.u32 v22, v1  }
0x7f4: {  	v5 =	vld.idx.msk [tilespmem:v15+s17+$0x0], $0xffff;
	v15 =	vor.u32 v22, v0  }
0x7f5: {  	v2 =	vadd.f32 v3, v2;
	v3 =	vmul.f32 v6, v12;
	v6 =	vld.idx.msk [tilespmem:v13+s17+$0x0], $0xffff;
	v12 =	vor.u32 v23, v1  }
0x7f6: {  	v13 =	vor.u32 v23, v0;
	v8 =	vld.idx.msk [tilespmem:v8+s16+$0x0], $0xffff  }
0x7f7: {  	v2 =	vadd.f32 v3, v2;
	v3 =	vmul.f32 v4, v9;
	v4 =	vld.idx.msk [tilespmem:v14+s17+$0x0], $0xffff;
	v9 =	vor.u32 v24, v1  }
0x7f8: {  	v14 =	vor.u32 v24, v0;
	v10 =	vld.idx.msk [tilespmem:v10+s16+$0x0], $0xffff  }
0x7f9: {  	v2 =	vadd.f32 v3, v2;
	v3 =	vmul.f32 v5, v11;
	v5 =	vld.idx.msk [tilespmem:v15+s17+$0x0], $0xffff;
	v11 =	vor.u32 v25, v1  }
0x7fa: {  	v15 =	vor.u32 v25, v0;
	v12 =	vld.idx.msk [tilespmem:v12+s16+$0x0], $0xffff  }
0x7fb: {  	v2 =	vadd.f32 v3, v2;
	v3 =	vmul.f32 v6, v7;
	v6 =	vld.idx.msk [tilespmem:v13+s17+$0x0], $0xffff;
	v7 =	vor.u32 v26, v1  }
0x7fc: {  	v13 =	vor.u32 v26, v0;
	v9 =	vld.idx.msk [tilespmem:v9+s16+$0x0], $0xffff  }
0x7fd: {  	v2 =	vadd.f32 v3, v2;
	v3 =	vmul.f32 v4, v8;
	v4 =	vld.idx.msk [tilespmem:v14+s17+$0x0], $0xffff;
	v8 =	vor.u32 v27, v1  }
0x7fe: {  	v14 =	vor.u32 v27, v0;
	v11 =	vld.idx.msk [tilespmem:v11+s16+$0x0], $0xffff  }
0x7ff: {  	v2 =	vadd.f32 v3, v2;
	v3 =	vmul.f32 v5, v10;
	v5 =	vld.idx.msk [tilespmem:v15+s17+$0x0], $0xffff;
	v10 =	vor.u32 v28, v1  }
0x800: {  	v15 =	vor.u32 v28, v0;
	v7 =	vld.idx.msk [tilespmem:v7+s16+$0x0], $0xffff  }
0x801: {  	v2 =	vadd.f32 v3, v2;
	v3 =	vmul.f32 v6, v12;
	v6 =	vld.idx.msk [tilespmem:v13+s17+$0x0], $0xffff;
	v12 =	vor.u32 v29, v1  }
0x802: {  	v13 =	vor.u32 v29, v0;
	v8 =	vld.idx.msk [tilespmem:v8+s16+$0x0], $0xffff  }
0x803: {  	v2 =	vadd.f32 v3, v2;
	v3 =	vmul.f32 v4, v9;
	v4 =	vld.idx.msk [tilespmem:v14+s17+$0x0], $0xffff;
	v9 =	vor.u32 v30, v1  }
0x804: {  	v14 =	vor.u32 v30, v0;
	v10 =	vld.idx.msk [tilespmem:v10+s16+$0x0], $0xffff  }
0x805: {  	v1 =	vor.u32 v31, v1;
	v2 =	vadd.f32 v3, v2;
	v3 =	vmul.f32 v5, v11;
	v5 =	vld.idx.msk [tilespmem:v15+s17+$0x0], $0xffff  }
0x806: {  	v0 =	vor.u32 v31, v0;
	v11 =	vld.idx.msk [tilespmem:v12+s16+$0x0], $0xffff  }
0x807: {  	v12 =	vmul.f32 v6, v7;
	v6 =	vld.idx.msk [tilespmem:v13+s17+$0x0], $0xffff  }
0x808: {  	v2 =	vadd.f32 v3, v2;
	v7 =	vld.idx.msk [tilespmem:v9+s16+$0x0], $0xffff  }
0x809: {  	v13 =	vmul.f32 v4, v8;
	v4 =	vld.idx.msk [tilespmem:v14+s17+$0x0], $0xffff  }
0x80a: {  	v8 =	vld.idx.msk [tilespmem:v1+s16+$0x0], $0xffff;
	v2 =	vadd.f32 v12, v2  }
0x80b: {  	v0 =	vld.idx.msk [tilespmem:v0+s17+$0x0], $0xffff  }
0x80c: {  	v12 =	vadd.f32 v13, v2;
	v13 =	vmul.f32 v5, v10;
	v10 =	vld [tilespmem:$0x470]  }
0x80d: {  	v14 =	vld [tilespmem:$0x1F0]  }
0x80e: {  	v9 =	vmul.f32 v6, v11;
	v1 =	vadd.f32 v13, v12;
	_ =	sdelay $0x1  }
0x80f: {  	v11 =	vmul.f32 v4, v7;
	v1 =	vadd.f32 v9, v1  }
0x810: {  	v12 =	vmul.f32 v0, v8;
	v0 =	vand.u32 $0xF, v10  }
0x811: {  	v2 =	vadd.f32 v11, v1;
	v1 =	vand.u32 $0xF, v14;
	v5 =	vor.u32 v32, v0  }
0x812: {  	v13 =	vor.u32 v32, v1  }
0x813: {  	v14 =	vor.u32 v33, v0;
	v2 =	vadd.f32 v12, v2  }
0x814: {  	v3 =	vor.u32 v33, v1  }
0x815: {  	v9 =	vor.u32 v35, v0;
	[tilespmem:$0x106E0] =	vst v2  }
0x816: {  	v12 =	vor.u32 v34, v1;
	v5 =	vld.idx.msk [tilespmem:v5+s17+$0x0], $0xffff  }
0x817: {  	v4 =	vld.idx.msk [tilespmem:v13+s16+$0x0], $0xffff;
	v13 =	vor.u32 v34, v0  }
0x818: {  	v8 =	vor.u32 v35, v1;
	v6 =	vld.idx.msk [tilespmem:v14+s17+$0x0], $0xffff  }
0x819: {  	v10 =	vor.u32 v36, v1;
	v3 =	vld.idx.msk [tilespmem:v3+s16+$0x0], $0xffff  }
0x81a: {  	v9 =	vld.idx.msk [tilespmem:v9+s17+$0x0], $0xffff  }
0x81b: {  	v11 =	vor.u32 v36, v0;
	v2 =	vld.idx.msk [tilespmem:v12+s16+$0x0], $0xffff  }
0x81c: {  	v12 =	vor.u32 v37, v1;
	v7 =	vld.idx.msk [tilespmem:v13+s17+$0x0], $0xffff  }
0x81d: {  	v4 =	vmul.f32 v5, v4;
	v5 =	vld.idx.msk [tilespmem:v8+s16+$0x0], $0xffff;
	v8 =	vor.u32 v37, v0  }
0x81e: {  	v3 =	vmul.f32 v6, v3;
	v6 =	vld.idx.msk [tilespmem:v10+s16+$0x0], $0xffff;
	v10 =	vor.u32 v38, v0  }
0x81f: {  	v13 =	vor.u32 v38, v1;
	v4 =	vadd.f32 $0.0e+00, v4  }
0x820: {  	v11 =	vld.idx.msk [tilespmem:v11+s17+$0x0], $0xffff;
	v14 =	vor.u32 v39, v1  }
0x821: {  	v3 =	vadd.f32 v3, v4;
	v4 =	vld.idx.msk [tilespmem:v12+s16+$0x0], $0xffff;
	v2 =	vmul.f32 v7, v2;
	v7 =	vor.u32 v39, v0  }
0x822: {  	v12 =	vor.u32 v40, v1;
	v8 =	vld.idx.msk [tilespmem:v8+s17+$0x0], $0xffff  }
0x823: {  	v10 =	vld.idx.msk [tilespmem:v10+s17+$0x0], $0xffff;
	v2 =	vadd.f32 v2, v3;
	v3 =	vmul.f32 v9, v5;
	v9 =	vor.u32 v40, v0  }
0x824: {  	v5 =	vld.idx.msk [tilespmem:v13+s16+$0x0], $0xffff;
	v13 =	vor.u32 v41, v1  }
0x825: {  	v2 =	vadd.f32 v3, v2;
	v3 =	vmul.f32 v11, v6;
	v6 =	vld.idx.msk [tilespmem:v14+s16+$0x0], $0xffff;
	v11 =	vor.u32 v41, v0  }
0x826: {  	v14 =	vor.u32 v42, v1;
	v7 =	vld.idx.msk [tilespmem:v7+s17+$0x0], $0xffff  }
0x827: {  	v2 =	vadd.f32 v3, v2;
	v3 =	vmul.f32 v8, v4;
	v4 =	vld.idx.msk [tilespmem:v12+s16+$0x0], $0xffff;
	v8 =	vor.u32 v42, v0  }
0x828: {  	v12 =	vor.u32 v43, v1;
	v9 =	vld.idx.msk [tilespmem:v9+s17+$0x0], $0xffff  }
0x829: {  	v2 =	vadd.f32 v3, v2;
	v3 =	vmul.f32 v10, v5;
	v5 =	vld.idx.msk [tilespmem:v13+s16+$0x0], $0xffff;
	v10 =	vor.u32 v43, v0  }
0x82a: {  	v13 =	vor.u32 v44, v1;
	v11 =	vld.idx.msk [tilespmem:v11+s17+$0x0], $0xffff  }
0x82b: {  	v2 =	vadd.f32 v3, v2;
	v3 =	vmul.f32 v7, v6;
	v6 =	vld.idx.msk [tilespmem:v14+s16+$0x0], $0xffff;
	v7 =	vor.u32 v44, v0  }
0x82c: {  	v14 =	vor.u32 v45, v1;
	v8 =	vld.idx.msk [tilespmem:v8+s17+$0x0], $0xffff  }
0x82d: {  	v2 =	vadd.f32 v3, v2;
	v3 =	vmul.f32 v9, v4;
	v4 =	vld.idx.msk [tilespmem:v12+s16+$0x0], $0xffff;
	v9 =	vor.u32 v45, v0  }
0x82e: {  	v12 =	vor.u32 v46, v1;
	v10 =	vld.idx.msk [tilespmem:v10+s17+$0x0], $0xffff  }
0x82f: {  	v2 =	vadd.f32 v3, v2;
	v3 =	vmul.f32 v11, v5;
	v5 =	vld.idx.msk [tilespmem:v13+s16+$0x0], $0xffff;
	v11 =	vor.u32 v46, v0  }
0x830: {  	v13 =	vor.u32 v47, v1;
	v7 =	vld.idx.msk [tilespmem:v7+s17+$0x0], $0xffff  }
0x831: {  	v2 =	vadd.f32 v3, v2;
	v3 =	vmul.f32 v8, v6;
	v6 =	vld.idx.msk [tilespmem:v14+s16+$0x0], $0xffff;
	v8 =	vor.u32 v47, v0  }
0x832: {  	v14 =	vor.u32 v48, v1;
	v9 =	vld.idx.msk [tilespmem:v9+s17+$0x0], $0xffff  }
0x833: {  	v2 =	vadd.f32 v3, v2;
	v3 =	vmul.f32 v10, v4;
	v4 =	vld.idx.msk [tilespmem:v12+s16+$0x0], $0xffff;
	v10 =	vor.u32 v48, v0  }
0x834: {  	v12 =	vor.u32 v49, v1;
	v11 =	vld.idx.msk [tilespmem:v11+s17+$0x0], $0xffff  }
0x835: {  	v2 =	vadd.f32 v3, v2;
	v3 =	vmul.f32 v7, v5;
	v5 =	vld.idx.msk [tilespmem:v13+s16+$0x0], $0xffff;
	v7 =	vor.u32 v49, v0  }
0x836: {  	v13 =	vor.u32 v50, v1;
	v8 =	vld.idx.msk [tilespmem:v8+s17+$0x0], $0xffff  }
0x837: {  	v2 =	vadd.f32 v3, v2;
	v3 =	vmul.f32 v9, v6;
	v6 =	vld.idx.msk [tilespmem:v14+s16+$0x0], $0xffff;
	v9 =	vor.u32 v50, v0  }
0x838: {  	v14 =	vor.u32 v51, v1;
	v10 =	vld.idx.msk [tilespmem:v10+s17+$0x0], $0xffff  }
0x839: {  	v2 =	vadd.f32 v3, v2;
	v3 =	vmul.f32 v11, v4;
	v4 =	vld.idx.msk [tilespmem:v12+s16+$0x0], $0xffff;
	v11 =	vor.u32 v51, v0  }
0x83a: {  	v12 =	vor.u32 v52, v1;
	v7 =	vld.idx.msk [tilespmem:v7+s17+$0x0], $0xffff  }
0x83b: {  	v2 =	vadd.f32 v3, v2;
	v3 =	vmul.f32 v8, v5;
	v5 =	vld.idx.msk [tilespmem:v13+s16+$0x0], $0xffff;
	v8 =	vor.u32 v52, v0  }
0x83c: {  	v13 =	vor.u32 v53, v1;
	v9 =	vld.idx.msk [tilespmem:v9+s17+$0x0], $0xffff  }
0x83d: {  	v2 =	vadd.f32 v3, v2;
	v3 =	vmul.f32 v10, v6;
	v6 =	vld.idx.msk [tilespmem:v14+s16+$0x0], $0xffff;
	v10 =	vor.u32 v53, v0  }
0x83e: {  	v14 =	vor.u32 v54, v1;
	v11 =	vld.idx.msk [tilespmem:v11+s17+$0x0], $0xffff  }
0x83f: {  	v2 =	vadd.f32 v3, v2;
	v3 =	vmul.f32 v7, v4;
	v4 =	vld.idx.msk [tilespmem:v12+s16+$0x0], $0xffff;
	v7 =	vor.u32 v54, v0  }
0x840: {  	v12 =	vor.u32 v55, v1;
	v8 =	vld.idx.msk [tilespmem:v8+s17+$0x0], $0xffff  }
0x841: {  	v2 =	vadd.f32 v3, v2;
	v3 =	vmul.f32 v9, v5;
	v5 =	vld.idx.msk [tilespmem:v13+s16+$0x0], $0xffff;
	v9 =	vor.u32 v55, v0  }
0x842: {  	v13 =	vor.u32 v56, v1;
	v10 =	vld.idx.msk [tilespmem:v10+s17+$0x0], $0xffff  }
0x843: {  	v2 =	vadd.f32 v3, v2;
	v3 =	vmul.f32 v11, v6;
	v6 =	vld.idx.msk [tilespmem:v14+s16+$0x0], $0xffff;
	v11 =	vor.u32 v56, v0  }
0x844: {  	v14 =	vor.u32 v57, v1;
	v7 =	vld.idx.msk [tilespmem:v7+s17+$0x0], $0xffff  }
0x845: {  	v2 =	vadd.f32 v3, v2;
	v3 =	vmul.f32 v8, v4;
	v4 =	vld.idx.msk [tilespmem:v12+s16+$0x0], $0xffff;
	v8 =	vor.u32 v57, v0  }
0x846: {  	v12 =	vor.u32 v58, v1;
	v9 =	vld.idx.msk [tilespmem:v9+s17+$0x0], $0xffff  }
0x847: {  	v2 =	vadd.f32 v3, v2;
	v3 =	vmul.f32 v10, v5;
	v5 =	vld.idx.msk [tilespmem:v13+s16+$0x0], $0xffff;
	v10 =	vor.u32 v58, v0  }
0x848: {  	v13 =	vor.u32 v59, v1;
	v11 =	vld.idx.msk [tilespmem:v11+s17+$0x0], $0xffff  }
0x849: {  	v2 =	vadd.f32 v3, v2;
	v3 =	vmul.f32 v7, v6;
	v6 =	vld.idx.msk [tilespmem:v14+s16+$0x0], $0xffff;
	v7 =	vor.u32 v59, v0  }
0x84a: {  	v14 =	vor.u32 v60, v1;
	v8 =	vld.idx.msk [tilespmem:v8+s17+$0x0], $0xffff  }
0x84b: {  	v2 =	vadd.f32 v3, v2;
	v3 =	vmul.f32 v9, v4;
	v4 =	vld.idx.msk [tilespmem:v12+s16+$0x0], $0xffff;
	v9 =	vor.u32 v60, v0  }
0x84c: {  	v12 =	vor.u32 v61, v1;
	v10 =	vld.idx.msk [tilespmem:v10+s17+$0x0], $0xffff  }
0x84d: {  	v2 =	vadd.f32 v3, v2;
	v3 =	vmul.f32 v11, v5;
	v5 =	vld.idx.msk [tilespmem:v13+s16+$0x0], $0xffff;
	v11 =	vor.u32 v61, v0  }
0x84e: {  	v13 =	vor.u32 v62, v1;
	v7 =	vld.idx.msk [tilespmem:v7+s17+$0x0], $0xffff  }
0x84f: {  	v2 =	vadd.f32 v3, v2;
	v3 =	vmul.f32 v8, v6;
	v6 =	vld.idx.msk [tilespmem:v14+s16+$0x0], $0xffff;
	v8 =	vor.u32 v62, v0  }
0x850: {  	v1 =	vor.u32 v63, v1;
	v9 =	vld.idx.msk [tilespmem:v9+s17+$0x0], $0xffff  }
0x851: {  	v0 =	vor.u32 v63, v0;
	v2 =	vadd.f32 v3, v2;
	v14 =	vmul.f32 v10, v4;
	v4 =	vld.idx.msk [tilespmem:v12+s16+$0x0], $0xffff  }
0x852: {  	v10 =	vld.idx.msk [tilespmem:v11+s17+$0x0], $0xffff  }
0x853: {  	v2 =	vadd.f32 v14, v2;
	v12 =	vmul.f32 v7, v5;
	v14 =	vld.idx.msk [tilespmem:v13+s16+$0x0], $0xffff  }
0x854: {  	v11 =	vld.idx.msk [tilespmem:v8+s17+$0x0], $0xffff  }
0x855: {  	v1 =	vld.idx.msk [tilespmem:v1+s16+$0x0], $0xffff;
	v2 =	vadd.f32 v12, v2;
	v12 =	vmul.f32 v9, v6  }
0x856: {  	v0 =	vld.idx.msk [tilespmem:v0+s17+$0x0], $0xffff  }
0x857: {  	v2 =	vadd.f32 v12, v2;
	v13 =	vmul.f32 v10, v4;
	_ =	sdelay $0x1  }
0x858: {  	v2 =	vadd.f32 v13, v2;
	v14 =	vmul.f32 v11, v14;
	_ =	sdelay $0x1  }
0x859: {  	v0 =	vmul.f32 v0, v1;
	v2 =	vadd.f32 v14, v2;
	_ =	sdelay $0x1  }
0x85a: {  	v0 =	vadd.f32 v0, v2;
	_ =	sdelay $0x1  }
0x85b: {  	s29 =	simm.s32 $0x10500;
	s4 =	simm.s32 $0x5;
	s28 =	rddreg [dreg:$0x8];
	[tilespmem:$0x106F0] =	vst v0  }
0x85c: {  	[hbm4b:s28+s3] =	stream.linear.scatter [tilespmem:s29], [sflag:$0x5], $0x200, $0x38;
	[tilespmem:$0x10700] =	vst v63  }
0x85d: {  	_ =	swait.ge [sflag:s4], $0x200  }
0x85e: {  	s30 =	rddreg [dreg:$0xa]  }
0x85f: {  	s31 =	rddreg [dreg:$0x9];
	s5 =	sadd.s32 $0x1, s30  }
0x860: {  	p0 =	sne.s32 s5, s31  }
.Ltmp5:
0x861: {  	_ = 	snop;
	(pc) =	sbr.rel @p0 .LBB2_1-.Ltmp5, $3  }
0x862: {  	_ =	sdelay $0x1  }
0x863: {  	[sflag:s4] =	ssyncset.done $0x0  }
0x864: {  	[sflag:s4] =	ssyncadd.s32 $0xFFFFFE00  }
0x865: {  	_ =	sfence.sel $0x180000  }
0x866: {  	[bflag:$0x0] =	sbarrier.arrive $0xFFFF  }
0x867: {  	_ =	strace $0x90000047  }
0x868: {  	s0 =	stileid.u32;
	[bflag:$0x2] =	sbarrier.arrive $0xFFFF  }
0x869: {  	p0 =	sne.s32 s0, $0x0;
	s0 =	rddreg [dreg:$0x5]  }
0x86a: {  	s0 =	sadd.s32 @!p0 $0x100000, s0  }
0x86b: {  	[sflag:s0] =	ssyncadd.tile.s32 @!p0 $0x1;
	_ =	shalt  }
.Lfunc_end2:
_tile_overlayer_lowered:
.L_overlay_start_2:
0x86c: {  	(tag) =	ssettag $0x2  }
0x86d: {  	s0 =	rddreg [dreg:$0x0];
	s2 =	stileid.u32  }
0x86e: {  	s1 =	rddreg [dreg:$0x1];
	p0 =	sne.s32 s2, $0x0  }
0x86f: {  	s3 =	rddreg [dreg:$0x2];
	[bflag:$0x3] =	sbarrier.arrive $0xFFFF;
	s2 =	simm.s32 @!p0 $0x1C05  }
0x870: {  	[timem:s3], [sflag:s2] =	dma.local @!p0 [hbm:s0], s1  }
0x871: {  	s0 =	simm.s32 @!p0 $0x5  }
0x872: {  	_ =	swait.ge @!p0 [sflag:s0], s1  }
0x873: {  	s1 =	ssub.s32 @!p0 $0x0, s1;
	[sflag:s0] =	ssyncset.done @!p0 $0x0  }
0x874: {  	[sflag:s0] =	ssyncadd.s32 @!p0 s1  }
0x875: {  	[bflag:$0x3] =	sbarrier.arrive $0xFFFF  }
0x876: {  	_ =	shalt  }

</sc_bundles>
